<compile_context>
chip_gen: v7x
topology: tpu7x:2x2x1
jax: 0.10.2.dev20260603
libtpu: 0.0.44.dev20260713+nightly
codegen_flags: <defaults>
</compile_context>

<pallas_src>
import functools

import jax
import jax.numpy as jnp
from jax import lax
from jax.experimental import pallas as pl
from jax.experimental.pallas import tpu as pltpu
from jax.experimental.pallas import tpu_sc as plsc

ROWS = 8
NCHUNK = 192 // ROWS
LANES = 16
UNROLL = 8


def _sc_body(pt_hbm, pos_hbm, out_hbm, pos_v, ibuf, obuf, sem_in, sem_out):
    c = lax.axis_index("c")
    s = lax.axis_index("s")
    wid = s * 2 + c
    r0 = wid * ROWS

    B = pt_hbm.shape[0]
    P = pt_hbm.shape[2]

    def in_copy(b, slot):
        return pltpu.make_async_copy(
            pt_hbm.at[b, pl.ds(r0, ROWS), :], ibuf.at[slot], sem_in.at[slot]
        )

    def out_copy(b, slot):
        return pltpu.make_async_copy(
            obuf.at[slot], out_hbm.at[b, pl.ds(r0, ROWS), :], sem_out.at[slot]
        )

    @pl.when(wid < NCHUNK)
    def _():
        pltpu.sync_copy(pos_hbm.at[pl.ds(r0, ROWS), :], pos_v)
        in_copy(0, 0).start()
        in_copy(1, 1).start()

        def pair_body(i, carry):
            b0 = 2 * i
            in_copy(b0, 0).wait()
            in_copy(b0 + 1, 1).wait()

            @pl.when(i > 0)
            def _():
                out_copy(b0 - 2, 0).wait()
                out_copy(b0 - 1, 1).wait()

            for row in range(ROWS):

                def col_body(j, acc, row=row):
                    for u in range(UNROLL):
                        sl = pl.ds((j * UNROLL + u) * LANES, LANES)
                        pv = pos_v[row, sl]
                        obuf[0, row, sl] = ibuf[0, row, sl] + pv
                        obuf[1, row, sl] = ibuf[1, row, sl] + pv
                    return acc

                lax.fori_loop(0, P // (LANES * UNROLL), col_body, 0)

            out_copy(b0, 0).start()
            out_copy(b0 + 1, 1).start()

            @pl.when(b0 + 2 < B)
            def _():
                in_copy(b0 + 2, 0).start()
                in_copy(b0 + 3, 1).start()

            return carry

        lax.fori_loop(0, B // 2, pair_body, 0)
        out_copy(B - 2, 0).wait()
        out_copy(B - 1, 1).wait()


def kernel(patch, position_embedding):
    B, P, D = patch.shape
    pt = jnp.transpose(patch, (0, 2, 1))
    post = jnp.transpose(position_embedding, (1, 0))
    mesh = plsc.VectorSubcoreMesh(core_axis_name="c", subcore_axis_name="s")
    run = functools.partial(
        pl.kernel,
        mesh=mesh,
        out_type=jax.ShapeDtypeStruct((B, D, P), patch.dtype),
        scratch_types=[
            pltpu.VMEM((ROWS, P), patch.dtype),
            pltpu.VMEM((2, ROWS, P), patch.dtype),
            pltpu.VMEM((2, ROWS, P), patch.dtype),
            pltpu.SemaphoreType.DMA((2,)),
            pltpu.SemaphoreType.DMA((2,)),
        ],
    )(_sc_body)
    out = run(pt, post)
    return jnp.transpose(out, (0, 2, 1))

# --- scband reference (transcript-rebuilt; emitter-appended) ---
"""Pipeline reference for scband-patch-encoder-60756607369437 (READ-ONLY COPY).

The authoritative reference and input builder live on the scoring server;
editing this copy changes nothing except your own understanding.
"""

import jax, jax.numpy as jnp
import numpy as np

NUM_PATCHES = 1024
PROJ_DIM = 192
BATCH = 64

def setup_inputs(seed: int = 0) -> dict:
    key = jax.random.key(seed)
    k1, k2 = jax.random.split(key)
    patch = jax.random.normal(k1, (BATCH, NUM_PATCHES, PROJ_DIM), dtype=jnp.float32)
    # learned position embedding table: Embedding(input_dim=num_patches, output_dim=projection_dim)
    position_embedding = jax.random.normal(k2, (NUM_PATCHES, PROJ_DIM), dtype=jnp.float32) * 0.05
    return {"patch": patch, "position_embedding": position_embedding}

def reference(patch, position_embedding):
    # positions = tf.range(0, num_patches)
    positions = jnp.arange(NUM_PATCHES)
    # embedding lookup: table[positions]
    pos_emb = jnp.take(position_embedding, positions, axis=0)  # [num_patches, proj_dim]
    # broadcast add over batch: patch + pos_emb
    encoded = patch + pos_emb[None, :, :]
    return encoded

if __name__ == "__main__":
    import jax
    _d = setup_inputs()
    print(jax.jit(kernel)(*tuple(_d.values())))

</pallas_src>

<mosaic_0001>
#map = affine_map<(d0, d1) -> (0, 0, 0)>
#map1 = affine_map<(d0, d1) -> (0, 0)>
module attributes {stable_mosaic.version = 14 : i64} {
  func.func @_sc_body(%arg0: i32, %arg1: i32, %arg2: memref<64x192x1024xf32, #tpu.memory_space<hbm>>, %arg3: memref<192x1024xf32, #tpu.memory_space<hbm>>, %arg4: memref<64x192x1024xf32, #tpu.memory_space<hbm>>, %arg5: memref<8x1024xf32, #tpu.memory_space<vmem>>, %arg6: memref<2x8x1024xf32, #tpu.memory_space<vmem>>, %arg7: memref<2x8x1024xf32, #tpu.memory_space<vmem>>, %arg8: memref<2x!tpu.dma_semaphore, #tpu.memory_space<semaphore_mem>>, %arg9: memref<2x!tpu.dma_semaphore, #tpu.memory_space<semaphore_mem>>) attributes {dimension_semantics = [#tpu.dimension_semantics<core_parallel>, #tpu.dimension_semantics<subcore_parallel>], iteration_bounds = array<i64: 2, 16>, scalar_prefetch = 0 : i64, scratch_operands = 5 : i64, tpu.core_type = #tpu.core_type<sc_vector_subcore>, window_params = [{transform_indices = #map}, {transform_indices = #map1}, {transform_indices = #map}]} {
    %mul3A = arith.constant 2 : i32
    %mul3A_0 = arith.muli %arg1, %mul3A : i32
    %add3A = arith.addi %mul3A_0, %arg0 : i32
    %mul3A_1 = arith.constant 8 : i32
    %mul3A_2 = arith.muli %add3A, %mul3A_1 : i32
    %lt3A = arith.constant 24 : i32
    %lt3A_3 = arith.cmpi slt, %add3A, %lt3A : i32
    %convert_element_type3A = arith.extui %lt3A_3 : i1 to i32
    %cond3A = arith.constant 0 : i32
    %cond3A_4 = arith.cmpi ne, %convert_element_type3A, %cond3A : i32
    scf.if %cond3A_4 {
      "tpu.region"() ({
        %run_scoped3A = tpu.sem_alloc : memref<!tpu.dma_semaphore, #tpu.memory_space<semaphore_mem>>
        %dma_start3A_84 = arith.constant 0 : i32
        %dma_start3A_85 = tpu.memref_slice %arg3[%mul3A_2, %dma_start3A_84] : memref<192x1024xf32, #tpu.memory_space<hbm>> -> memref<8x1024xf32, #tpu.memory_space<hbm>>
        %dma_start3A_86 = arith.constant 0 : i32
        %dma_start3A_87 = tpu.memref_slice %arg3[%mul3A_2, %dma_start3A_86] : memref<192x1024xf32, #tpu.memory_space<hbm>> -> memref<8x1024xf32, #tpu.memory_space<hbm>>
        tpu.enqueue_dma source(%dma_start3A_87 : memref<8x1024xf32, #tpu.memory_space<hbm>>) target(%arg5 : memref<8x1024xf32, #tpu.memory_space<vmem>>) target_semaphore(%run_scoped3A : memref<!tpu.dma_semaphore, #tpu.memory_space<semaphore_mem>>)
        %dma_wait3A_88 = arith.constant 0 : i32
        %dma_wait3A_89 = tpu.memref_slice %arg3[%mul3A_2, %dma_wait3A_88] : memref<192x1024xf32, #tpu.memory_space<hbm>> -> memref<8x1024xf32, #tpu.memory_space<hbm>>
        %dma_wait3A_90 = arith.constant 0 : i32
        %dma_wait3A_91 = tpu.memref_slice %arg3[%mul3A_2, %dma_wait3A_90] : memref<192x1024xf32, #tpu.memory_space<hbm>> -> memref<8x1024xf32, #tpu.memory_space<hbm>>
        tpu.wait_dma2 semaphore(%run_scoped3A : memref<!tpu.dma_semaphore, #tpu.memory_space<semaphore_mem>>) src(%dma_wait3A_91 : memref<8x1024xf32, #tpu.memory_space<hbm>>) dst(%arg5 : memref<8x1024xf32, #tpu.memory_space<vmem>>)
        tpu.yield
      }) : () -> ()
      %dma_start3A = arith.constant 0 : i32
      %dma_start3A_5 = arith.constant 0 : i32
      %dma_start3A_6 = arith.constant 0 : i32
      %dma_start3A_7 = arith.constant 0 : i32
      %dma_start3A_8 = arith.constant 0 : i32
      %dma_start3A_9 = tpu.memref_slice %arg6[%dma_start3A_5, %dma_start3A_7, %dma_start3A_8] : memref<2x8x1024xf32, #tpu.memory_space<vmem>> -> memref<1x8x1024xf32, #tpu.memory_space<vmem>>
      %dma_start3A_10 = tpu.memref_squeeze %dma_start3A_9 : memref<1x8x1024xf32, #tpu.memory_space<vmem>> -> memref<8x1024xf32, #tpu.memory_space<vmem>>
      %dma_start3A_11 = arith.constant 0 : i32
      %dma_start3A_12 = tpu.memref_slice %arg2[%dma_start3A, %mul3A_2, %dma_start3A_11] : memref<64x192x1024xf32, #tpu.memory_space<hbm>> -> memref<1x8x1024xf32, #tpu.memory_space<hbm>>
      %dma_start3A_13 = tpu.memref_squeeze %dma_start3A_12 : memref<1x8x1024xf32, #tpu.memory_space<hbm>> -> memref<8x1024xf32, #tpu.memory_space<hbm>>
      %dma_start3A_14 = tpu.memref_slice %arg8[%dma_start3A_6] : memref<2x!tpu.dma_semaphore, #tpu.memory_space<semaphore_mem>> -> memref<1x!tpu.dma_semaphore, #tpu.memory_space<semaphore_mem>>
      %dma_start3A_15 = tpu.memref_squeeze %dma_start3A_14 : memref<1x!tpu.dma_semaphore, #tpu.memory_space<semaphore_mem>> -> memref<!tpu.dma_semaphore, #tpu.memory_space<semaphore_mem>>
      %dma_start3A_16 = arith.constant 0 : i32
      %dma_start3A_17 = arith.constant 0 : i32
      %dma_start3A_18 = tpu.memref_slice %arg6[%dma_start3A_5, %dma_start3A_16, %dma_start3A_17] : memref<2x8x1024xf32, #tpu.memory_space<vmem>> -> memref<1x8x1024xf32, #tpu.memory_space<vmem>>
      %dma_start3A_19 = tpu.memref_squeeze %dma_start3A_18 : memref<1x8x1024xf32, #tpu.memory_space<vmem>> -> memref<8x1024xf32, #tpu.memory_space<vmem>>
      %dma_start3A_20 = arith.constant 0 : i32
      %dma_start3A_21 = tpu.memref_slice %arg2[%dma_start3A, %mul3A_2, %dma_start3A_20] : memref<64x192x1024xf32, #tpu.memory_space<hbm>> -> memref<1x8x1024xf32, #tpu.memory_space<hbm>>
      %dma_start3A_22 = tpu.memref_squeeze %dma_start3A_21 : memref<1x8x1024xf32, #tpu.memory_space<hbm>> -> memref<8x1024xf32, #tpu.memory_space<hbm>>
      tpu.enqueue_dma source(%dma_start3A_22 : memref<8x1024xf32, #tpu.memory_space<hbm>>) target(%dma_start3A_19 : memref<8x1024xf32, #tpu.memory_space<vmem>>) target_semaphore(%dma_start3A_15 : memref<!tpu.dma_semaphore, #tpu.memory_space<semaphore_mem>>)
      %dma_start3A_23 = arith.constant 1 : i32
      %dma_start3A_24 = arith.constant 1 : i32
      %dma_start3A_25 = arith.constant 1 : i32
      %dma_start3A_26 = arith.constant 0 : i32
      %dma_start3A_27 = arith.constant 0 : i32
      %dma_start3A_28 = tpu.memref_slice %arg6[%dma_start3A_24, %dma_start3A_26, %dma_start3A_27] : memref<2x8x1024xf32, #tpu.memory_space<vmem>> -> memref<1x8x1024xf32, #tpu.memory_space<vmem>>
      %dma_start3A_29 = tpu.memref_squeeze %dma_start3A_28 : memref<1x8x1024xf32, #tpu.memory_space<vmem>> -> memref<8x1024xf32, #tpu.memory_space<vmem>>
      %dma_start3A_30 = arith.constant 0 : i32
      %dma_start3A_31 = tpu.memref_slice %arg2[%dma_start3A_23, %mul3A_2, %dma_start3A_30] : memref<64x192x1024xf32, #tpu.memory_space<hbm>> -> memref<1x8x1024xf32, #tpu.memory_space<hbm>>
      %dma_start3A_32 = tpu.memref_squeeze %dma_start3A_31 : memref<1x8x1024xf32, #tpu.memory_space<hbm>> -> memref<8x1024xf32, #tpu.memory_space<hbm>>
      %dma_start3A_33 = tpu.memref_slice %arg8[%dma_start3A_25] : memref<2x!tpu.dma_semaphore, #tpu.memory_space<semaphore_mem>> -> memref<1x!tpu.dma_semaphore, #tpu.memory_space<semaphore_mem>>
      %dma_start3A_34 = tpu.memref_squeeze %dma_start3A_33 : memref<1x!tpu.dma_semaphore, #tpu.memory_space<semaphore_mem>> -> memref<!tpu.dma_semaphore, #tpu.memory_space<semaphore_mem>>
      %dma_start3A_35 = arith.constant 0 : i32
      %dma_start3A_36 = arith.constant 0 : i32
      %dma_start3A_37 = tpu.memref_slice %arg6[%dma_start3A_24, %dma_start3A_35, %dma_start3A_36] : memref<2x8x1024xf32, #tpu.memory_space<vmem>> -> memref<1x8x1024xf32, #tpu.memory_space<vmem>>
      %dma_start3A_38 = tpu.memref_squeeze %dma_start3A_37 : memref<1x8x1024xf32, #tpu.memory_space<vmem>> -> memref<8x1024xf32, #tpu.memory_space<vmem>>
      %dma_start3A_39 = arith.constant 0 : i32
      %dma_start3A_40 = tpu.memref_slice %arg2[%dma_start3A_23, %mul3A_2, %dma_start3A_39] : memref<64x192x1024xf32, #tpu.memory_space<hbm>> -> memref<1x8x1024xf32, #tpu.memory_space<hbm>>
      %dma_start3A_41 = tpu.memref_squeeze %dma_start3A_40 : memref<1x8x1024xf32, #tpu.memory_space<hbm>> -> memref<8x1024xf32, #tpu.memory_space<hbm>>
      tpu.enqueue_dma source(%dma_start3A_41 : memref<8x1024xf32, #tpu.memory_space<hbm>>) target(%dma_start3A_38 : memref<8x1024xf32, #tpu.memory_space<vmem>>) target_semaphore(%dma_start3A_34 : memref<!tpu.dma_semaphore, #tpu.memory_space<semaphore_mem>>)
      %scan3A = arith.constant 0 : i32
      %scan3A_42 = arith.constant 0 : i32
      %scan3A_43 = arith.constant 32 : i32
      %scan3A_44 = arith.addi %scan3A_42, %scan3A_43 : i32
      %scan3A_45 = arith.constant 1 : i32
      scf.for %scan3A_84 = %scan3A_42 to %scan3A_44 step %scan3A_45  : i32 {
        %mul3A_85 = arith.constant 2 : i32
        %mul3A_86 = arith.muli %mul3A_85, %scan3A_84 : i32
        %dma_wait3A_87 = arith.constant 0 : i32
        %dma_wait3A_88 = arith.constant 0 : i32
        %dma_wait3A_89 = arith.constant 0 : i32
        %dma_wait3A_90 = arith.constant 0 : i32
        %dma_wait3A_91 = tpu.memref_slice %arg6[%dma_wait3A_87, %dma_wait3A_89, %dma_wait3A_90] : memref<2x8x1024xf32, #tpu.memory_space<vmem>> -> memref<1x8x1024xf32, #tpu.memory_space<vmem>>
        %dma_wait3A_92 = tpu.memref_squeeze %dma_wait3A_91 : memref<1x8x1024xf32, #tpu.memory_space<vmem>> -> memref<8x1024xf32, #tpu.memory_space<vmem>>
        %dma_wait3A_93 = arith.constant 0 : i32
        %dma_wait3A_94 = tpu.memref_slice %arg2[%mul3A_86, %mul3A_2, %dma_wait3A_93] : memref<64x192x1024xf32, #tpu.memory_space<hbm>> -> memref<1x8x1024xf32, #tpu.memory_space<hbm>>
        %dma_wait3A_95 = tpu.memref_squeeze %dma_wait3A_94 : memref<1x8x1024xf32, #tpu.memory_space<hbm>> -> memref<8x1024xf32, #tpu.memory_space<hbm>>
        %dma_wait3A_96 = tpu.memref_slice %arg8[%dma_wait3A_88] : memref<2x!tpu.dma_semaphore, #tpu.memory_space<semaphore_mem>> -> memref<1x!tpu.dma_semaphore, #tpu.memory_space<semaphore_mem>>
        %dma_wait3A_97 = tpu.memref_squeeze %dma_wait3A_96 : memref<1x!tpu.dma_semaphore, #tpu.memory_space<semaphore_mem>> -> memref<!tpu.dma_semaphore, #tpu.memory_space<semaphore_mem>>
        %dma_wait3A_98 = arith.constant 0 : i32
        %dma_wait3A_99 = arith.constant 0 : i32
        %dma_wait3A_100 = tpu.memref_slice %arg6[%dma_wait3A_87, %dma_wait3A_98, %dma_wait3A_99] : memref<2x8x1024xf32, #tpu.memory_space<vmem>> -> memref<1x8x1024xf32, #tpu.memory_space<vmem>>
        %dma_wait3A_101 = tpu.memref_squeeze %dma_wait3A_100 : memref<1x8x1024xf32, #tpu.memory_space<vmem>> -> memref<8x1024xf32, #tpu.memory_space<vmem>>
        %dma_wait3A_102 = arith.constant 0 : i32
        %dma_wait3A_103 = tpu.memref_slice %arg2[%mul3A_86, %mul3A_2, %dma_wait3A_102] : memref<64x192x1024xf32, #tpu.memory_space<hbm>> -> memref<1x8x1024xf32, #tpu.memory_space<hbm>>
        %dma_wait3A_104 = tpu.memref_squeeze %dma_wait3A_103 : memref<1x8x1024xf32, #tpu.memory_space<hbm>> -> memref<8x1024xf32, #tpu.memory_space<hbm>>
        tpu.wait_dma2 semaphore(%dma_wait3A_97 : memref<!tpu.dma_semaphore, #tpu.memory_space<semaphore_mem>>) src(%dma_wait3A_104 : memref<8x1024xf32, #tpu.memory_space<hbm>>) dst(%dma_wait3A_101 : memref<8x1024xf32, #tpu.memory_space<vmem>>)
        %add3A_105 = arith.constant 1 : i32
        %add3A_106 = arith.addi %mul3A_86, %add3A_105 : i32
        %dma_wait3A_107 = arith.constant 1 : i32
        %dma_wait3A_108 = arith.constant 1 : i32
        %dma_wait3A_109 = arith.constant 0 : i32
        %dma_wait3A_110 = arith.constant 0 : i32
        %dma_wait3A_111 = tpu.memref_slice %arg6[%dma_wait3A_107, %dma_wait3A_109, %dma_wait3A_110] : memref<2x8x1024xf32, #tpu.memory_space<vmem>> -> memref<1x8x1024xf32, #tpu.memory_space<vmem>>
        %dma_wait3A_112 = tpu.memref_squeeze %dma_wait3A_111 : memref<1x8x1024xf32, #tpu.memory_space<vmem>> -> memref<8x1024xf32, #tpu.memory_space<vmem>>
        %dma_wait3A_113 = arith.constant 0 : i32
        %dma_wait3A_114 = tpu.memref_slice %arg2[%add3A_106, %mul3A_2, %dma_wait3A_113] : memref<64x192x1024xf32, #tpu.memory_space<hbm>> -> memref<1x8x1024xf32, #tpu.memory_space<hbm>>
        %dma_wait3A_115 = tpu.memref_squeeze %dma_wait3A_114 : memref<1x8x1024xf32, #tpu.memory_space<hbm>> -> memref<8x1024xf32, #tpu.memory_space<hbm>>
        %dma_wait3A_116 = tpu.memref_slice %arg8[%dma_wait3A_108] : memref<2x!tpu.dma_semaphore, #tpu.memory_space<semaphore_mem>> -> memref<1x!tpu.dma_semaphore, #tpu.memory_space<semaphore_mem>>
        %dma_wait3A_117 = tpu.memref_squeeze %dma_wait3A_116 : memref<1x!tpu.dma_semaphore, #tpu.memory_space<semaphore_mem>> -> memref<!tpu.dma_semaphore, #tpu.memory_space<semaphore_mem>>
        %dma_wait3A_118 = arith.constant 0 : i32
        %dma_wait3A_119 = arith.constant 0 : i32
        %dma_wait3A_120 = tpu.memref_slice %arg6[%dma_wait3A_107, %dma_wait3A_118, %dma_wait3A_119] : memref<2x8x1024xf32, #tpu.memory_space<vmem>> -> memref<1x8x1024xf32, #tpu.memory_space<vmem>>
        %dma_wait3A_121 = tpu.memref_squeeze %dma_wait3A_120 : memref<1x8x1024xf32, #tpu.memory_space<vmem>> -> memref<8x1024xf32, #tpu.memory_space<vmem>>
        %dma_wait3A_122 = arith.constant 0 : i32
        %dma_wait3A_123 = tpu.memref_slice %arg2[%add3A_106, %mul3A_2, %dma_wait3A_122] : memref<64x192x1024xf32, #tpu.memory_space<hbm>> -> memref<1x8x1024xf32, #tpu.memory_space<hbm>>
        %dma_wait3A_124 = tpu.memref_squeeze %dma_wait3A_123 : memref<1x8x1024xf32, #tpu.memory_space<hbm>> -> memref<8x1024xf32, #tpu.memory_space<hbm>>
        tpu.wait_dma2 semaphore(%dma_wait3A_117 : memref<!tpu.dma_semaphore, #tpu.memory_space<semaphore_mem>>) src(%dma_wait3A_124 : memref<8x1024xf32, #tpu.memory_space<hbm>>) dst(%dma_wait3A_121 : memref<8x1024xf32, #tpu.memory_space<vmem>>)
        %gt3A = arith.constant 0 : i32
        %gt3A_125 = arith.cmpi sgt, %scan3A_84, %gt3A : i32
        %convert_element_type3A_126 = arith.extui %gt3A_125 : i1 to i32
        %cond3A_127 = arith.constant 0 : i32
        %cond3A_128 = arith.cmpi ne, %convert_element_type3A_126, %cond3A_127 : i32
        scf.if %cond3A_128 {
          %sub3A = arith.constant 2 : i32
          %sub3A_222 = arith.subi %mul3A_86, %sub3A : i32
          %dma_wait3A_223 = arith.constant 0 : i32
          %dma_wait3A_224 = arith.constant 0 : i32
          %dma_wait3A_225 = arith.constant 0 : i32
          %dma_wait3A_226 = arith.constant 0 : i32
          %dma_wait3A_227 = tpu.memref_slice %arg7[%dma_wait3A_223, %dma_wait3A_225, %dma_wait3A_226] : memref<2x8x1024xf32, #tpu.memory_space<vmem>> -> memref<1x8x1024xf32, #tpu.memory_space<vmem>>
          %dma_wait3A_228 = tpu.memref_squeeze %dma_wait3A_227 : memref<1x8x1024xf32, #tpu.memory_space<vmem>> -> memref<8x1024xf32, #tpu.memory_space<vmem>>
          %dma_wait3A_229 = arith.constant 0 : i32
          %dma_wait3A_230 = tpu.memref_slice %arg4[%sub3A_222, %mul3A_2, %dma_wait3A_229] : memref<64x192x1024xf32, #tpu.memory_space<hbm>> -> memref<1x8x1024xf32, #tpu.memory_space<hbm>>
          %dma_wait3A_231 = tpu.memref_squeeze %dma_wait3A_230 : memref<1x8x1024xf32, #tpu.memory_space<hbm>> -> memref<8x1024xf32, #tpu.memory_space<hbm>>
          %dma_wait3A_232 = tpu.memref_slice %arg9[%dma_wait3A_224] : memref<2x!tpu.dma_semaphore, #tpu.memory_space<semaphore_mem>> -> memref<1x!tpu.dma_semaphore, #tpu.memory_space<semaphore_mem>>
          %dma_wait3A_233 = tpu.memref_squeeze %dma_wait3A_232 : memref<1x!tpu.dma_semaphore, #tpu.memory_space<semaphore_mem>> -> memref<!tpu.dma_semaphore, #tpu.memory_space<semaphore_mem>>
          %dma_wait3A_234 = arith.constant 0 : i32
          %dma_wait3A_235 = tpu.memref_slice %arg4[%sub3A_222, %mul3A_2, %dma_wait3A_234] : memref<64x192x1024xf32, #tpu.memory_space<hbm>> -> memref<1x8x1024xf32, #tpu.memory_space<hbm>>
          %dma_wait3A_236 = tpu.memref_squeeze %dma_wait3A_235 : memref<1x8x1024xf32, #tpu.memory_space<hbm>> -> memref<8x1024xf32, #tpu.memory_space<hbm>>
          %dma_wait3A_237 = arith.constant 0 : i32
          %dma_wait3A_238 = arith.constant 0 : i32
          %dma_wait3A_239 = tpu.memref_slice %arg7[%dma_wait3A_223, %dma_wait3A_237, %dma_wait3A_238] : memref<2x8x1024xf32, #tpu.memory_space<vmem>> -> memref<1x8x1024xf32, #tpu.memory_space<vmem>>
          %dma_wait3A_240 = tpu.memref_squeeze %dma_wait3A_239 : memref<1x8x1024xf32, #tpu.memory_space<vmem>> -> memref<8x1024xf32, #tpu.memory_space<vmem>>
          tpu.wait_dma2 semaphore(%dma_wait3A_233 : memref<!tpu.dma_semaphore, #tpu.memory_space<semaphore_mem>>) src(%dma_wait3A_240 : memref<8x1024xf32, #tpu.memory_space<vmem>>) dst(%dma_wait3A_236 : memref<8x1024xf32, #tpu.memory_space<hbm>>)
          %sub3A_241 = arith.constant 1 : i32
          %sub3A_242 = arith.subi %mul3A_86, %sub3A_241 : i32
          %dma_wait3A_243 = arith.constant 1 : i32
          %dma_wait3A_244 = arith.constant 1 : i32
          %dma_wait3A_245 = arith.constant 0 : i32
          %dma_wait3A_246 = arith.constant 0 : i32
          %dma_wait3A_247 = tpu.memref_slice %arg7[%dma_wait3A_243, %dma_wait3A_245, %dma_wait3A_246] : memref<2x8x1024xf32, #tpu.memory_space<vmem>> -> memref<1x8x1024xf32, #tpu.memory_space<vmem>>
          %dma_wait3A_248 = tpu.memref_squeeze %dma_wait3A_247 : memref<1x8x1024xf32, #tpu.memory_space<vmem>> -> memref<8x1024xf32, #tpu.memory_space<vmem>>
          %dma_wait3A_249 = arith.constant 0 : i32
          %dma_wait3A_250 = tpu.memref_slice %arg4[%sub3A_242, %mul3A_2, %dma_wait3A_249] : memref<64x192x1024xf32, #tpu.memory_space<hbm>> -> memref<1x8x1024xf32, #tpu.memory_space<hbm>>
          %dma_wait3A_251 = tpu.memref_squeeze %dma_wait3A_250 : memref<1x8x1024xf32, #tpu.memory_space<hbm>> -> memref<8x1024xf32, #tpu.memory_space<hbm>>
          %dma_wait3A_252 = tpu.memref_slice %arg9[%dma_wait3A_244] : memref<2x!tpu.dma_semaphore, #tpu.memory_space<semaphore_mem>> -> memref<1x!tpu.dma_semaphore, #tpu.memory_space<semaphore_mem>>
          %dma_wait3A_253 = tpu.memref_squeeze %dma_wait3A_252 : memref<1x!tpu.dma_semaphore, #tpu.memory_space<semaphore_mem>> -> memref<!tpu.dma_semaphore, #tpu.memory_space<semaphore_mem>>
          %dma_wait3A_254 = arith.constant 0 : i32
          %dma_wait3A_255 = tpu.memref_slice %arg4[%sub3A_242, %mul3A_2, %dma_wait3A_254] : memref<64x192x1024xf32, #tpu.memory_space<hbm>> -> memref<1x8x1024xf32, #tpu.memory_space<hbm>>
          %dma_wait3A_256 = tpu.memref_squeeze %dma_wait3A_255 : memref<1x8x1024xf32, #tpu.memory_space<hbm>> -> memref<8x1024xf32, #tpu.memory_space<hbm>>
          %dma_wait3A_257 = arith.constant 0 : i32
          %dma_wait3A_258 = arith.constant 0 : i32
          %dma_wait3A_259 = tpu.memref_slice %arg7[%dma_wait3A_243, %dma_wait3A_257, %dma_wait3A_258] : memref<2x8x1024xf32, #tpu.memory_space<vmem>> -> memref<1x8x1024xf32, #tpu.memory_space<vmem>>
          %dma_wait3A_260 = tpu.memref_squeeze %dma_wait3A_259 : memref<1x8x1024xf32, #tpu.memory_space<vmem>> -> memref<8x1024xf32, #tpu.memory_space<vmem>>
          tpu.wait_dma2 semaphore(%dma_wait3A_253 : memref<!tpu.dma_semaphore, #tpu.memory_space<semaphore_mem>>) src(%dma_wait3A_260 : memref<8x1024xf32, #tpu.memory_space<vmem>>) dst(%dma_wait3A_256 : memref<8x1024xf32, #tpu.memory_space<hbm>>)
        } else {
        }
        %scan3A_129 = arith.constant 0 : i32
        %scan3A_130 = arith.constant 0 : i32
        %scan3A_131 = arith.constant 8 : i32
        %scan3A_132 = arith.addi %scan3A_130, %scan3A_131 : i32
        %scan3A_133 = arith.constant 1 : i32
        scf.for %scan3A_222 = %scan3A_130 to %scan3A_132 step %scan3A_133  : i32 {
          %mul3A_223 = arith.constant 8 : i32
          %mul3A_224 = arith.muli %scan3A_222, %mul3A_223 : i32
          %add3A_225 = arith.constant 0 : i32
          %add3A_226 = arith.addi %mul3A_224, %add3A_225 : i32
          %mul3A_227 = arith.constant 16 : i32
          %mul3A_228 = arith.muli %add3A_226, %mul3A_227 : i32
          %get3A = arith.constant 0 : i32
          %get3A_229 = arith.index_cast %get3A : i32 to index
          %get3A_230 = arith.index_cast %mul3A_228 : i32 to index
          %get3A_231 = tpu.vector_load %arg5[%get3A_229, %get3A_230] {strides = array<i32>} : memref<8x1024xf32, #tpu.memory_space<vmem>>, vector<1x16xf32>,
          %get3A_232 = vector.shape_cast %get3A_231 : vector<1x16xf32> to vector<16xf32>
          %get3A_233 = arith.constant 0 : i32
          %get3A_234 = arith.constant 0 : i32
          %get3A_235 = arith.index_cast %get3A_233 : i32 to index
          %get3A_236 = arith.index_cast %get3A_234 : i32 to index
          %get3A_237 = arith.index_cast %mul3A_228 : i32 to index
          %get3A_238 = tpu.vector_load %arg6[%get3A_235, %get3A_236, %get3A_237] {strides = array<i32>} : memref<2x8x1024xf32, #tpu.memory_space<vmem>>, vector<1x1x16xf32>,
          %get3A_239 = vector.shape_cast %get3A_238 : vector<1x1x16xf32> to vector<16xf32>
          %add3A_240 = arith.addf %get3A_239, %get3A_232 : vector<16xf32>
          %swap3A = arith.constant 0 : i32
          %swap3A_241 = arith.constant 0 : i32
          %swap3A_242 = arith.index_cast %swap3A : i32 to index
          %swap3A_243 = arith.index_cast %swap3A_241 : i32 to index
          %swap3A_244 = arith.index_cast %mul3A_228 : i32 to index
          %swap3A_245 = tpu.vector_load %arg7[%swap3A_242, %swap3A_243, %swap3A_244] {strides = array<i32>} : memref<2x8x1024xf32, #tpu.memory_space<vmem>>, vector<1x1x16xf32>,
          %swap3A_246 = vector.shape_cast %swap3A_245 : vector<1x1x16xf32> to vector<16xf32>
          %swap3A_247 = vector.shape_cast %add3A_240 : vector<16xf32> to vector<1x1x16xf32>
          tpu.vector_store %arg7[%swap3A_242, %swap3A_243, %swap3A_244], %swap3A_247 {strides = array<i32>} : memref<2x8x1024xf32, #tpu.memory_space<vmem>>, vector<1x1x16xf32>,
          %get3A_248 = arith.constant 1 : i32
          %get3A_249 = arith.constant 0 : i32
          %get3A_250 = arith.index_cast %get3A_248 : i32 to index
          %get3A_251 = arith.index_cast %get3A_249 : i32 to index
          %get3A_252 = arith.index_cast %mul3A_228 : i32 to index
          %get3A_253 = tpu.vector_load %arg6[%get3A_250, %get3A_251, %get3A_252] {strides = array<i32>} : memref<2x8x1024xf32, #tpu.memory_space<vmem>>, vector<1x1x16xf32>,
          %get3A_254 = vector.shape_cast %get3A_253 : vector<1x1x16xf32> to vector<16xf32>
          %add3A_255 = arith.addf %get3A_254, %get3A_232 : vector<16xf32>
          %swap3A_256 = arith.constant 1 : i32
          %swap3A_257 = arith.constant 0 : i32
          %swap3A_258 = arith.index_cast %swap3A_256 : i32 to index
          %swap3A_259 = arith.index_cast %swap3A_257 : i32 to index
          %swap3A_260 = arith.index_cast %mul3A_228 : i32 to index
          %swap3A_261 = tpu.vector_load %arg7[%swap3A_258, %swap3A_259, %swap3A_260] {strides = array<i32>} : memref<2x8x1024xf32, #tpu.memory_space<vmem>>, vector<1x1x16xf32>,
          %swap3A_262 = vector.shape_cast %swap3A_261 : vector<1x1x16xf32> to vector<16xf32>
          %swap3A_263 = vector.shape_cast %add3A_255 : vector<16xf32> to vector<1x1x16xf32>
          tpu.vector_store %arg7[%swap3A_258, %swap3A_259, %swap3A_260], %swap3A_263 {strides = array<i32>} : memref<2x8x1024xf32, #tpu.memory_space<vmem>>, vector<1x1x16xf32>,
          %mul3A_264 = arith.constant 8 : i32
          %mul3A_265 = arith.muli %scan3A_222, %mul3A_264 : i32
          %add3A_266 = arith.constant 1 : i32
          %add3A_267 = arith.addi %mul3A_265, %add3A_266 : i32
          %mul3A_268 = arith.constant 16 : i32
          %mul3A_269 = arith.muli %add3A_267, %mul3A_268 : i32
          %get3A_270 = arith.constant 0 : i32
          %get3A_271 = arith.index_cast %get3A_270 : i32 to index
          %get3A_272 = arith.index_cast %mul3A_269 : i32 to index
          %get3A_273 = tpu.vector_load %arg5[%get3A_271, %get3A_272] {strides = array<i32>} : memref<8x1024xf32, #tpu.memory_space<vmem>>, vector<1x16xf32>,
          %get3A_274 = vector.shape_cast %get3A_273 : vector<1x16xf32> to vector<16xf32>
          %get3A_275 = arith.constant 0 : i32
          %get3A_276 = arith.constant 0 : i32
          %get3A_277 = arith.index_cast %get3A_275 : i32 to index
          %get3A_278 = arith.index_cast %get3A_276 : i32 to index
          %get3A_279 = arith.index_cast %mul3A_269 : i32 to index
          %get3A_280 = tpu.vector_load %arg6[%get3A_277, %get3A_278, %get3A_279] {strides = array<i32>} : memref<2x8x1024xf32, #tpu.memory_space<vmem>>, vector<1x1x16xf32>,
          %get3A_281 = vector.shape_cast %get3A_280 : vector<1x1x16xf32> to vector<16xf32>
          %add3A_282 = arith.addf %get3A_281, %get3A_274 : vector<16xf32>
          %swap3A_283 = arith.constant 0 : i32
          %swap3A_284 = arith.constant 0 : i32
          %swap3A_285 = arith.index_cast %swap3A_283 : i32 to index
          %swap3A_286 = arith.index_cast %swap3A_284 : i32 to index
          %swap3A_287 = arith.index_cast %mul3A_269 : i32 to index
          %swap3A_288 = tpu.vector_load %arg7[%swap3A_285, %swap3A_286, %swap3A_287] {strides = array<i32>} : memref<2x8x1024xf32, #tpu.memory_space<vmem>>, vector<1x1x16xf32>,
          %swap3A_289 = vector.shape_cast %swap3A_288 : vector<1x1x16xf32> to vector<16xf32>
          %swap3A_290 = vector.shape_cast %add3A_282 : vector<16xf32> to vector<1x1x16xf32>
          tpu.vector_store %arg7[%swap3A_285, %swap3A_286, %swap3A_287], %swap3A_290 {strides = array<i32>} : memref<2x8x1024xf32, #tpu.memory_space<vmem>>, vector<1x1x16xf32>,
          %get3A_291 = arith.constant 1 : i32
          %get3A_292 = arith.constant 0 : i32
          %get3A_293 = arith.index_cast %get3A_291 : i32 to index
          %get3A_294 = arith.index_cast %get3A_292 : i32 to index
          %get3A_295 = arith.index_cast %mul3A_269 : i32 to index
          %get3A_296 = tpu.vector_load %arg6[%get3A_293, %get3A_294, %get3A_295] {strides = array<i32>} : memref<2x8x1024xf32, #tpu.memory_space<vmem>>, vector<1x1x16xf32>,
          %get3A_297 = vector.shape_cast %get3A_296 : vector<1x1x16xf32> to vector<16xf32>
          %add3A_298 = arith.addf %get3A_297, %get3A_274 : vector<16xf32>
          %swap3A_299 = arith.constant 1 : i32
          %swap3A_300 = arith.constant 0 : i32
          %swap3A_301 = arith.index_cast %swap3A_299 : i32 to index
          %swap3A_302 = arith.index_cast %swap3A_300 : i32 to index
          %swap3A_303 = arith.index_cast %mul3A_269 : i32 to index
          %swap3A_304 = tpu.vector_load %arg7[%swap3A_301, %swap3A_302, %swap3A_303] {strides = array<i32>} : memref<2x8x1024xf32, #tpu.memory_space<vmem>>, vector<1x1x16xf32>,
          %swap3A_305 = vector.shape_cast %swap3A_304 : vector<1x1x16xf32> to vector<16xf32>
          %swap3A_306 = vector.shape_cast %add3A_298 : vector<16xf32> to vector<1x1x16xf32>
          tpu.vector_store %arg7[%swap3A_301, %swap3A_302, %swap3A_303], %swap3A_306 {strides = array<i32>} : memref<2x8x1024xf32, #tpu.memory_space<vmem>>, vector<1x1x16xf32>,
          %mul3A_307 = arith.constant 8 : i32
          %mul3A_308 = arith.muli %scan3A_222, %mul3A_307 : i32
          %add3A_309 = arith.constant 2 : i32
          %add3A_310 = arith.addi %mul3A_308, %add3A_309 : i32
          %mul3A_311 = arith.constant 16 : i32
          %mul3A_312 = arith.muli %add3A_310, %mul3A_311 : i32
          %get3A_313 = arith.constant 0 : i32
          %get3A_314 = arith.index_cast %get3A_313 : i32 to index
          %get3A_315 = arith.index_cast %mul3A_312 : i32 to index
          %get3A_316 = tpu.vector_load %arg5[%get3A_314, %get3A_315] {strides = array<i32>} : memref<8x1024xf32, #tpu.memory_space<vmem>>, vector<1x16xf32>,
          %get3A_317 = vector.shape_cast %get3A_316 : vector<1x16xf32> to vector<16xf32>
          %get3A_318 = arith.constant 0 : i32
          %get3A_319 = arith.constant 0 : i32
          %get3A_320 = arith.index_cast %get3A_318 : i32 to index
          %get3A_321 = arith.index_cast %get3A_319 : i32 to index
          %get3A_322 = arith.index_cast %mul3A_312 : i32 to index
          %get3A_323 = tpu.vector_load %arg6[%get3A_320, %get3A_321, %get3A_322] {strides = array<i32>} : memref<2x8x1024xf32, #tpu.memory_space<vmem>>, vector<1x1x16xf32>,
          %get3A_324 = vector.shape_cast %get3A_323 : vector<1x1x16xf32> to vector<16xf32>
          %add3A_325 = arith.addf %get3A_324, %get3A_317 : vector<16xf32>
          %swap3A_326 = arith.constant 0 : i32
          %swap3A_327 = arith.constant 0 : i32
          %swap3A_328 = arith.index_cast %swap3A_326 : i32 to index
          %swap3A_329 = arith.index_cast %swap3A_327 : i32 to index
          %swap3A_330 = arith.index_cast %mul3A_312 : i32 to index
          %swap3A_331 = tpu.vector_load %arg7[%swap3A_328, %swap3A_329, %swap3A_330] {strides = array<i32>} : memref<2x8x1024xf32, #tpu.memory_space<vmem>>, vector<1x1x16xf32>,
          %swap3A_332 = vector.shape_cast %swap3A_331 : vector<1x1x16xf32> to vector<16xf32>
          %swap3A_333 = vector.shape_cast %add3A_325 : vector<16xf32> to vector<1x1x16xf32>
          tpu.vector_store %arg7[%swap3A_328, %swap3A_329, %swap3A_330], %swap3A_333 {strides = array<i32>} : memref<2x8x1024xf32, #tpu.memory_space<vmem>>, vector<1x1x16xf32>,
          %get3A_334 = arith.constant 1 : i32
          %get3A_335 = arith.constant 0 : i32
          %get3A_336 = arith.index_cast %get3A_334 : i32 to index
          %get3A_337 = arith.index_cast %get3A_335 : i32 to index
          %get3A_338 = arith.index_cast %mul3A_312 : i32 to index
          %get3A_339 = tpu.vector_load %arg6[%get3A_336, %get3A_337, %get3A_338] {strides = array<i32>} : memref<2x8x1024xf32, #tpu.memory_space<vmem>>, vector<1x1x16xf32>,
          %get3A_340 = vector.shape_cast %get3A_339 : vector<1x1x16xf32> to vector<16xf32>
          %add3A_341 = arith.addf %get3A_340, %get3A_317 : vector<16xf32>
          %swap3A_342 = arith.constant 1 : i32
          %swap3A_343 = arith.constant 0 : i32
          %swap3A_344 = arith.index_cast %swap3A_342 : i32 to index
          %swap3A_345 = arith.index_cast %swap3A_343 : i32 to index
          %swap3A_346 = arith.index_cast %mul3A_312 : i32 to index
          %swap3A_347 = tpu.vector_load %arg7[%swap3A_344, %swap3A_345, %swap3A_346] {strides = array<i32>} : memref<2x8x1024xf32, #tpu.memory_space<vmem>>, vector<1x1x16xf32>,
          %swap3A_348 = vector.shape_cast %swap3A_347 : vector<1x1x16xf32> to vector<16xf32>
          %swap3A_349 = vector.shape_cast %add3A_341 : vector<16xf32> to vector<1x1x16xf32>
          tpu.vector_store %arg7[%swap3A_344, %swap3A_345, %swap3A_346], %swap3A_349 {strides = array<i32>} : memref<2x8x1024xf32, #tpu.memory_space<vmem>>, vector<1x1x16xf32>,
          %mul3A_350 = arith.constant 8 : i32
          %mul3A_351 = arith.muli %scan3A_222, %mul3A_350 : i32
          %add3A_352 = arith.constant 3 : i32
          %add3A_353 = arith.addi %mul3A_351, %add3A_352 : i32
          %mul3A_354 = arith.constant 16 : i32
          %mul3A_355 = arith.muli %add3A_353, %mul3A_354 : i32
          %get3A_356 = arith.constant 0 : i32
          %get3A_357 = arith.index_cast %get3A_356 : i32 to index
          %get3A_358 = arith.index_cast %mul3A_355 : i32 to index
          %get3A_359 = tpu.vector_load %arg5[%get3A_357, %get3A_358] {strides = array<i32>} : memref<8x1024xf32, #tpu.memory_space<vmem>>, vector<1x16xf32>,
          %get3A_360 = vector.shape_cast %get3A_359 : vector<1x16xf32> to vector<16xf32>
          %get3A_361 = arith.constant 0 : i32
          %get3A_362 = arith.constant 0 : i32
          %get3A_363 = arith.index_cast %get3A_361 : i32 to index
          %get3A_364 = arith.index_cast %get3A_362 : i32 to index
          %get3A_365 = arith.index_cast %mul3A_355 : i32 to index
          %get3A_366 = tpu.vector_load %arg6[%get3A_363, %get3A_364, %get3A_365] {strides = array<i32>} : memref<2x8x1024xf32, #tpu.memory_space<vmem>>, vector<1x1x16xf32>,
          %get3A_367 = vector.shape_cast %get3A_366 : vector<1x1x16xf32> to vector<16xf32>
          %add3A_368 = arith.addf %get3A_367, %get3A_360 : vector<16xf32>
          %swap3A_369 = arith.constant 0 : i32
          %swap3A_370 = arith.constant 0 : i32
          %swap3A_371 = arith.index_cast %swap3A_369 : i32 to index
          %swap3A_372 = arith.index_cast %swap3A_370 : i32 to index
          %swap3A_373 = arith.index_cast %mul3A_355 : i32 to index
          %swap3A_374 = tpu.vector_load %arg7[%swap3A_371, %swap3A_372, %swap3A_373] {strides = array<i32>} : memref<2x8x1024xf32, #tpu.memory_space<vmem>>, vector<1x1x16xf32>,
          %swap3A_375 = vector.shape_cast %swap3A_374 : vector<1x1x16xf32> to vector<16xf32>
          %swap3A_376 = vector.shape_cast %add3A_368 : vector<16xf32> to vector<1x1x16xf32>
          tpu.vector_store %arg7[%swap3A_371, %swap3A_372, %swap3A_373], %swap3A_376 {strides = array<i32>} : memref<2x8x1024xf32, #tpu.memory_space<vmem>>, vector<1x1x16xf32>,
          %get3A_377 = arith.constant 1 : i32
          %get3A_378 = arith.constant 0 : i32
          %get3A_379 = arith.index_cast %get3A_377 : i32 to index
          %get3A_380 = arith.index_cast %get3A_378 : i32 to index
          %get3A_381 = arith.index_cast %mul3A_355 : i32 to index
          %get3A_382 = tpu.vector_load %arg6[%get3A_379, %get3A_380, %get3A_381] {strides = array<i32>} : memref<2x8x1024xf32, #tpu.memory_space<vmem>>, vector<1x1x16xf32>,
          %get3A_383 = vector.shape_cast %get3A_382 : vector<1x1x16xf32> to vector<16xf32>
          %add3A_384 = arith.addf %get3A_383, %get3A_360 : vector<16xf32>
          %swap3A_385 = arith.constant 1 : i32
          %swap3A_386 = arith.constant 0 : i32
          %swap3A_387 = arith.index_cast %swap3A_385 : i32 to index
          %swap3A_388 = arith.index_cast %swap3A_386 : i32 to index
          %swap3A_389 = arith.index_cast %mul3A_355 : i32 to index
          %swap3A_390 = tpu.vector_load %arg7[%swap3A_387, %swap3A_388, %swap3A_389] {strides = array<i32>} : memref<2x8x1024xf32, #tpu.memory_space<vmem>>, vector<1x1x16xf32>,
          %swap3A_391 = vector.shape_cast %swap3A_390 : vector<1x1x16xf32> to vector<16xf32>
          %swap3A_392 = vector.shape_cast %add3A_384 : vector<16xf32> to vector<1x1x16xf32>
          tpu.vector_store %arg7[%swap3A_387, %swap3A_388, %swap3A_389], %swap3A_392 {strides = array<i32>} : memref<2x8x1024xf32, #tpu.memory_space<vmem>>, vector<1x1x16xf32>,
          %mul3A_393 = arith.constant 8 : i32
          %mul3A_394 = arith.muli %scan3A_222, %mul3A_393 : i32
          %add3A_395 = arith.constant 4 : i32
          %add3A_396 = arith.addi %mul3A_394, %add3A_395 : i32
          %mul3A_397 = arith.constant 16 : i32
          %mul3A_398 = arith.muli %add3A_396, %mul3A_397 : i32
          %get3A_399 = arith.constant 0 : i32
          %get3A_400 = arith.index_cast %get3A_399 : i32 to index
          %get3A_401 = arith.index_cast %mul3A_398 : i32 to index
          %get3A_402 = tpu.vector_load %arg5[%get3A_400, %get3A_401] {strides = array<i32>} : memref<8x1024xf32, #tpu.memory_space<vmem>>, vector<1x16xf32>,
          %get3A_403 = vector.shape_cast %get3A_402 : vector<1x16xf32> to vector<16xf32>
          %get3A_404 = arith.constant 0 : i32
          %get3A_405 = arith.constant 0 : i32
          %get3A_406 = arith.index_cast %get3A_404 : i32 to index
          %get3A_407 = arith.index_cast %get3A_405 : i32 to index
          %get3A_408 = arith.index_cast %mul3A_398 : i32 to index
          %get3A_409 = tpu.vector_load %arg6[%get3A_406, %get3A_407, %get3A_408] {strides = array<i32>} : memref<2x8x1024xf32, #tpu.memory_space<vmem>>, vector<1x1x16xf32>,
          %get3A_410 = vector.shape_cast %get3A_409 : vector<1x1x16xf32> to vector<16xf32>
          %add3A_411 = arith.addf %get3A_410, %get3A_403 : vector<16xf32>
          %swap3A_412 = arith.constant 0 : i32
          %swap3A_413 = arith.constant 0 : i32
          %swap3A_414 = arith.index_cast %swap3A_412 : i32 to index
          %swap3A_415 = arith.index_cast %swap3A_413 : i32 to index
          %swap3A_416 = arith.index_cast %mul3A_398 : i32 to index
          %swap3A_417 = tpu.vector_load %arg7[%swap3A_414, %swap3A_415, %swap3A_416] {strides = array<i32>} : memref<2x8x1024xf32, #tpu.memory_space<vmem>>, vector<1x1x16xf32>,
          %swap3A_418 = vector.shape_cast %swap3A_417 : vector<1x1x16xf32> to vector<16xf32>
          %swap3A_419 = vector.shape_cast %add3A_411 : vector<16xf32> to vector<1x1x16xf32>
          tpu.vector_store %arg7[%swap3A_414, %swap3A_415, %swap3A_416], %swap3A_419 {strides = array<i32>} : memref<2x8x1024xf32, #tpu.memory_space<vmem>>, vector<1x1x16xf32>,
          %get3A_420 = arith.constant 1 : i32
          %get3A_421 = arith.constant 0 : i32
          %get3A_422 = arith.index_cast %get3A_420 : i32 to index
          %get3A_423 = arith.index_cast %get3A_421 : i32 to index
          %get3A_424 = arith.index_cast %mul3A_398 : i32 to index
          %get3A_425 = tpu.vector_load %arg6[%get3A_422, %get3A_423, %get3A_424] {strides = array<i32>} : memref<2x8x1024xf32, #tpu.memory_space<vmem>>, vector<1x1x16xf32>,
          %get3A_426 = vector.shape_cast %get3A_425 : vector<1x1x16xf32> to vector<16xf32>
          %add3A_427 = arith.addf %get3A_426, %get3A_403 : vector<16xf32>
          %swap3A_428 = arith.constant 1 : i32
          %swap3A_429 = arith.constant 0 : i32
          %swap3A_430 = arith.index_cast %swap3A_428 : i32 to index
          %swap3A_431 = arith.index_cast %swap3A_429 : i32 to index
          %swap3A_432 = arith.index_cast %mul3A_398 : i32 to index
          %swap3A_433 = tpu.vector_load %arg7[%swap3A_430, %swap3A_431, %swap3A_432] {strides = array<i32>} : memref<2x8x1024xf32, #tpu.memory_space<vmem>>, vector<1x1x16xf32>,
          %swap3A_434 = vector.shape_cast %swap3A_433 : vector<1x1x16xf32> to vector<16xf32>
          %swap3A_435 = vector.shape_cast %add3A_427 : vector<16xf32> to vector<1x1x16xf32>
          tpu.vector_store %arg7[%swap3A_430, %swap3A_431, %swap3A_432], %swap3A_435 {strides = array<i32>} : memref<2x8x1024xf32, #tpu.memory_space<vmem>>, vector<1x1x16xf32>,
          %mul3A_436 = arith.constant 8 : i32
          %mul3A_437 = arith.muli %scan3A_222, %mul3A_436 : i32
          %add3A_438 = arith.constant 5 : i32
          %add3A_439 = arith.addi %mul3A_437, %add3A_438 : i32
          %mul3A_440 = arith.constant 16 : i32
          %mul3A_441 = arith.muli %add3A_439, %mul3A_440 : i32
          %get3A_442 = arith.constant 0 : i32
          %get3A_443 = arith.index_cast %get3A_442 : i32 to index
          %get3A_444 = arith.index_cast %mul3A_441 : i32 to index
          %get3A_445 = tpu.vector_load %arg5[%get3A_443, %get3A_444] {strides = array<i32>} : memref<8x1024xf32, #tpu.memory_space<vmem>>, vector<1x16xf32>,
          %get3A_446 = vector.shape_cast %get3A_445 : vector<1x16xf32> to vector<16xf32>
          %get3A_447 = arith.constant 0 : i32
          %get3A_448 = arith.constant 0 : i32
          %get3A_449 = arith.index_cast %get3A_447 : i32 to index
          %get3A_450 = arith.index_cast %get3A_448 : i32 to index
          %get3A_451 = arith.index_cast %mul3A_441 : i32 to index
          %get3A_452 = tpu.vector_load %arg6[%get3A_449, %get3A_450, %get3A_451] {strides = array<i32>} : memref<2x8x1024xf32, #tpu.memory_space<vmem>>, vector<1x1x16xf32>,
          %get3A_453 = vector.shape_cast %get3A_452 : vector<1x1x16xf32> to vector<16xf32>
          %add3A_454 = arith.addf %get3A_453, %get3A_446 : vector<16xf32>
          %swap3A_455 = arith.constant 0 : i32
          %swap3A_456 = arith.constant 0 : i32
          %swap3A_457 = arith.index_cast %swap3A_455 : i32 to index
          %swap3A_458 = arith.index_cast %swap3A_456 : i32 to index
          %swap3A_459 = arith.index_cast %mul3A_441 : i32 to index
          %swap3A_460 = tpu.vector_load %arg7[%swap3A_457, %swap3A_458, %swap3A_459] {strides = array<i32>} : memref<2x8x1024xf32, #tpu.memory_space<vmem>>, vector<1x1x16xf32>,
          %swap3A_461 = vector.shape_cast %swap3A_460 : vector<1x1x16xf32> to vector<16xf32>
          %swap3A_462 = vector.shape_cast %add3A_454 : vector<16xf32> to vector<1x1x16xf32>
          tpu.vector_store %arg7[%swap3A_457, %swap3A_458, %swap3A_459], %swap3A_462 {strides = array<i32>} : memref<2x8x1024xf32, #tpu.memory_space<vmem>>, vector<1x1x16xf32>,
          %get3A_463 = arith.constant 1 : i32
          %get3A_464 = arith.constant 0 : i32
          %get3A_465 = arith.index_cast %get3A_463 : i32 to index
          %get3A_466 = arith.index_cast %get3A_464 : i32 to index
          %get3A_467 = arith.index_cast %mul3A_441 : i32 to index
          %get3A_468 = tpu.vector_load %arg6[%get3A_465, %get3A_466, %get3A_467] {strides = array<i32>} : memref<2x8x1024xf32, #tpu.memory_space<vmem>>, vector<1x1x16xf32>,
          %get3A_469 = vector.shape_cast %get3A_468 : vector<1x1x16xf32> to vector<16xf32>
          %add3A_470 = arith.addf %get3A_469, %get3A_446 : vector<16xf32>
          %swap3A_471 = arith.constant 1 : i32
          %swap3A_472 = arith.constant 0 : i32
          %swap3A_473 = arith.index_cast %swap3A_471 : i32 to index
          %swap3A_474 = arith.index_cast %swap3A_472 : i32 to index
          %swap3A_475 = arith.index_cast %mul3A_441 : i32 to index
          %swap3A_476 = tpu.vector_load %arg7[%swap3A_473, %swap3A_474, %swap3A_475] {strides = array<i32>} : memref<2x8x1024xf32, #tpu.memory_space<vmem>>, vector<1x1x16xf32>,
          %swap3A_477 = vector.shape_cast %swap3A_476 : vector<1x1x16xf32> to vector<16xf32>
          %swap3A_478 = vector.shape_cast %add3A_470 : vector<16xf32> to vector<1x1x16xf32>
          tpu.vector_store %arg7[%swap3A_473, %swap3A_474, %swap3A_475], %swap3A_478 {strides = array<i32>} : memref<2x8x1024xf32, #tpu.memory_space<vmem>>, vector<1x1x16xf32>,
          %mul3A_479 = arith.constant 8 : i32
          %mul3A_480 = arith.muli %scan3A_222, %mul3A_479 : i32
          %add3A_481 = arith.constant 6 : i32
          %add3A_482 = arith.addi %mul3A_480, %add3A_481 : i32
          %mul3A_483 = arith.constant 16 : i32
          %mul3A_484 = arith.muli %add3A_482, %mul3A_483 : i32
          %get3A_485 = arith.constant 0 : i32
          %get3A_486 = arith.index_cast %get3A_485 : i32 to index
          %get3A_487 = arith.index_cast %mul3A_484 : i32 to index
          %get3A_488 = tpu.vector_load %arg5[%get3A_486, %get3A_487] {strides = array<i32>} : memref<8x1024xf32, #tpu.memory_space<vmem>>, vector<1x16xf32>,
          %get3A_489 = vector.shape_cast %get3A_488 : vector<1x16xf32> to vector<16xf32>
          %get3A_490 = arith.constant 0 : i32
          %get3A_491 = arith.constant 0 : i32
          %get3A_492 = arith.index_cast %get3A_490 : i32 to index
          %get3A_493 = arith.index_cast %get3A_491 : i32 to index
          %get3A_494 = arith.index_cast %mul3A_484 : i32 to index
          %get3A_495 = tpu.vector_load %arg6[%get3A_492, %get3A_493, %get3A_494] {strides = array<i32>} : memref<2x8x1024xf32, #tpu.memory_space<vmem>>, vector<1x1x16xf32>,
          %get3A_496 = vector.shape_cast %get3A_495 : vector<1x1x16xf32> to vector<16xf32>
          %add3A_497 = arith.addf %get3A_496, %get3A_489 : vector<16xf32>
          %swap3A_498 = arith.constant 0 : i32
          %swap3A_499 = arith.constant 0 : i32
          %swap3A_500 = arith.index_cast %swap3A_498 : i32 to index
          %swap3A_501 = arith.index_cast %swap3A_499 : i32 to index
          %swap3A_502 = arith.index_cast %mul3A_484 : i32 to index
          %swap3A_503 = tpu.vector_load %arg7[%swap3A_500, %swap3A_501, %swap3A_502] {strides = array<i32>} : memref<2x8x1024xf32, #tpu.memory_space<vmem>>, vector<1x1x16xf32>,
          %swap3A_504 = vector.shape_cast %swap3A_503 : vector<1x1x16xf32> to vector<16xf32>
          %swap3A_505 = vector.shape_cast %add3A_497 : vector<16xf32> to vector<1x1x16xf32>
          tpu.vector_store %arg7[%swap3A_500, %swap3A_501, %swap3A_502], %swap3A_505 {strides = array<i32>} : memref<2x8x1024xf32, #tpu.memory_space<vmem>>, vector<1x1x16xf32>,
          %get3A_506 = arith.constant 1 : i32
          %get3A_507 = arith.constant 0 : i32
          %get3A_508 = arith.index_cast %get3A_506 : i32 to index
          %get3A_509 = arith.index_cast %get3A_507 : i32 to index
          %get3A_510 = arith.index_cast %mul3A_484 : i32 to index
          %get3A_511 = tpu.vector_load %arg6[%get3A_508, %get3A_509, %get3A_510] {strides = array<i32>} : memref<2x8x1024xf32, #tpu.memory_space<vmem>>, vector<1x1x16xf32>,
          %get3A_512 = vector.shape_cast %get3A_511 : vector<1x1x16xf32> to vector<16xf32>
          %add3A_513 = arith.addf %get3A_512, %get3A_489 : vector<16xf32>
          %swap3A_514 = arith.constant 1 : i32
          %swap3A_515 = arith.constant 0 : i32
          %swap3A_516 = arith.index_cast %swap3A_514 : i32 to index
          %swap3A_517 = arith.index_cast %swap3A_515 : i32 to index
          %swap3A_518 = arith.index_cast %mul3A_484 : i32 to index
          %swap3A_519 = tpu.vector_load %arg7[%swap3A_516, %swap3A_517, %swap3A_518] {strides = array<i32>} : memref<2x8x1024xf32, #tpu.memory_space<vmem>>, vector<1x1x16xf32>,
          %swap3A_520 = vector.shape_cast %swap3A_519 : vector<1x1x16xf32> to vector<16xf32>
          %swap3A_521 = vector.shape_cast %add3A_513 : vector<16xf32> to vector<1x1x16xf32>
          tpu.vector_store %arg7[%swap3A_516, %swap3A_517, %swap3A_518], %swap3A_521 {strides = array<i32>} : memref<2x8x1024xf32, #tpu.memory_space<vmem>>, vector<1x1x16xf32>,
          %mul3A_522 = arith.constant 8 : i32
          %mul3A_523 = arith.muli %scan3A_222, %mul3A_522 : i32
          %add3A_524 = arith.constant 7 : i32
          %add3A_525 = arith.addi %mul3A_523, %add3A_524 : i32
          %mul3A_526 = arith.constant 16 : i32
          %mul3A_527 = arith.muli %add3A_525, %mul3A_526 : i32
          %get3A_528 = arith.constant 0 : i32
          %get3A_529 = arith.index_cast %get3A_528 : i32 to index
          %get3A_530 = arith.index_cast %mul3A_527 : i32 to index
          %get3A_531 = tpu.vector_load %arg5[%get3A_529, %get3A_530] {strides = array<i32>} : memref<8x1024xf32, #tpu.memory_space<vmem>>, vector<1x16xf32>,
          %get3A_532 = vector.shape_cast %get3A_531 : vector<1x16xf32> to vector<16xf32>
          %get3A_533 = arith.constant 0 : i32
          %get3A_534 = arith.constant 0 : i32
          %get3A_535 = arith.index_cast %get3A_533 : i32 to index
          %get3A_536 = arith.index_cast %get3A_534 : i32 to index
          %get3A_537 = arith.index_cast %mul3A_527 : i32 to index
          %get3A_538 = tpu.vector_load %arg6[%get3A_535, %get3A_536, %get3A_537] {strides = array<i32>} : memref<2x8x1024xf32, #tpu.memory_space<vmem>>, vector<1x1x16xf32>,
          %get3A_539 = vector.shape_cast %get3A_538 : vector<1x1x16xf32> to vector<16xf32>
          %add3A_540 = arith.addf %get3A_539, %get3A_532 : vector<16xf32>
          %swap3A_541 = arith.constant 0 : i32
          %swap3A_542 = arith.constant 0 : i32
          %swap3A_543 = arith.index_cast %swap3A_541 : i32 to index
          %swap3A_544 = arith.index_cast %swap3A_542 : i32 to index
          %swap3A_545 = arith.index_cast %mul3A_527 : i32 to index
          %swap3A_546 = tpu.vector_load %arg7[%swap3A_543, %swap3A_544, %swap3A_545] {strides = array<i32>} : memref<2x8x1024xf32, #tpu.memory_space<vmem>>, vector<1x1x16xf32>,
          %swap3A_547 = vector.shape_cast %swap3A_546 : vector<1x1x16xf32> to vector<16xf32>
          %swap3A_548 = vector.shape_cast %add3A_540 : vector<16xf32> to vector<1x1x16xf32>
          tpu.vector_store %arg7[%swap3A_543, %swap3A_544, %swap3A_545], %swap3A_548 {strides = array<i32>} : memref<2x8x1024xf32, #tpu.memory_space<vmem>>, vector<1x1x16xf32>,
          %get3A_549 = arith.constant 1 : i32
          %get3A_550 = arith.constant 0 : i32
          %get3A_551 = arith.index_cast %get3A_549 : i32 to index
          %get3A_552 = arith.index_cast %get3A_550 : i32 to index
          %get3A_553 = arith.index_cast %mul3A_527 : i32 to index
          %get3A_554 = tpu.vector_load %arg6[%get3A_551, %get3A_552, %get3A_553] {strides = array<i32>} : memref<2x8x1024xf32, #tpu.memory_space<vmem>>, vector<1x1x16xf32>,
          %get3A_555 = vector.shape_cast %get3A_554 : vector<1x1x16xf32> to vector<16xf32>
          %add3A_556 = arith.addf %get3A_555, %get3A_532 : vector<16xf32>
          %swap3A_557 = arith.constant 1 : i32
          %swap3A_558 = arith.constant 0 : i32
          %swap3A_559 = arith.index_cast %swap3A_557 : i32 to index
          %swap3A_560 = arith.index_cast %swap3A_558 : i32 to index
          %swap3A_561 = arith.index_cast %mul3A_527 : i32 to index
          %swap3A_562 = tpu.vector_load %arg7[%swap3A_559, %swap3A_560, %swap3A_561] {strides = array<i32>} : memref<2x8x1024xf32, #tpu.memory_space<vmem>>, vector<1x1x16xf32>,
          %swap3A_563 = vector.shape_cast %swap3A_562 : vector<1x1x16xf32> to vector<16xf32>
          %swap3A_564 = vector.shape_cast %add3A_556 : vector<16xf32> to vector<1x1x16xf32>
          tpu.vector_store %arg7[%swap3A_559, %swap3A_560, %swap3A_561], %swap3A_564 {strides = array<i32>} : memref<2x8x1024xf32, #tpu.memory_space<vmem>>, vector<1x1x16xf32>,
        }
        %scan3A_134 = arith.constant 8 : i32
        %scan3A_135 = arith.constant 0 : i32
        %scan3A_136 = arith.constant 0 : i32
        %scan3A_137 = arith.constant 8 : i32
        %scan3A_138 = arith.addi %scan3A_136, %scan3A_137 : i32
        %scan3A_139 = arith.constant 1 : i32
        scf.for %scan3A_222 = %scan3A_136 to %scan3A_138 step %scan3A_139  : i32 {
          %mul3A_223 = arith.constant 8 : i32
          %mul3A_224 = arith.muli %scan3A_222, %mul3A_223 : i32
          %add3A_225 = arith.constant 0 : i32
          %add3A_226 = arith.addi %mul3A_224, %add3A_225 : i32
          %mul3A_227 = arith.constant 16 : i32
          %mul3A_228 = arith.muli %add3A_226, %mul3A_227 : i32
          %get3A = arith.constant 1 : i32
          %get3A_229 = arith.index_cast %get3A : i32 to index
          %get3A_230 = arith.index_cast %mul3A_228 : i32 to index
          %get3A_231 = tpu.vector_load %arg5[%get3A_229, %get3A_230] {strides = array<i32>} : memref<8x1024xf32, #tpu.memory_space<vmem>>, vector<1x16xf32>,
          %get3A_232 = vector.shape_cast %get3A_231 : vector<1x16xf32> to vector<16xf32>
          %get3A_233 = arith.constant 0 : i32
          %get3A_234 = arith.constant 1 : i32
          %get3A_235 = arith.index_cast %get3A_233 : i32 to index
          %get3A_236 = arith.index_cast %get3A_234 : i32 to index
          %get3A_237 = arith.index_cast %mul3A_228 : i32 to index
          %get3A_238 = tpu.vector_load %arg6[%get3A_235, %get3A_236, %get3A_237] {strides = array<i32>} : memref<2x8x1024xf32, #tpu.memory_space<vmem>>, vector<1x1x16xf32>,
          %get3A_239 = vector.shape_cast %get3A_238 : vector<1x1x16xf32> to vector<16xf32>
          %add3A_240 = arith.addf %get3A_239, %get3A_232 : vector<16xf32>
          %swap3A = arith.constant 0 : i32
          %swap3A_241 = arith.constant 1 : i32
          %swap3A_242 = arith.index_cast %swap3A : i32 to index
          %swap3A_243 = arith.index_cast %swap3A_241 : i32 to index
          %swap3A_244 = arith.index_cast %mul3A_228 : i32 to index
          %swap3A_245 = tpu.vector_load %arg7[%swap3A_242, %swap3A_243, %swap3A_244] {strides = array<i32>} : memref<2x8x1024xf32, #tpu.memory_space<vmem>>, vector<1x1x16xf32>,
          %swap3A_246 = vector.shape_cast %swap3A_245 : vector<1x1x16xf32> to vector<16xf32>
          %swap3A_247 = vector.shape_cast %add3A_240 : vector<16xf32> to vector<1x1x16xf32>
          tpu.vector_store %arg7[%swap3A_242, %swap3A_243, %swap3A_244], %swap3A_247 {strides = array<i32>} : memref<2x8x1024xf32, #tpu.memory_space<vmem>>, vector<1x1x16xf32>,
          %get3A_248 = arith.constant 1 : i32
          %get3A_249 = arith.constant 1 : i32
          %get3A_250 = arith.index_cast %get3A_248 : i32 to index
          %get3A_251 = arith.index_cast %get3A_249 : i32 to index
          %get3A_252 = arith.index_cast %mul3A_228 : i32 to index
          %get3A_253 = tpu.vector_load %arg6[%get3A_250, %get3A_251, %get3A_252] {strides = array<i32>} : memref<2x8x1024xf32, #tpu.memory_space<vmem>>, vector<1x1x16xf32>,
          %get3A_254 = vector.shape_cast %get3A_253 : vector<1x1x16xf32> to vector<16xf32>
          %add3A_255 = arith.addf %get3A_254, %get3A_232 : vector<16xf32>
          %swap3A_256 = arith.constant 1 : i32
          %swap3A_257 = arith.constant 1 : i32
          %swap3A_258 = arith.index_cast %swap3A_256 : i32 to index
          %swap3A_259 = arith.index_cast %swap3A_257 : i32 to index
          %swap3A_260 = arith.index_cast %mul3A_228 : i32 to index
          %swap3A_261 = tpu.vector_load %arg7[%swap3A_258, %swap3A_259, %swap3A_260] {strides = array<i32>} : memref<2x8x1024xf32, #tpu.memory_space<vmem>>, vector<1x1x16xf32>,
          %swap3A_262 = vector.shape_cast %swap3A_261 : vector<1x1x16xf32> to vector<16xf32>
          %swap3A_263 = vector.shape_cast %add3A_255 : vector<16xf32> to vector<1x1x16xf32>
          tpu.vector_store %arg7[%swap3A_258, %swap3A_259, %swap3A_260], %swap3A_263 {strides = array<i32>} : memref<2x8x1024xf32, #tpu.memory_space<vmem>>, vector<1x1x16xf32>,
          %mul3A_264 = arith.constant 8 : i32
          %mul3A_265 = arith.muli %scan3A_222, %mul3A_264 : i32
          %add3A_266 = arith.constant 1 : i32
          %add3A_267 = arith.addi %mul3A_265, %add3A_266 : i32
          %mul3A_268 = arith.constant 16 : i32
          %mul3A_269 = arith.muli %add3A_267, %mul3A_268 : i32
          %get3A_270 = arith.constant 1 : i32
          %get3A_271 = arith.index_cast %get3A_270 : i32 to index
          %get3A_272 = arith.index_cast %mul3A_269 : i32 to index
          %get3A_273 = tpu.vector_load %arg5[%get3A_271, %get3A_272] {strides = array<i32>} : memref<8x1024xf32, #tpu.memory_space<vmem>>, vector<1x16xf32>,
          %get3A_274 = vector.shape_cast %get3A_273 : vector<1x16xf32> to vector<16xf32>
          %get3A_275 = arith.constant 0 : i32
          %get3A_276 = arith.constant 1 : i32
          %get3A_277 = arith.index_cast %get3A_275 : i32 to index
          %get3A_278 = arith.index_cast %get3A_276 : i32 to index
          %get3A_279 = arith.index_cast %mul3A_269 : i32 to index
          %get3A_280 = tpu.vector_load %arg6[%get3A_277, %get3A_278, %get3A_279] {strides = array<i32>} : memref<2x8x1024xf32, #tpu.memory_space<vmem>>, vector<1x1x16xf32>,
          %get3A_281 = vector.shape_cast %get3A_280 : vector<1x1x16xf32> to vector<16xf32>
          %add3A_282 = arith.addf %get3A_281, %get3A_274 : vector<16xf32>
          %swap3A_283 = arith.constant 0 : i32
          %swap3A_284 = arith.constant 1 : i32
          %swap3A_285 = arith.index_cast %swap3A_283 : i32 to index
          %swap3A_286 = arith.index_cast %swap3A_284 : i32 to index
          %swap3A_287 = arith.index_cast %mul3A_269 : i32 to index
          %swap3A_288 = tpu.vector_load %arg7[%swap3A_285, %swap3A_286, %swap3A_287] {strides = array<i32>} : memref<2x8x1024xf32, #tpu.memory_space<vmem>>, vector<1x1x16xf32>,
          %swap3A_289 = vector.shape_cast %swap3A_288 : vector<1x1x16xf32> to vector<16xf32>
          %swap3A_290 = vector.shape_cast %add3A_282 : vector<16xf32> to vector<1x1x16xf32>
          tpu.vector_store %arg7[%swap3A_285, %swap3A_286, %swap3A_287], %swap3A_290 {strides = array<i32>} : memref<2x8x1024xf32, #tpu.memory_space<vmem>>, vector<1x1x16xf32>,
          %get3A_291 = arith.constant 1 : i32
          %get3A_292 = arith.constant 1 : i32
          %get3A_293 = arith.index_cast %get3A_291 : i32 to index
          %get3A_294 = arith.index_cast %get3A_292 : i32 to index
          %get3A_295 = arith.index_cast %mul3A_269 : i32 to index
          %get3A_296 = tpu.vector_load %arg6[%get3A_293, %get3A_294, %get3A_295] {strides = array<i32>} : memref<2x8x1024xf32, #tpu.memory_space<vmem>>, vector<1x1x16xf32>,
          %get3A_297 = vector.shape_cast %get3A_296 : vector<1x1x16xf32> to vector<16xf32>
          %add3A_298 = arith.addf %get3A_297, %get3A_274 : vector<16xf32>
          %swap3A_299 = arith.constant 1 : i32
          %swap3A_300 = arith.constant 1 : i32
          %swap3A_301 = arith.index_cast %swap3A_299 : i32 to index
          %swap3A_302 = arith.index_cast %swap3A_300 : i32 to index
          %swap3A_303 = arith.index_cast %mul3A_269 : i32 to index
          %swap3A_304 = tpu.vector_load %arg7[%swap3A_301, %swap3A_302, %swap3A_303] {strides = array<i32>} : memref<2x8x1024xf32, #tpu.memory_space<vmem>>, vector<1x1x16xf32>,
          %swap3A_305 = vector.shape_cast %swap3A_304 : vector<1x1x16xf32> to vector<16xf32>
          %swap3A_306 = vector.shape_cast %add3A_298 : vector<16xf32> to vector<1x1x16xf32>
          tpu.vector_store %arg7[%swap3A_301, %swap3A_302, %swap3A_303], %swap3A_306 {strides = array<i32>} : memref<2x8x1024xf32, #tpu.memory_space<vmem>>, vector<1x1x16xf32>,
          %mul3A_307 = arith.constant 8 : i32
          %mul3A_308 = arith.muli %scan3A_222, %mul3A_307 : i32
          %add3A_309 = arith.constant 2 : i32
          %add3A_310 = arith.addi %mul3A_308, %add3A_309 : i32
          %mul3A_311 = arith.constant 16 : i32
          %mul3A_312 = arith.muli %add3A_310, %mul3A_311 : i32
          %get3A_313 = arith.constant 1 : i32
          %get3A_314 = arith.index_cast %get3A_313 : i32 to index
          %get3A_315 = arith.index_cast %mul3A_312 : i32 to index
          %get3A_316 = tpu.vector_load %arg5[%get3A_314, %get3A_315] {strides = array<i32>} : memref<8x1024xf32, #tpu.memory_space<vmem>>, vector<1x16xf32>,
          %get3A_317 = vector.shape_cast %get3A_316 : vector<1x16xf32> to vector<16xf32>
          %get3A_318 = arith.constant 0 : i32
          %get3A_319 = arith.constant 1 : i32
          %get3A_320 = arith.index_cast %get3A_318 : i32 to index
          %get3A_321 = arith.index_cast %get3A_319 : i32 to index
          %get3A_322 = arith.index_cast %mul3A_312 : i32 to index
          %get3A_323 = tpu.vector_load %arg6[%get3A_320, %get3A_321, %get3A_322] {strides = array<i32>} : memref<2x8x1024xf32, #tpu.memory_space<vmem>>, vector<1x1x16xf32>,
          %get3A_324 = vector.shape_cast %get3A_323 : vector<1x1x16xf32> to vector<16xf32>
          %add3A_325 = arith.addf %get3A_324, %get3A_317 : vector<16xf32>
          %swap3A_326 = arith.constant 0 : i32
          %swap3A_327 = arith.constant 1 : i32
          %swap3A_328 = arith.index_cast %swap3A_326 : i32 to index
          %swap3A_329 = arith.index_cast %swap3A_327 : i32 to index
          %swap3A_330 = arith.index_cast %mul3A_312 : i32 to index
          %swap3A_331 = tpu.vector_load %arg7[%swap3A_328, %swap3A_329, %swap3A_330] {strides = array<i32>} : memref<2x8x1024xf32, #tpu.memory_space<vmem>>, vector<1x1x16xf32>,
          %swap3A_332 = vector.shape_cast %swap3A_331 : vector<1x1x16xf32> to vector<16xf32>
          %swap3A_333 = vector.shape_cast %add3A_325 : vector<16xf32> to vector<1x1x16xf32>
          tpu.vector_store %arg7[%swap3A_328, %swap3A_329, %swap3A_330], %swap3A_333 {strides = array<i32>} : memref<2x8x1024xf32, #tpu.memory_space<vmem>>, vector<1x1x16xf32>,
          %get3A_334 = arith.constant 1 : i32
          %get3A_335 = arith.constant 1 : i32
          %get3A_336 = arith.index_cast %get3A_334 : i32 to index
          %get3A_337 = arith.index_cast %get3A_335 : i32 to index
          %get3A_338 = arith.index_cast %mul3A_312 : i32 to index
          %get3A_339 = tpu.vector_load %arg6[%get3A_336, %get3A_337, %get3A_338] {strides = array<i32>} : memref<2x8x1024xf32, #tpu.memory_space<vmem>>, vector<1x1x16xf32>,
          %get3A_340 = vector.shape_cast %get3A_339 : vector<1x1x16xf32> to vector<16xf32>
          %add3A_341 = arith.addf %get3A_340, %get3A_317 : vector<16xf32>
          %swap3A_342 = arith.constant 1 : i32
          %swap3A_343 = arith.constant 1 : i32
          %swap3A_344 = arith.index_cast %swap3A_342 : i32 to index
          %swap3A_345 = arith.index_cast %swap3A_343 : i32 to index
          %swap3A_346 = arith.index_cast %mul3A_312 : i32 to index
          %swap3A_347 = tpu.vector_load %arg7[%swap3A_344, %swap3A_345, %swap3A_346] {strides = array<i32>} : memref<2x8x1024xf32, #tpu.memory_space<vmem>>, vector<1x1x16xf32>,
          %swap3A_348 = vector.shape_cast %swap3A_347 : vector<1x1x16xf32> to vector<16xf32>
          %swap3A_349 = vector.shape_cast %add3A_341 : vector<16xf32> to vector<1x1x16xf32>
          tpu.vector_store %arg7[%swap3A_344, %swap3A_345, %swap3A_346], %swap3A_349 {strides = array<i32>} : memref<2x8x1024xf32, #tpu.memory_space<vmem>>, vector<1x1x16xf32>,
          %mul3A_350 = arith.constant 8 : i32
          %mul3A_351 = arith.muli %scan3A_222, %mul3A_350 : i32
          %add3A_352 = arith.constant 3 : i32
          %add3A_353 = arith.addi %mul3A_351, %add3A_352 : i32
          %mul3A_354 = arith.constant 16 : i32
          %mul3A_355 = arith.muli %add3A_353, %mul3A_354 : i32
          %get3A_356 = arith.constant 1 : i32
          %get3A_357 = arith.index_cast %get3A_356 : i32 to index
          %get3A_358 = arith.index_cast %mul3A_355 : i32 to index
          %get3A_359 = tpu.vector_load %arg5[%get3A_357, %get3A_358] {strides = array<i32>} : memref<8x1024xf32, #tpu.memory_space<vmem>>, vector<1x16xf32>,
          %get3A_360 = vector.shape_cast %get3A_359 : vector<1x16xf32> to vector<16xf32>
          %get3A_361 = arith.constant 0 : i32
          %get3A_362 = arith.constant 1 : i32
          %get3A_363 = arith.index_cast %get3A_361 : i32 to index
          %get3A_364 = arith.index_cast %get3A_362 : i32 to index
          %get3A_365 = arith.index_cast %mul3A_355 : i32 to index
          %get3A_366 = tpu.vector_load %arg6[%get3A_363, %get3A_364, %get3A_365] {strides = array<i32>} : memref<2x8x1024xf32, #tpu.memory_space<vmem>>, vector<1x1x16xf32>,
          %get3A_367 = vector.shape_cast %get3A_366 : vector<1x1x16xf32> to vector<16xf32>
          %add3A_368 = arith.addf %get3A_367, %get3A_360 : vector<16xf32>
          %swap3A_369 = arith.constant 0 : i32
          %swap3A_370 = arith.constant 1 : i32
          %swap3A_371 = arith.index_cast %swap3A_369 : i32 to index
          %swap3A_372 = arith.index_cast %swap3A_370 : i32 to index
          %swap3A_373 = arith.index_cast %mul3A_355 : i32 to index
          %swap3A_374 = tpu.vector_load %arg7[%swap3A_371, %swap3A_372, %swap3A_373] {strides = array<i32>} : memref<2x8x1024xf32, #tpu.memory_space<vmem>>, vector<1x1x16xf32>,
          %swap3A_375 = vector.shape_cast %swap3A_374 : vector<1x1x16xf32> to vector<16xf32>
          %swap3A_376 = vector.shape_cast %add3A_368 : vector<16xf32> to vector<1x1x16xf32>
          tpu.vector_store %arg7[%swap3A_371, %swap3A_372, %swap3A_373], %swap3A_376 {strides = array<i32>} : memref<2x8x1024xf32, #tpu.memory_space<vmem>>, vector<1x1x16xf32>,
          %get3A_377 = arith.constant 1 : i32
          %get3A_378 = arith.constant 1 : i32
          %get3A_379 = arith.index_cast %get3A_377 : i32 to index
          %get3A_380 = arith.index_cast %get3A_378 : i32 to index
          %get3A_381 = arith.index_cast %mul3A_355 : i32 to index
          %get3A_382 = tpu.vector_load %arg6[%get3A_379, %get3A_380, %get3A_381] {strides = array<i32>} : memref<2x8x1024xf32, #tpu.memory_space<vmem>>, vector<1x1x16xf32>,
          %get3A_383 = vector.shape_cast %get3A_382 : vector<1x1x16xf32> to vector<16xf32>
          %add3A_384 = arith.addf %get3A_383, %get3A_360 : vector<16xf32>
          %swap3A_385 = arith.constant 1 : i32
          %swap3A_386 = arith.constant 1 : i32
          %swap3A_387 = arith.index_cast %swap3A_385 : i32 to index
          %swap3A_388 = arith.index_cast %swap3A_386 : i32 to index
          %swap3A_389 = arith.index_cast %mul3A_355 : i32 to index
          %swap3A_390 = tpu.vector_load %arg7[%swap3A_387, %swap3A_388, %swap3A_389] {strides = array<i32>} : memref<2x8x1024xf32, #tpu.memory_space<vmem>>, vector<1x1x16xf32>,
          %swap3A_391 = vector.shape_cast %swap3A_390 : vector<1x1x16xf32> to vector<16xf32>
          %swap3A_392 = vector.shape_cast %add3A_384 : vector<16xf32> to vector<1x1x16xf32>
          tpu.vector_store %arg7[%swap3A_387, %swap3A_388, %swap3A_389], %swap3A_392 {strides = array<i32>} : memref<2x8x1024xf32, #tpu.memory_space<vmem>>, vector<1x1x16xf32>,
          %mul3A_393 = arith.constant 8 : i32
          %mul3A_394 = arith.muli %scan3A_222, %mul3A_393 : i32
          %add3A_395 = arith.constant 4 : i32
          %add3A_396 = arith.addi %mul3A_394, %add3A_395 : i32
          %mul3A_397 = arith.constant 16 : i32
          %mul3A_398 = arith.muli %add3A_396, %mul3A_397 : i32
          %get3A_399 = arith.constant 1 : i32
          %get3A_400 = arith.index_cast %get3A_399 : i32 to index
          %get3A_401 = arith.index_cast %mul3A_398 : i32 to index
          %get3A_402 = tpu.vector_load %arg5[%get3A_400, %get3A_401] {strides = array<i32>} : memref<8x1024xf32, #tpu.memory_space<vmem>>, vector<1x16xf32>,
          %get3A_403 = vector.shape_cast %get3A_402 : vector<1x16xf32> to vector<16xf32>
          %get3A_404 = arith.constant 0 : i32
          %get3A_405 = arith.constant 1 : i32
          %get3A_406 = arith.index_cast %get3A_404 : i32 to index
          %get3A_407 = arith.index_cast %get3A_405 : i32 to index
          %get3A_408 = arith.index_cast %mul3A_398 : i32 to index
          %get3A_409 = tpu.vector_load %arg6[%get3A_406, %get3A_407, %get3A_408] {strides = array<i32>} : memref<2x8x1024xf32, #tpu.memory_space<vmem>>, vector<1x1x16xf32>,
          %get3A_410 = vector.shape_cast %get3A_409 : vector<1x1x16xf32> to vector<16xf32>
          %add3A_411 = arith.addf %get3A_410, %get3A_403 : vector<16xf32>
          %swap3A_412 = arith.constant 0 : i32
          %swap3A_413 = arith.constant 1 : i32
          %swap3A_414 = arith.index_cast %swap3A_412 : i32 to index
          %swap3A_415 = arith.index_cast %swap3A_413 : i32 to index
          %swap3A_416 = arith.index_cast %mul3A_398 : i32 to index
          %swap3A_417 = tpu.vector_load %arg7[%swap3A_414, %swap3A_415, %swap3A_416] {strides = array<i32>} : memref<2x8x1024xf32, #tpu.memory_space<vmem>>, vector<1x1x16xf32>,
          %swap3A_418 = vector.shape_cast %swap3A_417 : vector<1x1x16xf32> to vector<16xf32>
          %swap3A_419 = vector.shape_cast %add3A_411 : vector<16xf32> to vector<1x1x16xf32>
          tpu.vector_store %arg7[%swap3A_414, %swap3A_415, %swap3A_416], %swap3A_419 {strides = array<i32>} : memref<2x8x1024xf32, #tpu.memory_space<vmem>>, vector<1x1x16xf32>,
          %get3A_420 = arith.constant 1 : i32
          %get3A_421 = arith.constant 1 : i32
          %get3A_422 = arith.index_cast %get3A_420 : i32 to index
          %get3A_423 = arith.index_cast %get3A_421 : i32 to index
          %get3A_424 = arith.index_cast %mul3A_398 : i32 to index
          %get3A_425 = tpu.vector_load %arg6[%get3A_422, %get3A_423, %get3A_424] {strides = array<i32>} : memref<2x8x1024xf32, #tpu.memory_space<vmem>>, vector<1x1x16xf32>,
          %get3A_426 = vector.shape_cast %get3A_425 : vector<1x1x16xf32> to vector<16xf32>
          %add3A_427 = arith.addf %get3A_426, %get3A_403 : vector<16xf32>
          %swap3A_428 = arith.constant 1 : i32
          %swap3A_429 = arith.constant 1 : i32
          %swap3A_430 = arith.index_cast %swap3A_428 : i32 to index
          %swap3A_431 = arith.index_cast %swap3A_429 : i32 to index
          %swap3A_432 = arith.index_cast %mul3A_398 : i32 to index
          %swap3A_433 = tpu.vector_load %arg7[%swap3A_430, %swap3A_431, %swap3A_432] {strides = array<i32>} : memref<2x8x1024xf32, #tpu.memory_space<vmem>>, vector<1x1x16xf32>,
          %swap3A_434 = vector.shape_cast %swap3A_433 : vector<1x1x16xf32> to vector<16xf32>
          %swap3A_435 = vector.shape_cast %add3A_427 : vector<16xf32> to vector<1x1x16xf32>
          tpu.vector_store %arg7[%swap3A_430, %swap3A_431, %swap3A_432], %swap3A_435 {strides = array<i32>} : memref<2x8x1024xf32, #tpu.memory_space<vmem>>, vector<1x1x16xf32>,
          %mul3A_436 = arith.constant 8 : i32
          %mul3A_437 = arith.muli %scan3A_222, %mul3A_436 : i32
          %add3A_438 = arith.constant 5 : i32
          %add3A_439 = arith.addi %mul3A_437, %add3A_438 : i32
          %mul3A_440 = arith.constant 16 : i32
          %mul3A_441 = arith.muli %add3A_439, %mul3A_440 : i32
          %get3A_442 = arith.constant 1 : i32
          %get3A_443 = arith.index_cast %get3A_442 : i32 to index
          %get3A_444 = arith.index_cast %mul3A_441 : i32 to index
          %get3A_445 = tpu.vector_load %arg5[%get3A_443, %get3A_444] {strides = array<i32>} : memref<8x1024xf32, #tpu.memory_space<vmem>>, vector<1x16xf32>,
          %get3A_446 = vector.shape_cast %get3A_445 : vector<1x16xf32> to vector<16xf32>
          %get3A_447 = arith.constant 0 : i32
          %get3A_448 = arith.constant 1 : i32
          %get3A_449 = arith.index_cast %get3A_447 : i32 to index
          %get3A_450 = arith.index_cast %get3A_448 : i32 to index
          %get3A_451 = arith.index_cast %mul3A_441 : i32 to index
          %get3A_452 = tpu.vector_load %arg6[%get3A_449, %get3A_450, %get3A_451] {strides = array<i32>} : memref<2x8x1024xf32, #tpu.memory_space<vmem>>, vector<1x1x16xf32>,
          %get3A_453 = vector.shape_cast %get3A_452 : vector<1x1x16xf32> to vector<16xf32>
          %add3A_454 = arith.addf %get3A_453, %get3A_446 : vector<16xf32>
          %swap3A_455 = arith.constant 0 : i32
          %swap3A_456 = arith.constant 1 : i32
          %swap3A_457 = arith.index_cast %swap3A_455 : i32 to index
          %swap3A_458 = arith.index_cast %swap3A_456 : i32 to index
          %swap3A_459 = arith.index_cast %mul3A_441 : i32 to index
          %swap3A_460 = tpu.vector_load %arg7[%swap3A_457, %swap3A_458, %swap3A_459] {strides = array<i32>} : memref<2x8x1024xf32, #tpu.memory_space<vmem>>, vector<1x1x16xf32>,
          %swap3A_461 = vector.shape_cast %swap3A_460 : vector<1x1x16xf32> to vector<16xf32>
          %swap3A_462 = vector.shape_cast %add3A_454 : vector<16xf32> to vector<1x1x16xf32>
          tpu.vector_store %arg7[%swap3A_457, %swap3A_458, %swap3A_459], %swap3A_462 {strides = array<i32>} : memref<2x8x1024xf32, #tpu.memory_space<vmem>>, vector<1x1x16xf32>,
          %get3A_463 = arith.constant 1 : i32
          %get3A_464 = arith.constant 1 : i32
          %get3A_465 = arith.index_cast %get3A_463 : i32 to index
          %get3A_466 = arith.index_cast %get3A_464 : i32 to index
          %get3A_467 = arith.index_cast %mul3A_441 : i32 to index
          %get3A_468 = tpu.vector_load %arg6[%get3A_465, %get3A_466, %get3A_467] {strides = array<i32>} : memref<2x8x1024xf32, #tpu.memory_space<vmem>>, vector<1x1x16xf32>,
          %get3A_469 = vector.shape_cast %get3A_468 : vector<1x1x16xf32> to vector<16xf32>
          %add3A_470 = arith.addf %get3A_469, %get3A_446 : vector<16xf32>
          %swap3A_471 = arith.constant 1 : i32
          %swap3A_472 = arith.constant 1 : i32
          %swap3A_473 = arith.index_cast %swap3A_471 : i32 to index
          %swap3A_474 = arith.index_cast %swap3A_472 : i32 to index
          %swap3A_475 = arith.index_cast %mul3A_441 : i32 to index
          %swap3A_476 = tpu.vector_load %arg7[%swap3A_473, %swap3A_474, %swap3A_475] {strides = array<i32>} : memref<2x8x1024xf32, #tpu.memory_space<vmem>>, vector<1x1x16xf32>,
          %swap3A_477 = vector.shape_cast %swap3A_476 : vector<1x1x16xf32> to vector<16xf32>
          %swap3A_478 = vector.shape_cast %add3A_470 : vector<16xf32> to vector<1x1x16xf32>
          tpu.vector_store %arg7[%swap3A_473, %swap3A_474, %swap3A_475], %swap3A_478 {strides = array<i32>} : memref<2x8x1024xf32, #tpu.memory_space<vmem>>, vector<1x1x16xf32>,
          %mul3A_479 = arith.constant 8 : i32
          %mul3A_480 = arith.muli %scan3A_222, %mul3A_479 : i32
          %add3A_481 = arith.constant 6 : i32
          %add3A_482 = arith.addi %mul3A_480, %add3A_481 : i32
          %mul3A_483 = arith.constant 16 : i32
          %mul3A_484 = arith.muli %add3A_482, %mul3A_483 : i32
          %get3A_485 = arith.constant 1 : i32
          %get3A_486 = arith.index_cast %get3A_485 : i32 to index
          %get3A_487 = arith.index_cast %mul3A_484 : i32 to index
          %get3A_488 = tpu.vector_load %arg5[%get3A_486, %get3A_487] {strides = array<i32>} : memref<8x1024xf32, #tpu.memory_space<vmem>>, vector<1x16xf32>,
          %get3A_489 = vector.shape_cast %get3A_488 : vector<1x16xf32> to vector<16xf32>
          %get3A_490 = arith.constant 0 : i32
          %get3A_491 = arith.constant 1 : i32
          %get3A_492 = arith.index_cast %get3A_490 : i32 to index
          %get3A_493 = arith.index_cast %get3A_491 : i32 to index
          %get3A_494 = arith.index_cast %mul3A_484 : i32 to index
          %get3A_495 = tpu.vector_load %arg6[%get3A_492, %get3A_493, %get3A_494] {strides = array<i32>} : memref<2x8x1024xf32, #tpu.memory_space<vmem>>, vector<1x1x16xf32>,
          %get3A_496 = vector.shape_cast %get3A_495 : vector<1x1x16xf32> to vector<16xf32>
          %add3A_497 = arith.addf %get3A_496, %get3A_489 : vector<16xf32>
          %swap3A_498 = arith.constant 0 : i32
          %swap3A_499 = arith.constant 1 : i32
          %swap3A_500 = arith.index_cast %swap3A_498 : i32 to index
          %swap3A_501 = arith.index_cast %swap3A_499 : i32 to index
          %swap3A_502 = arith.index_cast %mul3A_484 : i32 to index
          %swap3A_503 = tpu.vector_load %arg7[%swap3A_500, %swap3A_501, %swap3A_502] {strides = array<i32>} : memref<2x8x1024xf32, #tpu.memory_space<vmem>>, vector<1x1x16xf32>,
          %swap3A_504 = vector.shape_cast %swap3A_503 : vector<1x1x16xf32> to vector<16xf32>
          %swap3A_505 = vector.shape_cast %add3A_497 : vector<16xf32> to vector<1x1x16xf32>
          tpu.vector_store %arg7[%swap3A_500, %swap3A_501, %swap3A_502], %swap3A_505 {strides = array<i32>} : memref<2x8x1024xf32, #tpu.memory_space<vmem>>, vector<1x1x16xf32>,
          %get3A_506 = arith.constant 1 : i32
          %get3A_507 = arith.constant 1 : i32
          %get3A_508 = arith.index_cast %get3A_506 : i32 to index
          %get3A_509 = arith.index_cast %get3A_507 : i32 to index
          %get3A_510 = arith.index_cast %mul3A_484 : i32 to index
          %get3A_511 = tpu.vector_load %arg6[%get3A_508, %get3A_509, %get3A_510] {strides = array<i32>} : memref<2x8x1024xf32, #tpu.memory_space<vmem>>, vector<1x1x16xf32>,
          %get3A_512 = vector.shape_cast %get3A_511 : vector<1x1x16xf32> to vector<16xf32>
          %add3A_513 = arith.addf %get3A_512, %get3A_489 : vector<16xf32>
          %swap3A_514 = arith.constant 1 : i32
          %swap3A_515 = arith.constant 1 : i32
          %swap3A_516 = arith.index_cast %swap3A_514 : i32 to index
          %swap3A_517 = arith.index_cast %swap3A_515 : i32 to index
          %swap3A_518 = arith.index_cast %mul3A_484 : i32 to index
          %swap3A_519 = tpu.vector_load %arg7[%swap3A_516, %swap3A_517, %swap3A_518] {strides = array<i32>} : memref<2x8x1024xf32, #tpu.memory_space<vmem>>, vector<1x1x16xf32>,
          %swap3A_520 = vector.shape_cast %swap3A_519 : vector<1x1x16xf32> to vector<16xf32>
          %swap3A_521 = vector.shape_cast %add3A_513 : vector<16xf32> to vector<1x1x16xf32>
          tpu.vector_store %arg7[%swap3A_516, %swap3A_517, %swap3A_518], %swap3A_521 {strides = array<i32>} : memref<2x8x1024xf32, #tpu.memory_space<vmem>>, vector<1x1x16xf32>,
          %mul3A_522 = arith.constant 8 : i32
          %mul3A_523 = arith.muli %scan3A_222, %mul3A_522 : i32
          %add3A_524 = arith.constant 7 : i32
          %add3A_525 = arith.addi %mul3A_523, %add3A_524 : i32
          %mul3A_526 = arith.constant 16 : i32
          %mul3A_527 = arith.muli %add3A_525, %mul3A_526 : i32
          %get3A_528 = arith.constant 1 : i32
          %get3A_529 = arith.index_cast %get3A_528 : i32 to index
          %get3A_530 = arith.index_cast %mul3A_527 : i32 to index
          %get3A_531 = tpu.vector_load %arg5[%get3A_529, %get3A_530] {strides = array<i32>} : memref<8x1024xf32, #tpu.memory_space<vmem>>, vector<1x16xf32>,
          %get3A_532 = vector.shape_cast %get3A_531 : vector<1x16xf32> to vector<16xf32>
          %get3A_533 = arith.constant 0 : i32
          %get3A_534 = arith.constant 1 : i32
          %get3A_535 = arith.index_cast %get3A_533 : i32 to index
          %get3A_536 = arith.index_cast %get3A_534 : i32 to index
          %get3A_537 = arith.index_cast %mul3A_527 : i32 to index
          %get3A_538 = tpu.vector_load %arg6[%get3A_535, %get3A_536, %get3A_537] {strides = array<i32>} : memref<2x8x1024xf32, #tpu.memory_space<vmem>>, vector<1x1x16xf32>,
          %get3A_539 = vector.shape_cast %get3A_538 : vector<1x1x16xf32> to vector<16xf32>
          %add3A_540 = arith.addf %get3A_539, %get3A_532 : vector<16xf32>
          %swap3A_541 = arith.constant 0 : i32
          %swap3A_542 = arith.constant 1 : i32
          %swap3A_543 = arith.index_cast %swap3A_541 : i32 to index
          %swap3A_544 = arith.index_cast %swap3A_542 : i32 to index
          %swap3A_545 = arith.index_cast %mul3A_527 : i32 to index
          %swap3A_546 = tpu.vector_load %arg7[%swap3A_543, %swap3A_544, %swap3A_545] {strides = array<i32>} : memref<2x8x1024xf32, #tpu.memory_space<vmem>>, vector<1x1x16xf32>,
          %swap3A_547 = vector.shape_cast %swap3A_546 : vector<1x1x16xf32> to vector<16xf32>
          %swap3A_548 = vector.shape_cast %add3A_540 : vector<16xf32> to vector<1x1x16xf32>
          tpu.vector_store %arg7[%swap3A_543, %swap3A_544, %swap3A_545], %swap3A_548 {strides = array<i32>} : memref<2x8x1024xf32, #tpu.memory_space<vmem>>, vector<1x1x16xf32>,
          %get3A_549 = arith.constant 1 : i32
          %get3A_550 = arith.constant 1 : i32
          %get3A_551 = arith.index_cast %get3A_549 : i32 to index
          %get3A_552 = arith.index_cast %get3A_550 : i32 to index
          %get3A_553 = arith.index_cast %mul3A_527 : i32 to index
          %get3A_554 = tpu.vector_load %arg6[%get3A_551, %get3A_552, %get3A_553] {strides = array<i32>} : memref<2x8x1024xf32, #tpu.memory_space<vmem>>, vector<1x1x16xf32>,
          %get3A_555 = vector.shape_cast %get3A_554 : vector<1x1x16xf32> to vector<16xf32>
          %add3A_556 = arith.addf %get3A_555, %get3A_532 : vector<16xf32>
          %swap3A_557 = arith.constant 1 : i32
          %swap3A_558 = arith.constant 1 : i32
          %swap3A_559 = arith.index_cast %swap3A_557 : i32 to index
          %swap3A_560 = arith.index_cast %swap3A_558 : i32 to index
          %swap3A_561 = arith.index_cast %mul3A_527 : i32 to index
          %swap3A_562 = tpu.vector_load %arg7[%swap3A_559, %swap3A_560, %swap3A_561] {strides = array<i32>} : memref<2x8x1024xf32, #tpu.memory_space<vmem>>, vector<1x1x16xf32>,
          %swap3A_563 = vector.shape_cast %swap3A_562 : vector<1x1x16xf32> to vector<16xf32>
          %swap3A_564 = vector.shape_cast %add3A_556 : vector<16xf32> to vector<1x1x16xf32>
          tpu.vector_store %arg7[%swap3A_559, %swap3A_560, %swap3A_561], %swap3A_564 {strides = array<i32>} : memref<2x8x1024xf32, #tpu.memory_space<vmem>>, vector<1x1x16xf32>,
        }
        %scan3A_140 = arith.constant 8 : i32
        %scan3A_141 = arith.constant 0 : i32
        %scan3A_142 = arith.constant 0 : i32
        %scan3A_143 = arith.constant 8 : i32
        %scan3A_144 = arith.addi %scan3A_142, %scan3A_143 : i32
        %scan3A_145 = arith.constant 1 : i32
        scf.for %scan3A_222 = %scan3A_142 to %scan3A_144 step %scan3A_145  : i32 {
          %mul3A_223 = arith.constant 8 : i32
          %mul3A_224 = arith.muli %scan3A_222, %mul3A_223 : i32
          %add3A_225 = arith.constant 0 : i32
          %add3A_226 = arith.addi %mul3A_224, %add3A_225 : i32
          %mul3A_227 = arith.constant 16 : i32
          %mul3A_228 = arith.muli %add3A_226, %mul3A_227 : i32
          %get3A = arith.constant 2 : i32
          %get3A_229 = arith.index_cast %get3A : i32 to index
          %get3A_230 = arith.index_cast %mul3A_228 : i32 to index
          %get3A_231 = tpu.vector_load %arg5[%get3A_229, %get3A_230] {strides = array<i32>} : memref<8x1024xf32, #tpu.memory_space<vmem>>, vector<1x16xf32>,
          %get3A_232 = vector.shape_cast %get3A_231 : vector<1x16xf32> to vector<16xf32>
          %get3A_233 = arith.constant 0 : i32
          %get3A_234 = arith.constant 2 : i32
          %get3A_235 = arith.index_cast %get3A_233 : i32 to index
          %get3A_236 = arith.index_cast %get3A_234 : i32 to index
          %get3A_237 = arith.index_cast %mul3A_228 : i32 to index
          %get3A_238 = tpu.vector_load %arg6[%get3A_235, %get3A_236, %get3A_237] {strides = array<i32>} : memref<2x8x1024xf32, #tpu.memory_space<vmem>>, vector<1x1x16xf32>,
          %get3A_239 = vector.shape_cast %get3A_238 : vector<1x1x16xf32> to vector<16xf32>
          %add3A_240 = arith.addf %get3A_239, %get3A_232 : vector<16xf32>
          %swap3A = arith.constant 0 : i32
          %swap3A_241 = arith.constant 2 : i32
          %swap3A_242 = arith.index_cast %swap3A : i32 to index
          %swap3A_243 = arith.index_cast %swap3A_241 : i32 to index
          %swap3A_244 = arith.index_cast %mul3A_228 : i32 to index
          %swap3A_245 = tpu.vector_load %arg7[%swap3A_242, %swap3A_243, %swap3A_244] {strides = array<i32>} : memref<2x8x1024xf32, #tpu.memory_space<vmem>>, vector<1x1x16xf32>,
          %swap3A_246 = vector.shape_cast %swap3A_245 : vector<1x1x16xf32> to vector<16xf32>
          %swap3A_247 = vector.shape_cast %add3A_240 : vector<16xf32> to vector<1x1x16xf32>
          tpu.vector_store %arg7[%swap3A_242, %swap3A_243, %swap3A_244], %swap3A_247 {strides = array<i32>} : memref<2x8x1024xf32, #tpu.memory_space<vmem>>, vector<1x1x16xf32>,
          %get3A_248 = arith.constant 1 : i32
          %get3A_249 = arith.constant 2 : i32
          %get3A_250 = arith.index_cast %get3A_248 : i32 to index
          %get3A_251 = arith.index_cast %get3A_249 : i32 to index
          %get3A_252 = arith.index_cast %mul3A_228 : i32 to index
          %get3A_253 = tpu.vector_load %arg6[%get3A_250, %get3A_251, %get3A_252] {strides = array<i32>} : memref<2x8x1024xf32, #tpu.memory_space<vmem>>, vector<1x1x16xf32>,
          %get3A_254 = vector.shape_cast %get3A_253 : vector<1x1x16xf32> to vector<16xf32>
          %add3A_255 = arith.addf %get3A_254, %get3A_232 : vector<16xf32>
          %swap3A_256 = arith.constant 1 : i32
          %swap3A_257 = arith.constant 2 : i32
          %swap3A_258 = arith.index_cast %swap3A_256 : i32 to index
          %swap3A_259 = arith.index_cast %swap3A_257 : i32 to index
          %swap3A_260 = arith.index_cast %mul3A_228 : i32 to index
          %swap3A_261 = tpu.vector_load %arg7[%swap3A_258, %swap3A_259, %swap3A_260] {strides = array<i32>} : memref<2x8x1024xf32, #tpu.memory_space<vmem>>, vector<1x1x16xf32>,
          %swap3A_262 = vector.shape_cast %swap3A_261 : vector<1x1x16xf32> to vector<16xf32>
          %swap3A_263 = vector.shape_cast %add3A_255 : vector<16xf32> to vector<1x1x16xf32>
          tpu.vector_store %arg7[%swap3A_258, %swap3A_259, %swap3A_260], %swap3A_263 {strides = array<i32>} : memref<2x8x1024xf32, #tpu.memory_space<vmem>>, vector<1x1x16xf32>,
          %mul3A_264 = arith.constant 8 : i32
          %mul3A_265 = arith.muli %scan3A_222, %mul3A_264 : i32
          %add3A_266 = arith.constant 1 : i32
          %add3A_267 = arith.addi %mul3A_265, %add3A_266 : i32
          %mul3A_268 = arith.constant 16 : i32
          %mul3A_269 = arith.muli %add3A_267, %mul3A_268 : i32
          %get3A_270 = arith.constant 2 : i32
          %get3A_271 = arith.index_cast %get3A_270 : i32 to index
          %get3A_272 = arith.index_cast %mul3A_269 : i32 to index
          %get3A_273 = tpu.vector_load %arg5[%get3A_271, %get3A_272] {strides = array<i32>} : memref<8x1024xf32, #tpu.memory_space<vmem>>, vector<1x16xf32>,
          %get3A_274 = vector.shape_cast %get3A_273 : vector<1x16xf32> to vector<16xf32>
          %get3A_275 = arith.constant 0 : i32
          %get3A_276 = arith.constant 2 : i32
          %get3A_277 = arith.index_cast %get3A_275 : i32 to index
          %get3A_278 = arith.index_cast %get3A_276 : i32 to index
          %get3A_279 = arith.index_cast %mul3A_269 : i32 to index
          %get3A_280 = tpu.vector_load %arg6[%get3A_277, %get3A_278, %get3A_279] {strides = array<i32>} : memref<2x8x1024xf32, #tpu.memory_space<vmem>>, vector<1x1x16xf32>,
          %get3A_281 = vector.shape_cast %get3A_280 : vector<1x1x16xf32> to vector<16xf32>
          %add3A_282 = arith.addf %get3A_281, %get3A_274 : vector<16xf32>
          %swap3A_283 = arith.constant 0 : i32
          %swap3A_284 = arith.constant 2 : i32
          %swap3A_285 = arith.index_cast %swap3A_283 : i32 to index
          %swap3A_286 = arith.index_cast %swap3A_284 : i32 to index
          %swap3A_287 = arith.index_cast %mul3A_269 : i32 to index
          %swap3A_288 = tpu.vector_load %arg7[%swap3A_285, %swap3A_286, %swap3A_287] {strides = array<i32>} : memref<2x8x1024xf32, #tpu.memory_space<vmem>>, vector<1x1x16xf32>,
          %swap3A_289 = vector.shape_cast %swap3A_288 : vector<1x1x16xf32> to vector<16xf32>
          %swap3A_290 = vector.shape_cast %add3A_282 : vector<16xf32> to vector<1x1x16xf32>
          tpu.vector_store %arg7[%swap3A_285, %swap3A_286, %swap3A_287], %swap3A_290 {strides = array<i32>} : memref<2x8x1024xf32, #tpu.memory_space<vmem>>, vector<1x1x16xf32>,
          %get3A_291 = arith.constant 1 : i32
          %get3A_292 = arith.constant 2 : i32
          %get3A_293 = arith.index_cast %get3A_291 : i32 to index
          %get3A_294 = arith.index_cast %get3A_292 : i32 to index
          %get3A_295 = arith.index_cast %mul3A_269 : i32 to index
          %get3A_296 = tpu.vector_load %arg6[%get3A_293, %get3A_294, %get3A_295] {strides = array<i32>} : memref<2x8x1024xf32, #tpu.memory_space<vmem>>, vector<1x1x16xf32>,
          %get3A_297 = vector.shape_cast %get3A_296 : vector<1x1x16xf32> to vector<16xf32>
          %add3A_298 = arith.addf %get3A_297, %get3A_274 : vector<16xf32>
          %swap3A_299 = arith.constant 1 : i32
          %swap3A_300 = arith.constant 2 : i32
          %swap3A_301 = arith.index_cast %swap3A_299 : i32 to index
          %swap3A_302 = arith.index_cast %swap3A_300 : i32 to index
          %swap3A_303 = arith.index_cast %mul3A_269 : i32 to index
          %swap3A_304 = tpu.vector_load %arg7[%swap3A_301, %swap3A_302, %swap3A_303] {strides = array<i32>} : memref<2x8x1024xf32, #tpu.memory_space<vmem>>, vector<1x1x16xf32>,
          %swap3A_305 = vector.shape_cast %swap3A_304 : vector<1x1x16xf32> to vector<16xf32>
          %swap3A_306 = vector.shape_cast %add3A_298 : vector<16xf32> to vector<1x1x16xf32>
          tpu.vector_store %arg7[%swap3A_301, %swap3A_302, %swap3A_303], %swap3A_306 {strides = array<i32>} : memref<2x8x1024xf32, #tpu.memory_space<vmem>>, vector<1x1x16xf32>,
          %mul3A_307 = arith.constant 8 : i32
          %mul3A_308 = arith.muli %scan3A_222, %mul3A_307 : i32
          %add3A_309 = arith.constant 2 : i32
          %add3A_310 = arith.addi %mul3A_308, %add3A_309 : i32
          %mul3A_311 = arith.constant 16 : i32
          %mul3A_312 = arith.muli %add3A_310, %mul3A_311 : i32
          %get3A_313 = arith.constant 2 : i32
          %get3A_314 = arith.index_cast %get3A_313 : i32 to index
          %get3A_315 = arith.index_cast %mul3A_312 : i32 to index
          %get3A_316 = tpu.vector_load %arg5[%get3A_314, %get3A_315] {strides = array<i32>} : memref<8x1024xf32, #tpu.memory_space<vmem>>, vector<1x16xf32>,
          %get3A_317 = vector.shape_cast %get3A_316 : vector<1x16xf32> to vector<16xf32>
          %get3A_318 = arith.constant 0 : i32
          %get3A_319 = arith.constant 2 : i32
          %get3A_320 = arith.index_cast %get3A_318 : i32 to index
          %get3A_321 = arith.index_cast %get3A_319 : i32 to index
          %get3A_322 = arith.index_cast %mul3A_312 : i32 to index
          %get3A_323 = tpu.vector_load %arg6[%get3A_320, %get3A_321, %get3A_322] {strides = array<i32>} : memref<2x8x1024xf32, #tpu.memory_space<vmem>>, vector<1x1x16xf32>,
          %get3A_324 = vector.shape_cast %get3A_323 : vector<1x1x16xf32> to vector<16xf32>
          %add3A_325 = arith.addf %get3A_324, %get3A_317 : vector<16xf32>
          %swap3A_326 = arith.constant 0 : i32
          %swap3A_327 = arith.constant 2 : i32
          %swap3A_328 = arith.index_cast %swap3A_326 : i32 to index
          %swap3A_329 = arith.index_cast %swap3A_327 : i32 to index
          %swap3A_330 = arith.index_cast %mul3A_312 : i32 to index
          %swap3A_331 = tpu.vector_load %arg7[%swap3A_328, %swap3A_329, %swap3A_330] {strides = array<i32>} : memref<2x8x1024xf32, #tpu.memory_space<vmem>>, vector<1x1x16xf32>,
          %swap3A_332 = vector.shape_cast %swap3A_331 : vector<1x1x16xf32> to vector<16xf32>
          %swap3A_333 = vector.shape_cast %add3A_325 : vector<16xf32> to vector<1x1x16xf32>
          tpu.vector_store %arg7[%swap3A_328, %swap3A_329, %swap3A_330], %swap3A_333 {strides = array<i32>} : memref<2x8x1024xf32, #tpu.memory_space<vmem>>, vector<1x1x16xf32>,
          %get3A_334 = arith.constant 1 : i32
          %get3A_335 = arith.constant 2 : i32
          %get3A_336 = arith.index_cast %get3A_334 : i32 to index
          %get3A_337 = arith.index_cast %get3A_335 : i32 to index
          %get3A_338 = arith.index_cast %mul3A_312 : i32 to index
          %get3A_339 = tpu.vector_load %arg6[%get3A_336, %get3A_337, %get3A_338] {strides = array<i32>} : memref<2x8x1024xf32, #tpu.memory_space<vmem>>, vector<1x1x16xf32>,
          %get3A_340 = vector.shape_cast %get3A_339 : vector<1x1x16xf32> to vector<16xf32>
          %add3A_341 = arith.addf %get3A_340, %get3A_317 : vector<16xf32>
          %swap3A_342 = arith.constant 1 : i32
          %swap3A_343 = arith.constant 2 : i32
          %swap3A_344 = arith.index_cast %swap3A_342 : i32 to index
          %swap3A_345 = arith.index_cast %swap3A_343 : i32 to index
          %swap3A_346 = arith.index_cast %mul3A_312 : i32 to index
          %swap3A_347 = tpu.vector_load %arg7[%swap3A_344, %swap3A_345, %swap3A_346] {strides = array<i32>} : memref<2x8x1024xf32, #tpu.memory_space<vmem>>, vector<1x1x16xf32>,
          %swap3A_348 = vector.shape_cast %swap3A_347 : vector<1x1x16xf32> to vector<16xf32>
          %swap3A_349 = vector.shape_cast %add3A_341 : vector<16xf32> to vector<1x1x16xf32>
          tpu.vector_store %arg7[%swap3A_344, %swap3A_345, %swap3A_346], %swap3A_349 {strides = array<i32>} : memref<2x8x1024xf32, #tpu.memory_space<vmem>>, vector<1x1x16xf32>,
          %mul3A_350 = arith.constant 8 : i32
          %mul3A_351 = arith.muli %scan3A_222, %mul3A_350 : i32
          %add3A_352 = arith.constant 3 : i32
          %add3A_353 = arith.addi %mul3A_351, %add3A_352 : i32
          %mul3A_354 = arith.constant 16 : i32
          %mul3A_355 = arith.muli %add3A_353, %mul3A_354 : i32
          %get3A_356 = arith.constant 2 : i32
          %get3A_357 = arith.index_cast %get3A_356 : i32 to index
          %get3A_358 = arith.index_cast %mul3A_355 : i32 to index
          %get3A_359 = tpu.vector_load %arg5[%get3A_357, %get3A_358] {strides = array<i32>} : memref<8x1024xf32, #tpu.memory_space<vmem>>, vector<1x16xf32>,
          %get3A_360 = vector.shape_cast %get3A_359 : vector<1x16xf32> to vector<16xf32>
          %get3A_361 = arith.constant 0 : i32
          %get3A_362 = arith.constant 2 : i32
          %get3A_363 = arith.index_cast %get3A_361 : i32 to index
          %get3A_364 = arith.index_cast %get3A_362 : i32 to index
          %get3A_365 = arith.index_cast %mul3A_355 : i32 to index
          %get3A_366 = tpu.vector_load %arg6[%get3A_363, %get3A_364, %get3A_365] {strides = array<i32>} : memref<2x8x1024xf32, #tpu.memory_space<vmem>>, vector<1x1x16xf32>,
          %get3A_367 = vector.shape_cast %get3A_366 : vector<1x1x16xf32> to vector<16xf32>
          %add3A_368 = arith.addf %get3A_367, %get3A_360 : vector<16xf32>
          %swap3A_369 = arith.constant 0 : i32
          %swap3A_370 = arith.constant 2 : i32
          %swap3A_371 = arith.index_cast %swap3A_369 : i32 to index
          %swap3A_372 = arith.index_cast %swap3A_370 : i32 to index
          %swap3A_373 = arith.index_cast %mul3A_355 : i32 to index
          %swap3A_374 = tpu.vector_load %arg7[%swap3A_371, %swap3A_372, %swap3A_373] {strides = array<i32>} : memref<2x8x1024xf32, #tpu.memory_space<vmem>>, vector<1x1x16xf32>,
          %swap3A_375 = vector.shape_cast %swap3A_374 : vector<1x1x16xf32> to vector<16xf32>
          %swap3A_376 = vector.shape_cast %add3A_368 : vector<16xf32> to vector<1x1x16xf32>
          tpu.vector_store %arg7[%swap3A_371, %swap3A_372, %swap3A_373], %swap3A_376 {strides = array<i32>} : memref<2x8x1024xf32, #tpu.memory_space<vmem>>, vector<1x1x16xf32>,
          %get3A_377 = arith.constant 1 : i32
          %get3A_378 = arith.constant 2 : i32
          %get3A_379 = arith.index_cast %get3A_377 : i32 to index
          %get3A_380 = arith.index_cast %get3A_378 : i32 to index
          %get3A_381 = arith.index_cast %mul3A_355 : i32 to index
          %get3A_382 = tpu.vector_load %arg6[%get3A_379, %get3A_380, %get3A_381] {strides = array<i32>} : memref<2x8x1024xf32, #tpu.memory_space<vmem>>, vector<1x1x16xf32>,
          %get3A_383 = vector.shape_cast %get3A_382 : vector<1x1x16xf32> to vector<16xf32>
          %add3A_384 = arith.addf %get3A_383, %get3A_360 : vector<16xf32>
          %swap3A_385 = arith.constant 1 : i32
          %swap3A_386 = arith.constant 2 : i32
          %swap3A_387 = arith.index_cast %swap3A_385 : i32 to index
          %swap3A_388 = arith.index_cast %swap3A_386 : i32 to index
          %swap3A_389 = arith.index_cast %mul3A_355 : i32 to index
          %swap3A_390 = tpu.vector_load %arg7[%swap3A_387, %swap3A_388, %swap3A_389] {strides = array<i32>} : memref<2x8x1024xf32, #tpu.memory_space<vmem>>, vector<1x1x16xf32>,
          %swap3A_391 = vector.shape_cast %swap3A_390 : vector<1x1x16xf32> to vector<16xf32>
          %swap3A_392 = vector.shape_cast %add3A_384 : vector<16xf32> to vector<1x1x16xf32>
          tpu.vector_store %arg7[%swap3A_387, %swap3A_388, %swap3A_389], %swap3A_392 {strides = array<i32>} : memref<2x8x1024xf32, #tpu.memory_space<vmem>>, vector<1x1x16xf32>,
          %mul3A_393 = arith.constant 8 : i32
          %mul3A_394 = arith.muli %scan3A_222, %mul3A_393 : i32
          %add3A_395 = arith.constant 4 : i32
          %add3A_396 = arith.addi %mul3A_394, %add3A_395 : i32
          %mul3A_397 = arith.constant 16 : i32
          %mul3A_398 = arith.muli %add3A_396, %mul3A_397 : i32
          %get3A_399 = arith.constant 2 : i32
          %get3A_400 = arith.index_cast %get3A_399 : i32 to index
          %get3A_401 = arith.index_cast %mul3A_398 : i32 to index
          %get3A_402 = tpu.vector_load %arg5[%get3A_400, %get3A_401] {strides = array<i32>} : memref<8x1024xf32, #tpu.memory_space<vmem>>, vector<1x16xf32>,
          %get3A_403 = vector.shape_cast %get3A_402 : vector<1x16xf32> to vector<16xf32>
          %get3A_404 = arith.constant 0 : i32
          %get3A_405 = arith.constant 2 : i32
          %get3A_406 = arith.index_cast %get3A_404 : i32 to index
          %get3A_407 = arith.index_cast %get3A_405 : i32 to index
          %get3A_408 = arith.index_cast %mul3A_398 : i32 to index
          %get3A_409 = tpu.vector_load %arg6[%get3A_406, %get3A_407, %get3A_408] {strides = array<i32>} : memref<2x8x1024xf32, #tpu.memory_space<vmem>>, vector<1x1x16xf32>,
          %get3A_410 = vector.shape_cast %get3A_409 : vector<1x1x16xf32> to vector<16xf32>
          %add3A_411 = arith.addf %get3A_410, %get3A_403 : vector<16xf32>
          %swap3A_412 = arith.constant 0 : i32
          %swap3A_413 = arith.constant 2 : i32
          %swap3A_414 = arith.index_cast %swap3A_412 : i32 to index
          %swap3A_415 = arith.index_cast %swap3A_413 : i32 to index
          %swap3A_416 = arith.index_cast %mul3A_398 : i32 to index
          %swap3A_417 = tpu.vector_load %arg7[%swap3A_414, %swap3A_415, %swap3A_416] {strides = array<i32>} : memref<2x8x1024xf32, #tpu.memory_space<vmem>>, vector<1x1x16xf32>,
          %swap3A_418 = vector.shape_cast %swap3A_417 : vector<1x1x16xf32> to vector<16xf32>
          %swap3A_419 = vector.shape_cast %add3A_411 : vector<16xf32> to vector<1x1x16xf32>
          tpu.vector_store %arg7[%swap3A_414, %swap3A_415, %swap3A_416], %swap3A_419 {strides = array<i32>} : memref<2x8x1024xf32, #tpu.memory_space<vmem>>, vector<1x1x16xf32>,
          %get3A_420 = arith.constant 1 : i32
          %get3A_421 = arith.constant 2 : i32
          %get3A_422 = arith.index_cast %get3A_420 : i32 to index
          %get3A_423 = arith.index_cast %get3A_421 : i32 to index
          %get3A_424 = arith.index_cast %mul3A_398 : i32 to index
          %get3A_425 = tpu.vector_load %arg6[%get3A_422, %get3A_423, %get3A_424] {strides = array<i32>} : memref<2x8x1024xf32, #tpu.memory_space<vmem>>, vector<1x1x16xf32>,
          %get3A_426 = vector.shape_cast %get3A_425 : vector<1x1x16xf32> to vector<16xf32>
          %add3A_427 = arith.addf %get3A_426, %get3A_403 : vector<16xf32>
          %swap3A_428 = arith.constant 1 : i32
          %swap3A_429 = arith.constant 2 : i32
          %swap3A_430 = arith.index_cast %swap3A_428 : i32 to index
          %swap3A_431 = arith.index_cast %swap3A_429 : i32 to index
          %swap3A_432 = arith.index_cast %mul3A_398 : i32 to index
          %swap3A_433 = tpu.vector_load %arg7[%swap3A_430, %swap3A_431, %swap3A_432] {strides = array<i32>} : memref<2x8x1024xf32, #tpu.memory_space<vmem>>, vector<1x1x16xf32>,
          %swap3A_434 = vector.shape_cast %swap3A_433 : vector<1x1x16xf32> to vector<16xf32>
          %swap3A_435 = vector.shape_cast %add3A_427 : vector<16xf32> to vector<1x1x16xf32>
          tpu.vector_store %arg7[%swap3A_430, %swap3A_431, %swap3A_432], %swap3A_435 {strides = array<i32>} : memref<2x8x1024xf32, #tpu.memory_space<vmem>>, vector<1x1x16xf32>,
          %mul3A_436 = arith.constant 8 : i32
          %mul3A_437 = arith.muli %scan3A_222, %mul3A_436 : i32
          %add3A_438 = arith.constant 5 : i32
          %add3A_439 = arith.addi %mul3A_437, %add3A_438 : i32
          %mul3A_440 = arith.constant 16 : i32
          %mul3A_441 = arith.muli %add3A_439, %mul3A_440 : i32
          %get3A_442 = arith.constant 2 : i32
          %get3A_443 = arith.index_cast %get3A_442 : i32 to index
          %get3A_444 = arith.index_cast %mul3A_441 : i32 to index
          %get3A_445 = tpu.vector_load %arg5[%get3A_443, %get3A_444] {strides = array<i32>} : memref<8x1024xf32, #tpu.memory_space<vmem>>, vector<1x16xf32>,
          %get3A_446 = vector.shape_cast %get3A_445 : vector<1x16xf32> to vector<16xf32>
          %get3A_447 = arith.constant 0 : i32
          %get3A_448 = arith.constant 2 : i32
          %get3A_449 = arith.index_cast %get3A_447 : i32 to index
          %get3A_450 = arith.index_cast %get3A_448 : i32 to index
          %get3A_451 = arith.index_cast %mul3A_441 : i32 to index
          %get3A_452 = tpu.vector_load %arg6[%get3A_449, %get3A_450, %get3A_451] {strides = array<i32>} : memref<2x8x1024xf32, #tpu.memory_space<vmem>>, vector<1x1x16xf32>,
          %get3A_453 = vector.shape_cast %get3A_452 : vector<1x1x16xf32> to vector<16xf32>
          %add3A_454 = arith.addf %get3A_453, %get3A_446 : vector<16xf32>
          %swap3A_455 = arith.constant 0 : i32
          %swap3A_456 = arith.constant 2 : i32
          %swap3A_457 = arith.index_cast %swap3A_455 : i32 to index
          %swap3A_458 = arith.index_cast %swap3A_456 : i32 to index
          %swap3A_459 = arith.index_cast %mul3A_441 : i32 to index
          %swap3A_460 = tpu.vector_load %arg7[%swap3A_457, %swap3A_458, %swap3A_459] {strides = array<i32>} : memref<2x8x1024xf32, #tpu.memory_space<vmem>>, vector<1x1x16xf32>,
          %swap3A_461 = vector.shape_cast %swap3A_460 : vector<1x1x16xf32> to vector<16xf32>
          %swap3A_462 = vector.shape_cast %add3A_454 : vector<16xf32> to vector<1x1x16xf32>
          tpu.vector_store %arg7[%swap3A_457, %swap3A_458, %swap3A_459], %swap3A_462 {strides = array<i32>} : memref<2x8x1024xf32, #tpu.memory_space<vmem>>, vector<1x1x16xf32>,
          %get3A_463 = arith.constant 1 : i32
          %get3A_464 = arith.constant 2 : i32
          %get3A_465 = arith.index_cast %get3A_463 : i32 to index
          %get3A_466 = arith.index_cast %get3A_464 : i32 to index
          %get3A_467 = arith.index_cast %mul3A_441 : i32 to index
          %get3A_468 = tpu.vector_load %arg6[%get3A_465, %get3A_466, %get3A_467] {strides = array<i32>} : memref<2x8x1024xf32, #tpu.memory_space<vmem>>, vector<1x1x16xf32>,
          %get3A_469 = vector.shape_cast %get3A_468 : vector<1x1x16xf32> to vector<16xf32>
          %add3A_470 = arith.addf %get3A_469, %get3A_446 : vector<16xf32>
          %swap3A_471 = arith.constant 1 : i32
          %swap3A_472 = arith.constant 2 : i32
          %swap3A_473 = arith.index_cast %swap3A_471 : i32 to index
          %swap3A_474 = arith.index_cast %swap3A_472 : i32 to index
          %swap3A_475 = arith.index_cast %mul3A_441 : i32 to index
          %swap3A_476 = tpu.vector_load %arg7[%swap3A_473, %swap3A_474, %swap3A_475] {strides = array<i32>} : memref<2x8x1024xf32, #tpu.memory_space<vmem>>, vector<1x1x16xf32>,
          %swap3A_477 = vector.shape_cast %swap3A_476 : vector<1x1x16xf32> to vector<16xf32>
          %swap3A_478 = vector.shape_cast %add3A_470 : vector<16xf32> to vector<1x1x16xf32>
          tpu.vector_store %arg7[%swap3A_473, %swap3A_474, %swap3A_475], %swap3A_478 {strides = array<i32>} : memref<2x8x1024xf32, #tpu.memory_space<vmem>>, vector<1x1x16xf32>,
          %mul3A_479 = arith.constant 8 : i32
          %mul3A_480 = arith.muli %scan3A_222, %mul3A_479 : i32
          %add3A_481 = arith.constant 6 : i32
          %add3A_482 = arith.addi %mul3A_480, %add3A_481 : i32
          %mul3A_483 = arith.constant 16 : i32
          %mul3A_484 = arith.muli %add3A_482, %mul3A_483 : i32
          %get3A_485 = arith.constant 2 : i32
          %get3A_486 = arith.index_cast %get3A_485 : i32 to index
          %get3A_487 = arith.index_cast %mul3A_484 : i32 to index
          %get3A_488 = tpu.vector_load %arg5[%get3A_486, %get3A_487] {strides = array<i32>} : memref<8x1024xf32, #tpu.memory_space<vmem>>, vector<1x16xf32>,
          %get3A_489 = vector.shape_cast %get3A_488 : vector<1x16xf32> to vector<16xf32>
          %get3A_490 = arith.constant 0 : i32
          %get3A_491 = arith.constant 2 : i32
          %get3A_492 = arith.index_cast %get3A_490 : i32 to index
          %get3A_493 = arith.index_cast %get3A_491 : i32 to index
          %get3A_494 = arith.index_cast %mul3A_484 : i32 to index
          %get3A_495 = tpu.vector_load %arg6[%get3A_492, %get3A_493, %get3A_494] {strides = array<i32>} : memref<2x8x1024xf32, #tpu.memory_space<vmem>>, vector<1x1x16xf32>,
          %get3A_496 = vector.shape_cast %get3A_495 : vector<1x1x16xf32> to vector<16xf32>
          %add3A_497 = arith.addf %get3A_496, %get3A_489 : vector<16xf32>
          %swap3A_498 = arith.constant 0 : i32
          %swap3A_499 = arith.constant 2 : i32
          %swap3A_500 = arith.index_cast %swap3A_498 : i32 to index
          %swap3A_501 = arith.index_cast %swap3A_499 : i32 to index
          %swap3A_502 = arith.index_cast %mul3A_484 : i32 to index
          %swap3A_503 = tpu.vector_load %arg7[%swap3A_500, %swap3A_501, %swap3A_502] {strides = array<i32>} : memref<2x8x1024xf32, #tpu.memory_space<vmem>>, vector<1x1x16xf32>,
          %swap3A_504 = vector.shape_cast %swap3A_503 : vector<1x1x16xf32> to vector<16xf32>
          %swap3A_505 = vector.shape_cast %add3A_497 : vector<16xf32> to vector<1x1x16xf32>
          tpu.vector_store %arg7[%swap3A_500, %swap3A_501, %swap3A_502], %swap3A_505 {strides = array<i32>} : memref<2x8x1024xf32, #tpu.memory_space<vmem>>, vector<1x1x16xf32>,
          %get3A_506 = arith.constant 1 : i32
          %get3A_507 = arith.constant 2 : i32
          %get3A_508 = arith.index_cast %get3A_506 : i32 to index
          %get3A_509 = arith.index_cast %get3A_507 : i32 to index
          %get3A_510 = arith.index_cast %mul3A_484 : i32 to index
          %get3A_511 = tpu.vector_load %arg6[%get3A_508, %get3A_509, %get3A_510] {strides = array<i32>} : memref<2x8x1024xf32, #tpu.memory_space<vmem>>, vector<1x1x16xf32>,
          %get3A_512 = vector.shape_cast %get3A_511 : vector<1x1x16xf32> to vector<16xf32>
          %add3A_513 = arith.addf %get3A_512, %get3A_489 : vector<16xf32>
          %swap3A_514 = arith.constant 1 : i32
          %swap3A_515 = arith.constant 2 : i32
          %swap3A_516 = arith.index_cast %swap3A_514 : i32 to index
          %swap3A_517 = arith.index_cast %swap3A_515 : i32 to index
          %swap3A_518 = arith.index_cast %mul3A_484 : i32 to index
          %swap3A_519 = tpu.vector_load %arg7[%swap3A_516, %swap3A_517, %swap3A_518] {strides = array<i32>} : memref<2x8x1024xf32, #tpu.memory_space<vmem>>, vector<1x1x16xf32>,
          %swap3A_520 = vector.shape_cast %swap3A_519 : vector<1x1x16xf32> to vector<16xf32>
          %swap3A_521 = vector.shape_cast %add3A_513 : vector<16xf32> to vector<1x1x16xf32>
          tpu.vector_store %arg7[%swap3A_516, %swap3A_517, %swap3A_518], %swap3A_521 {strides = array<i32>} : memref<2x8x1024xf32, #tpu.memory_space<vmem>>, vector<1x1x16xf32>,
          %mul3A_522 = arith.constant 8 : i32
          %mul3A_523 = arith.muli %scan3A_222, %mul3A_522 : i32
          %add3A_524 = arith.constant 7 : i32
          %add3A_525 = arith.addi %mul3A_523, %add3A_524 : i32
          %mul3A_526 = arith.constant 16 : i32
          %mul3A_527 = arith.muli %add3A_525, %mul3A_526 : i32
          %get3A_528 = arith.constant 2 : i32
          %get3A_529 = arith.index_cast %get3A_528 : i32 to index
          %get3A_530 = arith.index_cast %mul3A_527 : i32 to index
          %get3A_531 = tpu.vector_load %arg5[%get3A_529, %get3A_530] {strides = array<i32>} : memref<8x1024xf32, #tpu.memory_space<vmem>>, vector<1x16xf32>,
          %get3A_532 = vector.shape_cast %get3A_531 : vector<1x16xf32> to vector<16xf32>
          %get3A_533 = arith.constant 0 : i32
          %get3A_534 = arith.constant 2 : i32
          %get3A_535 = arith.index_cast %get3A_533 : i32 to index
          %get3A_536 = arith.index_cast %get3A_534 : i32 to index
          %get3A_537 = arith.index_cast %mul3A_527 : i32 to index
          %get3A_538 = tpu.vector_load %arg6[%get3A_535, %get3A_536, %get3A_537] {strides = array<i32>} : memref<2x8x1024xf32, #tpu.memory_space<vmem>>, vector<1x1x16xf32>,
          %get3A_539 = vector.shape_cast %get3A_538 : vector<1x1x16xf32> to vector<16xf32>
          %add3A_540 = arith.addf %get3A_539, %get3A_532 : vector<16xf32>
          %swap3A_541 = arith.constant 0 : i32
          %swap3A_542 = arith.constant 2 : i32
          %swap3A_543 = arith.index_cast %swap3A_541 : i32 to index
          %swap3A_544 = arith.index_cast %swap3A_542 : i32 to index
          %swap3A_545 = arith.index_cast %mul3A_527 : i32 to index
          %swap3A_546 = tpu.vector_load %arg7[%swap3A_543, %swap3A_544, %swap3A_545] {strides = array<i32>} : memref<2x8x1024xf32, #tpu.memory_space<vmem>>, vector<1x1x16xf32>,
          %swap3A_547 = vector.shape_cast %swap3A_546 : vector<1x1x16xf32> to vector<16xf32>
          %swap3A_548 = vector.shape_cast %add3A_540 : vector<16xf32> to vector<1x1x16xf32>
          tpu.vector_store %arg7[%swap3A_543, %swap3A_544, %swap3A_545], %swap3A_548 {strides = array<i32>} : memref<2x8x1024xf32, #tpu.memory_space<vmem>>, vector<1x1x16xf32>,
          %get3A_549 = arith.constant 1 : i32
          %get3A_550 = arith.constant 2 : i32
          %get3A_551 = arith.index_cast %get3A_549 : i32 to index
          %get3A_552 = arith.index_cast %get3A_550 : i32 to index
          %get3A_553 = arith.index_cast %mul3A_527 : i32 to index
          %get3A_554 = tpu.vector_load %arg6[%get3A_551, %get3A_552, %get3A_553] {strides = array<i32>} : memref<2x8x1024xf32, #tpu.memory_space<vmem>>, vector<1x1x16xf32>,
          %get3A_555 = vector.shape_cast %get3A_554 : vector<1x1x16xf32> to vector<16xf32>
          %add3A_556 = arith.addf %get3A_555, %get3A_532 : vector<16xf32>
          %swap3A_557 = arith.constant 1 : i32
          %swap3A_558 = arith.constant 2 : i32
          %swap3A_559 = arith.index_cast %swap3A_557 : i32 to index
          %swap3A_560 = arith.index_cast %swap3A_558 : i32 to index
          %swap3A_561 = arith.index_cast %mul3A_527 : i32 to index
          %swap3A_562 = tpu.vector_load %arg7[%swap3A_559, %swap3A_560, %swap3A_561] {strides = array<i32>} : memref<2x8x1024xf32, #tpu.memory_space<vmem>>, vector<1x1x16xf32>,
          %swap3A_563 = vector.shape_cast %swap3A_562 : vector<1x1x16xf32> to vector<16xf32>
          %swap3A_564 = vector.shape_cast %add3A_556 : vector<16xf32> to vector<1x1x16xf32>
          tpu.vector_store %arg7[%swap3A_559, %swap3A_560, %swap3A_561], %swap3A_564 {strides = array<i32>} : memref<2x8x1024xf32, #tpu.memory_space<vmem>>, vector<1x1x16xf32>,
        }
        %scan3A_146 = arith.constant 8 : i32
        %scan3A_147 = arith.constant 0 : i32
        %scan3A_148 = arith.constant 0 : i32
        %scan3A_149 = arith.constant 8 : i32
        %scan3A_150 = arith.addi %scan3A_148, %scan3A_149 : i32
        %scan3A_151 = arith.constant 1 : i32
        scf.for %scan3A_222 = %scan3A_148 to %scan3A_150 step %scan3A_151  : i32 {
          %mul3A_223 = arith.constant 8 : i32
          %mul3A_224 = arith.muli %scan3A_222, %mul3A_223 : i32
          %add3A_225 = arith.constant 0 : i32
          %add3A_226 = arith.addi %mul3A_224, %add3A_225 : i32
          %mul3A_227 = arith.constant 16 : i32
          %mul3A_228 = arith.muli %add3A_226, %mul3A_227 : i32
          %get3A = arith.constant 3 : i32
          %get3A_229 = arith.index_cast %get3A : i32 to index
          %get3A_230 = arith.index_cast %mul3A_228 : i32 to index
          %get3A_231 = tpu.vector_load %arg5[%get3A_229, %get3A_230] {strides = array<i32>} : memref<8x1024xf32, #tpu.memory_space<vmem>>, vector<1x16xf32>,
          %get3A_232 = vector.shape_cast %get3A_231 : vector<1x16xf32> to vector<16xf32>
          %get3A_233 = arith.constant 0 : i32
          %get3A_234 = arith.constant 3 : i32
          %get3A_235 = arith.index_cast %get3A_233 : i32 to index
          %get3A_236 = arith.index_cast %get3A_234 : i32 to index
          %get3A_237 = arith.index_cast %mul3A_228 : i32 to index
          %get3A_238 = tpu.vector_load %arg6[%get3A_235, %get3A_236, %get3A_237] {strides = array<i32>} : memref<2x8x1024xf32, #tpu.memory_space<vmem>>, vector<1x1x16xf32>,
          %get3A_239 = vector.shape_cast %get3A_238 : vector<1x1x16xf32> to vector<16xf32>
          %add3A_240 = arith.addf %get3A_239, %get3A_232 : vector<16xf32>
          %swap3A = arith.constant 0 : i32
          %swap3A_241 = arith.constant 3 : i32
          %swap3A_242 = arith.index_cast %swap3A : i32 to index
          %swap3A_243 = arith.index_cast %swap3A_241 : i32 to index
          %swap3A_244 = arith.index_cast %mul3A_228 : i32 to index
          %swap3A_245 = tpu.vector_load %arg7[%swap3A_242, %swap3A_243, %swap3A_244] {strides = array<i32>} : memref<2x8x1024xf32, #tpu.memory_space<vmem>>, vector<1x1x16xf32>,
          %swap3A_246 = vector.shape_cast %swap3A_245 : vector<1x1x16xf32> to vector<16xf32>
          %swap3A_247 = vector.shape_cast %add3A_240 : vector<16xf32> to vector<1x1x16xf32>
          tpu.vector_store %arg7[%swap3A_242, %swap3A_243, %swap3A_244], %swap3A_247 {strides = array<i32>} : memref<2x8x1024xf32, #tpu.memory_space<vmem>>, vector<1x1x16xf32>,
          %get3A_248 = arith.constant 1 : i32
          %get3A_249 = arith.constant 3 : i32
          %get3A_250 = arith.index_cast %get3A_248 : i32 to index
          %get3A_251 = arith.index_cast %get3A_249 : i32 to index
          %get3A_252 = arith.index_cast %mul3A_228 : i32 to index
          %get3A_253 = tpu.vector_load %arg6[%get3A_250, %get3A_251, %get3A_252] {strides = array<i32>} : memref<2x8x1024xf32, #tpu.memory_space<vmem>>, vector<1x1x16xf32>,
          %get3A_254 = vector.shape_cast %get3A_253 : vector<1x1x16xf32> to vector<16xf32>
          %add3A_255 = arith.addf %get3A_254, %get3A_232 : vector<16xf32>
          %swap3A_256 = arith.constant 1 : i32
          %swap3A_257 = arith.constant 3 : i32
          %swap3A_258 = arith.index_cast %swap3A_256 : i32 to index
          %swap3A_259 = arith.index_cast %swap3A_257 : i32 to index
          %swap3A_260 = arith.index_cast %mul3A_228 : i32 to index
          %swap3A_261 = tpu.vector_load %arg7[%swap3A_258, %swap3A_259, %swap3A_260] {strides = array<i32>} : memref<2x8x1024xf32, #tpu.memory_space<vmem>>, vector<1x1x16xf32>,
          %swap3A_262 = vector.shape_cast %swap3A_261 : vector<1x1x16xf32> to vector<16xf32>
          %swap3A_263 = vector.shape_cast %add3A_255 : vector<16xf32> to vector<1x1x16xf32>
          tpu.vector_store %arg7[%swap3A_258, %swap3A_259, %swap3A_260], %swap3A_263 {strides = array<i32>} : memref<2x8x1024xf32, #tpu.memory_space<vmem>>, vector<1x1x16xf32>,
          %mul3A_264 = arith.constant 8 : i32
          %mul3A_265 = arith.muli %scan3A_222, %mul3A_264 : i32
          %add3A_266 = arith.constant 1 : i32
          %add3A_267 = arith.addi %mul3A_265, %add3A_266 : i32
          %mul3A_268 = arith.constant 16 : i32
          %mul3A_269 = arith.muli %add3A_267, %mul3A_268 : i32
          %get3A_270 = arith.constant 3 : i32
          %get3A_271 = arith.index_cast %get3A_270 : i32 to index
          %get3A_272 = arith.index_cast %mul3A_269 : i32 to index
          %get3A_273 = tpu.vector_load %arg5[%get3A_271, %get3A_272] {strides = array<i32>} : memref<8x1024xf32, #tpu.memory_space<vmem>>, vector<1x16xf32>,
          %get3A_274 = vector.shape_cast %get3A_273 : vector<1x16xf32> to vector<16xf32>
          %get3A_275 = arith.constant 0 : i32
          %get3A_276 = arith.constant 3 : i32
          %get3A_277 = arith.index_cast %get3A_275 : i32 to index
          %get3A_278 = arith.index_cast %get3A_276 : i32 to index
          %get3A_279 = arith.index_cast %mul3A_269 : i32 to index
          %get3A_280 = tpu.vector_load %arg6[%get3A_277, %get3A_278, %get3A_279] {strides = array<i32>} : memref<2x8x1024xf32, #tpu.memory_space<vmem>>, vector<1x1x16xf32>,
          %get3A_281 = vector.shape_cast %get3A_280 : vector<1x1x16xf32> to vector<16xf32>
          %add3A_282 = arith.addf %get3A_281, %get3A_274 : vector<16xf32>
          %swap3A_283 = arith.constant 0 : i32
          %swap3A_284 = arith.constant 3 : i32
          %swap3A_285 = arith.index_cast %swap3A_283 : i32 to index
          %swap3A_286 = arith.index_cast %swap3A_284 : i32 to index
          %swap3A_287 = arith.index_cast %mul3A_269 : i32 to index
          %swap3A_288 = tpu.vector_load %arg7[%swap3A_285, %swap3A_286, %swap3A_287] {strides = array<i32>} : memref<2x8x1024xf32, #tpu.memory_space<vmem>>, vector<1x1x16xf32>,
          %swap3A_289 = vector.shape_cast %swap3A_288 : vector<1x1x16xf32> to vector<16xf32>
          %swap3A_290 = vector.shape_cast %add3A_282 : vector<16xf32> to vector<1x1x16xf32>
          tpu.vector_store %arg7[%swap3A_285, %swap3A_286, %swap3A_287], %swap3A_290 {strides = array<i32>} : memref<2x8x1024xf32, #tpu.memory_space<vmem>>, vector<1x1x16xf32>,
          %get3A_291 = arith.constant 1 : i32
          %get3A_292 = arith.constant 3 : i32
          %get3A_293 = arith.index_cast %get3A_291 : i32 to index
          %get3A_294 = arith.index_cast %get3A_292 : i32 to index
          %get3A_295 = arith.index_cast %mul3A_269 : i32 to index
          %get3A_296 = tpu.vector_load %arg6[%get3A_293, %get3A_294, %get3A_295] {strides = array<i32>} : memref<2x8x1024xf32, #tpu.memory_space<vmem>>, vector<1x1x16xf32>,
          %get3A_297 = vector.shape_cast %get3A_296 : vector<1x1x16xf32> to vector<16xf32>
          %add3A_298 = arith.addf %get3A_297, %get3A_274 : vector<16xf32>
          %swap3A_299 = arith.constant 1 : i32
          %swap3A_300 = arith.constant 3 : i32
          %swap3A_301 = arith.index_cast %swap3A_299 : i32 to index
          %swap3A_302 = arith.index_cast %swap3A_300 : i32 to index
          %swap3A_303 = arith.index_cast %mul3A_269 : i32 to index
          %swap3A_304 = tpu.vector_load %arg7[%swap3A_301, %swap3A_302, %swap3A_303] {strides = array<i32>} : memref<2x8x1024xf32, #tpu.memory_space<vmem>>, vector<1x1x16xf32>,
          %swap3A_305 = vector.shape_cast %swap3A_304 : vector<1x1x16xf32> to vector<16xf32>
          %swap3A_306 = vector.shape_cast %add3A_298 : vector<16xf32> to vector<1x1x16xf32>
          tpu.vector_store %arg7[%swap3A_301, %swap3A_302, %swap3A_303], %swap3A_306 {strides = array<i32>} : memref<2x8x1024xf32, #tpu.memory_space<vmem>>, vector<1x1x16xf32>,
          %mul3A_307 = arith.constant 8 : i32
          %mul3A_308 = arith.muli %scan3A_222, %mul3A_307 : i32
          %add3A_309 = arith.constant 2 : i32
          %add3A_310 = arith.addi %mul3A_308, %add3A_309 : i32
          %mul3A_311 = arith.constant 16 : i32
          %mul3A_312 = arith.muli %add3A_310, %mul3A_311 : i32
          %get3A_313 = arith.constant 3 : i32
          %get3A_314 = arith.index_cast %get3A_313 : i32 to index
          %get3A_315 = arith.index_cast %mul3A_312 : i32 to index
          %get3A_316 = tpu.vector_load %arg5[%get3A_314, %get3A_315] {strides = array<i32>} : memref<8x1024xf32, #tpu.memory_space<vmem>>, vector<1x16xf32>,
          %get3A_317 = vector.shape_cast %get3A_316 : vector<1x16xf32> to vector<16xf32>
          %get3A_318 = arith.constant 0 : i32
          %get3A_319 = arith.constant 3 : i32
          %get3A_320 = arith.index_cast %get3A_318 : i32 to index
          %get3A_321 = arith.index_cast %get3A_319 : i32 to index
          %get3A_322 = arith.index_cast %mul3A_312 : i32 to index
          %get3A_323 = tpu.vector_load %arg6[%get3A_320, %get3A_321, %get3A_322] {strides = array<i32>} : memref<2x8x1024xf32, #tpu.memory_space<vmem>>, vector<1x1x16xf32>,
          %get3A_324 = vector.shape_cast %get3A_323 : vector<1x1x16xf32> to vector<16xf32>
          %add3A_325 = arith.addf %get3A_324, %get3A_317 : vector<16xf32>
          %swap3A_326 = arith.constant 0 : i32
          %swap3A_327 = arith.constant 3 : i32
          %swap3A_328 = arith.index_cast %swap3A_326 : i32 to index
          %swap3A_329 = arith.index_cast %swap3A_327 : i32 to index
          %swap3A_330 = arith.index_cast %mul3A_312 : i32 to index
          %swap3A_331 = tpu.vector_load %arg7[%swap3A_328, %swap3A_329, %swap3A_330] {strides = array<i32>} : memref<2x8x1024xf32, #tpu.memory_space<vmem>>, vector<1x1x16xf32>,
          %swap3A_332 = vector.shape_cast %swap3A_331 : vector<1x1x16xf32> to vector<16xf32>
          %swap3A_333 = vector.shape_cast %add3A_325 : vector<16xf32> to vector<1x1x16xf32>
          tpu.vector_store %arg7[%swap3A_328, %swap3A_329, %swap3A_330], %swap3A_333 {strides = array<i32>} : memref<2x8x1024xf32, #tpu.memory_space<vmem>>, vector<1x1x16xf32>,
          %get3A_334 = arith.constant 1 : i32
          %get3A_335 = arith.constant 3 : i32
          %get3A_336 = arith.index_cast %get3A_334 : i32 to index
          %get3A_337 = arith.index_cast %get3A_335 : i32 to index
          %get3A_338 = arith.index_cast %mul3A_312 : i32 to index
          %get3A_339 = tpu.vector_load %arg6[%get3A_336, %get3A_337, %get3A_338] {strides = array<i32>} : memref<2x8x1024xf32, #tpu.memory_space<vmem>>, vector<1x1x16xf32>,
          %get3A_340 = vector.shape_cast %get3A_339 : vector<1x1x16xf32> to vector<16xf32>
          %add3A_341 = arith.addf %get3A_340, %get3A_317 : vector<16xf32>
          %swap3A_342 = arith.constant 1 : i32
          %swap3A_343 = arith.constant 3 : i32
          %swap3A_344 = arith.index_cast %swap3A_342 : i32 to index
          %swap3A_345 = arith.index_cast %swap3A_343 : i32 to index
          %swap3A_346 = arith.index_cast %mul3A_312 : i32 to index
          %swap3A_347 = tpu.vector_load %arg7[%swap3A_344, %swap3A_345, %swap3A_346] {strides = array<i32>} : memref<2x8x1024xf32, #tpu.memory_space<vmem>>, vector<1x1x16xf32>,
          %swap3A_348 = vector.shape_cast %swap3A_347 : vector<1x1x16xf32> to vector<16xf32>
          %swap3A_349 = vector.shape_cast %add3A_341 : vector<16xf32> to vector<1x1x16xf32>
          tpu.vector_store %arg7[%swap3A_344, %swap3A_345, %swap3A_346], %swap3A_349 {strides = array<i32>} : memref<2x8x1024xf32, #tpu.memory_space<vmem>>, vector<1x1x16xf32>,
          %mul3A_350 = arith.constant 8 : i32
          %mul3A_351 = arith.muli %scan3A_222, %mul3A_350 : i32
          %add3A_352 = arith.constant 3 : i32
          %add3A_353 = arith.addi %mul3A_351, %add3A_352 : i32
          %mul3A_354 = arith.constant 16 : i32
          %mul3A_355 = arith.muli %add3A_353, %mul3A_354 : i32
          %get3A_356 = arith.constant 3 : i32
          %get3A_357 = arith.index_cast %get3A_356 : i32 to index
          %get3A_358 = arith.index_cast %mul3A_355 : i32 to index
          %get3A_359 = tpu.vector_load %arg5[%get3A_357, %get3A_358] {strides = array<i32>} : memref<8x1024xf32, #tpu.memory_space<vmem>>, vector<1x16xf32>,
          %get3A_360 = vector.shape_cast %get3A_359 : vector<1x16xf32> to vector<16xf32>
          %get3A_361 = arith.constant 0 : i32
          %get3A_362 = arith.constant 3 : i32
          %get3A_363 = arith.index_cast %get3A_361 : i32 to index
          %get3A_364 = arith.index_cast %get3A_362 : i32 to index
          %get3A_365 = arith.index_cast %mul3A_355 : i32 to index
          %get3A_366 = tpu.vector_load %arg6[%get3A_363, %get3A_364, %get3A_365] {strides = array<i32>} : memref<2x8x1024xf32, #tpu.memory_space<vmem>>, vector<1x1x16xf32>,
          %get3A_367 = vector.shape_cast %get3A_366 : vector<1x1x16xf32> to vector<16xf32>
          %add3A_368 = arith.addf %get3A_367, %get3A_360 : vector<16xf32>
          %swap3A_369 = arith.constant 0 : i32
          %swap3A_370 = arith.constant 3 : i32
          %swap3A_371 = arith.index_cast %swap3A_369 : i32 to index
          %swap3A_372 = arith.index_cast %swap3A_370 : i32 to index
          %swap3A_373 = arith.index_cast %mul3A_355 : i32 to index
          %swap3A_374 = tpu.vector_load %arg7[%swap3A_371, %swap3A_372, %swap3A_373] {strides = array<i32>} : memref<2x8x1024xf32, #tpu.memory_space<vmem>>, vector<1x1x16xf32>,
          %swap3A_375 = vector.shape_cast %swap3A_374 : vector<1x1x16xf32> to vector<16xf32>
          %swap3A_376 = vector.shape_cast %add3A_368 : vector<16xf32> to vector<1x1x16xf32>
          tpu.vector_store %arg7[%swap3A_371, %swap3A_372, %swap3A_373], %swap3A_376 {strides = array<i32>} : memref<2x8x1024xf32, #tpu.memory_space<vmem>>, vector<1x1x16xf32>,
          %get3A_377 = arith.constant 1 : i32
          %get3A_378 = arith.constant 3 : i32
          %get3A_379 = arith.index_cast %get3A_377 : i32 to index
          %get3A_380 = arith.index_cast %get3A_378 : i32 to index
          %get3A_381 = arith.index_cast %mul3A_355 : i32 to index
          %get3A_382 = tpu.vector_load %arg6[%get3A_379, %get3A_380, %get3A_381] {strides = array<i32>} : memref<2x8x1024xf32, #tpu.memory_space<vmem>>, vector<1x1x16xf32>,
          %get3A_383 = vector.shape_cast %get3A_382 : vector<1x1x16xf32> to vector<16xf32>
          %add3A_384 = arith.addf %get3A_383, %get3A_360 : vector<16xf32>
          %swap3A_385 = arith.constant 1 : i32
          %swap3A_386 = arith.constant 3 : i32
          %swap3A_387 = arith.index_cast %swap3A_385 : i32 to index
          %swap3A_388 = arith.index_cast %swap3A_386 : i32 to index
          %swap3A_389 = arith.index_cast %mul3A_355 : i32 to index
          %swap3A_390 = tpu.vector_load %arg7[%swap3A_387, %swap3A_388, %swap3A_389] {strides = array<i32>} : memref<2x8x1024xf32, #tpu.memory_space<vmem>>, vector<1x1x16xf32>,
          %swap3A_391 = vector.shape_cast %swap3A_390 : vector<1x1x16xf32> to vector<16xf32>
          %swap3A_392 = vector.shape_cast %add3A_384 : vector<16xf32> to vector<1x1x16xf32>
          tpu.vector_store %arg7[%swap3A_387, %swap3A_388, %swap3A_389], %swap3A_392 {strides = array<i32>} : memref<2x8x1024xf32, #tpu.memory_space<vmem>>, vector<1x1x16xf32>,
          %mul3A_393 = arith.constant 8 : i32
          %mul3A_394 = arith.muli %scan3A_222, %mul3A_393 : i32
          %add3A_395 = arith.constant 4 : i32
          %add3A_396 = arith.addi %mul3A_394, %add3A_395 : i32
          %mul3A_397 = arith.constant 16 : i32
          %mul3A_398 = arith.muli %add3A_396, %mul3A_397 : i32
          %get3A_399 = arith.constant 3 : i32
          %get3A_400 = arith.index_cast %get3A_399 : i32 to index
          %get3A_401 = arith.index_cast %mul3A_398 : i32 to index
          %get3A_402 = tpu.vector_load %arg5[%get3A_400, %get3A_401] {strides = array<i32>} : memref<8x1024xf32, #tpu.memory_space<vmem>>, vector<1x16xf32>,
          %get3A_403 = vector.shape_cast %get3A_402 : vector<1x16xf32> to vector<16xf32>
          %get3A_404 = arith.constant 0 : i32
          %get3A_405 = arith.constant 3 : i32
          %get3A_406 = arith.index_cast %get3A_404 : i32 to index
          %get3A_407 = arith.index_cast %get3A_405 : i32 to index
          %get3A_408 = arith.index_cast %mul3A_398 : i32 to index
          %get3A_409 = tpu.vector_load %arg6[%get3A_406, %get3A_407, %get3A_408] {strides = array<i32>} : memref<2x8x1024xf32, #tpu.memory_space<vmem>>, vector<1x1x16xf32>,
          %get3A_410 = vector.shape_cast %get3A_409 : vector<1x1x16xf32> to vector<16xf32>
          %add3A_411 = arith.addf %get3A_410, %get3A_403 : vector<16xf32>
          %swap3A_412 = arith.constant 0 : i32
          %swap3A_413 = arith.constant 3 : i32
          %swap3A_414 = arith.index_cast %swap3A_412 : i32 to index
          %swap3A_415 = arith.index_cast %swap3A_413 : i32 to index
          %swap3A_416 = arith.index_cast %mul3A_398 : i32 to index
          %swap3A_417 = tpu.vector_load %arg7[%swap3A_414, %swap3A_415, %swap3A_416] {strides = array<i32>} : memref<2x8x1024xf32, #tpu.memory_space<vmem>>, vector<1x1x16xf32>,
          %swap3A_418 = vector.shape_cast %swap3A_417 : vector<1x1x16xf32> to vector<16xf32>
          %swap3A_419 = vector.shape_cast %add3A_411 : vector<16xf32> to vector<1x1x16xf32>
          tpu.vector_store %arg7[%swap3A_414, %swap3A_415, %swap3A_416], %swap3A_419 {strides = array<i32>} : memref<2x8x1024xf32, #tpu.memory_space<vmem>>, vector<1x1x16xf32>,
          %get3A_420 = arith.constant 1 : i32
          %get3A_421 = arith.constant 3 : i32
          %get3A_422 = arith.index_cast %get3A_420 : i32 to index
          %get3A_423 = arith.index_cast %get3A_421 : i32 to index
          %get3A_424 = arith.index_cast %mul3A_398 : i32 to index
          %get3A_425 = tpu.vector_load %arg6[%get3A_422, %get3A_423, %get3A_424] {strides = array<i32>} : memref<2x8x1024xf32, #tpu.memory_space<vmem>>, vector<1x1x16xf32>,
          %get3A_426 = vector.shape_cast %get3A_425 : vector<1x1x16xf32> to vector<16xf32>
          %add3A_427 = arith.addf %get3A_426, %get3A_403 : vector<16xf32>
          %swap3A_428 = arith.constant 1 : i32
          %swap3A_429 = arith.constant 3 : i32
          %swap3A_430 = arith.index_cast %swap3A_428 : i32 to index
          %swap3A_431 = arith.index_cast %swap3A_429 : i32 to index
          %swap3A_432 = arith.index_cast %mul3A_398 : i32 to index
          %swap3A_433 = tpu.vector_load %arg7[%swap3A_430, %swap3A_431, %swap3A_432] {strides = array<i32>} : memref<2x8x1024xf32, #tpu.memory_space<vmem>>, vector<1x1x16xf32>,
          %swap3A_434 = vector.shape_cast %swap3A_433 : vector<1x1x16xf32> to vector<16xf32>
          %swap3A_435 = vector.shape_cast %add3A_427 : vector<16xf32> to vector<1x1x16xf32>
          tpu.vector_store %arg7[%swap3A_430, %swap3A_431, %swap3A_432], %swap3A_435 {strides = array<i32>} : memref<2x8x1024xf32, #tpu.memory_space<vmem>>, vector<1x1x16xf32>,
          %mul3A_436 = arith.constant 8 : i32
          %mul3A_437 = arith.muli %scan3A_222, %mul3A_436 : i32
          %add3A_438 = arith.constant 5 : i32
          %add3A_439 = arith.addi %mul3A_437, %add3A_438 : i32
          %mul3A_440 = arith.constant 16 : i32
          %mul3A_441 = arith.muli %add3A_439, %mul3A_440 : i32
          %get3A_442 = arith.constant 3 : i32
          %get3A_443 = arith.index_cast %get3A_442 : i32 to index
          %get3A_444 = arith.index_cast %mul3A_441 : i32 to index
          %get3A_445 = tpu.vector_load %arg5[%get3A_443, %get3A_444] {strides = array<i32>} : memref<8x1024xf32, #tpu.memory_space<vmem>>, vector<1x16xf32>,
          %get3A_446 = vector.shape_cast %get3A_445 : vector<1x16xf32> to vector<16xf32>
          %get3A_447 = arith.constant 0 : i32
          %get3A_448 = arith.constant 3 : i32
          %get3A_449 = arith.index_cast %get3A_447 : i32 to index
          %get3A_450 = arith.index_cast %get3A_448 : i32 to index
          %get3A_451 = arith.index_cast %mul3A_441 : i32 to index
          %get3A_452 = tpu.vector_load %arg6[%get3A_449, %get3A_450, %get3A_451] {strides = array<i32>} : memref<2x8x1024xf32, #tpu.memory_space<vmem>>, vector<1x1x16xf32>,
          %get3A_453 = vector.shape_cast %get3A_452 : vector<1x1x16xf32> to vector<16xf32>
          %add3A_454 = arith.addf %get3A_453, %get3A_446 : vector<16xf32>
          %swap3A_455 = arith.constant 0 : i32
          %swap3A_456 = arith.constant 3 : i32
          %swap3A_457 = arith.index_cast %swap3A_455 : i32 to index
          %swap3A_458 = arith.index_cast %swap3A_456 : i32 to index
          %swap3A_459 = arith.index_cast %mul3A_441 : i32 to index
          %swap3A_460 = tpu.vector_load %arg7[%swap3A_457, %swap3A_458, %swap3A_459] {strides = array<i32>} : memref<2x8x1024xf32, #tpu.memory_space<vmem>>, vector<1x1x16xf32>,
          %swap3A_461 = vector.shape_cast %swap3A_460 : vector<1x1x16xf32> to vector<16xf32>
          %swap3A_462 = vector.shape_cast %add3A_454 : vector<16xf32> to vector<1x1x16xf32>
          tpu.vector_store %arg7[%swap3A_457, %swap3A_458, %swap3A_459], %swap3A_462 {strides = array<i32>} : memref<2x8x1024xf32, #tpu.memory_space<vmem>>, vector<1x1x16xf32>,
          %get3A_463 = arith.constant 1 : i32
          %get3A_464 = arith.constant 3 : i32
          %get3A_465 = arith.index_cast %get3A_463 : i32 to index
          %get3A_466 = arith.index_cast %get3A_464 : i32 to index
          %get3A_467 = arith.index_cast %mul3A_441 : i32 to index
          %get3A_468 = tpu.vector_load %arg6[%get3A_465, %get3A_466, %get3A_467] {strides = array<i32>} : memref<2x8x1024xf32, #tpu.memory_space<vmem>>, vector<1x1x16xf32>,
          %get3A_469 = vector.shape_cast %get3A_468 : vector<1x1x16xf32> to vector<16xf32>
          %add3A_470 = arith.addf %get3A_469, %get3A_446 : vector<16xf32>
          %swap3A_471 = arith.constant 1 : i32
          %swap3A_472 = arith.constant 3 : i32
          %swap3A_473 = arith.index_cast %swap3A_471 : i32 to index
          %swap3A_474 = arith.index_cast %swap3A_472 : i32 to index
          %swap3A_475 = arith.index_cast %mul3A_441 : i32 to index
          %swap3A_476 = tpu.vector_load %arg7[%swap3A_473, %swap3A_474, %swap3A_475] {strides = array<i32>} : memref<2x8x1024xf32, #tpu.memory_space<vmem>>, vector<1x1x16xf32>,
          %swap3A_477 = vector.shape_cast %swap3A_476 : vector<1x1x16xf32> to vector<16xf32>
          %swap3A_478 = vector.shape_cast %add3A_470 : vector<16xf32> to vector<1x1x16xf32>
          tpu.vector_store %arg7[%swap3A_473, %swap3A_474, %swap3A_475], %swap3A_478 {strides = array<i32>} : memref<2x8x1024xf32, #tpu.memory_space<vmem>>, vector<1x1x16xf32>,
          %mul3A_479 = arith.constant 8 : i32
          %mul3A_480 = arith.muli %scan3A_222, %mul3A_479 : i32
          %add3A_481 = arith.constant 6 : i32
          %add3A_482 = arith.addi %mul3A_480, %add3A_481 : i32
          %mul3A_483 = arith.constant 16 : i32
          %mul3A_484 = arith.muli %add3A_482, %mul3A_483 : i32
          %get3A_485 = arith.constant 3 : i32
          %get3A_486 = arith.index_cast %get3A_485 : i32 to index
          %get3A_487 = arith.index_cast %mul3A_484 : i32 to index
          %get3A_488 = tpu.vector_load %arg5[%get3A_486, %get3A_487] {strides = array<i32>} : memref<8x1024xf32, #tpu.memory_space<vmem>>, vector<1x16xf32>,
          %get3A_489 = vector.shape_cast %get3A_488 : vector<1x16xf32> to vector<16xf32>
          %get3A_490 = arith.constant 0 : i32
          %get3A_491 = arith.constant 3 : i32
          %get3A_492 = arith.index_cast %get3A_490 : i32 to index
          %get3A_493 = arith.index_cast %get3A_491 : i32 to index
          %get3A_494 = arith.index_cast %mul3A_484 : i32 to index
          %get3A_495 = tpu.vector_load %arg6[%get3A_492, %get3A_493, %get3A_494] {strides = array<i32>} : memref<2x8x1024xf32, #tpu.memory_space<vmem>>, vector<1x1x16xf32>,
          %get3A_496 = vector.shape_cast %get3A_495 : vector<1x1x16xf32> to vector<16xf32>
          %add3A_497 = arith.addf %get3A_496, %get3A_489 : vector<16xf32>
          %swap3A_498 = arith.constant 0 : i32
          %swap3A_499 = arith.constant 3 : i32
          %swap3A_500 = arith.index_cast %swap3A_498 : i32 to index
          %swap3A_501 = arith.index_cast %swap3A_499 : i32 to index
          %swap3A_502 = arith.index_cast %mul3A_484 : i32 to index
          %swap3A_503 = tpu.vector_load %arg7[%swap3A_500, %swap3A_501, %swap3A_502] {strides = array<i32>} : memref<2x8x1024xf32, #tpu.memory_space<vmem>>, vector<1x1x16xf32>,
          %swap3A_504 = vector.shape_cast %swap3A_503 : vector<1x1x16xf32> to vector<16xf32>
          %swap3A_505 = vector.shape_cast %add3A_497 : vector<16xf32> to vector<1x1x16xf32>
          tpu.vector_store %arg7[%swap3A_500, %swap3A_501, %swap3A_502], %swap3A_505 {strides = array<i32>} : memref<2x8x1024xf32, #tpu.memory_space<vmem>>, vector<1x1x16xf32>,
          %get3A_506 = arith.constant 1 : i32
          %get3A_507 = arith.constant 3 : i32
          %get3A_508 = arith.index_cast %get3A_506 : i32 to index
          %get3A_509 = arith.index_cast %get3A_507 : i32 to index
          %get3A_510 = arith.index_cast %mul3A_484 : i32 to index
          %get3A_511 = tpu.vector_load %arg6[%get3A_508, %get3A_509, %get3A_510] {strides = array<i32>} : memref<2x8x1024xf32, #tpu.memory_space<vmem>>, vector<1x1x16xf32>,
          %get3A_512 = vector.shape_cast %get3A_511 : vector<1x1x16xf32> to vector<16xf32>
          %add3A_513 = arith.addf %get3A_512, %get3A_489 : vector<16xf32>
          %swap3A_514 = arith.constant 1 : i32
          %swap3A_515 = arith.constant 3 : i32
          %swap3A_516 = arith.index_cast %swap3A_514 : i32 to index
          %swap3A_517 = arith.index_cast %swap3A_515 : i32 to index
          %swap3A_518 = arith.index_cast %mul3A_484 : i32 to index
          %swap3A_519 = tpu.vector_load %arg7[%swap3A_516, %swap3A_517, %swap3A_518] {strides = array<i32>} : memref<2x8x1024xf32, #tpu.memory_space<vmem>>, vector<1x1x16xf32>,
          %swap3A_520 = vector.shape_cast %swap3A_519 : vector<1x1x16xf32> to vector<16xf32>
          %swap3A_521 = vector.shape_cast %add3A_513 : vector<16xf32> to vector<1x1x16xf32>
          tpu.vector_store %arg7[%swap3A_516, %swap3A_517, %swap3A_518], %swap3A_521 {strides = array<i32>} : memref<2x8x1024xf32, #tpu.memory_space<vmem>>, vector<1x1x16xf32>,
          %mul3A_522 = arith.constant 8 : i32
          %mul3A_523 = arith.muli %scan3A_222, %mul3A_522 : i32
          %add3A_524 = arith.constant 7 : i32
          %add3A_525 = arith.addi %mul3A_523, %add3A_524 : i32
          %mul3A_526 = arith.constant 16 : i32
          %mul3A_527 = arith.muli %add3A_525, %mul3A_526 : i32
          %get3A_528 = arith.constant 3 : i32
          %get3A_529 = arith.index_cast %get3A_528 : i32 to index
          %get3A_530 = arith.index_cast %mul3A_527 : i32 to index
          %get3A_531 = tpu.vector_load %arg5[%get3A_529, %get3A_530] {strides = array<i32>} : memref<8x1024xf32, #tpu.memory_space<vmem>>, vector<1x16xf32>,
          %get3A_532 = vector.shape_cast %get3A_531 : vector<1x16xf32> to vector<16xf32>
          %get3A_533 = arith.constant 0 : i32
          %get3A_534 = arith.constant 3 : i32
          %get3A_535 = arith.index_cast %get3A_533 : i32 to index
          %get3A_536 = arith.index_cast %get3A_534 : i32 to index
          %get3A_537 = arith.index_cast %mul3A_527 : i32 to index
          %get3A_538 = tpu.vector_load %arg6[%get3A_535, %get3A_536, %get3A_537] {strides = array<i32>} : memref<2x8x1024xf32, #tpu.memory_space<vmem>>, vector<1x1x16xf32>,
          %get3A_539 = vector.shape_cast %get3A_538 : vector<1x1x16xf32> to vector<16xf32>
          %add3A_540 = arith.addf %get3A_539, %get3A_532 : vector<16xf32>
          %swap3A_541 = arith.constant 0 : i32
          %swap3A_542 = arith.constant 3 : i32
          %swap3A_543 = arith.index_cast %swap3A_541 : i32 to index
          %swap3A_544 = arith.index_cast %swap3A_542 : i32 to index
          %swap3A_545 = arith.index_cast %mul3A_527 : i32 to index
          %swap3A_546 = tpu.vector_load %arg7[%swap3A_543, %swap3A_544, %swap3A_545] {strides = array<i32>} : memref<2x8x1024xf32, #tpu.memory_space<vmem>>, vector<1x1x16xf32>,
          %swap3A_547 = vector.shape_cast %swap3A_546 : vector<1x1x16xf32> to vector<16xf32>
          %swap3A_548 = vector.shape_cast %add3A_540 : vector<16xf32> to vector<1x1x16xf32>
          tpu.vector_store %arg7[%swap3A_543, %swap3A_544, %swap3A_545], %swap3A_548 {strides = array<i32>} : memref<2x8x1024xf32, #tpu.memory_space<vmem>>, vector<1x1x16xf32>,
          %get3A_549 = arith.constant 1 : i32
          %get3A_550 = arith.constant 3 : i32
          %get3A_551 = arith.index_cast %get3A_549 : i32 to index
          %get3A_552 = arith.index_cast %get3A_550 : i32 to index
          %get3A_553 = arith.index_cast %mul3A_527 : i32 to index
          %get3A_554 = tpu.vector_load %arg6[%get3A_551, %get3A_552, %get3A_553] {strides = array<i32>} : memref<2x8x1024xf32, #tpu.memory_space<vmem>>, vector<1x1x16xf32>,
          %get3A_555 = vector.shape_cast %get3A_554 : vector<1x1x16xf32> to vector<16xf32>
          %add3A_556 = arith.addf %get3A_555, %get3A_532 : vector<16xf32>
          %swap3A_557 = arith.constant 1 : i32
          %swap3A_558 = arith.constant 3 : i32
          %swap3A_559 = arith.index_cast %swap3A_557 : i32 to index
          %swap3A_560 = arith.index_cast %swap3A_558 : i32 to index
          %swap3A_561 = arith.index_cast %mul3A_527 : i32 to index
          %swap3A_562 = tpu.vector_load %arg7[%swap3A_559, %swap3A_560, %swap3A_561] {strides = array<i32>} : memref<2x8x1024xf32, #tpu.memory_space<vmem>>, vector<1x1x16xf32>,
          %swap3A_563 = vector.shape_cast %swap3A_562 : vector<1x1x16xf32> to vector<16xf32>
          %swap3A_564 = vector.shape_cast %add3A_556 : vector<16xf32> to vector<1x1x16xf32>
          tpu.vector_store %arg7[%swap3A_559, %swap3A_560, %swap3A_561], %swap3A_564 {strides = array<i32>} : memref<2x8x1024xf32, #tpu.memory_space<vmem>>, vector<1x1x16xf32>,
        }
        %scan3A_152 = arith.constant 8 : i32
        %scan3A_153 = arith.constant 0 : i32
        %scan3A_154 = arith.constant 0 : i32
        %scan3A_155 = arith.constant 8 : i32
        %scan3A_156 = arith.addi %scan3A_154, %scan3A_155 : i32
        %scan3A_157 = arith.constant 1 : i32
        scf.for %scan3A_222 = %scan3A_154 to %scan3A_156 step %scan3A_157  : i32 {
          %mul3A_223 = arith.constant 8 : i32
          %mul3A_224 = arith.muli %scan3A_222, %mul3A_223 : i32
          %add3A_225 = arith.constant 0 : i32
          %add3A_226 = arith.addi %mul3A_224, %add3A_225 : i32
          %mul3A_227 = arith.constant 16 : i32
          %mul3A_228 = arith.muli %add3A_226, %mul3A_227 : i32
          %get3A = arith.constant 4 : i32
          %get3A_229 = arith.index_cast %get3A : i32 to index
          %get3A_230 = arith.index_cast %mul3A_228 : i32 to index
          %get3A_231 = tpu.vector_load %arg5[%get3A_229, %get3A_230] {strides = array<i32>} : memref<8x1024xf32, #tpu.memory_space<vmem>>, vector<1x16xf32>,
          %get3A_232 = vector.shape_cast %get3A_231 : vector<1x16xf32> to vector<16xf32>
          %get3A_233 = arith.constant 0 : i32
          %get3A_234 = arith.constant 4 : i32
          %get3A_235 = arith.index_cast %get3A_233 : i32 to index
          %get3A_236 = arith.index_cast %get3A_234 : i32 to index
          %get3A_237 = arith.index_cast %mul3A_228 : i32 to index
          %get3A_238 = tpu.vector_load %arg6[%get3A_235, %get3A_236, %get3A_237] {strides = array<i32>} : memref<2x8x1024xf32, #tpu.memory_space<vmem>>, vector<1x1x16xf32>,
          %get3A_239 = vector.shape_cast %get3A_238 : vector<1x1x16xf32> to vector<16xf32>
          %add3A_240 = arith.addf %get3A_239, %get3A_232 : vector<16xf32>
          %swap3A = arith.constant 0 : i32
          %swap3A_241 = arith.constant 4 : i32
          %swap3A_242 = arith.index_cast %swap3A : i32 to index
          %swap3A_243 = arith.index_cast %swap3A_241 : i32 to index
          %swap3A_244 = arith.index_cast %mul3A_228 : i32 to index
          %swap3A_245 = tpu.vector_load %arg7[%swap3A_242, %swap3A_243, %swap3A_244] {strides = array<i32>} : memref<2x8x1024xf32, #tpu.memory_space<vmem>>, vector<1x1x16xf32>,
          %swap3A_246 = vector.shape_cast %swap3A_245 : vector<1x1x16xf32> to vector<16xf32>
          %swap3A_247 = vector.shape_cast %add3A_240 : vector<16xf32> to vector<1x1x16xf32>
          tpu.vector_store %arg7[%swap3A_242, %swap3A_243, %swap3A_244], %swap3A_247 {strides = array<i32>} : memref<2x8x1024xf32, #tpu.memory_space<vmem>>, vector<1x1x16xf32>,
          %get3A_248 = arith.constant 1 : i32
          %get3A_249 = arith.constant 4 : i32
          %get3A_250 = arith.index_cast %get3A_248 : i32 to index
          %get3A_251 = arith.index_cast %get3A_249 : i32 to index
          %get3A_252 = arith.index_cast %mul3A_228 : i32 to index
          %get3A_253 = tpu.vector_load %arg6[%get3A_250, %get3A_251, %get3A_252] {strides = array<i32>} : memref<2x8x1024xf32, #tpu.memory_space<vmem>>, vector<1x1x16xf32>,
          %get3A_254 = vector.shape_cast %get3A_253 : vector<1x1x16xf32> to vector<16xf32>
          %add3A_255 = arith.addf %get3A_254, %get3A_232 : vector<16xf32>
          %swap3A_256 = arith.constant 1 : i32
          %swap3A_257 = arith.constant 4 : i32
          %swap3A_258 = arith.index_cast %swap3A_256 : i32 to index
          %swap3A_259 = arith.index_cast %swap3A_257 : i32 to index
          %swap3A_260 = arith.index_cast %mul3A_228 : i32 to index
          %swap3A_261 = tpu.vector_load %arg7[%swap3A_258, %swap3A_259, %swap3A_260] {strides = array<i32>} : memref<2x8x1024xf32, #tpu.memory_space<vmem>>, vector<1x1x16xf32>,
          %swap3A_262 = vector.shape_cast %swap3A_261 : vector<1x1x16xf32> to vector<16xf32>
          %swap3A_263 = vector.shape_cast %add3A_255 : vector<16xf32> to vector<1x1x16xf32>
          tpu.vector_store %arg7[%swap3A_258, %swap3A_259, %swap3A_260], %swap3A_263 {strides = array<i32>} : memref<2x8x1024xf32, #tpu.memory_space<vmem>>, vector<1x1x16xf32>,
          %mul3A_264 = arith.constant 8 : i32
          %mul3A_265 = arith.muli %scan3A_222, %mul3A_264 : i32
          %add3A_266 = arith.constant 1 : i32
          %add3A_267 = arith.addi %mul3A_265, %add3A_266 : i32
          %mul3A_268 = arith.constant 16 : i32
          %mul3A_269 = arith.muli %add3A_267, %mul3A_268 : i32
          %get3A_270 = arith.constant 4 : i32
          %get3A_271 = arith.index_cast %get3A_270 : i32 to index
          %get3A_272 = arith.index_cast %mul3A_269 : i32 to index
          %get3A_273 = tpu.vector_load %arg5[%get3A_271, %get3A_272] {strides = array<i32>} : memref<8x1024xf32, #tpu.memory_space<vmem>>, vector<1x16xf32>,
          %get3A_274 = vector.shape_cast %get3A_273 : vector<1x16xf32> to vector<16xf32>
          %get3A_275 = arith.constant 0 : i32
          %get3A_276 = arith.constant 4 : i32
          %get3A_277 = arith.index_cast %get3A_275 : i32 to index
          %get3A_278 = arith.index_cast %get3A_276 : i32 to index
          %get3A_279 = arith.index_cast %mul3A_269 : i32 to index
          %get3A_280 = tpu.vector_load %arg6[%get3A_277, %get3A_278, %get3A_279] {strides = array<i32>} : memref<2x8x1024xf32, #tpu.memory_space<vmem>>, vector<1x1x16xf32>,
          %get3A_281 = vector.shape_cast %get3A_280 : vector<1x1x16xf32> to vector<16xf32>
          %add3A_282 = arith.addf %get3A_281, %get3A_274 : vector<16xf32>
          %swap3A_283 = arith.constant 0 : i32
          %swap3A_284 = arith.constant 4 : i32
          %swap3A_285 = arith.index_cast %swap3A_283 : i32 to index
          %swap3A_286 = arith.index_cast %swap3A_284 : i32 to index
          %swap3A_287 = arith.index_cast %mul3A_269 : i32 to index
          %swap3A_288 = tpu.vector_load %arg7[%swap3A_285, %swap3A_286, %swap3A_287] {strides = array<i32>} : memref<2x8x1024xf32, #tpu.memory_space<vmem>>, vector<1x1x16xf32>,
          %swap3A_289 = vector.shape_cast %swap3A_288 : vector<1x1x16xf32> to vector<16xf32>
          %swap3A_290 = vector.shape_cast %add3A_282 : vector<16xf32> to vector<1x1x16xf32>
          tpu.vector_store %arg7[%swap3A_285, %swap3A_286, %swap3A_287], %swap3A_290 {strides = array<i32>} : memref<2x8x1024xf32, #tpu.memory_space<vmem>>, vector<1x1x16xf32>,
          %get3A_291 = arith.constant 1 : i32
          %get3A_292 = arith.constant 4 : i32
          %get3A_293 = arith.index_cast %get3A_291 : i32 to index
          %get3A_294 = arith.index_cast %get3A_292 : i32 to index
          %get3A_295 = arith.index_cast %mul3A_269 : i32 to index
          %get3A_296 = tpu.vector_load %arg6[%get3A_293, %get3A_294, %get3A_295] {strides = array<i32>} : memref<2x8x1024xf32, #tpu.memory_space<vmem>>, vector<1x1x16xf32>,
          %get3A_297 = vector.shape_cast %get3A_296 : vector<1x1x16xf32> to vector<16xf32>
          %add3A_298 = arith.addf %get3A_297, %get3A_274 : vector<16xf32>
          %swap3A_299 = arith.constant 1 : i32
          %swap3A_300 = arith.constant 4 : i32
          %swap3A_301 = arith.index_cast %swap3A_299 : i32 to index
          %swap3A_302 = arith.index_cast %swap3A_300 : i32 to index
          %swap3A_303 = arith.index_cast %mul3A_269 : i32 to index
          %swap3A_304 = tpu.vector_load %arg7[%swap3A_301, %swap3A_302, %swap3A_303] {strides = array<i32>} : memref<2x8x1024xf32, #tpu.memory_space<vmem>>, vector<1x1x16xf32>,
          %swap3A_305 = vector.shape_cast %swap3A_304 : vector<1x1x16xf32> to vector<16xf32>
          %swap3A_306 = vector.shape_cast %add3A_298 : vector<16xf32> to vector<1x1x16xf32>
          tpu.vector_store %arg7[%swap3A_301, %swap3A_302, %swap3A_303], %swap3A_306 {strides = array<i32>} : memref<2x8x1024xf32, #tpu.memory_space<vmem>>, vector<1x1x16xf32>,
          %mul3A_307 = arith.constant 8 : i32
          %mul3A_308 = arith.muli %scan3A_222, %mul3A_307 : i32
          %add3A_309 = arith.constant 2 : i32
          %add3A_310 = arith.addi %mul3A_308, %add3A_309 : i32
          %mul3A_311 = arith.constant 16 : i32
          %mul3A_312 = arith.muli %add3A_310, %mul3A_311 : i32
          %get3A_313 = arith.constant 4 : i32
          %get3A_314 = arith.index_cast %get3A_313 : i32 to index
          %get3A_315 = arith.index_cast %mul3A_312 : i32 to index
          %get3A_316 = tpu.vector_load %arg5[%get3A_314, %get3A_315] {strides = array<i32>} : memref<8x1024xf32, #tpu.memory_space<vmem>>, vector<1x16xf32>,
          %get3A_317 = vector.shape_cast %get3A_316 : vector<1x16xf32> to vector<16xf32>
          %get3A_318 = arith.constant 0 : i32
          %get3A_319 = arith.constant 4 : i32
          %get3A_320 = arith.index_cast %get3A_318 : i32 to index
          %get3A_321 = arith.index_cast %get3A_319 : i32 to index
          %get3A_322 = arith.index_cast %mul3A_312 : i32 to index
          %get3A_323 = tpu.vector_load %arg6[%get3A_320, %get3A_321, %get3A_322] {strides = array<i32>} : memref<2x8x1024xf32, #tpu.memory_space<vmem>>, vector<1x1x16xf32>,
          %get3A_324 = vector.shape_cast %get3A_323 : vector<1x1x16xf32> to vector<16xf32>
          %add3A_325 = arith.addf %get3A_324, %get3A_317 : vector<16xf32>
          %swap3A_326 = arith.constant 0 : i32
          %swap3A_327 = arith.constant 4 : i32
          %swap3A_328 = arith.index_cast %swap3A_326 : i32 to index
          %swap3A_329 = arith.index_cast %swap3A_327 : i32 to index
          %swap3A_330 = arith.index_cast %mul3A_312 : i32 to index
          %swap3A_331 = tpu.vector_load %arg7[%swap3A_328, %swap3A_329, %swap3A_330] {strides = array<i32>} : memref<2x8x1024xf32, #tpu.memory_space<vmem>>, vector<1x1x16xf32>,
          %swap3A_332 = vector.shape_cast %swap3A_331 : vector<1x1x16xf32> to vector<16xf32>
          %swap3A_333 = vector.shape_cast %add3A_325 : vector<16xf32> to vector<1x1x16xf32>
          tpu.vector_store %arg7[%swap3A_328, %swap3A_329, %swap3A_330], %swap3A_333 {strides = array<i32>} : memref<2x8x1024xf32, #tpu.memory_space<vmem>>, vector<1x1x16xf32>,
          %get3A_334 = arith.constant 1 : i32
          %get3A_335 = arith.constant 4 : i32
          %get3A_336 = arith.index_cast %get3A_334 : i32 to index
          %get3A_337 = arith.index_cast %get3A_335 : i32 to index
          %get3A_338 = arith.index_cast %mul3A_312 : i32 to index
          %get3A_339 = tpu.vector_load %arg6[%get3A_336, %get3A_337, %get3A_338] {strides = array<i32>} : memref<2x8x1024xf32, #tpu.memory_space<vmem>>, vector<1x1x16xf32>,
          %get3A_340 = vector.shape_cast %get3A_339 : vector<1x1x16xf32> to vector<16xf32>
          %add3A_341 = arith.addf %get3A_340, %get3A_317 : vector<16xf32>
          %swap3A_342 = arith.constant 1 : i32
          %swap3A_343 = arith.constant 4 : i32
          %swap3A_344 = arith.index_cast %swap3A_342 : i32 to index
          %swap3A_345 = arith.index_cast %swap3A_343 : i32 to index
          %swap3A_346 = arith.index_cast %mul3A_312 : i32 to index
          %swap3A_347 = tpu.vector_load %arg7[%swap3A_344, %swap3A_345, %swap3A_346] {strides = array<i32>} : memref<2x8x1024xf32, #tpu.memory_space<vmem>>, vector<1x1x16xf32>,
          %swap3A_348 = vector.shape_cast %swap3A_347 : vector<1x1x16xf32> to vector<16xf32>
          %swap3A_349 = vector.shape_cast %add3A_341 : vector<16xf32> to vector<1x1x16xf32>
          tpu.vector_store %arg7[%swap3A_344, %swap3A_345, %swap3A_346], %swap3A_349 {strides = array<i32>} : memref<2x8x1024xf32, #tpu.memory_space<vmem>>, vector<1x1x16xf32>,
          %mul3A_350 = arith.constant 8 : i32
          %mul3A_351 = arith.muli %scan3A_222, %mul3A_350 : i32
          %add3A_352 = arith.constant 3 : i32
          %add3A_353 = arith.addi %mul3A_351, %add3A_352 : i32
          %mul3A_354 = arith.constant 16 : i32
          %mul3A_355 = arith.muli %add3A_353, %mul3A_354 : i32
          %get3A_356 = arith.constant 4 : i32
          %get3A_357 = arith.index_cast %get3A_356 : i32 to index
          %get3A_358 = arith.index_cast %mul3A_355 : i32 to index
          %get3A_359 = tpu.vector_load %arg5[%get3A_357, %get3A_358] {strides = array<i32>} : memref<8x1024xf32, #tpu.memory_space<vmem>>, vector<1x16xf32>,
          %get3A_360 = vector.shape_cast %get3A_359 : vector<1x16xf32> to vector<16xf32>
          %get3A_361 = arith.constant 0 : i32
          %get3A_362 = arith.constant 4 : i32
          %get3A_363 = arith.index_cast %get3A_361 : i32 to index
          %get3A_364 = arith.index_cast %get3A_362 : i32 to index
          %get3A_365 = arith.index_cast %mul3A_355 : i32 to index
          %get3A_366 = tpu.vector_load %arg6[%get3A_363, %get3A_364, %get3A_365] {strides = array<i32>} : memref<2x8x1024xf32, #tpu.memory_space<vmem>>, vector<1x1x16xf32>,
          %get3A_367 = vector.shape_cast %get3A_366 : vector<1x1x16xf32> to vector<16xf32>
          %add3A_368 = arith.addf %get3A_367, %get3A_360 : vector<16xf32>
          %swap3A_369 = arith.constant 0 : i32
          %swap3A_370 = arith.constant 4 : i32
          %swap3A_371 = arith.index_cast %swap3A_369 : i32 to index
          %swap3A_372 = arith.index_cast %swap3A_370 : i32 to index
          %swap3A_373 = arith.index_cast %mul3A_355 : i32 to index
          %swap3A_374 = tpu.vector_load %arg7[%swap3A_371, %swap3A_372, %swap3A_373] {strides = array<i32>} : memref<2x8x1024xf32, #tpu.memory_space<vmem>>, vector<1x1x16xf32>,
          %swap3A_375 = vector.shape_cast %swap3A_374 : vector<1x1x16xf32> to vector<16xf32>
          %swap3A_376 = vector.shape_cast %add3A_368 : vector<16xf32> to vector<1x1x16xf32>
          tpu.vector_store %arg7[%swap3A_371, %swap3A_372, %swap3A_373], %swap3A_376 {strides = array<i32>} : memref<2x8x1024xf32, #tpu.memory_space<vmem>>, vector<1x1x16xf32>,
          %get3A_377 = arith.constant 1 : i32
          %get3A_378 = arith.constant 4 : i32
          %get3A_379 = arith.index_cast %get3A_377 : i32 to index
          %get3A_380 = arith.index_cast %get3A_378 : i32 to index
          %get3A_381 = arith.index_cast %mul3A_355 : i32 to index
          %get3A_382 = tpu.vector_load %arg6[%get3A_379, %get3A_380, %get3A_381] {strides = array<i32>} : memref<2x8x1024xf32, #tpu.memory_space<vmem>>, vector<1x1x16xf32>,
          %get3A_383 = vector.shape_cast %get3A_382 : vector<1x1x16xf32> to vector<16xf32>
          %add3A_384 = arith.addf %get3A_383, %get3A_360 : vector<16xf32>
          %swap3A_385 = arith.constant 1 : i32
          %swap3A_386 = arith.constant 4 : i32
          %swap3A_387 = arith.index_cast %swap3A_385 : i32 to index
          %swap3A_388 = arith.index_cast %swap3A_386 : i32 to index
          %swap3A_389 = arith.index_cast %mul3A_355 : i32 to index
          %swap3A_390 = tpu.vector_load %arg7[%swap3A_387, %swap3A_388, %swap3A_389] {strides = array<i32>} : memref<2x8x1024xf32, #tpu.memory_space<vmem>>, vector<1x1x16xf32>,
          %swap3A_391 = vector.shape_cast %swap3A_390 : vector<1x1x16xf32> to vector<16xf32>
          %swap3A_392 = vector.shape_cast %add3A_384 : vector<16xf32> to vector<1x1x16xf32>
          tpu.vector_store %arg7[%swap3A_387, %swap3A_388, %swap3A_389], %swap3A_392 {strides = array<i32>} : memref<2x8x1024xf32, #tpu.memory_space<vmem>>, vector<1x1x16xf32>,
          %mul3A_393 = arith.constant 8 : i32
          %mul3A_394 = arith.muli %scan3A_222, %mul3A_393 : i32
          %add3A_395 = arith.constant 4 : i32
          %add3A_396 = arith.addi %mul3A_394, %add3A_395 : i32
          %mul3A_397 = arith.constant 16 : i32
          %mul3A_398 = arith.muli %add3A_396, %mul3A_397 : i32
          %get3A_399 = arith.constant 4 : i32
          %get3A_400 = arith.index_cast %get3A_399 : i32 to index
          %get3A_401 = arith.index_cast %mul3A_398 : i32 to index
          %get3A_402 = tpu.vector_load %arg5[%get3A_400, %get3A_401] {strides = array<i32>} : memref<8x1024xf32, #tpu.memory_space<vmem>>, vector<1x16xf32>,
          %get3A_403 = vector.shape_cast %get3A_402 : vector<1x16xf32> to vector<16xf32>
          %get3A_404 = arith.constant 0 : i32
          %get3A_405 = arith.constant 4 : i32
          %get3A_406 = arith.index_cast %get3A_404 : i32 to index
          %get3A_407 = arith.index_cast %get3A_405 : i32 to index
          %get3A_408 = arith.index_cast %mul3A_398 : i32 to index
          %get3A_409 = tpu.vector_load %arg6[%get3A_406, %get3A_407, %get3A_408] {strides = array<i32>} : memref<2x8x1024xf32, #tpu.memory_space<vmem>>, vector<1x1x16xf32>,
          %get3A_410 = vector.shape_cast %get3A_409 : vector<1x1x16xf32> to vector<16xf32>
          %add3A_411 = arith.addf %get3A_410, %get3A_403 : vector<16xf32>
          %swap3A_412 = arith.constant 0 : i32
          %swap3A_413 = arith.constant 4 : i32
          %swap3A_414 = arith.index_cast %swap3A_412 : i32 to index
          %swap3A_415 = arith.index_cast %swap3A_413 : i32 to index
          %swap3A_416 = arith.index_cast %mul3A_398 : i32 to index
          %swap3A_417 = tpu.vector_load %arg7[%swap3A_414, %swap3A_415, %swap3A_416] {strides = array<i32>} : memref<2x8x1024xf32, #tpu.memory_space<vmem>>, vector<1x1x16xf32>,
          %swap3A_418 = vector.shape_cast %swap3A_417 : vector<1x1x16xf32> to vector<16xf32>
          %swap3A_419 = vector.shape_cast %add3A_411 : vector<16xf32> to vector<1x1x16xf32>
          tpu.vector_store %arg7[%swap3A_414, %swap3A_415, %swap3A_416], %swap3A_419 {strides = array<i32>} : memref<2x8x1024xf32, #tpu.memory_space<vmem>>, vector<1x1x16xf32>,
          %get3A_420 = arith.constant 1 : i32
          %get3A_421 = arith.constant 4 : i32
          %get3A_422 = arith.index_cast %get3A_420 : i32 to index
          %get3A_423 = arith.index_cast %get3A_421 : i32 to index
          %get3A_424 = arith.index_cast %mul3A_398 : i32 to index
          %get3A_425 = tpu.vector_load %arg6[%get3A_422, %get3A_423, %get3A_424] {strides = array<i32>} : memref<2x8x1024xf32, #tpu.memory_space<vmem>>, vector<1x1x16xf32>,
          %get3A_426 = vector.shape_cast %get3A_425 : vector<1x1x16xf32> to vector<16xf32>
          %add3A_427 = arith.addf %get3A_426, %get3A_403 : vector<16xf32>
          %swap3A_428 = arith.constant 1 : i32
          %swap3A_429 = arith.constant 4 : i32
          %swap3A_430 = arith.index_cast %swap3A_428 : i32 to index
          %swap3A_431 = arith.index_cast %swap3A_429 : i32 to index
          %swap3A_432 = arith.index_cast %mul3A_398 : i32 to index
          %swap3A_433 = tpu.vector_load %arg7[%swap3A_430, %swap3A_431, %swap3A_432] {strides = array<i32>} : memref<2x8x1024xf32, #tpu.memory_space<vmem>>, vector<1x1x16xf32>,
          %swap3A_434 = vector.shape_cast %swap3A_433 : vector<1x1x16xf32> to vector<16xf32>
          %swap3A_435 = vector.shape_cast %add3A_427 : vector<16xf32> to vector<1x1x16xf32>
          tpu.vector_store %arg7[%swap3A_430, %swap3A_431, %swap3A_432], %swap3A_435 {strides = array<i32>} : memref<2x8x1024xf32, #tpu.memory_space<vmem>>, vector<1x1x16xf32>,
          %mul3A_436 = arith.constant 8 : i32
          %mul3A_437 = arith.muli %scan3A_222, %mul3A_436 : i32
          %add3A_438 = arith.constant 5 : i32
          %add3A_439 = arith.addi %mul3A_437, %add3A_438 : i32
          %mul3A_440 = arith.constant 16 : i32
          %mul3A_441 = arith.muli %add3A_439, %mul3A_440 : i32
          %get3A_442 = arith.constant 4 : i32
          %get3A_443 = arith.index_cast %get3A_442 : i32 to index
          %get3A_444 = arith.index_cast %mul3A_441 : i32 to index
          %get3A_445 = tpu.vector_load %arg5[%get3A_443, %get3A_444] {strides = array<i32>} : memref<8x1024xf32, #tpu.memory_space<vmem>>, vector<1x16xf32>,
          %get3A_446 = vector.shape_cast %get3A_445 : vector<1x16xf32> to vector<16xf32>
          %get3A_447 = arith.constant 0 : i32
          %get3A_448 = arith.constant 4 : i32
          %get3A_449 = arith.index_cast %get3A_447 : i32 to index
          %get3A_450 = arith.index_cast %get3A_448 : i32 to index
          %get3A_451 = arith.index_cast %mul3A_441 : i32 to index
          %get3A_452 = tpu.vector_load %arg6[%get3A_449, %get3A_450, %get3A_451] {strides = array<i32>} : memref<2x8x1024xf32, #tpu.memory_space<vmem>>, vector<1x1x16xf32>,
          %get3A_453 = vector.shape_cast %get3A_452 : vector<1x1x16xf32> to vector<16xf32>
          %add3A_454 = arith.addf %get3A_453, %get3A_446 : vector<16xf32>
          %swap3A_455 = arith.constant 0 : i32
          %swap3A_456 = arith.constant 4 : i32
          %swap3A_457 = arith.index_cast %swap3A_455 : i32 to index
          %swap3A_458 = arith.index_cast %swap3A_456 : i32 to index
          %swap3A_459 = arith.index_cast %mul3A_441 : i32 to index
          %swap3A_460 = tpu.vector_load %arg7[%swap3A_457, %swap3A_458, %swap3A_459] {strides = array<i32>} : memref<2x8x1024xf32, #tpu.memory_space<vmem>>, vector<1x1x16xf32>,
          %swap3A_461 = vector.shape_cast %swap3A_460 : vector<1x1x16xf32> to vector<16xf32>
          %swap3A_462 = vector.shape_cast %add3A_454 : vector<16xf32> to vector<1x1x16xf32>
          tpu.vector_store %arg7[%swap3A_457, %swap3A_458, %swap3A_459], %swap3A_462 {strides = array<i32>} : memref<2x8x1024xf32, #tpu.memory_space<vmem>>, vector<1x1x16xf32>,
          %get3A_463 = arith.constant 1 : i32
          %get3A_464 = arith.constant 4 : i32
          %get3A_465 = arith.index_cast %get3A_463 : i32 to index
          %get3A_466 = arith.index_cast %get3A_464 : i32 to index
          %get3A_467 = arith.index_cast %mul3A_441 : i32 to index
          %get3A_468 = tpu.vector_load %arg6[%get3A_465, %get3A_466, %get3A_467] {strides = array<i32>} : memref<2x8x1024xf32, #tpu.memory_space<vmem>>, vector<1x1x16xf32>,
          %get3A_469 = vector.shape_cast %get3A_468 : vector<1x1x16xf32> to vector<16xf32>
          %add3A_470 = arith.addf %get3A_469, %get3A_446 : vector<16xf32>
          %swap3A_471 = arith.constant 1 : i32
          %swap3A_472 = arith.constant 4 : i32
          %swap3A_473 = arith.index_cast %swap3A_471 : i32 to index
          %swap3A_474 = arith.index_cast %swap3A_472 : i32 to index
          %swap3A_475 = arith.index_cast %mul3A_441 : i32 to index
          %swap3A_476 = tpu.vector_load %arg7[%swap3A_473, %swap3A_474, %swap3A_475] {strides = array<i32>} : memref<2x8x1024xf32, #tpu.memory_space<vmem>>, vector<1x1x16xf32>,
          %swap3A_477 = vector.shape_cast %swap3A_476 : vector<1x1x16xf32> to vector<16xf32>
          %swap3A_478 = vector.shape_cast %add3A_470 : vector<16xf32> to vector<1x1x16xf32>
          tpu.vector_store %arg7[%swap3A_473, %swap3A_474, %swap3A_475], %swap3A_478 {strides = array<i32>} : memref<2x8x1024xf32, #tpu.memory_space<vmem>>, vector<1x1x16xf32>,
          %mul3A_479 = arith.constant 8 : i32
          %mul3A_480 = arith.muli %scan3A_222, %mul3A_479 : i32
          %add3A_481 = arith.constant 6 : i32
          %add3A_482 = arith.addi %mul3A_480, %add3A_481 : i32
          %mul3A_483 = arith.constant 16 : i32
          %mul3A_484 = arith.muli %add3A_482, %mul3A_483 : i32
          %get3A_485 = arith.constant 4 : i32
          %get3A_486 = arith.index_cast %get3A_485 : i32 to index
          %get3A_487 = arith.index_cast %mul3A_484 : i32 to index
          %get3A_488 = tpu.vector_load %arg5[%get3A_486, %get3A_487] {strides = array<i32>} : memref<8x1024xf32, #tpu.memory_space<vmem>>, vector<1x16xf32>,
          %get3A_489 = vector.shape_cast %get3A_488 : vector<1x16xf32> to vector<16xf32>
          %get3A_490 = arith.constant 0 : i32
          %get3A_491 = arith.constant 4 : i32
          %get3A_492 = arith.index_cast %get3A_490 : i32 to index
          %get3A_493 = arith.index_cast %get3A_491 : i32 to index
          %get3A_494 = arith.index_cast %mul3A_484 : i32 to index
          %get3A_495 = tpu.vector_load %arg6[%get3A_492, %get3A_493, %get3A_494] {strides = array<i32>} : memref<2x8x1024xf32, #tpu.memory_space<vmem>>, vector<1x1x16xf32>,
          %get3A_496 = vector.shape_cast %get3A_495 : vector<1x1x16xf32> to vector<16xf32>
          %add3A_497 = arith.addf %get3A_496, %get3A_489 : vector<16xf32>
          %swap3A_498 = arith.constant 0 : i32
          %swap3A_499 = arith.constant 4 : i32
          %swap3A_500 = arith.index_cast %swap3A_498 : i32 to index
          %swap3A_501 = arith.index_cast %swap3A_499 : i32 to index
          %swap3A_502 = arith.index_cast %mul3A_484 : i32 to index
          %swap3A_503 = tpu.vector_load %arg7[%swap3A_500, %swap3A_501, %swap3A_502] {strides = array<i32>} : memref<2x8x1024xf32, #tpu.memory_space<vmem>>, vector<1x1x16xf32>,
          %swap3A_504 = vector.shape_cast %swap3A_503 : vector<1x1x16xf32> to vector<16xf32>
          %swap3A_505 = vector.shape_cast %add3A_497 : vector<16xf32> to vector<1x1x16xf32>
          tpu.vector_store %arg7[%swap3A_500, %swap3A_501, %swap3A_502], %swap3A_505 {strides = array<i32>} : memref<2x8x1024xf32, #tpu.memory_space<vmem>>, vector<1x1x16xf32>,
          %get3A_506 = arith.constant 1 : i32
          %get3A_507 = arith.constant 4 : i32
          %get3A_508 = arith.index_cast %get3A_506 : i32 to index
          %get3A_509 = arith.index_cast %get3A_507 : i32 to index
          %get3A_510 = arith.index_cast %mul3A_484 : i32 to index
          %get3A_511 = tpu.vector_load %arg6[%get3A_508, %get3A_509, %get3A_510] {strides = array<i32>} : memref<2x8x1024xf32, #tpu.memory_space<vmem>>, vector<1x1x16xf32>,
          %get3A_512 = vector.shape_cast %get3A_511 : vector<1x1x16xf32> to vector<16xf32>
          %add3A_513 = arith.addf %get3A_512, %get3A_489 : vector<16xf32>
          %swap3A_514 = arith.constant 1 : i32
          %swap3A_515 = arith.constant 4 : i32
          %swap3A_516 = arith.index_cast %swap3A_514 : i32 to index
          %swap3A_517 = arith.index_cast %swap3A_515 : i32 to index
          %swap3A_518 = arith.index_cast %mul3A_484 : i32 to index
          %swap3A_519 = tpu.vector_load %arg7[%swap3A_516, %swap3A_517, %swap3A_518] {strides = array<i32>} : memref<2x8x1024xf32, #tpu.memory_space<vmem>>, vector<1x1x16xf32>,
          %swap3A_520 = vector.shape_cast %swap3A_519 : vector<1x1x16xf32> to vector<16xf32>
          %swap3A_521 = vector.shape_cast %add3A_513 : vector<16xf32> to vector<1x1x16xf32>
          tpu.vector_store %arg7[%swap3A_516, %swap3A_517, %swap3A_518], %swap3A_521 {strides = array<i32>} : memref<2x8x1024xf32, #tpu.memory_space<vmem>>, vector<1x1x16xf32>,
          %mul3A_522 = arith.constant 8 : i32
          %mul3A_523 = arith.muli %scan3A_222, %mul3A_522 : i32
          %add3A_524 = arith.constant 7 : i32
          %add3A_525 = arith.addi %mul3A_523, %add3A_524 : i32
          %mul3A_526 = arith.constant 16 : i32
          %mul3A_527 = arith.muli %add3A_525, %mul3A_526 : i32
          %get3A_528 = arith.constant 4 : i32
          %get3A_529 = arith.index_cast %get3A_528 : i32 to index
          %get3A_530 = arith.index_cast %mul3A_527 : i32 to index
          %get3A_531 = tpu.vector_load %arg5[%get3A_529, %get3A_530] {strides = array<i32>} : memref<8x1024xf32, #tpu.memory_space<vmem>>, vector<1x16xf32>,
          %get3A_532 = vector.shape_cast %get3A_531 : vector<1x16xf32> to vector<16xf32>
          %get3A_533 = arith.constant 0 : i32
          %get3A_534 = arith.constant 4 : i32
          %get3A_535 = arith.index_cast %get3A_533 : i32 to index
          %get3A_536 = arith.index_cast %get3A_534 : i32 to index
          %get3A_537 = arith.index_cast %mul3A_527 : i32 to index
          %get3A_538 = tpu.vector_load %arg6[%get3A_535, %get3A_536, %get3A_537] {strides = array<i32>} : memref<2x8x1024xf32, #tpu.memory_space<vmem>>, vector<1x1x16xf32>,
          %get3A_539 = vector.shape_cast %get3A_538 : vector<1x1x16xf32> to vector<16xf32>
          %add3A_540 = arith.addf %get3A_539, %get3A_532 : vector<16xf32>
          %swap3A_541 = arith.constant 0 : i32
          %swap3A_542 = arith.constant 4 : i32
          %swap3A_543 = arith.index_cast %swap3A_541 : i32 to index
          %swap3A_544 = arith.index_cast %swap3A_542 : i32 to index
          %swap3A_545 = arith.index_cast %mul3A_527 : i32 to index
          %swap3A_546 = tpu.vector_load %arg7[%swap3A_543, %swap3A_544, %swap3A_545] {strides = array<i32>} : memref<2x8x1024xf32, #tpu.memory_space<vmem>>, vector<1x1x16xf32>,
          %swap3A_547 = vector.shape_cast %swap3A_546 : vector<1x1x16xf32> to vector<16xf32>
          %swap3A_548 = vector.shape_cast %add3A_540 : vector<16xf32> to vector<1x1x16xf32>
          tpu.vector_store %arg7[%swap3A_543, %swap3A_544, %swap3A_545], %swap3A_548 {strides = array<i32>} : memref<2x8x1024xf32, #tpu.memory_space<vmem>>, vector<1x1x16xf32>,
          %get3A_549 = arith.constant 1 : i32
          %get3A_550 = arith.constant 4 : i32
          %get3A_551 = arith.index_cast %get3A_549 : i32 to index
          %get3A_552 = arith.index_cast %get3A_550 : i32 to index
          %get3A_553 = arith.index_cast %mul3A_527 : i32 to index
          %get3A_554 = tpu.vector_load %arg6[%get3A_551, %get3A_552, %get3A_553] {strides = array<i32>} : memref<2x8x1024xf32, #tpu.memory_space<vmem>>, vector<1x1x16xf32>,
          %get3A_555 = vector.shape_cast %get3A_554 : vector<1x1x16xf32> to vector<16xf32>
          %add3A_556 = arith.addf %get3A_555, %get3A_532 : vector<16xf32>
          %swap3A_557 = arith.constant 1 : i32
          %swap3A_558 = arith.constant 4 : i32
          %swap3A_559 = arith.index_cast %swap3A_557 : i32 to index
          %swap3A_560 = arith.index_cast %swap3A_558 : i32 to index
          %swap3A_561 = arith.index_cast %mul3A_527 : i32 to index
          %swap3A_562 = tpu.vector_load %arg7[%swap3A_559, %swap3A_560, %swap3A_561] {strides = array<i32>} : memref<2x8x1024xf32, #tpu.memory_space<vmem>>, vector<1x1x16xf32>,
          %swap3A_563 = vector.shape_cast %swap3A_562 : vector<1x1x16xf32> to vector<16xf32>
          %swap3A_564 = vector.shape_cast %add3A_556 : vector<16xf32> to vector<1x1x16xf32>
          tpu.vector_store %arg7[%swap3A_559, %swap3A_560, %swap3A_561], %swap3A_564 {strides = array<i32>} : memref<2x8x1024xf32, #tpu.memory_space<vmem>>, vector<1x1x16xf32>,
        }
        %scan3A_158 = arith.constant 8 : i32
        %scan3A_159 = arith.constant 0 : i32
        %scan3A_160 = arith.constant 0 : i32
        %scan3A_161 = arith.constant 8 : i32
        %scan3A_162 = arith.addi %scan3A_160, %scan3A_161 : i32
        %scan3A_163 = arith.constant 1 : i32
        scf.for %scan3A_222 = %scan3A_160 to %scan3A_162 step %scan3A_163  : i32 {
          %mul3A_223 = arith.constant 8 : i32
          %mul3A_224 = arith.muli %scan3A_222, %mul3A_223 : i32
          %add3A_225 = arith.constant 0 : i32
          %add3A_226 = arith.addi %mul3A_224, %add3A_225 : i32
          %mul3A_227 = arith.constant 16 : i32
          %mul3A_228 = arith.muli %add3A_226, %mul3A_227 : i32
          %get3A = arith.constant 5 : i32
          %get3A_229 = arith.index_cast %get3A : i32 to index
          %get3A_230 = arith.index_cast %mul3A_228 : i32 to index
          %get3A_231 = tpu.vector_load %arg5[%get3A_229, %get3A_230] {strides = array<i32>} : memref<8x1024xf32, #tpu.memory_space<vmem>>, vector<1x16xf32>,
          %get3A_232 = vector.shape_cast %get3A_231 : vector<1x16xf32> to vector<16xf32>
          %get3A_233 = arith.constant 0 : i32
          %get3A_234 = arith.constant 5 : i32
          %get3A_235 = arith.index_cast %get3A_233 : i32 to index
          %get3A_236 = arith.index_cast %get3A_234 : i32 to index
          %get3A_237 = arith.index_cast %mul3A_228 : i32 to index
          %get3A_238 = tpu.vector_load %arg6[%get3A_235, %get3A_236, %get3A_237] {strides = array<i32>} : memref<2x8x1024xf32, #tpu.memory_space<vmem>>, vector<1x1x16xf32>,
          %get3A_239 = vector.shape_cast %get3A_238 : vector<1x1x16xf32> to vector<16xf32>
          %add3A_240 = arith.addf %get3A_239, %get3A_232 : vector<16xf32>
          %swap3A = arith.constant 0 : i32
          %swap3A_241 = arith.constant 5 : i32
          %swap3A_242 = arith.index_cast %swap3A : i32 to index
          %swap3A_243 = arith.index_cast %swap3A_241 : i32 to index
          %swap3A_244 = arith.index_cast %mul3A_228 : i32 to index
          %swap3A_245 = tpu.vector_load %arg7[%swap3A_242, %swap3A_243, %swap3A_244] {strides = array<i32>} : memref<2x8x1024xf32, #tpu.memory_space<vmem>>, vector<1x1x16xf32>,
          %swap3A_246 = vector.shape_cast %swap3A_245 : vector<1x1x16xf32> to vector<16xf32>
          %swap3A_247 = vector.shape_cast %add3A_240 : vector<16xf32> to vector<1x1x16xf32>
          tpu.vector_store %arg7[%swap3A_242, %swap3A_243, %swap3A_244], %swap3A_247 {strides = array<i32>} : memref<2x8x1024xf32, #tpu.memory_space<vmem>>, vector<1x1x16xf32>,
          %get3A_248 = arith.constant 1 : i32
          %get3A_249 = arith.constant 5 : i32
          %get3A_250 = arith.index_cast %get3A_248 : i32 to index
          %get3A_251 = arith.index_cast %get3A_249 : i32 to index
          %get3A_252 = arith.index_cast %mul3A_228 : i32 to index
          %get3A_253 = tpu.vector_load %arg6[%get3A_250, %get3A_251, %get3A_252] {strides = array<i32>} : memref<2x8x1024xf32, #tpu.memory_space<vmem>>, vector<1x1x16xf32>,
          %get3A_254 = vector.shape_cast %get3A_253 : vector<1x1x16xf32> to vector<16xf32>
          %add3A_255 = arith.addf %get3A_254, %get3A_232 : vector<16xf32>
          %swap3A_256 = arith.constant 1 : i32
          %swap3A_257 = arith.constant 5 : i32
          %swap3A_258 = arith.index_cast %swap3A_256 : i32 to index
          %swap3A_259 = arith.index_cast %swap3A_257 : i32 to index
          %swap3A_260 = arith.index_cast %mul3A_228 : i32 to index
          %swap3A_261 = tpu.vector_load %arg7[%swap3A_258, %swap3A_259, %swap3A_260] {strides = array<i32>} : memref<2x8x1024xf32, #tpu.memory_space<vmem>>, vector<1x1x16xf32>,
          %swap3A_262 = vector.shape_cast %swap3A_261 : vector<1x1x16xf32> to vector<16xf32>
          %swap3A_263 = vector.shape_cast %add3A_255 : vector<16xf32> to vector<1x1x16xf32>
          tpu.vector_store %arg7[%swap3A_258, %swap3A_259, %swap3A_260], %swap3A_263 {strides = array<i32>} : memref<2x8x1024xf32, #tpu.memory_space<vmem>>, vector<1x1x16xf32>,
          %mul3A_264 = arith.constant 8 : i32
          %mul3A_265 = arith.muli %scan3A_222, %mul3A_264 : i32
          %add3A_266 = arith.constant 1 : i32
          %add3A_267 = arith.addi %mul3A_265, %add3A_266 : i32
          %mul3A_268 = arith.constant 16 : i32
          %mul3A_269 = arith.muli %add3A_267, %mul3A_268 : i32
          %get3A_270 = arith.constant 5 : i32
          %get3A_271 = arith.index_cast %get3A_270 : i32 to index
          %get3A_272 = arith.index_cast %mul3A_269 : i32 to index
          %get3A_273 = tpu.vector_load %arg5[%get3A_271, %get3A_272] {strides = array<i32>} : memref<8x1024xf32, #tpu.memory_space<vmem>>, vector<1x16xf32>,
          %get3A_274 = vector.shape_cast %get3A_273 : vector<1x16xf32> to vector<16xf32>
          %get3A_275 = arith.constant 0 : i32
          %get3A_276 = arith.constant 5 : i32
          %get3A_277 = arith.index_cast %get3A_275 : i32 to index
          %get3A_278 = arith.index_cast %get3A_276 : i32 to index
          %get3A_279 = arith.index_cast %mul3A_269 : i32 to index
          %get3A_280 = tpu.vector_load %arg6[%get3A_277, %get3A_278, %get3A_279] {strides = array<i32>} : memref<2x8x1024xf32, #tpu.memory_space<vmem>>, vector<1x1x16xf32>,
          %get3A_281 = vector.shape_cast %get3A_280 : vector<1x1x16xf32> to vector<16xf32>
          %add3A_282 = arith.addf %get3A_281, %get3A_274 : vector<16xf32>
          %swap3A_283 = arith.constant 0 : i32
          %swap3A_284 = arith.constant 5 : i32
          %swap3A_285 = arith.index_cast %swap3A_283 : i32 to index
          %swap3A_286 = arith.index_cast %swap3A_284 : i32 to index
          %swap3A_287 = arith.index_cast %mul3A_269 : i32 to index
          %swap3A_288 = tpu.vector_load %arg7[%swap3A_285, %swap3A_286, %swap3A_287] {strides = array<i32>} : memref<2x8x1024xf32, #tpu.memory_space<vmem>>, vector<1x1x16xf32>,
          %swap3A_289 = vector.shape_cast %swap3A_288 : vector<1x1x16xf32> to vector<16xf32>
          %swap3A_290 = vector.shape_cast %add3A_282 : vector<16xf32> to vector<1x1x16xf32>
          tpu.vector_store %arg7[%swap3A_285, %swap3A_286, %swap3A_287], %swap3A_290 {strides = array<i32>} : memref<2x8x1024xf32, #tpu.memory_space<vmem>>, vector<1x1x16xf32>,
          %get3A_291 = arith.constant 1 : i32
          %get3A_292 = arith.constant 5 : i32
          %get3A_293 = arith.index_cast %get3A_291 : i32 to index
          %get3A_294 = arith.index_cast %get3A_292 : i32 to index
          %get3A_295 = arith.index_cast %mul3A_269 : i32 to index
          %get3A_296 = tpu.vector_load %arg6[%get3A_293, %get3A_294, %get3A_295] {strides = array<i32>} : memref<2x8x1024xf32, #tpu.memory_space<vmem>>, vector<1x1x16xf32>,
          %get3A_297 = vector.shape_cast %get3A_296 : vector<1x1x16xf32> to vector<16xf32>
          %add3A_298 = arith.addf %get3A_297, %get3A_274 : vector<16xf32>
          %swap3A_299 = arith.constant 1 : i32
          %swap3A_300 = arith.constant 5 : i32
          %swap3A_301 = arith.index_cast %swap3A_299 : i32 to index
          %swap3A_302 = arith.index_cast %swap3A_300 : i32 to index
          %swap3A_303 = arith.index_cast %mul3A_269 : i32 to index
          %swap3A_304 = tpu.vector_load %arg7[%swap3A_301, %swap3A_302, %swap3A_303] {strides = array<i32>} : memref<2x8x1024xf32, #tpu.memory_space<vmem>>, vector<1x1x16xf32>,
          %swap3A_305 = vector.shape_cast %swap3A_304 : vector<1x1x16xf32> to vector<16xf32>
          %swap3A_306 = vector.shape_cast %add3A_298 : vector<16xf32> to vector<1x1x16xf32>
          tpu.vector_store %arg7[%swap3A_301, %swap3A_302, %swap3A_303], %swap3A_306 {strides = array<i32>} : memref<2x8x1024xf32, #tpu.memory_space<vmem>>, vector<1x1x16xf32>,
          %mul3A_307 = arith.constant 8 : i32
          %mul3A_308 = arith.muli %scan3A_222, %mul3A_307 : i32
          %add3A_309 = arith.constant 2 : i32
          %add3A_310 = arith.addi %mul3A_308, %add3A_309 : i32
          %mul3A_311 = arith.constant 16 : i32
          %mul3A_312 = arith.muli %add3A_310, %mul3A_311 : i32
          %get3A_313 = arith.constant 5 : i32
          %get3A_314 = arith.index_cast %get3A_313 : i32 to index
          %get3A_315 = arith.index_cast %mul3A_312 : i32 to index
          %get3A_316 = tpu.vector_load %arg5[%get3A_314, %get3A_315] {strides = array<i32>} : memref<8x1024xf32, #tpu.memory_space<vmem>>, vector<1x16xf32>,
          %get3A_317 = vector.shape_cast %get3A_316 : vector<1x16xf32> to vector<16xf32>
          %get3A_318 = arith.constant 0 : i32
          %get3A_319 = arith.constant 5 : i32
          %get3A_320 = arith.index_cast %get3A_318 : i32 to index
          %get3A_321 = arith.index_cast %get3A_319 : i32 to index
          %get3A_322 = arith.index_cast %mul3A_312 : i32 to index
          %get3A_323 = tpu.vector_load %arg6[%get3A_320, %get3A_321, %get3A_322] {strides = array<i32>} : memref<2x8x1024xf32, #tpu.memory_space<vmem>>, vector<1x1x16xf32>,
          %get3A_324 = vector.shape_cast %get3A_323 : vector<1x1x16xf32> to vector<16xf32>
          %add3A_325 = arith.addf %get3A_324, %get3A_317 : vector<16xf32>
          %swap3A_326 = arith.constant 0 : i32
          %swap3A_327 = arith.constant 5 : i32
          %swap3A_328 = arith.index_cast %swap3A_326 : i32 to index
          %swap3A_329 = arith.index_cast %swap3A_327 : i32 to index
          %swap3A_330 = arith.index_cast %mul3A_312 : i32 to index
          %swap3A_331 = tpu.vector_load %arg7[%swap3A_328, %swap3A_329, %swap3A_330] {strides = array<i32>} : memref<2x8x1024xf32, #tpu.memory_space<vmem>>, vector<1x1x16xf32>,
          %swap3A_332 = vector.shape_cast %swap3A_331 : vector<1x1x16xf32> to vector<16xf32>
          %swap3A_333 = vector.shape_cast %add3A_325 : vector<16xf32> to vector<1x1x16xf32>
          tpu.vector_store %arg7[%swap3A_328, %swap3A_329, %swap3A_330], %swap3A_333 {strides = array<i32>} : memref<2x8x1024xf32, #tpu.memory_space<vmem>>, vector<1x1x16xf32>,
          %get3A_334 = arith.constant 1 : i32
          %get3A_335 = arith.constant 5 : i32
          %get3A_336 = arith.index_cast %get3A_334 : i32 to index
          %get3A_337 = arith.index_cast %get3A_335 : i32 to index
          %get3A_338 = arith.index_cast %mul3A_312 : i32 to index
          %get3A_339 = tpu.vector_load %arg6[%get3A_336, %get3A_337, %get3A_338] {strides = array<i32>} : memref<2x8x1024xf32, #tpu.memory_space<vmem>>, vector<1x1x16xf32>,
          %get3A_340 = vector.shape_cast %get3A_339 : vector<1x1x16xf32> to vector<16xf32>
          %add3A_341 = arith.addf %get3A_340, %get3A_317 : vector<16xf32>
          %swap3A_342 = arith.constant 1 : i32
          %swap3A_343 = arith.constant 5 : i32
          %swap3A_344 = arith.index_cast %swap3A_342 : i32 to index
          %swap3A_345 = arith.index_cast %swap3A_343 : i32 to index
          %swap3A_346 = arith.index_cast %mul3A_312 : i32 to index
          %swap3A_347 = tpu.vector_load %arg7[%swap3A_344, %swap3A_345, %swap3A_346] {strides = array<i32>} : memref<2x8x1024xf32, #tpu.memory_space<vmem>>, vector<1x1x16xf32>,
          %swap3A_348 = vector.shape_cast %swap3A_347 : vector<1x1x16xf32> to vector<16xf32>
          %swap3A_349 = vector.shape_cast %add3A_341 : vector<16xf32> to vector<1x1x16xf32>
          tpu.vector_store %arg7[%swap3A_344, %swap3A_345, %swap3A_346], %swap3A_349 {strides = array<i32>} : memref<2x8x1024xf32, #tpu.memory_space<vmem>>, vector<1x1x16xf32>,
          %mul3A_350 = arith.constant 8 : i32
          %mul3A_351 = arith.muli %scan3A_222, %mul3A_350 : i32
          %add3A_352 = arith.constant 3 : i32
          %add3A_353 = arith.addi %mul3A_351, %add3A_352 : i32
          %mul3A_354 = arith.constant 16 : i32
          %mul3A_355 = arith.muli %add3A_353, %mul3A_354 : i32
          %get3A_356 = arith.constant 5 : i32
          %get3A_357 = arith.index_cast %get3A_356 : i32 to index
          %get3A_358 = arith.index_cast %mul3A_355 : i32 to index
          %get3A_359 = tpu.vector_load %arg5[%get3A_357, %get3A_358] {strides = array<i32>} : memref<8x1024xf32, #tpu.memory_space<vmem>>, vector<1x16xf32>,
          %get3A_360 = vector.shape_cast %get3A_359 : vector<1x16xf32> to vector<16xf32>
          %get3A_361 = arith.constant 0 : i32
          %get3A_362 = arith.constant 5 : i32
          %get3A_363 = arith.index_cast %get3A_361 : i32 to index
          %get3A_364 = arith.index_cast %get3A_362 : i32 to index
          %get3A_365 = arith.index_cast %mul3A_355 : i32 to index
          %get3A_366 = tpu.vector_load %arg6[%get3A_363, %get3A_364, %get3A_365] {strides = array<i32>} : memref<2x8x1024xf32, #tpu.memory_space<vmem>>, vector<1x1x16xf32>,
          %get3A_367 = vector.shape_cast %get3A_366 : vector<1x1x16xf32> to vector<16xf32>
          %add3A_368 = arith.addf %get3A_367, %get3A_360 : vector<16xf32>
          %swap3A_369 = arith.constant 0 : i32
          %swap3A_370 = arith.constant 5 : i32
          %swap3A_371 = arith.index_cast %swap3A_369 : i32 to index
          %swap3A_372 = arith.index_cast %swap3A_370 : i32 to index
          %swap3A_373 = arith.index_cast %mul3A_355 : i32 to index
          %swap3A_374 = tpu.vector_load %arg7[%swap3A_371, %swap3A_372, %swap3A_373] {strides = array<i32>} : memref<2x8x1024xf32, #tpu.memory_space<vmem>>, vector<1x1x16xf32>,
          %swap3A_375 = vector.shape_cast %swap3A_374 : vector<1x1x16xf32> to vector<16xf32>
          %swap3A_376 = vector.shape_cast %add3A_368 : vector<16xf32> to vector<1x1x16xf32>
          tpu.vector_store %arg7[%swap3A_371, %swap3A_372, %swap3A_373], %swap3A_376 {strides = array<i32>} : memref<2x8x1024xf32, #tpu.memory_space<vmem>>, vector<1x1x16xf32>,
          %get3A_377 = arith.constant 1 : i32
          %get3A_378 = arith.constant 5 : i32
          %get3A_379 = arith.index_cast %get3A_377 : i32 to index
          %get3A_380 = arith.index_cast %get3A_378 : i32 to index
          %get3A_381 = arith.index_cast %mul3A_355 : i32 to index
          %get3A_382 = tpu.vector_load %arg6[%get3A_379, %get3A_380, %get3A_381] {strides = array<i32>} : memref<2x8x1024xf32, #tpu.memory_space<vmem>>, vector<1x1x16xf32>,
          %get3A_383 = vector.shape_cast %get3A_382 : vector<1x1x16xf32> to vector<16xf32>
          %add3A_384 = arith.addf %get3A_383, %get3A_360 : vector<16xf32>
          %swap3A_385 = arith.constant 1 : i32
          %swap3A_386 = arith.constant 5 : i32
          %swap3A_387 = arith.index_cast %swap3A_385 : i32 to index
          %swap3A_388 = arith.index_cast %swap3A_386 : i32 to index
          %swap3A_389 = arith.index_cast %mul3A_355 : i32 to index
          %swap3A_390 = tpu.vector_load %arg7[%swap3A_387, %swap3A_388, %swap3A_389] {strides = array<i32>} : memref<2x8x1024xf32, #tpu.memory_space<vmem>>, vector<1x1x16xf32>,
          %swap3A_391 = vector.shape_cast %swap3A_390 : vector<1x1x16xf32> to vector<16xf32>
          %swap3A_392 = vector.shape_cast %add3A_384 : vector<16xf32> to vector<1x1x16xf32>
          tpu.vector_store %arg7[%swap3A_387, %swap3A_388, %swap3A_389], %swap3A_392 {strides = array<i32>} : memref<2x8x1024xf32, #tpu.memory_space<vmem>>, vector<1x1x16xf32>,
          %mul3A_393 = arith.constant 8 : i32
          %mul3A_394 = arith.muli %scan3A_222, %mul3A_393 : i32
          %add3A_395 = arith.constant 4 : i32
          %add3A_396 = arith.addi %mul3A_394, %add3A_395 : i32
          %mul3A_397 = arith.constant 16 : i32
          %mul3A_398 = arith.muli %add3A_396, %mul3A_397 : i32
          %get3A_399 = arith.constant 5 : i32
          %get3A_400 = arith.index_cast %get3A_399 : i32 to index
          %get3A_401 = arith.index_cast %mul3A_398 : i32 to index
          %get3A_402 = tpu.vector_load %arg5[%get3A_400, %get3A_401] {strides = array<i32>} : memref<8x1024xf32, #tpu.memory_space<vmem>>, vector<1x16xf32>,
          %get3A_403 = vector.shape_cast %get3A_402 : vector<1x16xf32> to vector<16xf32>
          %get3A_404 = arith.constant 0 : i32
          %get3A_405 = arith.constant 5 : i32
          %get3A_406 = arith.index_cast %get3A_404 : i32 to index
          %get3A_407 = arith.index_cast %get3A_405 : i32 to index
          %get3A_408 = arith.index_cast %mul3A_398 : i32 to index
          %get3A_409 = tpu.vector_load %arg6[%get3A_406, %get3A_407, %get3A_408] {strides = array<i32>} : memref<2x8x1024xf32, #tpu.memory_space<vmem>>, vector<1x1x16xf32>,
          %get3A_410 = vector.shape_cast %get3A_409 : vector<1x1x16xf32> to vector<16xf32>
          %add3A_411 = arith.addf %get3A_410, %get3A_403 : vector<16xf32>
          %swap3A_412 = arith.constant 0 : i32
          %swap3A_413 = arith.constant 5 : i32
          %swap3A_414 = arith.index_cast %swap3A_412 : i32 to index
          %swap3A_415 = arith.index_cast %swap3A_413 : i32 to index
          %swap3A_416 = arith.index_cast %mul3A_398 : i32 to index
          %swap3A_417 = tpu.vector_load %arg7[%swap3A_414, %swap3A_415, %swap3A_416] {strides = array<i32>} : memref<2x8x1024xf32, #tpu.memory_space<vmem>>, vector<1x1x16xf32>,
          %swap3A_418 = vector.shape_cast %swap3A_417 : vector<1x1x16xf32> to vector<16xf32>
          %swap3A_419 = vector.shape_cast %add3A_411 : vector<16xf32> to vector<1x1x16xf32>
          tpu.vector_store %arg7[%swap3A_414, %swap3A_415, %swap3A_416], %swap3A_419 {strides = array<i32>} : memref<2x8x1024xf32, #tpu.memory_space<vmem>>, vector<1x1x16xf32>,
          %get3A_420 = arith.constant 1 : i32
          %get3A_421 = arith.constant 5 : i32
          %get3A_422 = arith.index_cast %get3A_420 : i32 to index
          %get3A_423 = arith.index_cast %get3A_421 : i32 to index
          %get3A_424 = arith.index_cast %mul3A_398 : i32 to index
          %get3A_425 = tpu.vector_load %arg6[%get3A_422, %get3A_423, %get3A_424] {strides = array<i32>} : memref<2x8x1024xf32, #tpu.memory_space<vmem>>, vector<1x1x16xf32>,
          %get3A_426 = vector.shape_cast %get3A_425 : vector<1x1x16xf32> to vector<16xf32>
          %add3A_427 = arith.addf %get3A_426, %get3A_403 : vector<16xf32>
          %swap3A_428 = arith.constant 1 : i32
          %swap3A_429 = arith.constant 5 : i32
          %swap3A_430 = arith.index_cast %swap3A_428 : i32 to index
          %swap3A_431 = arith.index_cast %swap3A_429 : i32 to index
          %swap3A_432 = arith.index_cast %mul3A_398 : i32 to index
          %swap3A_433 = tpu.vector_load %arg7[%swap3A_430, %swap3A_431, %swap3A_432] {strides = array<i32>} : memref<2x8x1024xf32, #tpu.memory_space<vmem>>, vector<1x1x16xf32>,
          %swap3A_434 = vector.shape_cast %swap3A_433 : vector<1x1x16xf32> to vector<16xf32>
          %swap3A_435 = vector.shape_cast %add3A_427 : vector<16xf32> to vector<1x1x16xf32>
          tpu.vector_store %arg7[%swap3A_430, %swap3A_431, %swap3A_432], %swap3A_435 {strides = array<i32>} : memref<2x8x1024xf32, #tpu.memory_space<vmem>>, vector<1x1x16xf32>,
          %mul3A_436 = arith.constant 8 : i32
          %mul3A_437 = arith.muli %scan3A_222, %mul3A_436 : i32
          %add3A_438 = arith.constant 5 : i32
          %add3A_439 = arith.addi %mul3A_437, %add3A_438 : i32
          %mul3A_440 = arith.constant 16 : i32
          %mul3A_441 = arith.muli %add3A_439, %mul3A_440 : i32
          %get3A_442 = arith.constant 5 : i32
          %get3A_443 = arith.index_cast %get3A_442 : i32 to index
          %get3A_444 = arith.index_cast %mul3A_441 : i32 to index
          %get3A_445 = tpu.vector_load %arg5[%get3A_443, %get3A_444] {strides = array<i32>} : memref<8x1024xf32, #tpu.memory_space<vmem>>, vector<1x16xf32>,
          %get3A_446 = vector.shape_cast %get3A_445 : vector<1x16xf32> to vector<16xf32>
          %get3A_447 = arith.constant 0 : i32
          %get3A_448 = arith.constant 5 : i32
          %get3A_449 = arith.index_cast %get3A_447 : i32 to index
          %get3A_450 = arith.index_cast %get3A_448 : i32 to index
          %get3A_451 = arith.index_cast %mul3A_441 : i32 to index
          %get3A_452 = tpu.vector_load %arg6[%get3A_449, %get3A_450, %get3A_451] {strides = array<i32>} : memref<2x8x1024xf32, #tpu.memory_space<vmem>>, vector<1x1x16xf32>,
          %get3A_453 = vector.shape_cast %get3A_452 : vector<1x1x16xf32> to vector<16xf32>
          %add3A_454 = arith.addf %get3A_453, %get3A_446 : vector<16xf32>
          %swap3A_455 = arith.constant 0 : i32
          %swap3A_456 = arith.constant 5 : i32
          %swap3A_457 = arith.index_cast %swap3A_455 : i32 to index
          %swap3A_458 = arith.index_cast %swap3A_456 : i32 to index
          %swap3A_459 = arith.index_cast %mul3A_441 : i32 to index
          %swap3A_460 = tpu.vector_load %arg7[%swap3A_457, %swap3A_458, %swap3A_459] {strides = array<i32>} : memref<2x8x1024xf32, #tpu.memory_space<vmem>>, vector<1x1x16xf32>,
          %swap3A_461 = vector.shape_cast %swap3A_460 : vector<1x1x16xf32> to vector<16xf32>
          %swap3A_462 = vector.shape_cast %add3A_454 : vector<16xf32> to vector<1x1x16xf32>
          tpu.vector_store %arg7[%swap3A_457, %swap3A_458, %swap3A_459], %swap3A_462 {strides = array<i32>} : memref<2x8x1024xf32, #tpu.memory_space<vmem>>, vector<1x1x16xf32>,
          %get3A_463 = arith.constant 1 : i32
          %get3A_464 = arith.constant 5 : i32
          %get3A_465 = arith.index_cast %get3A_463 : i32 to index
          %get3A_466 = arith.index_cast %get3A_464 : i32 to index
          %get3A_467 = arith.index_cast %mul3A_441 : i32 to index
          %get3A_468 = tpu.vector_load %arg6[%get3A_465, %get3A_466, %get3A_467] {strides = array<i32>} : memref<2x8x1024xf32, #tpu.memory_space<vmem>>, vector<1x1x16xf32>,
          %get3A_469 = vector.shape_cast %get3A_468 : vector<1x1x16xf32> to vector<16xf32>
          %add3A_470 = arith.addf %get3A_469, %get3A_446 : vector<16xf32>
          %swap3A_471 = arith.constant 1 : i32
          %swap3A_472 = arith.constant 5 : i32
          %swap3A_473 = arith.index_cast %swap3A_471 : i32 to index
          %swap3A_474 = arith.index_cast %swap3A_472 : i32 to index
          %swap3A_475 = arith.index_cast %mul3A_441 : i32 to index
          %swap3A_476 = tpu.vector_load %arg7[%swap3A_473, %swap3A_474, %swap3A_475] {strides = array<i32>} : memref<2x8x1024xf32, #tpu.memory_space<vmem>>, vector<1x1x16xf32>,
          %swap3A_477 = vector.shape_cast %swap3A_476 : vector<1x1x16xf32> to vector<16xf32>
          %swap3A_478 = vector.shape_cast %add3A_470 : vector<16xf32> to vector<1x1x16xf32>
          tpu.vector_store %arg7[%swap3A_473, %swap3A_474, %swap3A_475], %swap3A_478 {strides = array<i32>} : memref<2x8x1024xf32, #tpu.memory_space<vmem>>, vector<1x1x16xf32>,
          %mul3A_479 = arith.constant 8 : i32
          %mul3A_480 = arith.muli %scan3A_222, %mul3A_479 : i32
          %add3A_481 = arith.constant 6 : i32
          %add3A_482 = arith.addi %mul3A_480, %add3A_481 : i32
          %mul3A_483 = arith.constant 16 : i32
          %mul3A_484 = arith.muli %add3A_482, %mul3A_483 : i32
          %get3A_485 = arith.constant 5 : i32
          %get3A_486 = arith.index_cast %get3A_485 : i32 to index
          %get3A_487 = arith.index_cast %mul3A_484 : i32 to index
          %get3A_488 = tpu.vector_load %arg5[%get3A_486, %get3A_487] {strides = array<i32>} : memref<8x1024xf32, #tpu.memory_space<vmem>>, vector<1x16xf32>,
          %get3A_489 = vector.shape_cast %get3A_488 : vector<1x16xf32> to vector<16xf32>
          %get3A_490 = arith.constant 0 : i32
          %get3A_491 = arith.constant 5 : i32
          %get3A_492 = arith.index_cast %get3A_490 : i32 to index
          %get3A_493 = arith.index_cast %get3A_491 : i32 to index
          %get3A_494 = arith.index_cast %mul3A_484 : i32 to index
          %get3A_495 = tpu.vector_load %arg6[%get3A_492, %get3A_493, %get3A_494] {strides = array<i32>} : memref<2x8x1024xf32, #tpu.memory_space<vmem>>, vector<1x1x16xf32>,
          %get3A_496 = vector.shape_cast %get3A_495 : vector<1x1x16xf32> to vector<16xf32>
          %add3A_497 = arith.addf %get3A_496, %get3A_489 : vector<16xf32>
          %swap3A_498 = arith.constant 0 : i32
          %swap3A_499 = arith.constant 5 : i32
          %swap3A_500 = arith.index_cast %swap3A_498 : i32 to index
          %swap3A_501 = arith.index_cast %swap3A_499 : i32 to index
          %swap3A_502 = arith.index_cast %mul3A_484 : i32 to index
          %swap3A_503 = tpu.vector_load %arg7[%swap3A_500, %swap3A_501, %swap3A_502] {strides = array<i32>} : memref<2x8x1024xf32, #tpu.memory_space<vmem>>, vector<1x1x16xf32>,
          %swap3A_504 = vector.shape_cast %swap3A_503 : vector<1x1x16xf32> to vector<16xf32>
          %swap3A_505 = vector.shape_cast %add3A_497 : vector<16xf32> to vector<1x1x16xf32>
          tpu.vector_store %arg7[%swap3A_500, %swap3A_501, %swap3A_502], %swap3A_505 {strides = array<i32>} : memref<2x8x1024xf32, #tpu.memory_space<vmem>>, vector<1x1x16xf32>,
          %get3A_506 = arith.constant 1 : i32
          %get3A_507 = arith.constant 5 : i32
          %get3A_508 = arith.index_cast %get3A_506 : i32 to index
          %get3A_509 = arith.index_cast %get3A_507 : i32 to index
          %get3A_510 = arith.index_cast %mul3A_484 : i32 to index
          %get3A_511 = tpu.vector_load %arg6[%get3A_508, %get3A_509, %get3A_510] {strides = array<i32>} : memref<2x8x1024xf32, #tpu.memory_space<vmem>>, vector<1x1x16xf32>,
          %get3A_512 = vector.shape_cast %get3A_511 : vector<1x1x16xf32> to vector<16xf32>
          %add3A_513 = arith.addf %get3A_512, %get3A_489 : vector<16xf32>
          %swap3A_514 = arith.constant 1 : i32
          %swap3A_515 = arith.constant 5 : i32
          %swap3A_516 = arith.index_cast %swap3A_514 : i32 to index
          %swap3A_517 = arith.index_cast %swap3A_515 : i32 to index
          %swap3A_518 = arith.index_cast %mul3A_484 : i32 to index
          %swap3A_519 = tpu.vector_load %arg7[%swap3A_516, %swap3A_517, %swap3A_518] {strides = array<i32>} : memref<2x8x1024xf32, #tpu.memory_space<vmem>>, vector<1x1x16xf32>,
          %swap3A_520 = vector.shape_cast %swap3A_519 : vector<1x1x16xf32> to vector<16xf32>
          %swap3A_521 = vector.shape_cast %add3A_513 : vector<16xf32> to vector<1x1x16xf32>
          tpu.vector_store %arg7[%swap3A_516, %swap3A_517, %swap3A_518], %swap3A_521 {strides = array<i32>} : memref<2x8x1024xf32, #tpu.memory_space<vmem>>, vector<1x1x16xf32>,
          %mul3A_522 = arith.constant 8 : i32
          %mul3A_523 = arith.muli %scan3A_222, %mul3A_522 : i32
          %add3A_524 = arith.constant 7 : i32
          %add3A_525 = arith.addi %mul3A_523, %add3A_524 : i32
          %mul3A_526 = arith.constant 16 : i32
          %mul3A_527 = arith.muli %add3A_525, %mul3A_526 : i32
          %get3A_528 = arith.constant 5 : i32
          %get3A_529 = arith.index_cast %get3A_528 : i32 to index
          %get3A_530 = arith.index_cast %mul3A_527 : i32 to index
          %get3A_531 = tpu.vector_load %arg5[%get3A_529, %get3A_530] {strides = array<i32>} : memref<8x1024xf32, #tpu.memory_space<vmem>>, vector<1x16xf32>,
          %get3A_532 = vector.shape_cast %get3A_531 : vector<1x16xf32> to vector<16xf32>
          %get3A_533 = arith.constant 0 : i32
          %get3A_534 = arith.constant 5 : i32
          %get3A_535 = arith.index_cast %get3A_533 : i32 to index
          %get3A_536 = arith.index_cast %get3A_534 : i32 to index
          %get3A_537 = arith.index_cast %mul3A_527 : i32 to index
          %get3A_538 = tpu.vector_load %arg6[%get3A_535, %get3A_536, %get3A_537] {strides = array<i32>} : memref<2x8x1024xf32, #tpu.memory_space<vmem>>, vector<1x1x16xf32>,
          %get3A_539 = vector.shape_cast %get3A_538 : vector<1x1x16xf32> to vector<16xf32>
          %add3A_540 = arith.addf %get3A_539, %get3A_532 : vector<16xf32>
          %swap3A_541 = arith.constant 0 : i32
          %swap3A_542 = arith.constant 5 : i32
          %swap3A_543 = arith.index_cast %swap3A_541 : i32 to index
          %swap3A_544 = arith.index_cast %swap3A_542 : i32 to index
          %swap3A_545 = arith.index_cast %mul3A_527 : i32 to index
          %swap3A_546 = tpu.vector_load %arg7[%swap3A_543, %swap3A_544, %swap3A_545] {strides = array<i32>} : memref<2x8x1024xf32, #tpu.memory_space<vmem>>, vector<1x1x16xf32>,
          %swap3A_547 = vector.shape_cast %swap3A_546 : vector<1x1x16xf32> to vector<16xf32>
          %swap3A_548 = vector.shape_cast %add3A_540 : vector<16xf32> to vector<1x1x16xf32>
          tpu.vector_store %arg7[%swap3A_543, %swap3A_544, %swap3A_545], %swap3A_548 {strides = array<i32>} : memref<2x8x1024xf32, #tpu.memory_space<vmem>>, vector<1x1x16xf32>,
          %get3A_549 = arith.constant 1 : i32
          %get3A_550 = arith.constant 5 : i32
          %get3A_551 = arith.index_cast %get3A_549 : i32 to index
          %get3A_552 = arith.index_cast %get3A_550 : i32 to index
          %get3A_553 = arith.index_cast %mul3A_527 : i32 to index
          %get3A_554 = tpu.vector_load %arg6[%get3A_551, %get3A_552, %get3A_553] {strides = array<i32>} : memref<2x8x1024xf32, #tpu.memory_space<vmem>>, vector<1x1x16xf32>,
          %get3A_555 = vector.shape_cast %get3A_554 : vector<1x1x16xf32> to vector<16xf32>
          %add3A_556 = arith.addf %get3A_555, %get3A_532 : vector<16xf32>
          %swap3A_557 = arith.constant 1 : i32
          %swap3A_558 = arith.constant 5 : i32
          %swap3A_559 = arith.index_cast %swap3A_557 : i32 to index
          %swap3A_560 = arith.index_cast %swap3A_558 : i32 to index
          %swap3A_561 = arith.index_cast %mul3A_527 : i32 to index
          %swap3A_562 = tpu.vector_load %arg7[%swap3A_559, %swap3A_560, %swap3A_561] {strides = array<i32>} : memref<2x8x1024xf32, #tpu.memory_space<vmem>>, vector<1x1x16xf32>,
          %swap3A_563 = vector.shape_cast %swap3A_562 : vector<1x1x16xf32> to vector<16xf32>
          %swap3A_564 = vector.shape_cast %add3A_556 : vector<16xf32> to vector<1x1x16xf32>
          tpu.vector_store %arg7[%swap3A_559, %swap3A_560, %swap3A_561], %swap3A_564 {strides = array<i32>} : memref<2x8x1024xf32, #tpu.memory_space<vmem>>, vector<1x1x16xf32>,
        }
        %scan3A_164 = arith.constant 8 : i32
        %scan3A_165 = arith.constant 0 : i32
        %scan3A_166 = arith.constant 0 : i32
        %scan3A_167 = arith.constant 8 : i32
        %scan3A_168 = arith.addi %scan3A_166, %scan3A_167 : i32
        %scan3A_169 = arith.constant 1 : i32
        scf.for %scan3A_222 = %scan3A_166 to %scan3A_168 step %scan3A_169  : i32 {
          %mul3A_223 = arith.constant 8 : i32
          %mul3A_224 = arith.muli %scan3A_222, %mul3A_223 : i32
          %add3A_225 = arith.constant 0 : i32
          %add3A_226 = arith.addi %mul3A_224, %add3A_225 : i32
          %mul3A_227 = arith.constant 16 : i32
          %mul3A_228 = arith.muli %add3A_226, %mul3A_227 : i32
          %get3A = arith.constant 6 : i32
          %get3A_229 = arith.index_cast %get3A : i32 to index
          %get3A_230 = arith.index_cast %mul3A_228 : i32 to index
          %get3A_231 = tpu.vector_load %arg5[%get3A_229, %get3A_230] {strides = array<i32>} : memref<8x1024xf32, #tpu.memory_space<vmem>>, vector<1x16xf32>,
          %get3A_232 = vector.shape_cast %get3A_231 : vector<1x16xf32> to vector<16xf32>
          %get3A_233 = arith.constant 0 : i32
          %get3A_234 = arith.constant 6 : i32
          %get3A_235 = arith.index_cast %get3A_233 : i32 to index
          %get3A_236 = arith.index_cast %get3A_234 : i32 to index
          %get3A_237 = arith.index_cast %mul3A_228 : i32 to index
          %get3A_238 = tpu.vector_load %arg6[%get3A_235, %get3A_236, %get3A_237] {strides = array<i32>} : memref<2x8x1024xf32, #tpu.memory_space<vmem>>, vector<1x1x16xf32>,
          %get3A_239 = vector.shape_cast %get3A_238 : vector<1x1x16xf32> to vector<16xf32>
          %add3A_240 = arith.addf %get3A_239, %get3A_232 : vector<16xf32>
          %swap3A = arith.constant 0 : i32
          %swap3A_241 = arith.constant 6 : i32
          %swap3A_242 = arith.index_cast %swap3A : i32 to index
          %swap3A_243 = arith.index_cast %swap3A_241 : i32 to index
          %swap3A_244 = arith.index_cast %mul3A_228 : i32 to index
          %swap3A_245 = tpu.vector_load %arg7[%swap3A_242, %swap3A_243, %swap3A_244] {strides = array<i32>} : memref<2x8x1024xf32, #tpu.memory_space<vmem>>, vector<1x1x16xf32>,
          %swap3A_246 = vector.shape_cast %swap3A_245 : vector<1x1x16xf32> to vector<16xf32>
          %swap3A_247 = vector.shape_cast %add3A_240 : vector<16xf32> to vector<1x1x16xf32>
          tpu.vector_store %arg7[%swap3A_242, %swap3A_243, %swap3A_244], %swap3A_247 {strides = array<i32>} : memref<2x8x1024xf32, #tpu.memory_space<vmem>>, vector<1x1x16xf32>,
          %get3A_248 = arith.constant 1 : i32
          %get3A_249 = arith.constant 6 : i32
          %get3A_250 = arith.index_cast %get3A_248 : i32 to index
          %get3A_251 = arith.index_cast %get3A_249 : i32 to index
          %get3A_252 = arith.index_cast %mul3A_228 : i32 to index
          %get3A_253 = tpu.vector_load %arg6[%get3A_250, %get3A_251, %get3A_252] {strides = array<i32>} : memref<2x8x1024xf32, #tpu.memory_space<vmem>>, vector<1x1x16xf32>,
          %get3A_254 = vector.shape_cast %get3A_253 : vector<1x1x16xf32> to vector<16xf32>
          %add3A_255 = arith.addf %get3A_254, %get3A_232 : vector<16xf32>
          %swap3A_256 = arith.constant 1 : i32
          %swap3A_257 = arith.constant 6 : i32
          %swap3A_258 = arith.index_cast %swap3A_256 : i32 to index
          %swap3A_259 = arith.index_cast %swap3A_257 : i32 to index
          %swap3A_260 = arith.index_cast %mul3A_228 : i32 to index
          %swap3A_261 = tpu.vector_load %arg7[%swap3A_258, %swap3A_259, %swap3A_260] {strides = array<i32>} : memref<2x8x1024xf32, #tpu.memory_space<vmem>>, vector<1x1x16xf32>,
          %swap3A_262 = vector.shape_cast %swap3A_261 : vector<1x1x16xf32> to vector<16xf32>
          %swap3A_263 = vector.shape_cast %add3A_255 : vector<16xf32> to vector<1x1x16xf32>
          tpu.vector_store %arg7[%swap3A_258, %swap3A_259, %swap3A_260], %swap3A_263 {strides = array<i32>} : memref<2x8x1024xf32, #tpu.memory_space<vmem>>, vector<1x1x16xf32>,
          %mul3A_264 = arith.constant 8 : i32
          %mul3A_265 = arith.muli %scan3A_222, %mul3A_264 : i32
          %add3A_266 = arith.constant 1 : i32
          %add3A_267 = arith.addi %mul3A_265, %add3A_266 : i32
          %mul3A_268 = arith.constant 16 : i32
          %mul3A_269 = arith.muli %add3A_267, %mul3A_268 : i32
          %get3A_270 = arith.constant 6 : i32
          %get3A_271 = arith.index_cast %get3A_270 : i32 to index
          %get3A_272 = arith.index_cast %mul3A_269 : i32 to index
          %get3A_273 = tpu.vector_load %arg5[%get3A_271, %get3A_272] {strides = array<i32>} : memref<8x1024xf32, #tpu.memory_space<vmem>>, vector<1x16xf32>,
          %get3A_274 = vector.shape_cast %get3A_273 : vector<1x16xf32> to vector<16xf32>
          %get3A_275 = arith.constant 0 : i32
          %get3A_276 = arith.constant 6 : i32
          %get3A_277 = arith.index_cast %get3A_275 : i32 to index
          %get3A_278 = arith.index_cast %get3A_276 : i32 to index
          %get3A_279 = arith.index_cast %mul3A_269 : i32 to index
          %get3A_280 = tpu.vector_load %arg6[%get3A_277, %get3A_278, %get3A_279] {strides = array<i32>} : memref<2x8x1024xf32, #tpu.memory_space<vmem>>, vector<1x1x16xf32>,
          %get3A_281 = vector.shape_cast %get3A_280 : vector<1x1x16xf32> to vector<16xf32>
          %add3A_282 = arith.addf %get3A_281, %get3A_274 : vector<16xf32>
          %swap3A_283 = arith.constant 0 : i32
          %swap3A_284 = arith.constant 6 : i32
          %swap3A_285 = arith.index_cast %swap3A_283 : i32 to index
          %swap3A_286 = arith.index_cast %swap3A_284 : i32 to index
          %swap3A_287 = arith.index_cast %mul3A_269 : i32 to index
          %swap3A_288 = tpu.vector_load %arg7[%swap3A_285, %swap3A_286, %swap3A_287] {strides = array<i32>} : memref<2x8x1024xf32, #tpu.memory_space<vmem>>, vector<1x1x16xf32>,
          %swap3A_289 = vector.shape_cast %swap3A_288 : vector<1x1x16xf32> to vector<16xf32>
          %swap3A_290 = vector.shape_cast %add3A_282 : vector<16xf32> to vector<1x1x16xf32>
          tpu.vector_store %arg7[%swap3A_285, %swap3A_286, %swap3A_287], %swap3A_290 {strides = array<i32>} : memref<2x8x1024xf32, #tpu.memory_space<vmem>>, vector<1x1x16xf32>,
          %get3A_291 = arith.constant 1 : i32
          %get3A_292 = arith.constant 6 : i32
          %get3A_293 = arith.index_cast %get3A_291 : i32 to index
          %get3A_294 = arith.index_cast %get3A_292 : i32 to index
          %get3A_295 = arith.index_cast %mul3A_269 : i32 to index
          %get3A_296 = tpu.vector_load %arg6[%get3A_293, %get3A_294, %get3A_295] {strides = array<i32>} : memref<2x8x1024xf32, #tpu.memory_space<vmem>>, vector<1x1x16xf32>,
          %get3A_297 = vector.shape_cast %get3A_296 : vector<1x1x16xf32> to vector<16xf32>
          %add3A_298 = arith.addf %get3A_297, %get3A_274 : vector<16xf32>
          %swap3A_299 = arith.constant 1 : i32
          %swap3A_300 = arith.constant 6 : i32
          %swap3A_301 = arith.index_cast %swap3A_299 : i32 to index
          %swap3A_302 = arith.index_cast %swap3A_300 : i32 to index
          %swap3A_303 = arith.index_cast %mul3A_269 : i32 to index
          %swap3A_304 = tpu.vector_load %arg7[%swap3A_301, %swap3A_302, %swap3A_303] {strides = array<i32>} : memref<2x8x1024xf32, #tpu.memory_space<vmem>>, vector<1x1x16xf32>,
          %swap3A_305 = vector.shape_cast %swap3A_304 : vector<1x1x16xf32> to vector<16xf32>
          %swap3A_306 = vector.shape_cast %add3A_298 : vector<16xf32> to vector<1x1x16xf32>
          tpu.vector_store %arg7[%swap3A_301, %swap3A_302, %swap3A_303], %swap3A_306 {strides = array<i32>} : memref<2x8x1024xf32, #tpu.memory_space<vmem>>, vector<1x1x16xf32>,
          %mul3A_307 = arith.constant 8 : i32
          %mul3A_308 = arith.muli %scan3A_222, %mul3A_307 : i32
          %add3A_309 = arith.constant 2 : i32
          %add3A_310 = arith.addi %mul3A_308, %add3A_309 : i32
          %mul3A_311 = arith.constant 16 : i32
          %mul3A_312 = arith.muli %add3A_310, %mul3A_311 : i32
          %get3A_313 = arith.constant 6 : i32
          %get3A_314 = arith.index_cast %get3A_313 : i32 to index
          %get3A_315 = arith.index_cast %mul3A_312 : i32 to index
          %get3A_316 = tpu.vector_load %arg5[%get3A_314, %get3A_315] {strides = array<i32>} : memref<8x1024xf32, #tpu.memory_space<vmem>>, vector<1x16xf32>,
          %get3A_317 = vector.shape_cast %get3A_316 : vector<1x16xf32> to vector<16xf32>
          %get3A_318 = arith.constant 0 : i32
          %get3A_319 = arith.constant 6 : i32
          %get3A_320 = arith.index_cast %get3A_318 : i32 to index
          %get3A_321 = arith.index_cast %get3A_319 : i32 to index
          %get3A_322 = arith.index_cast %mul3A_312 : i32 to index
          %get3A_323 = tpu.vector_load %arg6[%get3A_320, %get3A_321, %get3A_322] {strides = array<i32>} : memref<2x8x1024xf32, #tpu.memory_space<vmem>>, vector<1x1x16xf32>,
          %get3A_324 = vector.shape_cast %get3A_323 : vector<1x1x16xf32> to vector<16xf32>
          %add3A_325 = arith.addf %get3A_324, %get3A_317 : vector<16xf32>
          %swap3A_326 = arith.constant 0 : i32
          %swap3A_327 = arith.constant 6 : i32
          %swap3A_328 = arith.index_cast %swap3A_326 : i32 to index
          %swap3A_329 = arith.index_cast %swap3A_327 : i32 to index
          %swap3A_330 = arith.index_cast %mul3A_312 : i32 to index
          %swap3A_331 = tpu.vector_load %arg7[%swap3A_328, %swap3A_329, %swap3A_330] {strides = array<i32>} : memref<2x8x1024xf32, #tpu.memory_space<vmem>>, vector<1x1x16xf32>,
          %swap3A_332 = vector.shape_cast %swap3A_331 : vector<1x1x16xf32> to vector<16xf32>
          %swap3A_333 = vector.shape_cast %add3A_325 : vector<16xf32> to vector<1x1x16xf32>
          tpu.vector_store %arg7[%swap3A_328, %swap3A_329, %swap3A_330], %swap3A_333 {strides = array<i32>} : memref<2x8x1024xf32, #tpu.memory_space<vmem>>, vector<1x1x16xf32>,
          %get3A_334 = arith.constant 1 : i32
          %get3A_335 = arith.constant 6 : i32
          %get3A_336 = arith.index_cast %get3A_334 : i32 to index
          %get3A_337 = arith.index_cast %get3A_335 : i32 to index
          %get3A_338 = arith.index_cast %mul3A_312 : i32 to index
          %get3A_339 = tpu.vector_load %arg6[%get3A_336, %get3A_337, %get3A_338] {strides = array<i32>} : memref<2x8x1024xf32, #tpu.memory_space<vmem>>, vector<1x1x16xf32>,
          %get3A_340 = vector.shape_cast %get3A_339 : vector<1x1x16xf32> to vector<16xf32>
          %add3A_341 = arith.addf %get3A_340, %get3A_317 : vector<16xf32>
          %swap3A_342 = arith.constant 1 : i32
          %swap3A_343 = arith.constant 6 : i32
          %swap3A_344 = arith.index_cast %swap3A_342 : i32 to index
          %swap3A_345 = arith.index_cast %swap3A_343 : i32 to index
          %swap3A_346 = arith.index_cast %mul3A_312 : i32 to index
          %swap3A_347 = tpu.vector_load %arg7[%swap3A_344, %swap3A_345, %swap3A_346] {strides = array<i32>} : memref<2x8x1024xf32, #tpu.memory_space<vmem>>, vector<1x1x16xf32>,
          %swap3A_348 = vector.shape_cast %swap3A_347 : vector<1x1x16xf32> to vector<16xf32>
          %swap3A_349 = vector.shape_cast %add3A_341 : vector<16xf32> to vector<1x1x16xf32>
          tpu.vector_store %arg7[%swap3A_344, %swap3A_345, %swap3A_346], %swap3A_349 {strides = array<i32>} : memref<2x8x1024xf32, #tpu.memory_space<vmem>>, vector<1x1x16xf32>,
          %mul3A_350 = arith.constant 8 : i32
          %mul3A_351 = arith.muli %scan3A_222, %mul3A_350 : i32
          %add3A_352 = arith.constant 3 : i32
          %add3A_353 = arith.addi %mul3A_351, %add3A_352 : i32
          %mul3A_354 = arith.constant 16 : i32
          %mul3A_355 = arith.muli %add3A_353, %mul3A_354 : i32
          %get3A_356 = arith.constant 6 : i32
          %get3A_357 = arith.index_cast %get3A_356 : i32 to index
          %get3A_358 = arith.index_cast %mul3A_355 : i32 to index
          %get3A_359 = tpu.vector_load %arg5[%get3A_357, %get3A_358] {strides = array<i32>} : memref<8x1024xf32, #tpu.memory_space<vmem>>, vector<1x16xf32>,
          %get3A_360 = vector.shape_cast %get3A_359 : vector<1x16xf32> to vector<16xf32>
          %get3A_361 = arith.constant 0 : i32
          %get3A_362 = arith.constant 6 : i32
          %get3A_363 = arith.index_cast %get3A_361 : i32 to index
          %get3A_364 = arith.index_cast %get3A_362 : i32 to index
          %get3A_365 = arith.index_cast %mul3A_355 : i32 to index
          %get3A_366 = tpu.vector_load %arg6[%get3A_363, %get3A_364, %get3A_365] {strides = array<i32>} : memref<2x8x1024xf32, #tpu.memory_space<vmem>>, vector<1x1x16xf32>,
          %get3A_367 = vector.shape_cast %get3A_366 : vector<1x1x16xf32> to vector<16xf32>
          %add3A_368 = arith.addf %get3A_367, %get3A_360 : vector<16xf32>
          %swap3A_369 = arith.constant 0 : i32
          %swap3A_370 = arith.constant 6 : i32
          %swap3A_371 = arith.index_cast %swap3A_369 : i32 to index
          %swap3A_372 = arith.index_cast %swap3A_370 : i32 to index
          %swap3A_373 = arith.index_cast %mul3A_355 : i32 to index
          %swap3A_374 = tpu.vector_load %arg7[%swap3A_371, %swap3A_372, %swap3A_373] {strides = array<i32>} : memref<2x8x1024xf32, #tpu.memory_space<vmem>>, vector<1x1x16xf32>,
          %swap3A_375 = vector.shape_cast %swap3A_374 : vector<1x1x16xf32> to vector<16xf32>
          %swap3A_376 = vector.shape_cast %add3A_368 : vector<16xf32> to vector<1x1x16xf32>
          tpu.vector_store %arg7[%swap3A_371, %swap3A_372, %swap3A_373], %swap3A_376 {strides = array<i32>} : memref<2x8x1024xf32, #tpu.memory_space<vmem>>, vector<1x1x16xf32>,
          %get3A_377 = arith.constant 1 : i32
          %get3A_378 = arith.constant 6 : i32
          %get3A_379 = arith.index_cast %get3A_377 : i32 to index
          %get3A_380 = arith.index_cast %get3A_378 : i32 to index
          %get3A_381 = arith.index_cast %mul3A_355 : i32 to index
          %get3A_382 = tpu.vector_load %arg6[%get3A_379, %get3A_380, %get3A_381] {strides = array<i32>} : memref<2x8x1024xf32, #tpu.memory_space<vmem>>, vector<1x1x16xf32>,
          %get3A_383 = vector.shape_cast %get3A_382 : vector<1x1x16xf32> to vector<16xf32>
          %add3A_384 = arith.addf %get3A_383, %get3A_360 : vector<16xf32>
          %swap3A_385 = arith.constant 1 : i32
          %swap3A_386 = arith.constant 6 : i32
          %swap3A_387 = arith.index_cast %swap3A_385 : i32 to index
          %swap3A_388 = arith.index_cast %swap3A_386 : i32 to index
          %swap3A_389 = arith.index_cast %mul3A_355 : i32 to index
          %swap3A_390 = tpu.vector_load %arg7[%swap3A_387, %swap3A_388, %swap3A_389] {strides = array<i32>} : memref<2x8x1024xf32, #tpu.memory_space<vmem>>, vector<1x1x16xf32>,
          %swap3A_391 = vector.shape_cast %swap3A_390 : vector<1x1x16xf32> to vector<16xf32>
          %swap3A_392 = vector.shape_cast %add3A_384 : vector<16xf32> to vector<1x1x16xf32>
          tpu.vector_store %arg7[%swap3A_387, %swap3A_388, %swap3A_389], %swap3A_392 {strides = array<i32>} : memref<2x8x1024xf32, #tpu.memory_space<vmem>>, vector<1x1x16xf32>,
          %mul3A_393 = arith.constant 8 : i32
          %mul3A_394 = arith.muli %scan3A_222, %mul3A_393 : i32
          %add3A_395 = arith.constant 4 : i32
          %add3A_396 = arith.addi %mul3A_394, %add3A_395 : i32
          %mul3A_397 = arith.constant 16 : i32
          %mul3A_398 = arith.muli %add3A_396, %mul3A_397 : i32
          %get3A_399 = arith.constant 6 : i32
          %get3A_400 = arith.index_cast %get3A_399 : i32 to index
          %get3A_401 = arith.index_cast %mul3A_398 : i32 to index
          %get3A_402 = tpu.vector_load %arg5[%get3A_400, %get3A_401] {strides = array<i32>} : memref<8x1024xf32, #tpu.memory_space<vmem>>, vector<1x16xf32>,
          %get3A_403 = vector.shape_cast %get3A_402 : vector<1x16xf32> to vector<16xf32>
          %get3A_404 = arith.constant 0 : i32
          %get3A_405 = arith.constant 6 : i32
          %get3A_406 = arith.index_cast %get3A_404 : i32 to index
          %get3A_407 = arith.index_cast %get3A_405 : i32 to index
          %get3A_408 = arith.index_cast %mul3A_398 : i32 to index
          %get3A_409 = tpu.vector_load %arg6[%get3A_406, %get3A_407, %get3A_408] {strides = array<i32>} : memref<2x8x1024xf32, #tpu.memory_space<vmem>>, vector<1x1x16xf32>,
          %get3A_410 = vector.shape_cast %get3A_409 : vector<1x1x16xf32> to vector<16xf32>
          %add3A_411 = arith.addf %get3A_410, %get3A_403 : vector<16xf32>
          %swap3A_412 = arith.constant 0 : i32
          %swap3A_413 = arith.constant 6 : i32
          %swap3A_414 = arith.index_cast %swap3A_412 : i32 to index
          %swap3A_415 = arith.index_cast %swap3A_413 : i32 to index
          %swap3A_416 = arith.index_cast %mul3A_398 : i32 to index
          %swap3A_417 = tpu.vector_load %arg7[%swap3A_414, %swap3A_415, %swap3A_416] {strides = array<i32>} : memref<2x8x1024xf32, #tpu.memory_space<vmem>>, vector<1x1x16xf32>,
          %swap3A_418 = vector.shape_cast %swap3A_417 : vector<1x1x16xf32> to vector<16xf32>
          %swap3A_419 = vector.shape_cast %add3A_411 : vector<16xf32> to vector<1x1x16xf32>
          tpu.vector_store %arg7[%swap3A_414, %swap3A_415, %swap3A_416], %swap3A_419 {strides = array<i32>} : memref<2x8x1024xf32, #tpu.memory_space<vmem>>, vector<1x1x16xf32>,
          %get3A_420 = arith.constant 1 : i32
          %get3A_421 = arith.constant 6 : i32
          %get3A_422 = arith.index_cast %get3A_420 : i32 to index
          %get3A_423 = arith.index_cast %get3A_421 : i32 to index
          %get3A_424 = arith.index_cast %mul3A_398 : i32 to index
          %get3A_425 = tpu.vector_load %arg6[%get3A_422, %get3A_423, %get3A_424] {strides = array<i32>} : memref<2x8x1024xf32, #tpu.memory_space<vmem>>, vector<1x1x16xf32>,
          %get3A_426 = vector.shape_cast %get3A_425 : vector<1x1x16xf32> to vector<16xf32>
          %add3A_427 = arith.addf %get3A_426, %get3A_403 : vector<16xf32>
          %swap3A_428 = arith.constant 1 : i32
          %swap3A_429 = arith.constant 6 : i32
          %swap3A_430 = arith.index_cast %swap3A_428 : i32 to index
          %swap3A_431 = arith.index_cast %swap3A_429 : i32 to index
          %swap3A_432 = arith.index_cast %mul3A_398 : i32 to index
          %swap3A_433 = tpu.vector_load %arg7[%swap3A_430, %swap3A_431, %swap3A_432] {strides = array<i32>} : memref<2x8x1024xf32, #tpu.memory_space<vmem>>, vector<1x1x16xf32>,
          %swap3A_434 = vector.shape_cast %swap3A_433 : vector<1x1x16xf32> to vector<16xf32>
          %swap3A_435 = vector.shape_cast %add3A_427 : vector<16xf32> to vector<1x1x16xf32>
          tpu.vector_store %arg7[%swap3A_430, %swap3A_431, %swap3A_432], %swap3A_435 {strides = array<i32>} : memref<2x8x1024xf32, #tpu.memory_space<vmem>>, vector<1x1x16xf32>,
          %mul3A_436 = arith.constant 8 : i32
          %mul3A_437 = arith.muli %scan3A_222, %mul3A_436 : i32
          %add3A_438 = arith.constant 5 : i32
          %add3A_439 = arith.addi %mul3A_437, %add3A_438 : i32
          %mul3A_440 = arith.constant 16 : i32
          %mul3A_441 = arith.muli %add3A_439, %mul3A_440 : i32
          %get3A_442 = arith.constant 6 : i32
          %get3A_443 = arith.index_cast %get3A_442 : i32 to index
          %get3A_444 = arith.index_cast %mul3A_441 : i32 to index
          %get3A_445 = tpu.vector_load %arg5[%get3A_443, %get3A_444] {strides = array<i32>} : memref<8x1024xf32, #tpu.memory_space<vmem>>, vector<1x16xf32>,
          %get3A_446 = vector.shape_cast %get3A_445 : vector<1x16xf32> to vector<16xf32>
          %get3A_447 = arith.constant 0 : i32
          %get3A_448 = arith.constant 6 : i32
          %get3A_449 = arith.index_cast %get3A_447 : i32 to index
          %get3A_450 = arith.index_cast %get3A_448 : i32 to index
          %get3A_451 = arith.index_cast %mul3A_441 : i32 to index
          %get3A_452 = tpu.vector_load %arg6[%get3A_449, %get3A_450, %get3A_451] {strides = array<i32>} : memref<2x8x1024xf32, #tpu.memory_space<vmem>>, vector<1x1x16xf32>,
          %get3A_453 = vector.shape_cast %get3A_452 : vector<1x1x16xf32> to vector<16xf32>
          %add3A_454 = arith.addf %get3A_453, %get3A_446 : vector<16xf32>
          %swap3A_455 = arith.constant 0 : i32
          %swap3A_456 = arith.constant 6 : i32
          %swap3A_457 = arith.index_cast %swap3A_455 : i32 to index
          %swap3A_458 = arith.index_cast %swap3A_456 : i32 to index
          %swap3A_459 = arith.index_cast %mul3A_441 : i32 to index
          %swap3A_460 = tpu.vector_load %arg7[%swap3A_457, %swap3A_458, %swap3A_459] {strides = array<i32>} : memref<2x8x1024xf32, #tpu.memory_space<vmem>>, vector<1x1x16xf32>,
          %swap3A_461 = vector.shape_cast %swap3A_460 : vector<1x1x16xf32> to vector<16xf32>
          %swap3A_462 = vector.shape_cast %add3A_454 : vector<16xf32> to vector<1x1x16xf32>
          tpu.vector_store %arg7[%swap3A_457, %swap3A_458, %swap3A_459], %swap3A_462 {strides = array<i32>} : memref<2x8x1024xf32, #tpu.memory_space<vmem>>, vector<1x1x16xf32>,
          %get3A_463 = arith.constant 1 : i32
          %get3A_464 = arith.constant 6 : i32
          %get3A_465 = arith.index_cast %get3A_463 : i32 to index
          %get3A_466 = arith.index_cast %get3A_464 : i32 to index
          %get3A_467 = arith.index_cast %mul3A_441 : i32 to index
          %get3A_468 = tpu.vector_load %arg6[%get3A_465, %get3A_466, %get3A_467] {strides = array<i32>} : memref<2x8x1024xf32, #tpu.memory_space<vmem>>, vector<1x1x16xf32>,
          %get3A_469 = vector.shape_cast %get3A_468 : vector<1x1x16xf32> to vector<16xf32>
          %add3A_470 = arith.addf %get3A_469, %get3A_446 : vector<16xf32>
          %swap3A_471 = arith.constant 1 : i32
          %swap3A_472 = arith.constant 6 : i32
          %swap3A_473 = arith.index_cast %swap3A_471 : i32 to index
          %swap3A_474 = arith.index_cast %swap3A_472 : i32 to index
          %swap3A_475 = arith.index_cast %mul3A_441 : i32 to index
          %swap3A_476 = tpu.vector_load %arg7[%swap3A_473, %swap3A_474, %swap3A_475] {strides = array<i32>} : memref<2x8x1024xf32, #tpu.memory_space<vmem>>, vector<1x1x16xf32>,
          %swap3A_477 = vector.shape_cast %swap3A_476 : vector<1x1x16xf32> to vector<16xf32>
          %swap3A_478 = vector.shape_cast %add3A_470 : vector<16xf32> to vector<1x1x16xf32>
          tpu.vector_store %arg7[%swap3A_473, %swap3A_474, %swap3A_475], %swap3A_478 {strides = array<i32>} : memref<2x8x1024xf32, #tpu.memory_space<vmem>>, vector<1x1x16xf32>,
          %mul3A_479 = arith.constant 8 : i32
          %mul3A_480 = arith.muli %scan3A_222, %mul3A_479 : i32
          %add3A_481 = arith.constant 6 : i32
          %add3A_482 = arith.addi %mul3A_480, %add3A_481 : i32
          %mul3A_483 = arith.constant 16 : i32
          %mul3A_484 = arith.muli %add3A_482, %mul3A_483 : i32
          %get3A_485 = arith.constant 6 : i32
          %get3A_486 = arith.index_cast %get3A_485 : i32 to index
          %get3A_487 = arith.index_cast %mul3A_484 : i32 to index
          %get3A_488 = tpu.vector_load %arg5[%get3A_486, %get3A_487] {strides = array<i32>} : memref<8x1024xf32, #tpu.memory_space<vmem>>, vector<1x16xf32>,
          %get3A_489 = vector.shape_cast %get3A_488 : vector<1x16xf32> to vector<16xf32>
          %get3A_490 = arith.constant 0 : i32
          %get3A_491 = arith.constant 6 : i32
          %get3A_492 = arith.index_cast %get3A_490 : i32 to index
          %get3A_493 = arith.index_cast %get3A_491 : i32 to index
          %get3A_494 = arith.index_cast %mul3A_484 : i32 to index
          %get3A_495 = tpu.vector_load %arg6[%get3A_492, %get3A_493, %get3A_494] {strides = array<i32>} : memref<2x8x1024xf32, #tpu.memory_space<vmem>>, vector<1x1x16xf32>,
          %get3A_496 = vector.shape_cast %get3A_495 : vector<1x1x16xf32> to vector<16xf32>
          %add3A_497 = arith.addf %get3A_496, %get3A_489 : vector<16xf32>
          %swap3A_498 = arith.constant 0 : i32
          %swap3A_499 = arith.constant 6 : i32
          %swap3A_500 = arith.index_cast %swap3A_498 : i32 to index
          %swap3A_501 = arith.index_cast %swap3A_499 : i32 to index
          %swap3A_502 = arith.index_cast %mul3A_484 : i32 to index
          %swap3A_503 = tpu.vector_load %arg7[%swap3A_500, %swap3A_501, %swap3A_502] {strides = array<i32>} : memref<2x8x1024xf32, #tpu.memory_space<vmem>>, vector<1x1x16xf32>,
          %swap3A_504 = vector.shape_cast %swap3A_503 : vector<1x1x16xf32> to vector<16xf32>
          %swap3A_505 = vector.shape_cast %add3A_497 : vector<16xf32> to vector<1x1x16xf32>
          tpu.vector_store %arg7[%swap3A_500, %swap3A_501, %swap3A_502], %swap3A_505 {strides = array<i32>} : memref<2x8x1024xf32, #tpu.memory_space<vmem>>, vector<1x1x16xf32>,
          %get3A_506 = arith.constant 1 : i32
          %get3A_507 = arith.constant 6 : i32
          %get3A_508 = arith.index_cast %get3A_506 : i32 to index
          %get3A_509 = arith.index_cast %get3A_507 : i32 to index
          %get3A_510 = arith.index_cast %mul3A_484 : i32 to index
          %get3A_511 = tpu.vector_load %arg6[%get3A_508, %get3A_509, %get3A_510] {strides = array<i32>} : memref<2x8x1024xf32, #tpu.memory_space<vmem>>, vector<1x1x16xf32>,
          %get3A_512 = vector.shape_cast %get3A_511 : vector<1x1x16xf32> to vector<16xf32>
          %add3A_513 = arith.addf %get3A_512, %get3A_489 : vector<16xf32>
          %swap3A_514 = arith.constant 1 : i32
          %swap3A_515 = arith.constant 6 : i32
          %swap3A_516 = arith.index_cast %swap3A_514 : i32 to index
          %swap3A_517 = arith.index_cast %swap3A_515 : i32 to index
          %swap3A_518 = arith.index_cast %mul3A_484 : i32 to index
          %swap3A_519 = tpu.vector_load %arg7[%swap3A_516, %swap3A_517, %swap3A_518] {strides = array<i32>} : memref<2x8x1024xf32, #tpu.memory_space<vmem>>, vector<1x1x16xf32>,
          %swap3A_520 = vector.shape_cast %swap3A_519 : vector<1x1x16xf32> to vector<16xf32>
          %swap3A_521 = vector.shape_cast %add3A_513 : vector<16xf32> to vector<1x1x16xf32>
          tpu.vector_store %arg7[%swap3A_516, %swap3A_517, %swap3A_518], %swap3A_521 {strides = array<i32>} : memref<2x8x1024xf32, #tpu.memory_space<vmem>>, vector<1x1x16xf32>,
          %mul3A_522 = arith.constant 8 : i32
          %mul3A_523 = arith.muli %scan3A_222, %mul3A_522 : i32
          %add3A_524 = arith.constant 7 : i32
          %add3A_525 = arith.addi %mul3A_523, %add3A_524 : i32
          %mul3A_526 = arith.constant 16 : i32
          %mul3A_527 = arith.muli %add3A_525, %mul3A_526 : i32
          %get3A_528 = arith.constant 6 : i32
          %get3A_529 = arith.index_cast %get3A_528 : i32 to index
          %get3A_530 = arith.index_cast %mul3A_527 : i32 to index
          %get3A_531 = tpu.vector_load %arg5[%get3A_529, %get3A_530] {strides = array<i32>} : memref<8x1024xf32, #tpu.memory_space<vmem>>, vector<1x16xf32>,
          %get3A_532 = vector.shape_cast %get3A_531 : vector<1x16xf32> to vector<16xf32>
          %get3A_533 = arith.constant 0 : i32
          %get3A_534 = arith.constant 6 : i32
          %get3A_535 = arith.index_cast %get3A_533 : i32 to index
          %get3A_536 = arith.index_cast %get3A_534 : i32 to index
          %get3A_537 = arith.index_cast %mul3A_527 : i32 to index
          %get3A_538 = tpu.vector_load %arg6[%get3A_535, %get3A_536, %get3A_537] {strides = array<i32>} : memref<2x8x1024xf32, #tpu.memory_space<vmem>>, vector<1x1x16xf32>,
          %get3A_539 = vector.shape_cast %get3A_538 : vector<1x1x16xf32> to vector<16xf32>
          %add3A_540 = arith.addf %get3A_539, %get3A_532 : vector<16xf32>
          %swap3A_541 = arith.constant 0 : i32
          %swap3A_542 = arith.constant 6 : i32
          %swap3A_543 = arith.index_cast %swap3A_541 : i32 to index
          %swap3A_544 = arith.index_cast %swap3A_542 : i32 to index
          %swap3A_545 = arith.index_cast %mul3A_527 : i32 to index
          %swap3A_546 = tpu.vector_load %arg7[%swap3A_543, %swap3A_544, %swap3A_545] {strides = array<i32>} : memref<2x8x1024xf32, #tpu.memory_space<vmem>>, vector<1x1x16xf32>,
          %swap3A_547 = vector.shape_cast %swap3A_546 : vector<1x1x16xf32> to vector<16xf32>
          %swap3A_548 = vector.shape_cast %add3A_540 : vector<16xf32> to vector<1x1x16xf32>
          tpu.vector_store %arg7[%swap3A_543, %swap3A_544, %swap3A_545], %swap3A_548 {strides = array<i32>} : memref<2x8x1024xf32, #tpu.memory_space<vmem>>, vector<1x1x16xf32>,
          %get3A_549 = arith.constant 1 : i32
          %get3A_550 = arith.constant 6 : i32
          %get3A_551 = arith.index_cast %get3A_549 : i32 to index
          %get3A_552 = arith.index_cast %get3A_550 : i32 to index
          %get3A_553 = arith.index_cast %mul3A_527 : i32 to index
          %get3A_554 = tpu.vector_load %arg6[%get3A_551, %get3A_552, %get3A_553] {strides = array<i32>} : memref<2x8x1024xf32, #tpu.memory_space<vmem>>, vector<1x1x16xf32>,
          %get3A_555 = vector.shape_cast %get3A_554 : vector<1x1x16xf32> to vector<16xf32>
          %add3A_556 = arith.addf %get3A_555, %get3A_532 : vector<16xf32>
          %swap3A_557 = arith.constant 1 : i32
          %swap3A_558 = arith.constant 6 : i32
          %swap3A_559 = arith.index_cast %swap3A_557 : i32 to index
          %swap3A_560 = arith.index_cast %swap3A_558 : i32 to index
          %swap3A_561 = arith.index_cast %mul3A_527 : i32 to index
          %swap3A_562 = tpu.vector_load %arg7[%swap3A_559, %swap3A_560, %swap3A_561] {strides = array<i32>} : memref<2x8x1024xf32, #tpu.memory_space<vmem>>, vector<1x1x16xf32>,
          %swap3A_563 = vector.shape_cast %swap3A_562 : vector<1x1x16xf32> to vector<16xf32>
          %swap3A_564 = vector.shape_cast %add3A_556 : vector<16xf32> to vector<1x1x16xf32>
          tpu.vector_store %arg7[%swap3A_559, %swap3A_560, %swap3A_561], %swap3A_564 {strides = array<i32>} : memref<2x8x1024xf32, #tpu.memory_space<vmem>>, vector<1x1x16xf32>,
        }
        %scan3A_170 = arith.constant 8 : i32
        %scan3A_171 = arith.constant 0 : i32
        %scan3A_172 = arith.constant 0 : i32
        %scan3A_173 = arith.constant 8 : i32
        %scan3A_174 = arith.addi %scan3A_172, %scan3A_173 : i32
        %scan3A_175 = arith.constant 1 : i32
        scf.for %scan3A_222 = %scan3A_172 to %scan3A_174 step %scan3A_175  : i32 {
          %mul3A_223 = arith.constant 8 : i32
          %mul3A_224 = arith.muli %scan3A_222, %mul3A_223 : i32
          %add3A_225 = arith.constant 0 : i32
          %add3A_226 = arith.addi %mul3A_224, %add3A_225 : i32
          %mul3A_227 = arith.constant 16 : i32
          %mul3A_228 = arith.muli %add3A_226, %mul3A_227 : i32
          %get3A = arith.constant 7 : i32
          %get3A_229 = arith.index_cast %get3A : i32 to index
          %get3A_230 = arith.index_cast %mul3A_228 : i32 to index
          %get3A_231 = tpu.vector_load %arg5[%get3A_229, %get3A_230] {strides = array<i32>} : memref<8x1024xf32, #tpu.memory_space<vmem>>, vector<1x16xf32>,
          %get3A_232 = vector.shape_cast %get3A_231 : vector<1x16xf32> to vector<16xf32>
          %get3A_233 = arith.constant 0 : i32
          %get3A_234 = arith.constant 7 : i32
          %get3A_235 = arith.index_cast %get3A_233 : i32 to index
          %get3A_236 = arith.index_cast %get3A_234 : i32 to index
          %get3A_237 = arith.index_cast %mul3A_228 : i32 to index
          %get3A_238 = tpu.vector_load %arg6[%get3A_235, %get3A_236, %get3A_237] {strides = array<i32>} : memref<2x8x1024xf32, #tpu.memory_space<vmem>>, vector<1x1x16xf32>,
          %get3A_239 = vector.shape_cast %get3A_238 : vector<1x1x16xf32> to vector<16xf32>
          %add3A_240 = arith.addf %get3A_239, %get3A_232 : vector<16xf32>
          %swap3A = arith.constant 0 : i32
          %swap3A_241 = arith.constant 7 : i32
          %swap3A_242 = arith.index_cast %swap3A : i32 to index
          %swap3A_243 = arith.index_cast %swap3A_241 : i32 to index
          %swap3A_244 = arith.index_cast %mul3A_228 : i32 to index
          %swap3A_245 = tpu.vector_load %arg7[%swap3A_242, %swap3A_243, %swap3A_244] {strides = array<i32>} : memref<2x8x1024xf32, #tpu.memory_space<vmem>>, vector<1x1x16xf32>,
          %swap3A_246 = vector.shape_cast %swap3A_245 : vector<1x1x16xf32> to vector<16xf32>
          %swap3A_247 = vector.shape_cast %add3A_240 : vector<16xf32> to vector<1x1x16xf32>
          tpu.vector_store %arg7[%swap3A_242, %swap3A_243, %swap3A_244], %swap3A_247 {strides = array<i32>} : memref<2x8x1024xf32, #tpu.memory_space<vmem>>, vector<1x1x16xf32>,
          %get3A_248 = arith.constant 1 : i32
          %get3A_249 = arith.constant 7 : i32
          %get3A_250 = arith.index_cast %get3A_248 : i32 to index
          %get3A_251 = arith.index_cast %get3A_249 : i32 to index
          %get3A_252 = arith.index_cast %mul3A_228 : i32 to index
          %get3A_253 = tpu.vector_load %arg6[%get3A_250, %get3A_251, %get3A_252] {strides = array<i32>} : memref<2x8x1024xf32, #tpu.memory_space<vmem>>, vector<1x1x16xf32>,
          %get3A_254 = vector.shape_cast %get3A_253 : vector<1x1x16xf32> to vector<16xf32>
          %add3A_255 = arith.addf %get3A_254, %get3A_232 : vector<16xf32>
          %swap3A_256 = arith.constant 1 : i32
          %swap3A_257 = arith.constant 7 : i32
          %swap3A_258 = arith.index_cast %swap3A_256 : i32 to index
          %swap3A_259 = arith.index_cast %swap3A_257 : i32 to index
          %swap3A_260 = arith.index_cast %mul3A_228 : i32 to index
          %swap3A_261 = tpu.vector_load %arg7[%swap3A_258, %swap3A_259, %swap3A_260] {strides = array<i32>} : memref<2x8x1024xf32, #tpu.memory_space<vmem>>, vector<1x1x16xf32>,
          %swap3A_262 = vector.shape_cast %swap3A_261 : vector<1x1x16xf32> to vector<16xf32>
          %swap3A_263 = vector.shape_cast %add3A_255 : vector<16xf32> to vector<1x1x16xf32>
          tpu.vector_store %arg7[%swap3A_258, %swap3A_259, %swap3A_260], %swap3A_263 {strides = array<i32>} : memref<2x8x1024xf32, #tpu.memory_space<vmem>>, vector<1x1x16xf32>,
          %mul3A_264 = arith.constant 8 : i32
          %mul3A_265 = arith.muli %scan3A_222, %mul3A_264 : i32
          %add3A_266 = arith.constant 1 : i32
          %add3A_267 = arith.addi %mul3A_265, %add3A_266 : i32
          %mul3A_268 = arith.constant 16 : i32
          %mul3A_269 = arith.muli %add3A_267, %mul3A_268 : i32
          %get3A_270 = arith.constant 7 : i32
          %get3A_271 = arith.index_cast %get3A_270 : i32 to index
          %get3A_272 = arith.index_cast %mul3A_269 : i32 to index
          %get3A_273 = tpu.vector_load %arg5[%get3A_271, %get3A_272] {strides = array<i32>} : memref<8x1024xf32, #tpu.memory_space<vmem>>, vector<1x16xf32>,
          %get3A_274 = vector.shape_cast %get3A_273 : vector<1x16xf32> to vector<16xf32>
          %get3A_275 = arith.constant 0 : i32
          %get3A_276 = arith.constant 7 : i32
          %get3A_277 = arith.index_cast %get3A_275 : i32 to index
          %get3A_278 = arith.index_cast %get3A_276 : i32 to index
          %get3A_279 = arith.index_cast %mul3A_269 : i32 to index
          %get3A_280 = tpu.vector_load %arg6[%get3A_277, %get3A_278, %get3A_279] {strides = array<i32>} : memref<2x8x1024xf32, #tpu.memory_space<vmem>>, vector<1x1x16xf32>,
          %get3A_281 = vector.shape_cast %get3A_280 : vector<1x1x16xf32> to vector<16xf32>
          %add3A_282 = arith.addf %get3A_281, %get3A_274 : vector<16xf32>
          %swap3A_283 = arith.constant 0 : i32
          %swap3A_284 = arith.constant 7 : i32
          %swap3A_285 = arith.index_cast %swap3A_283 : i32 to index
          %swap3A_286 = arith.index_cast %swap3A_284 : i32 to index
          %swap3A_287 = arith.index_cast %mul3A_269 : i32 to index
          %swap3A_288 = tpu.vector_load %arg7[%swap3A_285, %swap3A_286, %swap3A_287] {strides = array<i32>} : memref<2x8x1024xf32, #tpu.memory_space<vmem>>, vector<1x1x16xf32>,
          %swap3A_289 = vector.shape_cast %swap3A_288 : vector<1x1x16xf32> to vector<16xf32>
          %swap3A_290 = vector.shape_cast %add3A_282 : vector<16xf32> to vector<1x1x16xf32>
          tpu.vector_store %arg7[%swap3A_285, %swap3A_286, %swap3A_287], %swap3A_290 {strides = array<i32>} : memref<2x8x1024xf32, #tpu.memory_space<vmem>>, vector<1x1x16xf32>,
          %get3A_291 = arith.constant 1 : i32
          %get3A_292 = arith.constant 7 : i32
          %get3A_293 = arith.index_cast %get3A_291 : i32 to index
          %get3A_294 = arith.index_cast %get3A_292 : i32 to index
          %get3A_295 = arith.index_cast %mul3A_269 : i32 to index
          %get3A_296 = tpu.vector_load %arg6[%get3A_293, %get3A_294, %get3A_295] {strides = array<i32>} : memref<2x8x1024xf32, #tpu.memory_space<vmem>>, vector<1x1x16xf32>,
          %get3A_297 = vector.shape_cast %get3A_296 : vector<1x1x16xf32> to vector<16xf32>
          %add3A_298 = arith.addf %get3A_297, %get3A_274 : vector<16xf32>
          %swap3A_299 = arith.constant 1 : i32
          %swap3A_300 = arith.constant 7 : i32
          %swap3A_301 = arith.index_cast %swap3A_299 : i32 to index
          %swap3A_302 = arith.index_cast %swap3A_300 : i32 to index
          %swap3A_303 = arith.index_cast %mul3A_269 : i32 to index
          %swap3A_304 = tpu.vector_load %arg7[%swap3A_301, %swap3A_302, %swap3A_303] {strides = array<i32>} : memref<2x8x1024xf32, #tpu.memory_space<vmem>>, vector<1x1x16xf32>,
          %swap3A_305 = vector.shape_cast %swap3A_304 : vector<1x1x16xf32> to vector<16xf32>
          %swap3A_306 = vector.shape_cast %add3A_298 : vector<16xf32> to vector<1x1x16xf32>
          tpu.vector_store %arg7[%swap3A_301, %swap3A_302, %swap3A_303], %swap3A_306 {strides = array<i32>} : memref<2x8x1024xf32, #tpu.memory_space<vmem>>, vector<1x1x16xf32>,
          %mul3A_307 = arith.constant 8 : i32
          %mul3A_308 = arith.muli %scan3A_222, %mul3A_307 : i32
          %add3A_309 = arith.constant 2 : i32
          %add3A_310 = arith.addi %mul3A_308, %add3A_309 : i32
          %mul3A_311 = arith.constant 16 : i32
          %mul3A_312 = arith.muli %add3A_310, %mul3A_311 : i32
          %get3A_313 = arith.constant 7 : i32
          %get3A_314 = arith.index_cast %get3A_313 : i32 to index
          %get3A_315 = arith.index_cast %mul3A_312 : i32 to index
          %get3A_316 = tpu.vector_load %arg5[%get3A_314, %get3A_315] {strides = array<i32>} : memref<8x1024xf32, #tpu.memory_space<vmem>>, vector<1x16xf32>,
          %get3A_317 = vector.shape_cast %get3A_316 : vector<1x16xf32> to vector<16xf32>
          %get3A_318 = arith.constant 0 : i32
          %get3A_319 = arith.constant 7 : i32
          %get3A_320 = arith.index_cast %get3A_318 : i32 to index
          %get3A_321 = arith.index_cast %get3A_319 : i32 to index
          %get3A_322 = arith.index_cast %mul3A_312 : i32 to index
          %get3A_323 = tpu.vector_load %arg6[%get3A_320, %get3A_321, %get3A_322] {strides = array<i32>} : memref<2x8x1024xf32, #tpu.memory_space<vmem>>, vector<1x1x16xf32>,
          %get3A_324 = vector.shape_cast %get3A_323 : vector<1x1x16xf32> to vector<16xf32>
          %add3A_325 = arith.addf %get3A_324, %get3A_317 : vector<16xf32>
          %swap3A_326 = arith.constant 0 : i32
          %swap3A_327 = arith.constant 7 : i32
          %swap3A_328 = arith.index_cast %swap3A_326 : i32 to index
          %swap3A_329 = arith.index_cast %swap3A_327 : i32 to index
          %swap3A_330 = arith.index_cast %mul3A_312 : i32 to index
          %swap3A_331 = tpu.vector_load %arg7[%swap3A_328, %swap3A_329, %swap3A_330] {strides = array<i32>} : memref<2x8x1024xf32, #tpu.memory_space<vmem>>, vector<1x1x16xf32>,
          %swap3A_332 = vector.shape_cast %swap3A_331 : vector<1x1x16xf32> to vector<16xf32>
          %swap3A_333 = vector.shape_cast %add3A_325 : vector<16xf32> to vector<1x1x16xf32>
          tpu.vector_store %arg7[%swap3A_328, %swap3A_329, %swap3A_330], %swap3A_333 {strides = array<i32>} : memref<2x8x1024xf32, #tpu.memory_space<vmem>>, vector<1x1x16xf32>,
          %get3A_334 = arith.constant 1 : i32
          %get3A_335 = arith.constant 7 : i32
          %get3A_336 = arith.index_cast %get3A_334 : i32 to index
          %get3A_337 = arith.index_cast %get3A_335 : i32 to index
          %get3A_338 = arith.index_cast %mul3A_312 : i32 to index
          %get3A_339 = tpu.vector_load %arg6[%get3A_336, %get3A_337, %get3A_338] {strides = array<i32>} : memref<2x8x1024xf32, #tpu.memory_space<vmem>>, vector<1x1x16xf32>,
          %get3A_340 = vector.shape_cast %get3A_339 : vector<1x1x16xf32> to vector<16xf32>
          %add3A_341 = arith.addf %get3A_340, %get3A_317 : vector<16xf32>
          %swap3A_342 = arith.constant 1 : i32
          %swap3A_343 = arith.constant 7 : i32
          %swap3A_344 = arith.index_cast %swap3A_342 : i32 to index
          %swap3A_345 = arith.index_cast %swap3A_343 : i32 to index
          %swap3A_346 = arith.index_cast %mul3A_312 : i32 to index
          %swap3A_347 = tpu.vector_load %arg7[%swap3A_344, %swap3A_345, %swap3A_346] {strides = array<i32>} : memref<2x8x1024xf32, #tpu.memory_space<vmem>>, vector<1x1x16xf32>,
          %swap3A_348 = vector.shape_cast %swap3A_347 : vector<1x1x16xf32> to vector<16xf32>
          %swap3A_349 = vector.shape_cast %add3A_341 : vector<16xf32> to vector<1x1x16xf32>
          tpu.vector_store %arg7[%swap3A_344, %swap3A_345, %swap3A_346], %swap3A_349 {strides = array<i32>} : memref<2x8x1024xf32, #tpu.memory_space<vmem>>, vector<1x1x16xf32>,
          %mul3A_350 = arith.constant 8 : i32
          %mul3A_351 = arith.muli %scan3A_222, %mul3A_350 : i32
          %add3A_352 = arith.constant 3 : i32
          %add3A_353 = arith.addi %mul3A_351, %add3A_352 : i32
          %mul3A_354 = arith.constant 16 : i32
          %mul3A_355 = arith.muli %add3A_353, %mul3A_354 : i32
          %get3A_356 = arith.constant 7 : i32
          %get3A_357 = arith.index_cast %get3A_356 : i32 to index
          %get3A_358 = arith.index_cast %mul3A_355 : i32 to index
          %get3A_359 = tpu.vector_load %arg5[%get3A_357, %get3A_358] {strides = array<i32>} : memref<8x1024xf32, #tpu.memory_space<vmem>>, vector<1x16xf32>,
          %get3A_360 = vector.shape_cast %get3A_359 : vector<1x16xf32> to vector<16xf32>
          %get3A_361 = arith.constant 0 : i32
          %get3A_362 = arith.constant 7 : i32
          %get3A_363 = arith.index_cast %get3A_361 : i32 to index
          %get3A_364 = arith.index_cast %get3A_362 : i32 to index
          %get3A_365 = arith.index_cast %mul3A_355 : i32 to index
          %get3A_366 = tpu.vector_load %arg6[%get3A_363, %get3A_364, %get3A_365] {strides = array<i32>} : memref<2x8x1024xf32, #tpu.memory_space<vmem>>, vector<1x1x16xf32>,
          %get3A_367 = vector.shape_cast %get3A_366 : vector<1x1x16xf32> to vector<16xf32>
          %add3A_368 = arith.addf %get3A_367, %get3A_360 : vector<16xf32>
          %swap3A_369 = arith.constant 0 : i32
          %swap3A_370 = arith.constant 7 : i32
          %swap3A_371 = arith.index_cast %swap3A_369 : i32 to index
          %swap3A_372 = arith.index_cast %swap3A_370 : i32 to index
          %swap3A_373 = arith.index_cast %mul3A_355 : i32 to index
          %swap3A_374 = tpu.vector_load %arg7[%swap3A_371, %swap3A_372, %swap3A_373] {strides = array<i32>} : memref<2x8x1024xf32, #tpu.memory_space<vmem>>, vector<1x1x16xf32>,
          %swap3A_375 = vector.shape_cast %swap3A_374 : vector<1x1x16xf32> to vector<16xf32>
          %swap3A_376 = vector.shape_cast %add3A_368 : vector<16xf32> to vector<1x1x16xf32>
          tpu.vector_store %arg7[%swap3A_371, %swap3A_372, %swap3A_373], %swap3A_376 {strides = array<i32>} : memref<2x8x1024xf32, #tpu.memory_space<vmem>>, vector<1x1x16xf32>,
          %get3A_377 = arith.constant 1 : i32
          %get3A_378 = arith.constant 7 : i32
          %get3A_379 = arith.index_cast %get3A_377 : i32 to index
          %get3A_380 = arith.index_cast %get3A_378 : i32 to index
          %get3A_381 = arith.index_cast %mul3A_355 : i32 to index
          %get3A_382 = tpu.vector_load %arg6[%get3A_379, %get3A_380, %get3A_381] {strides = array<i32>} : memref<2x8x1024xf32, #tpu.memory_space<vmem>>, vector<1x1x16xf32>,
          %get3A_383 = vector.shape_cast %get3A_382 : vector<1x1x16xf32> to vector<16xf32>
          %add3A_384 = arith.addf %get3A_383, %get3A_360 : vector<16xf32>
          %swap3A_385 = arith.constant 1 : i32
          %swap3A_386 = arith.constant 7 : i32
          %swap3A_387 = arith.index_cast %swap3A_385 : i32 to index
          %swap3A_388 = arith.index_cast %swap3A_386 : i32 to index
          %swap3A_389 = arith.index_cast %mul3A_355 : i32 to index
          %swap3A_390 = tpu.vector_load %arg7[%swap3A_387, %swap3A_388, %swap3A_389] {strides = array<i32>} : memref<2x8x1024xf32, #tpu.memory_space<vmem>>, vector<1x1x16xf32>,
          %swap3A_391 = vector.shape_cast %swap3A_390 : vector<1x1x16xf32> to vector<16xf32>
          %swap3A_392 = vector.shape_cast %add3A_384 : vector<16xf32> to vector<1x1x16xf32>
          tpu.vector_store %arg7[%swap3A_387, %swap3A_388, %swap3A_389], %swap3A_392 {strides = array<i32>} : memref<2x8x1024xf32, #tpu.memory_space<vmem>>, vector<1x1x16xf32>,
          %mul3A_393 = arith.constant 8 : i32
          %mul3A_394 = arith.muli %scan3A_222, %mul3A_393 : i32
          %add3A_395 = arith.constant 4 : i32
          %add3A_396 = arith.addi %mul3A_394, %add3A_395 : i32
          %mul3A_397 = arith.constant 16 : i32
          %mul3A_398 = arith.muli %add3A_396, %mul3A_397 : i32
          %get3A_399 = arith.constant 7 : i32
          %get3A_400 = arith.index_cast %get3A_399 : i32 to index
          %get3A_401 = arith.index_cast %mul3A_398 : i32 to index
          %get3A_402 = tpu.vector_load %arg5[%get3A_400, %get3A_401] {strides = array<i32>} : memref<8x1024xf32, #tpu.memory_space<vmem>>, vector<1x16xf32>,
          %get3A_403 = vector.shape_cast %get3A_402 : vector<1x16xf32> to vector<16xf32>
          %get3A_404 = arith.constant 0 : i32
          %get3A_405 = arith.constant 7 : i32
          %get3A_406 = arith.index_cast %get3A_404 : i32 to index
          %get3A_407 = arith.index_cast %get3A_405 : i32 to index
          %get3A_408 = arith.index_cast %mul3A_398 : i32 to index
          %get3A_409 = tpu.vector_load %arg6[%get3A_406, %get3A_407, %get3A_408] {strides = array<i32>} : memref<2x8x1024xf32, #tpu.memory_space<vmem>>, vector<1x1x16xf32>,
          %get3A_410 = vector.shape_cast %get3A_409 : vector<1x1x16xf32> to vector<16xf32>
          %add3A_411 = arith.addf %get3A_410, %get3A_403 : vector<16xf32>
          %swap3A_412 = arith.constant 0 : i32
          %swap3A_413 = arith.constant 7 : i32
          %swap3A_414 = arith.index_cast %swap3A_412 : i32 to index
          %swap3A_415 = arith.index_cast %swap3A_413 : i32 to index
          %swap3A_416 = arith.index_cast %mul3A_398 : i32 to index
          %swap3A_417 = tpu.vector_load %arg7[%swap3A_414, %swap3A_415, %swap3A_416] {strides = array<i32>} : memref<2x8x1024xf32, #tpu.memory_space<vmem>>, vector<1x1x16xf32>,
          %swap3A_418 = vector.shape_cast %swap3A_417 : vector<1x1x16xf32> to vector<16xf32>
          %swap3A_419 = vector.shape_cast %add3A_411 : vector<16xf32> to vector<1x1x16xf32>
          tpu.vector_store %arg7[%swap3A_414, %swap3A_415, %swap3A_416], %swap3A_419 {strides = array<i32>} : memref<2x8x1024xf32, #tpu.memory_space<vmem>>, vector<1x1x16xf32>,
          %get3A_420 = arith.constant 1 : i32
          %get3A_421 = arith.constant 7 : i32
          %get3A_422 = arith.index_cast %get3A_420 : i32 to index
          %get3A_423 = arith.index_cast %get3A_421 : i32 to index
          %get3A_424 = arith.index_cast %mul3A_398 : i32 to index
          %get3A_425 = tpu.vector_load %arg6[%get3A_422, %get3A_423, %get3A_424] {strides = array<i32>} : memref<2x8x1024xf32, #tpu.memory_space<vmem>>, vector<1x1x16xf32>,
          %get3A_426 = vector.shape_cast %get3A_425 : vector<1x1x16xf32> to vector<16xf32>
          %add3A_427 = arith.addf %get3A_426, %get3A_403 : vector<16xf32>
          %swap3A_428 = arith.constant 1 : i32
          %swap3A_429 = arith.constant 7 : i32
          %swap3A_430 = arith.index_cast %swap3A_428 : i32 to index
          %swap3A_431 = arith.index_cast %swap3A_429 : i32 to index
          %swap3A_432 = arith.index_cast %mul3A_398 : i32 to index
          %swap3A_433 = tpu.vector_load %arg7[%swap3A_430, %swap3A_431, %swap3A_432] {strides = array<i32>} : memref<2x8x1024xf32, #tpu.memory_space<vmem>>, vector<1x1x16xf32>,
          %swap3A_434 = vector.shape_cast %swap3A_433 : vector<1x1x16xf32> to vector<16xf32>
          %swap3A_435 = vector.shape_cast %add3A_427 : vector<16xf32> to vector<1x1x16xf32>
          tpu.vector_store %arg7[%swap3A_430, %swap3A_431, %swap3A_432], %swap3A_435 {strides = array<i32>} : memref<2x8x1024xf32, #tpu.memory_space<vmem>>, vector<1x1x16xf32>,
          %mul3A_436 = arith.constant 8 : i32
          %mul3A_437 = arith.muli %scan3A_222, %mul3A_436 : i32
          %add3A_438 = arith.constant 5 : i32
          %add3A_439 = arith.addi %mul3A_437, %add3A_438 : i32
          %mul3A_440 = arith.constant 16 : i32
          %mul3A_441 = arith.muli %add3A_439, %mul3A_440 : i32
          %get3A_442 = arith.constant 7 : i32
          %get3A_443 = arith.index_cast %get3A_442 : i32 to index
          %get3A_444 = arith.index_cast %mul3A_441 : i32 to index
          %get3A_445 = tpu.vector_load %arg5[%get3A_443, %get3A_444] {strides = array<i32>} : memref<8x1024xf32, #tpu.memory_space<vmem>>, vector<1x16xf32>,
          %get3A_446 = vector.shape_cast %get3A_445 : vector<1x16xf32> to vector<16xf32>
          %get3A_447 = arith.constant 0 : i32
          %get3A_448 = arith.constant 7 : i32
          %get3A_449 = arith.index_cast %get3A_447 : i32 to index
          %get3A_450 = arith.index_cast %get3A_448 : i32 to index
          %get3A_451 = arith.index_cast %mul3A_441 : i32 to index
          %get3A_452 = tpu.vector_load %arg6[%get3A_449, %get3A_450, %get3A_451] {strides = array<i32>} : memref<2x8x1024xf32, #tpu.memory_space<vmem>>, vector<1x1x16xf32>,
          %get3A_453 = vector.shape_cast %get3A_452 : vector<1x1x16xf32> to vector<16xf32>
          %add3A_454 = arith.addf %get3A_453, %get3A_446 : vector<16xf32>
          %swap3A_455 = arith.constant 0 : i32
          %swap3A_456 = arith.constant 7 : i32
          %swap3A_457 = arith.index_cast %swap3A_455 : i32 to index
          %swap3A_458 = arith.index_cast %swap3A_456 : i32 to index
          %swap3A_459 = arith.index_cast %mul3A_441 : i32 to index
          %swap3A_460 = tpu.vector_load %arg7[%swap3A_457, %swap3A_458, %swap3A_459] {strides = array<i32>} : memref<2x8x1024xf32, #tpu.memory_space<vmem>>, vector<1x1x16xf32>,
          %swap3A_461 = vector.shape_cast %swap3A_460 : vector<1x1x16xf32> to vector<16xf32>
          %swap3A_462 = vector.shape_cast %add3A_454 : vector<16xf32> to vector<1x1x16xf32>
          tpu.vector_store %arg7[%swap3A_457, %swap3A_458, %swap3A_459], %swap3A_462 {strides = array<i32>} : memref<2x8x1024xf32, #tpu.memory_space<vmem>>, vector<1x1x16xf32>,
          %get3A_463 = arith.constant 1 : i32
          %get3A_464 = arith.constant 7 : i32
          %get3A_465 = arith.index_cast %get3A_463 : i32 to index
          %get3A_466 = arith.index_cast %get3A_464 : i32 to index
          %get3A_467 = arith.index_cast %mul3A_441 : i32 to index
          %get3A_468 = tpu.vector_load %arg6[%get3A_465, %get3A_466, %get3A_467] {strides = array<i32>} : memref<2x8x1024xf32, #tpu.memory_space<vmem>>, vector<1x1x16xf32>,
          %get3A_469 = vector.shape_cast %get3A_468 : vector<1x1x16xf32> to vector<16xf32>
          %add3A_470 = arith.addf %get3A_469, %get3A_446 : vector<16xf32>
          %swap3A_471 = arith.constant 1 : i32
          %swap3A_472 = arith.constant 7 : i32
          %swap3A_473 = arith.index_cast %swap3A_471 : i32 to index
          %swap3A_474 = arith.index_cast %swap3A_472 : i32 to index
          %swap3A_475 = arith.index_cast %mul3A_441 : i32 to index
          %swap3A_476 = tpu.vector_load %arg7[%swap3A_473, %swap3A_474, %swap3A_475] {strides = array<i32>} : memref<2x8x1024xf32, #tpu.memory_space<vmem>>, vector<1x1x16xf32>,
          %swap3A_477 = vector.shape_cast %swap3A_476 : vector<1x1x16xf32> to vector<16xf32>
          %swap3A_478 = vector.shape_cast %add3A_470 : vector<16xf32> to vector<1x1x16xf32>
          tpu.vector_store %arg7[%swap3A_473, %swap3A_474, %swap3A_475], %swap3A_478 {strides = array<i32>} : memref<2x8x1024xf32, #tpu.memory_space<vmem>>, vector<1x1x16xf32>,
          %mul3A_479 = arith.constant 8 : i32
          %mul3A_480 = arith.muli %scan3A_222, %mul3A_479 : i32
          %add3A_481 = arith.constant 6 : i32
          %add3A_482 = arith.addi %mul3A_480, %add3A_481 : i32
          %mul3A_483 = arith.constant 16 : i32
          %mul3A_484 = arith.muli %add3A_482, %mul3A_483 : i32
          %get3A_485 = arith.constant 7 : i32
          %get3A_486 = arith.index_cast %get3A_485 : i32 to index
          %get3A_487 = arith.index_cast %mul3A_484 : i32 to index
          %get3A_488 = tpu.vector_load %arg5[%get3A_486, %get3A_487] {strides = array<i32>} : memref<8x1024xf32, #tpu.memory_space<vmem>>, vector<1x16xf32>,
          %get3A_489 = vector.shape_cast %get3A_488 : vector<1x16xf32> to vector<16xf32>
          %get3A_490 = arith.constant 0 : i32
          %get3A_491 = arith.constant 7 : i32
          %get3A_492 = arith.index_cast %get3A_490 : i32 to index
          %get3A_493 = arith.index_cast %get3A_491 : i32 to index
          %get3A_494 = arith.index_cast %mul3A_484 : i32 to index
          %get3A_495 = tpu.vector_load %arg6[%get3A_492, %get3A_493, %get3A_494] {strides = array<i32>} : memref<2x8x1024xf32, #tpu.memory_space<vmem>>, vector<1x1x16xf32>,
          %get3A_496 = vector.shape_cast %get3A_495 : vector<1x1x16xf32> to vector<16xf32>
          %add3A_497 = arith.addf %get3A_496, %get3A_489 : vector<16xf32>
          %swap3A_498 = arith.constant 0 : i32
          %swap3A_499 = arith.constant 7 : i32
          %swap3A_500 = arith.index_cast %swap3A_498 : i32 to index
          %swap3A_501 = arith.index_cast %swap3A_499 : i32 to index
          %swap3A_502 = arith.index_cast %mul3A_484 : i32 to index
          %swap3A_503 = tpu.vector_load %arg7[%swap3A_500, %swap3A_501, %swap3A_502] {strides = array<i32>} : memref<2x8x1024xf32, #tpu.memory_space<vmem>>, vector<1x1x16xf32>,
          %swap3A_504 = vector.shape_cast %swap3A_503 : vector<1x1x16xf32> to vector<16xf32>
          %swap3A_505 = vector.shape_cast %add3A_497 : vector<16xf32> to vector<1x1x16xf32>
          tpu.vector_store %arg7[%swap3A_500, %swap3A_501, %swap3A_502], %swap3A_505 {strides = array<i32>} : memref<2x8x1024xf32, #tpu.memory_space<vmem>>, vector<1x1x16xf32>,
          %get3A_506 = arith.constant 1 : i32
          %get3A_507 = arith.constant 7 : i32
          %get3A_508 = arith.index_cast %get3A_506 : i32 to index
          %get3A_509 = arith.index_cast %get3A_507 : i32 to index
          %get3A_510 = arith.index_cast %mul3A_484 : i32 to index
          %get3A_511 = tpu.vector_load %arg6[%get3A_508, %get3A_509, %get3A_510] {strides = array<i32>} : memref<2x8x1024xf32, #tpu.memory_space<vmem>>, vector<1x1x16xf32>,
          %get3A_512 = vector.shape_cast %get3A_511 : vector<1x1x16xf32> to vector<16xf32>
          %add3A_513 = arith.addf %get3A_512, %get3A_489 : vector<16xf32>
          %swap3A_514 = arith.constant 1 : i32
          %swap3A_515 = arith.constant 7 : i32
          %swap3A_516 = arith.index_cast %swap3A_514 : i32 to index
          %swap3A_517 = arith.index_cast %swap3A_515 : i32 to index
          %swap3A_518 = arith.index_cast %mul3A_484 : i32 to index
          %swap3A_519 = tpu.vector_load %arg7[%swap3A_516, %swap3A_517, %swap3A_518] {strides = array<i32>} : memref<2x8x1024xf32, #tpu.memory_space<vmem>>, vector<1x1x16xf32>,
          %swap3A_520 = vector.shape_cast %swap3A_519 : vector<1x1x16xf32> to vector<16xf32>
          %swap3A_521 = vector.shape_cast %add3A_513 : vector<16xf32> to vector<1x1x16xf32>
          tpu.vector_store %arg7[%swap3A_516, %swap3A_517, %swap3A_518], %swap3A_521 {strides = array<i32>} : memref<2x8x1024xf32, #tpu.memory_space<vmem>>, vector<1x1x16xf32>,
          %mul3A_522 = arith.constant 8 : i32
          %mul3A_523 = arith.muli %scan3A_222, %mul3A_522 : i32
          %add3A_524 = arith.constant 7 : i32
          %add3A_525 = arith.addi %mul3A_523, %add3A_524 : i32
          %mul3A_526 = arith.constant 16 : i32
          %mul3A_527 = arith.muli %add3A_525, %mul3A_526 : i32
          %get3A_528 = arith.constant 7 : i32
          %get3A_529 = arith.index_cast %get3A_528 : i32 to index
          %get3A_530 = arith.index_cast %mul3A_527 : i32 to index
          %get3A_531 = tpu.vector_load %arg5[%get3A_529, %get3A_530] {strides = array<i32>} : memref<8x1024xf32, #tpu.memory_space<vmem>>, vector<1x16xf32>,
          %get3A_532 = vector.shape_cast %get3A_531 : vector<1x16xf32> to vector<16xf32>
          %get3A_533 = arith.constant 0 : i32
          %get3A_534 = arith.constant 7 : i32
          %get3A_535 = arith.index_cast %get3A_533 : i32 to index
          %get3A_536 = arith.index_cast %get3A_534 : i32 to index
          %get3A_537 = arith.index_cast %mul3A_527 : i32 to index
          %get3A_538 = tpu.vector_load %arg6[%get3A_535, %get3A_536, %get3A_537] {strides = array<i32>} : memref<2x8x1024xf32, #tpu.memory_space<vmem>>, vector<1x1x16xf32>,
          %get3A_539 = vector.shape_cast %get3A_538 : vector<1x1x16xf32> to vector<16xf32>
          %add3A_540 = arith.addf %get3A_539, %get3A_532 : vector<16xf32>
          %swap3A_541 = arith.constant 0 : i32
          %swap3A_542 = arith.constant 7 : i32
          %swap3A_543 = arith.index_cast %swap3A_541 : i32 to index
          %swap3A_544 = arith.index_cast %swap3A_542 : i32 to index
          %swap3A_545 = arith.index_cast %mul3A_527 : i32 to index
          %swap3A_546 = tpu.vector_load %arg7[%swap3A_543, %swap3A_544, %swap3A_545] {strides = array<i32>} : memref<2x8x1024xf32, #tpu.memory_space<vmem>>, vector<1x1x16xf32>,
          %swap3A_547 = vector.shape_cast %swap3A_546 : vector<1x1x16xf32> to vector<16xf32>
          %swap3A_548 = vector.shape_cast %add3A_540 : vector<16xf32> to vector<1x1x16xf32>
          tpu.vector_store %arg7[%swap3A_543, %swap3A_544, %swap3A_545], %swap3A_548 {strides = array<i32>} : memref<2x8x1024xf32, #tpu.memory_space<vmem>>, vector<1x1x16xf32>,
          %get3A_549 = arith.constant 1 : i32
          %get3A_550 = arith.constant 7 : i32
          %get3A_551 = arith.index_cast %get3A_549 : i32 to index
          %get3A_552 = arith.index_cast %get3A_550 : i32 to index
          %get3A_553 = arith.index_cast %mul3A_527 : i32 to index
          %get3A_554 = tpu.vector_load %arg6[%get3A_551, %get3A_552, %get3A_553] {strides = array<i32>} : memref<2x8x1024xf32, #tpu.memory_space<vmem>>, vector<1x1x16xf32>,
          %get3A_555 = vector.shape_cast %get3A_554 : vector<1x1x16xf32> to vector<16xf32>
          %add3A_556 = arith.addf %get3A_555, %get3A_532 : vector<16xf32>
          %swap3A_557 = arith.constant 1 : i32
          %swap3A_558 = arith.constant 7 : i32
          %swap3A_559 = arith.index_cast %swap3A_557 : i32 to index
          %swap3A_560 = arith.index_cast %swap3A_558 : i32 to index
          %swap3A_561 = arith.index_cast %mul3A_527 : i32 to index
          %swap3A_562 = tpu.vector_load %arg7[%swap3A_559, %swap3A_560, %swap3A_561] {strides = array<i32>} : memref<2x8x1024xf32, #tpu.memory_space<vmem>>, vector<1x1x16xf32>,
          %swap3A_563 = vector.shape_cast %swap3A_562 : vector<1x1x16xf32> to vector<16xf32>
          %swap3A_564 = vector.shape_cast %add3A_556 : vector<16xf32> to vector<1x1x16xf32>
          tpu.vector_store %arg7[%swap3A_559, %swap3A_560, %swap3A_561], %swap3A_564 {strides = array<i32>} : memref<2x8x1024xf32, #tpu.memory_space<vmem>>, vector<1x1x16xf32>,
        }
        %scan3A_176 = arith.constant 8 : i32
        %dma_start3A_177 = arith.constant 0 : i32
        %dma_start3A_178 = arith.constant 0 : i32
        %dma_start3A_179 = arith.constant 0 : i32
        %dma_start3A_180 = arith.constant 0 : i32
        %dma_start3A_181 = tpu.memref_slice %arg7[%dma_start3A_177, %dma_start3A_179, %dma_start3A_180] : memref<2x8x1024xf32, #tpu.memory_space<vmem>> -> memref<1x8x1024xf32, #tpu.memory_space<vmem>>
        %dma_start3A_182 = tpu.memref_squeeze %dma_start3A_181 : memref<1x8x1024xf32, #tpu.memory_space<vmem>> -> memref<8x1024xf32, #tpu.memory_space<vmem>>
        %dma_start3A_183 = arith.constant 0 : i32
        %dma_start3A_184 = tpu.memref_slice %arg4[%mul3A_86, %mul3A_2, %dma_start3A_183] : memref<64x192x1024xf32, #tpu.memory_space<hbm>> -> memref<1x8x1024xf32, #tpu.memory_space<hbm>>
        %dma_start3A_185 = tpu.memref_squeeze %dma_start3A_184 : memref<1x8x1024xf32, #tpu.memory_space<hbm>> -> memref<8x1024xf32, #tpu.memory_space<hbm>>
        %dma_start3A_186 = tpu.memref_slice %arg9[%dma_start3A_178] : memref<2x!tpu.dma_semaphore, #tpu.memory_space<semaphore_mem>> -> memref<1x!tpu.dma_semaphore, #tpu.memory_space<semaphore_mem>>
        %dma_start3A_187 = tpu.memref_squeeze %dma_start3A_186 : memref<1x!tpu.dma_semaphore, #tpu.memory_space<semaphore_mem>> -> memref<!tpu.dma_semaphore, #tpu.memory_space<semaphore_mem>>
        %dma_start3A_188 = arith.constant 0 : i32
        %dma_start3A_189 = tpu.memref_slice %arg4[%mul3A_86, %mul3A_2, %dma_start3A_188] : memref<64x192x1024xf32, #tpu.memory_space<hbm>> -> memref<1x8x1024xf32, #tpu.memory_space<hbm>>
        %dma_start3A_190 = tpu.memref_squeeze %dma_start3A_189 : memref<1x8x1024xf32, #tpu.memory_space<hbm>> -> memref<8x1024xf32, #tpu.memory_space<hbm>>
        %dma_start3A_191 = arith.constant 0 : i32
        %dma_start3A_192 = arith.constant 0 : i32
        %dma_start3A_193 = tpu.memref_slice %arg7[%dma_start3A_177, %dma_start3A_191, %dma_start3A_192] : memref<2x8x1024xf32, #tpu.memory_space<vmem>> -> memref<1x8x1024xf32, #tpu.memory_space<vmem>>
        %dma_start3A_194 = tpu.memref_squeeze %dma_start3A_193 : memref<1x8x1024xf32, #tpu.memory_space<vmem>> -> memref<8x1024xf32, #tpu.memory_space<vmem>>
        tpu.enqueue_dma source(%dma_start3A_194 : memref<8x1024xf32, #tpu.memory_space<vmem>>) target(%dma_start3A_190 : memref<8x1024xf32, #tpu.memory_space<hbm>>) target_semaphore(%dma_start3A_187 : memref<!tpu.dma_semaphore, #tpu.memory_space<semaphore_mem>>)
        %add3A_195 = arith.constant 1 : i32
        %add3A_196 = arith.addi %mul3A_86, %add3A_195 : i32
        %dma_start3A_197 = arith.constant 1 : i32
        %dma_start3A_198 = arith.constant 1 : i32
        %dma_start3A_199 = arith.constant 0 : i32
        %dma_start3A_200 = arith.constant 0 : i32
        %dma_start3A_201 = tpu.memref_slice %arg7[%dma_start3A_197, %dma_start3A_199, %dma_start3A_200] : memref<2x8x1024xf32, #tpu.memory_space<vmem>> -> memref<1x8x1024xf32, #tpu.memory_space<vmem>>
        %dma_start3A_202 = tpu.memref_squeeze %dma_start3A_201 : memref<1x8x1024xf32, #tpu.memory_space<vmem>> -> memref<8x1024xf32, #tpu.memory_space<vmem>>
        %dma_start3A_203 = arith.constant 0 : i32
        %dma_start3A_204 = tpu.memref_slice %arg4[%add3A_196, %mul3A_2, %dma_start3A_203] : memref<64x192x1024xf32, #tpu.memory_space<hbm>> -> memref<1x8x1024xf32, #tpu.memory_space<hbm>>
        %dma_start3A_205 = tpu.memref_squeeze %dma_start3A_204 : memref<1x8x1024xf32, #tpu.memory_space<hbm>> -> memref<8x1024xf32, #tpu.memory_space<hbm>>
        %dma_start3A_206 = tpu.memref_slice %arg9[%dma_start3A_198] : memref<2x!tpu.dma_semaphore, #tpu.memory_space<semaphore_mem>> -> memref<1x!tpu.dma_semaphore, #tpu.memory_space<semaphore_mem>>
        %dma_start3A_207 = tpu.memref_squeeze %dma_start3A_206 : memref<1x!tpu.dma_semaphore, #tpu.memory_space<semaphore_mem>> -> memref<!tpu.dma_semaphore, #tpu.memory_space<semaphore_mem>>
        %dma_start3A_208 = arith.constant 0 : i32
        %dma_start3A_209 = tpu.memref_slice %arg4[%add3A_196, %mul3A_2, %dma_start3A_208] : memref<64x192x1024xf32, #tpu.memory_space<hbm>> -> memref<1x8x1024xf32, #tpu.memory_space<hbm>>
        %dma_start3A_210 = tpu.memref_squeeze %dma_start3A_209 : memref<1x8x1024xf32, #tpu.memory_space<hbm>> -> memref<8x1024xf32, #tpu.memory_space<hbm>>
        %dma_start3A_211 = arith.constant 0 : i32
        %dma_start3A_212 = arith.constant 0 : i32
        %dma_start3A_213 = tpu.memref_slice %arg7[%dma_start3A_197, %dma_start3A_211, %dma_start3A_212] : memref<2x8x1024xf32, #tpu.memory_space<vmem>> -> memref<1x8x1024xf32, #tpu.memory_space<vmem>>
        %dma_start3A_214 = tpu.memref_squeeze %dma_start3A_213 : memref<1x8x1024xf32, #tpu.memory_space<vmem>> -> memref<8x1024xf32, #tpu.memory_space<vmem>>
        tpu.enqueue_dma source(%dma_start3A_214 : memref<8x1024xf32, #tpu.memory_space<vmem>>) target(%dma_start3A_210 : memref<8x1024xf32, #tpu.memory_space<hbm>>) target_semaphore(%dma_start3A_207 : memref<!tpu.dma_semaphore, #tpu.memory_space<semaphore_mem>>)
        %add3A_215 = arith.constant 2 : i32
        %add3A_216 = arith.addi %mul3A_86, %add3A_215 : i32
        %lt3A_217 = arith.constant 64 : i32
        %lt3A_218 = arith.cmpi slt, %add3A_216, %lt3A_217 : i32
        %convert_element_type3A_219 = arith.extui %lt3A_218 : i1 to i32
        %cond3A_220 = arith.constant 0 : i32
        %cond3A_221 = arith.cmpi ne, %convert_element_type3A_219, %cond3A_220 : i32
        scf.if %cond3A_221 {
          %add3A_222 = arith.constant 2 : i32
          %add3A_223 = arith.addi %mul3A_86, %add3A_222 : i32
          %dma_start3A_224 = arith.constant 0 : i32
          %dma_start3A_225 = arith.constant 0 : i32
          %dma_start3A_226 = arith.constant 0 : i32
          %dma_start3A_227 = arith.constant 0 : i32
          %dma_start3A_228 = tpu.memref_slice %arg6[%dma_start3A_224, %dma_start3A_226, %dma_start3A_227] : memref<2x8x1024xf32, #tpu.memory_space<vmem>> -> memref<1x8x1024xf32, #tpu.memory_space<vmem>>
          %dma_start3A_229 = tpu.memref_squeeze %dma_start3A_228 : memref<1x8x1024xf32, #tpu.memory_space<vmem>> -> memref<8x1024xf32, #tpu.memory_space<vmem>>
          %dma_start3A_230 = arith.constant 0 : i32
          %dma_start3A_231 = tpu.memref_slice %arg2[%add3A_223, %mul3A_2, %dma_start3A_230] : memref<64x192x1024xf32, #tpu.memory_space<hbm>> -> memref<1x8x1024xf32, #tpu.memory_space<hbm>>
          %dma_start3A_232 = tpu.memref_squeeze %dma_start3A_231 : memref<1x8x1024xf32, #tpu.memory_space<hbm>> -> memref<8x1024xf32, #tpu.memory_space<hbm>>
          %dma_start3A_233 = tpu.memref_slice %arg8[%dma_start3A_225] : memref<2x!tpu.dma_semaphore, #tpu.memory_space<semaphore_mem>> -> memref<1x!tpu.dma_semaphore, #tpu.memory_space<semaphore_mem>>
          %dma_start3A_234 = tpu.memref_squeeze %dma_start3A_233 : memref<1x!tpu.dma_semaphore, #tpu.memory_space<semaphore_mem>> -> memref<!tpu.dma_semaphore, #tpu.memory_space<semaphore_mem>>
          %dma_start3A_235 = arith.constant 0 : i32
          %dma_start3A_236 = arith.constant 0 : i32
          %dma_start3A_237 = tpu.memref_slice %arg6[%dma_start3A_224, %dma_start3A_235, %dma_start3A_236] : memref<2x8x1024xf32, #tpu.memory_space<vmem>> -> memref<1x8x1024xf32, #tpu.memory_space<vmem>>
          %dma_start3A_238 = tpu.memref_squeeze %dma_start3A_237 : memref<1x8x1024xf32, #tpu.memory_space<vmem>> -> memref<8x1024xf32, #tpu.memory_space<vmem>>
          %dma_start3A_239 = arith.constant 0 : i32
          %dma_start3A_240 = tpu.memref_slice %arg2[%add3A_223, %mul3A_2, %dma_start3A_239] : memref<64x192x1024xf32, #tpu.memory_space<hbm>> -> memref<1x8x1024xf32, #tpu.memory_space<hbm>>
          %dma_start3A_241 = tpu.memref_squeeze %dma_start3A_240 : memref<1x8x1024xf32, #tpu.memory_space<hbm>> -> memref<8x1024xf32, #tpu.memory_space<hbm>>
          tpu.enqueue_dma source(%dma_start3A_241 : memref<8x1024xf32, #tpu.memory_space<hbm>>) target(%dma_start3A_238 : memref<8x1024xf32, #tpu.memory_space<vmem>>) target_semaphore(%dma_start3A_234 : memref<!tpu.dma_semaphore, #tpu.memory_space<semaphore_mem>>)
          %add3A_242 = arith.constant 3 : i32
          %add3A_243 = arith.addi %mul3A_86, %add3A_242 : i32
          %dma_start3A_244 = arith.constant 1 : i32
          %dma_start3A_245 = arith.constant 1 : i32
          %dma_start3A_246 = arith.constant 0 : i32
          %dma_start3A_247 = arith.constant 0 : i32
          %dma_start3A_248 = tpu.memref_slice %arg6[%dma_start3A_244, %dma_start3A_246, %dma_start3A_247] : memref<2x8x1024xf32, #tpu.memory_space<vmem>> -> memref<1x8x1024xf32, #tpu.memory_space<vmem>>
          %dma_start3A_249 = tpu.memref_squeeze %dma_start3A_248 : memref<1x8x1024xf32, #tpu.memory_space<vmem>> -> memref<8x1024xf32, #tpu.memory_space<vmem>>
          %dma_start3A_250 = arith.constant 0 : i32
          %dma_start3A_251 = tpu.memref_slice %arg2[%add3A_243, %mul3A_2, %dma_start3A_250] : memref<64x192x1024xf32, #tpu.memory_space<hbm>> -> memref<1x8x1024xf32, #tpu.memory_space<hbm>>
          %dma_start3A_252 = tpu.memref_squeeze %dma_start3A_251 : memref<1x8x1024xf32, #tpu.memory_space<hbm>> -> memref<8x1024xf32, #tpu.memory_space<hbm>>
          %dma_start3A_253 = tpu.memref_slice %arg8[%dma_start3A_245] : memref<2x!tpu.dma_semaphore, #tpu.memory_space<semaphore_mem>> -> memref<1x!tpu.dma_semaphore, #tpu.memory_space<semaphore_mem>>
          %dma_start3A_254 = tpu.memref_squeeze %dma_start3A_253 : memref<1x!tpu.dma_semaphore, #tpu.memory_space<semaphore_mem>> -> memref<!tpu.dma_semaphore, #tpu.memory_space<semaphore_mem>>
          %dma_start3A_255 = arith.constant 0 : i32
          %dma_start3A_256 = arith.constant 0 : i32
          %dma_start3A_257 = tpu.memref_slice %arg6[%dma_start3A_244, %dma_start3A_255, %dma_start3A_256] : memref<2x8x1024xf32, #tpu.memory_space<vmem>> -> memref<1x8x1024xf32, #tpu.memory_space<vmem>>
          %dma_start3A_258 = tpu.memref_squeeze %dma_start3A_257 : memref<1x8x1024xf32, #tpu.memory_space<vmem>> -> memref<8x1024xf32, #tpu.memory_space<vmem>>
          %dma_start3A_259 = arith.constant 0 : i32
          %dma_start3A_260 = tpu.memref_slice %arg2[%add3A_243, %mul3A_2, %dma_start3A_259] : memref<64x192x1024xf32, #tpu.memory_space<hbm>> -> memref<1x8x1024xf32, #tpu.memory_space<hbm>>
          %dma_start3A_261 = tpu.memref_squeeze %dma_start3A_260 : memref<1x8x1024xf32, #tpu.memory_space<hbm>> -> memref<8x1024xf32, #tpu.memory_space<hbm>>
          tpu.enqueue_dma source(%dma_start3A_261 : memref<8x1024xf32, #tpu.memory_space<hbm>>) target(%dma_start3A_258 : memref<8x1024xf32, #tpu.memory_space<vmem>>) target_semaphore(%dma_start3A_254 : memref<!tpu.dma_semaphore, #tpu.memory_space<semaphore_mem>>)
        } else {
        }
      }
      %scan3A_46 = arith.constant 32 : i32
      %dma_wait3A = arith.constant 0 : i32
      %dma_wait3A_47 = arith.constant 62 : i32
      %dma_wait3A_48 = arith.constant 0 : i32
      %dma_wait3A_49 = arith.constant 0 : i32
      %dma_wait3A_50 = arith.constant 0 : i32
      %dma_wait3A_51 = tpu.memref_slice %arg7[%dma_wait3A, %dma_wait3A_49, %dma_wait3A_50] : memref<2x8x1024xf32, #tpu.memory_space<vmem>> -> memref<1x8x1024xf32, #tpu.memory_space<vmem>>
      %dma_wait3A_52 = tpu.memref_squeeze %dma_wait3A_51 : memref<1x8x1024xf32, #tpu.memory_space<vmem>> -> memref<8x1024xf32, #tpu.memory_space<vmem>>
      %dma_wait3A_53 = arith.constant 0 : i32
      %dma_wait3A_54 = tpu.memref_slice %arg4[%dma_wait3A_47, %mul3A_2, %dma_wait3A_53] : memref<64x192x1024xf32, #tpu.memory_space<hbm>> -> memref<1x8x1024xf32, #tpu.memory_space<hbm>>
      %dma_wait3A_55 = tpu.memref_squeeze %dma_wait3A_54 : memref<1x8x1024xf32, #tpu.memory_space<hbm>> -> memref<8x1024xf32, #tpu.memory_space<hbm>>
      %dma_wait3A_56 = tpu.memref_slice %arg9[%dma_wait3A_48] : memref<2x!tpu.dma_semaphore, #tpu.memory_space<semaphore_mem>> -> memref<1x!tpu.dma_semaphore, #tpu.memory_space<semaphore_mem>>
      %dma_wait3A_57 = tpu.memref_squeeze %dma_wait3A_56 : memref<1x!tpu.dma_semaphore, #tpu.memory_space<semaphore_mem>> -> memref<!tpu.dma_semaphore, #tpu.memory_space<semaphore_mem>>
      %dma_wait3A_58 = arith.constant 0 : i32
      %dma_wait3A_59 = tpu.memref_slice %arg4[%dma_wait3A_47, %mul3A_2, %dma_wait3A_58] : memref<64x192x1024xf32, #tpu.memory_space<hbm>> -> memref<1x8x1024xf32, #tpu.memory_space<hbm>>
      %dma_wait3A_60 = tpu.memref_squeeze %dma_wait3A_59 : memref<1x8x1024xf32, #tpu.memory_space<hbm>> -> memref<8x1024xf32, #tpu.memory_space<hbm>>
      %dma_wait3A_61 = arith.constant 0 : i32
      %dma_wait3A_62 = arith.constant 0 : i32
      %dma_wait3A_63 = tpu.memref_slice %arg7[%dma_wait3A, %dma_wait3A_61, %dma_wait3A_62] : memref<2x8x1024xf32, #tpu.memory_space<vmem>> -> memref<1x8x1024xf32, #tpu.memory_space<vmem>>
      %dma_wait3A_64 = tpu.memref_squeeze %dma_wait3A_63 : memref<1x8x1024xf32, #tpu.memory_space<vmem>> -> memref<8x1024xf32, #tpu.memory_space<vmem>>
      tpu.wait_dma2 semaphore(%dma_wait3A_57 : memref<!tpu.dma_semaphore, #tpu.memory_space<semaphore_mem>>) src(%dma_wait3A_64 : memref<8x1024xf32, #tpu.memory_space<vmem>>) dst(%dma_wait3A_60 : memref<8x1024xf32, #tpu.memory_space<hbm>>)
      %dma_wait3A_65 = arith.constant 1 : i32
      %dma_wait3A_66 = arith.constant 63 : i32
      %dma_wait3A_67 = arith.constant 1 : i32
      %dma_wait3A_68 = arith.constant 0 : i32
      %dma_wait3A_69 = arith.constant 0 : i32
      %dma_wait3A_70 = tpu.memref_slice %arg7[%dma_wait3A_65, %dma_wait3A_68, %dma_wait3A_69] : memref<2x8x1024xf32, #tpu.memory_space<vmem>> -> memref<1x8x1024xf32, #tpu.memory_space<vmem>>
      %dma_wait3A_71 = tpu.memref_squeeze %dma_wait3A_70 : memref<1x8x1024xf32, #tpu.memory_space<vmem>> -> memref<8x1024xf32, #tpu.memory_space<vmem>>
      %dma_wait3A_72 = arith.constant 0 : i32
      %dma_wait3A_73 = tpu.memref_slice %arg4[%dma_wait3A_66, %mul3A_2, %dma_wait3A_72] : memref<64x192x1024xf32, #tpu.memory_space<hbm>> -> memref<1x8x1024xf32, #tpu.memory_space<hbm>>
      %dma_wait3A_74 = tpu.memref_squeeze %dma_wait3A_73 : memref<1x8x1024xf32, #tpu.memory_space<hbm>> -> memref<8x1024xf32, #tpu.memory_space<hbm>>
      %dma_wait3A_75 = tpu.memref_slice %arg9[%dma_wait3A_67] : memref<2x!tpu.dma_semaphore, #tpu.memory_space<semaphore_mem>> -> memref<1x!tpu.dma_semaphore, #tpu.memory_space<semaphore_mem>>
      %dma_wait3A_76 = tpu.memref_squeeze %dma_wait3A_75 : memref<1x!tpu.dma_semaphore, #tpu.memory_space<semaphore_mem>> -> memref<!tpu.dma_semaphore, #tpu.memory_space<semaphore_mem>>
      %dma_wait3A_77 = arith.constant 0 : i32
      %dma_wait3A_78 = tpu.memref_slice %arg4[%dma_wait3A_66, %mul3A_2, %dma_wait3A_77] : memref<64x192x1024xf32, #tpu.memory_space<hbm>> -> memref<1x8x1024xf32, #tpu.memory_space<hbm>>
      %dma_wait3A_79 = tpu.memref_squeeze %dma_wait3A_78 : memref<1x8x1024xf32, #tpu.memory_space<hbm>> -> memref<8x1024xf32, #tpu.memory_space<hbm>>
      %dma_wait3A_80 = arith.constant 0 : i32
      %dma_wait3A_81 = arith.constant 0 : i32
      %dma_wait3A_82 = tpu.memref_slice %arg7[%dma_wait3A_65, %dma_wait3A_80, %dma_wait3A_81] : memref<2x8x1024xf32, #tpu.memory_space<vmem>> -> memref<1x8x1024xf32, #tpu.memory_space<vmem>>
      %dma_wait3A_83 = tpu.memref_squeeze %dma_wait3A_82 : memref<1x8x1024xf32, #tpu.memory_space<vmem>> -> memref<8x1024xf32, #tpu.memory_space<vmem>>
      tpu.wait_dma2 semaphore(%dma_wait3A_76 : memref<!tpu.dma_semaphore, #tpu.memory_space<semaphore_mem>>) src(%dma_wait3A_83 : memref<8x1024xf32, #tpu.memory_space<vmem>>) dst(%dma_wait3A_79 : memref<8x1024xf32, #tpu.memory_space<hbm>>)
    } else {
    }
    return
  }
}

</mosaic_0001>

<sc_bundles>
// kernel: kernel.3.cloned.1.call-start
scs
__scs_entry_jumppad:
0x0: {  	(pc) =	sbr.rel $0x88, $3  }
0x1: {  	(tag) =	ssettag $0x0;
	lr =	simm.s32 $0x1  }
0x2: {  	[smem:$0x3F9F] =	sst lr;
	_ =	strace $0xD0000000  }
0x3: {  	_ = 	snop  }
0x4: {  	_ = 	snop  }
0x5: {  	_ = 	snop  }
0x6: {  	_ = 	snop  }
0x7: {  	_ = 	snop  }
__scs_overlays_trampoline_lowered:
0x8: {  	[smem:$0x3FAE] =	sst s0  }
0x9: {  	[smem:$0x3FAF] =	sst s1  }
0xa: {  	[smem:$0x3FB0] =	sst s2  }
0xb: {  	[smem:$0x3FB1] =	sst s3  }
0xc: {  	[smem:$0x3FB2] =	sst s4  }
0xd: {  	[smem:$0x3FB3] =	sst s5  }
0xe: {  	[smem:$0x3FB4] =	sst s6  }
0xf: {  	[smem:$0x3FB5] =	sst s7  }
0x10: {  	[smem:$0x3FB6] =	sst s8  }
0x11: {  	[smem:$0x3FB7] =	sst s9;
	s0 =	simm.s32 @!p0 $0x0  }
0x12: {  	s1 =	sld [smem:$0x3F9D];
	s0 =	simm.s32 @p0 $0x1  }
0x13: {  	[smem:$0x3FB8] =	sst s0;
	s0 =	simm.s32 @!p1 $0x0  }
0x14: {  	s2 =	sld [smem:$0x3F9C];
	s0 =	simm.s32 @p1 $0x1  }
0x15: {  	[smem:$0x3FB9] =	sst s0;
	s0 =	simm.s32 @!p2 $0x0  }
0x16: {  	s3 =	sld [smem:$0x3FDB];
	s0 =	simm.s32 @p2 $0x1  }
0x17: {  	s4 =	simm.s32 $0x1BF5;
	[smem:$0x3FBB] =	sst s0  }
0x18: {  	s0 =	sld [smem:$0x3F9E];
	_ =	swait.ge [sflag:s4], $0x0  }
0x19: {  	s7 =	sld [smem:$0x3F9F]  }
0x1a: {  	s8 =	sadd.s32 $0xFFFFE003, lr  }
0x1b: {  	s9 =	sadd.s32 $0xFFFFFEF7, lr;
	s5 =	simm.s32 $0xFFFFFFFF;
	p2 =	slt.u32 s8, $0xFFFFF086  }
0x1c: {  	p1 =	slt.u32 s9, $0xF7A;
	s5 =	simm.s32 @!p2 $0x0  }
0x1d: {  	s5 =	simm.s32 @p1 $0x1;
	p0 =	seq.s32 s7, s2  }
0x1e: {  	s7 =	smul.u32 @!p0 $0xF7A, s2;
	p2 =	seq.s32 @!p0 s5, $0x0  }
0x1f: {  	s9 =	smul.u32 $0xF7A, s1;
	s8 =	simm.s32 @!p0 $0x1BF5;
	p2 =	por !p2, p0  }
0x20: {  	[sflag:s8] =	ssyncset.s32 @!p0 $0xFFFFF086;
	s6 =	sadd.s32 @!p0 s3, s7;
	s7 =	simm.s32 @!p0 $0x108  }
0x21: {  	s3 =	sadd.s32 s3, s9;
	s6 =	sadd.s32 @!p0 $0x88, s6;
	s7 =	simm.s32 @p2 $0x1082  }
0x22: {  	[simem:s7], [sflag:s8] =	dma.local @!p0 [hbm:s6], $0xF7A  }
0x23: {  	s9 =	sor.u32 $0xD0000000, s2;
	s6 =	simm.s32 $0x108;
	_ =	swait.ge @!p0 [sflag:s8], $0x0  }
0x24: {  	s3 =	sadd.s32 $0x88, s3;
	s6 =	simm.s32 @!p1 $0x1082;
	[sflag:s4] =	ssyncset.s32 $0xFFFFF086  }
0x25: {  	[simem:s6], [sflag:s4] =	dma.local [hbm:s3], $0xF7A  }
0x26: {  	[smem:$0x3F9F] =	sst s1;
	(tag) =	ssettag s2;
	_ =	strace s9  }
0x27: {  	s1 =	sld [smem:$0x3FAF]  }
0x28: {  	s2 =	sld [smem:$0x3FB0]  }
0x29: {  	s4 =	sld [smem:$0x3FB2]  }
0x2a: {  	p0 =	seq.s32 s5, $0x0;
	s5 =	sld [smem:$0x3FB3]  }
0x2b: {  	s6 =	sld [smem:$0x3FB4]  }
0x2c: {  	s7 =	sld [smem:$0x3FB5]  }
0x2d: {  	s3 =	simm.s32 $0x108;
	s8 =	sld [smem:$0x3FB6]  }
0x2e: {  	s3 =	simm.s32 @!p0 $0x1082;
	s9 =	sld [smem:$0x3FB7]  }
0x2f: {  	lr =	sadd.s32 s0, s3;
	s0 =	sld [smem:$0x3FAE]  }
0x30: {  	s3 =	sld [smem:$0x3FB1]  }
0x31: {  	[smem:$0x3FBA] =	sst s10  }
0x32: {  	s10 =	sld [smem:$0x3FB8];
	_ =	sdelay $0x3  }
0x33: {  	p0 =	seq.s32 s10, $0x1;
	s10 =	sld [smem:$0x3FBA];
	_ =	sdelay $0x3  }
0x34: {  	[smem:$0x3FBA] =	sst s10  }
0x35: {  	s10 =	sld [smem:$0x3FB9];
	_ =	sdelay $0x3  }
0x36: {  	p1 =	seq.s32 s10, $0x1;
	s10 =	sld [smem:$0x3FBA];
	_ =	sdelay $0x3  }
0x37: {  	[smem:$0x3FBA] =	sst s10  }
0x38: {  	s10 =	sld [smem:$0x3FBB]  }
0x39: {  	_ = 	snop;
	(pc) =	sbr.ind lr, $3  }
0x3a: {  	_ = 	snop  }
0x3b: {  	_ = 	snop  }
0x3c: {  	p2 =	seq.s32 s10, $0x1;
	s10 =	sld [smem:$0x3FBA]  }
0x3d: {  	_ =	shalt  }
0x3e: {  	_ =	shalt  }
0x3f: {  	_ =	shalt  }
0x40: {  	_ =	shalt  }
0x41: {  	_ =	shalt  }
0x42: {  	_ =	shalt  }
0x43: {  	_ =	shalt  }
0x44: {  	_ =	shalt  }
0x45: {  	_ =	shalt  }
0x46: {  	_ =	shalt  }
0x47: {  	_ =	shalt  }
0x48: {  	_ =	shalt  }
0x49: {  	_ =	shalt  }
0x4a: {  	_ =	shalt  }
0x4b: {  	_ =	shalt  }
0x4c: {  	_ =	shalt  }
0x4d: {  	_ =	shalt  }
0x4e: {  	_ =	shalt  }
0x4f: {  	_ =	shalt  }
0x50: {  	_ =	shalt  }
0x51: {  	_ =	shalt  }
0x52: {  	_ =	shalt  }
0x53: {  	_ =	shalt  }
0x54: {  	_ =	shalt  }
0x55: {  	_ =	shalt  }
0x56: {  	_ =	shalt  }
0x57: {  	_ =	shalt  }
0x58: {  	_ =	shalt  }
0x59: {  	_ =	shalt  }
0x5a: {  	_ =	shalt  }
0x5b: {  	_ =	shalt  }
0x5c: {  	_ =	shalt  }
0x5d: {  	_ =	shalt  }
0x5e: {  	_ =	shalt  }
0x5f: {  	_ =	shalt  }
0x60: {  	_ =	shalt  }
0x61: {  	_ =	shalt  }
0x62: {  	_ =	shalt  }
0x63: {  	_ =	shalt  }
0x64: {  	_ =	shalt  }
0x65: {  	_ =	shalt  }
0x66: {  	_ =	shalt  }
0x67: {  	_ =	shalt  }
0x68: {  	_ =	shalt  }
0x69: {  	_ =	shalt  }
0x6a: {  	_ =	shalt  }
0x6b: {  	_ =	shalt  }
0x6c: {  	_ =	shalt  }
0x6d: {  	_ =	shalt  }
0x6e: {  	_ =	shalt  }
0x6f: {  	_ =	shalt  }
0x70: {  	_ =	shalt  }
0x71: {  	_ =	shalt  }
0x72: {  	_ =	shalt  }
0x73: {  	_ =	shalt  }
0x74: {  	_ =	shalt  }
0x75: {  	_ =	shalt  }
0x76: {  	_ =	shalt  }
0x77: {  	_ =	shalt  }
0x78: {  	_ =	shalt  }
0x79: {  	_ =	shalt  }
0x7a: {  	_ =	shalt  }
0x7b: {  	_ =	shalt  }
0x7c: {  	_ =	shalt  }
0x7d: {  	_ =	shalt  }
0x7e: {  	_ =	shalt  }
0x7f: {  	_ =	shalt  }
0x80: {  	_ =	shalt  }
0x81: {  	_ =	shalt  }
0x82: {  	_ =	shalt  }
0x83: {  	_ =	shalt  }
0x84: {  	_ =	shalt  }
0x85: {  	_ =	shalt  }
0x86: {  	_ =	shalt  }
0x87: {  	_ =	shalt  }
.Lfunc_end0:
.L_simem_size_0:
called_computation_lowered:
.L_overlay_start_0:
0x88: {  	s2 =	sld [smem:$0x3FD9]  }
0x89: {  	s3 =	sld [smem:$0x3FFE];
	_ =	sdelay $0x1  }
0x8a: {  	s1 =	srdreg.scid  }
0x8b: {  	s0 =	sand.u32 $0x1, s1  }
0x8c: {  	s18 =	sshll.u32 s0, $0xA;
	s2 =	sadd.s32 s3, s2  }
0x8d: {  	s2 =	sadd.s32 s2, s18  }
0x8e: {  	[smem:$0x3FC6] =	sst s2  }
0x8f: {  	_ = 	snop  }
0x90: {  	s2 =	sld [smem:$0x3FC9]  }
0x91: {  	s19 =	sld [smem:$0x3FC8]  }
0x92: {  	s4 =	sld [smem:$0x3FD0];
	(tm) =	ssettm $0x1  }
0x93: {  	s5 =	sld [smem:$0x3FFB];
	_ =	sdelay $0x3  }
0x94: {  	_ =	strace s5  }
0x95: {  	s5 =	sld [smem:$0x3FFC];
	_ =	sdelay $0x3  }
0x96: {  	_ =	strace s5  }
0x97: {  	s5 =	sld [smem:$0x3FFD];
	_ =	sdelay $0x3  }
0x98: {  	_ =	strace s5  }
0x99: {  	_ =	strace $0x8FFFFFFF  }
0x9a: {  	s20 =	sld [smem:$0x3FDB];
	_ =	sdelay $0x1  }
0x9b: {  	s6 =	simm.s32 $_scs_section_size  }
0x9c: {  	s7 =	simm.s32 $_size__tile_overlayer_lowered;
	s8 =	simm.s32 $_tile_overlayer_lowered  }
0x9d: {  	s23 =	simm.s32 $0x1BFF;
	s22 =	sshll.u32 s8, $0x1;
	s5 =	sadd.s32 s6, s20  }
0x9e: {  	s9 =	simm.s32 $0x0;
	s21 =	sshll.u32 s7, $0x1;
	s7 =	sadd.s32 s22, s5  }
0x9f: {  	[timem:s9], [sflag:s23] =	dma.local [hbm:s7], s21  }
0xa0: {  	_ =	swait.ge [sflag:s23], s21  }
0xa1: {  	s6 =	ssub.s32 $0x0, s21;
	[sflag:s23] =	ssyncset.done $0x0  }
0xa2: {  	[sflag:s23] =	ssyncadd.s32 s6;
	_ =	sdelay $0x1  }
0xa3: {  	s24 =	simm.s32 $0x1B8B  }
0xa4: {  	_ =	swait.ge [sflag:s24], $0x1  }
0xa5: {  	[sflag:s24] =	ssyncset.done $0x0  }
0xa6: {  	s25 =	simm.s32 $0x1B8E;
	[sflag:s24] =	ssyncadd.s32 $0xFFFFFFFF  }
0xa7: {  	s26 =	simm.s32 $execute0_lowered;
	[smem:$0x3FD2] =	sst s25  }
0xa8: {  	s6 =	sshll.u32 s26, $0x1;
	_ =	strace $0x80000046;
	[dreg:$0x1] =	wrdreg $0xFFFFFFFF  }
0xa9: {  	s28 =	simm.s32 $_size_execute0_lowered;
	s5 =	sadd.s32 s5, s6;
	[dreg:$0x0] =	wrdreg $0x0  }
0xaa: {  	s6 =	sshll.u32 s28, $0x1;
	[dreg:$0x2] =	wrdreg s5  }
0xab: {  	[dreg:$0x3] =	wrdreg s6  }
0xac: {  	[dreg:$0x4] =	wrdreg $0xC0  }
0xad: {  	_ =	task [dreg:s9], $0x5FFFF  }
0xae: {  	[dreg:$0x1] =	wrdreg $0xFFFFFFFF  }
0xaf: {  	[dreg:$0x0] =	wrdreg $0x60  }
0xb0: {  	[dreg:$0x2] =	wrdreg s2  }
0xb1: {  	[dreg:$0x3] =	wrdreg s19  }
0xb2: {  	[dreg:$0x4] =	wrdreg s4  }
0xb3: {  	[dreg:$0x5] =	wrdreg $0x9  }
0xb4: {  	_ =	task.clear_ibuf [dreg:s9], $0x6FFFF;
	_ =	strace $0x90000046  }
0xb5: {  	s29 =	simm.s32 $0x9;
	_ =	strace $0x80000048  }
0xb6: {  	_ =	swait.ge [sflag:s29], $0x1  }
0xb7: {  	[sflag:s29] =	ssyncadd.s32 $0xFFFFFFFF  }
0xb8: {  	_ =	strace $0x90000048  }
0xb9: {  	_ =	sfence  }
0xba: {  	s30 =	sld [smem:$0x0];
	_ =	sdelay $0x2  }
0xbb: {  	s31 =	sshll.u32 s1, $0xD;
	s1 =	sshrl.u32 s1, $0x2  }
0xbc: {  	s3 =	sand.u32 $0x4000, s31;
	s1 =	sadd.s32 s1, s30  }
0xbd: {  	s0 =	sor.u32 s3, s0;
	s1 =	sshll.u32 s1, $0x11  }
0xbe: {  	s0 =	sor.u32 s1, s0  }
0xbf: {  	s0 =	sadd.s32 $0x8F2B, s0  }
0xc0: {  	[sflag:s0] =	ssyncadd.remote.s32 $0x1  }
0xc1: {  	_ =	sfence.sel $0xFFFF  }
0xc2: {  	[dreg:$0x0] =	wrdreg $0xFFFFFFFF;
	(pc) =	sbr.abs _section_cstart, $3  }
0xc3: {  	[dreg:$0x1] =	wrdreg $0xFFFFFFFF  }
0xc4: {  	_ =	task.clear_ibuf [dreg:s9], $0x2FFFF;
	_ =	strace $0x9FFFFFFF  }
0xc5: {  	(tm) =	ssettm $0x7FFFFFFF  }
tec
execute0_lowered:
.L_overlay_start_1:
0x0: {  	(tag) =	ssettag $0x1  }
0x1: {  	s2 =	stileid.u32  }
0x2: {  	p0 =	sgt.u32 s2, $0xB  }
.Ltmp0:
0x3: {  	s1 =	rddreg [dreg:$0x0];
	(pc) =	sbr.rel @p0 .LBB2_46-.Ltmp0, $4  }
0x4: {  	s11 =	rddreg [dreg:$0x1]  }
0x5: {  	s3 =	rddreg [dreg:$0x2];
	s4 =	simm.s32 $0x0  }
0x6: {  	[smem:$0x7FF] =	sst s4  }
0x7: {  	s0 =	rddreg [dreg:$0x3];
	_ =	strace $0x80000047  }
0x8: {  	s5 =	srdreg.scid  }
0x9: {  	s30 =	sshll.u32 s2, $0x1;
	s15 =	simm.s32 $0x4000;
	s16 =	simm.s32 $0x1  }
0xa: {  	s17 =	simm.s32 $0x2;
	s18 =	simm.s32 $0x6000;
	s19 =	simm.s32 $0x8000  }
0xb: {  	s20 =	simm.s32 $0x3;
	s21 =	simm.s32 $0x4;
	s7 =	sand.u32 $0x1, s5  }
0xc: {  	s22 =	simm.s32 $0x0;
	s8 =	sor.u32 s7, s30;
	s13 =	ssub.s32 $0x2, s7  }
.Ltmp1:
0xd: {  	s5 =	sshll.u32 s8, $0xD;
	s12 =	sshll.u32 s8, $0xA;
	(pc) =	sbr.rel .LBB2_2-.Ltmp1, $4  }
0xe: {  	s14 =	sshrl.u32 s13, $0x1;
	s6 =	sadd.s32 $0x30000, s5;
	s7 =	sadd.s32 s1, s12  }
0xf: {  	s9 =	sadd.s32 $0x60000, s5;
	s10 =	sadd.s32 $0x90000, s5;
	s13 =	ssub.s32 s13, s14  }
0x10: {  	s11 =	sadd.s32 s11, s12;
	s14 =	simm.s32 $0x2000;
	s31 =	sshrl.u32 s6, $0x3  }
0x11: {  	s12 =	smax.u32 s13, $0x1;
	s13 =	simm.s32 $0x5;
	s8 =	sadd.s32 s1, s31  }
.LBB2_45:
0x12: {  	s22 =	sadd.s32 $0x1, s22  }
0x13: {  	_ =	swait.ge [sflag:s20], $0x2000;
	p0 =	sne.s32 s22, s12  }
.Ltmp2:
0x14: {  	[sflag:s20] =	ssyncset.done $0x0;
	(pc) =	sbr.rel @!p0 .LBB2_46-.Ltmp2, $4  }
0x15: {  	[sflag:s20] =	ssyncadd.s32 $0xFFFFE000  }
0x16: {  	_ =	swait.ge [sflag:s21], $0x2000  }
0x17: {  	[sflag:s21] =	ssyncset.done $0x0  }
0x18: {  	[sflag:s21] =	ssyncadd.s32 $0xFFFFE000  }
.LBB2_2:
0x19: {  	s23 =	simm.s32 $0x0  }
0x1a: {  	[tilespmem:s23], [sflag:$0x5] =	stream.linear.gather [hbm4b:s11+s23], $0x2000, $0x38;
	[tilespmem:$0xA000] =	vst v63  }
0x1b: {  	_ =	swait.ge [sflag:s13], $0x2000  }
0x1c: {  	[sflag:s13] =	ssyncset.done $0x0  }
0x1d: {  	[sflag:s13] =	ssyncadd.s32 $0xFFFFE000  }
0x1e: {  	[tilespmem:s14], [sflag:$0x1] =	stream.linear.gather [hbm4b:s7+s23], $0x2000, $0x38;
	[tilespmem:$0xA000] =	vst v63  }
0x1f: {  	_ = 	snop  }
0x20: {  	[tilespmem:s15], [sflag:$0x2] =	stream.linear.gather [hbm4b:s8+s23], $0x2000, $0x38;
	[tilespmem:$0xA000] =	vst v63  }
.LBB2_3:
0x21: {  	_ =	swait.ge [sflag:s16], $0x2000  }
0x22: {  	[sflag:s16] =	ssyncset.done $0x0  }
0x23: {  	[sflag:s16] =	ssyncadd.s32 $0xFFFFE000  }
0x24: {  	_ =	swait.ge [sflag:s17], $0x2000  }
0x25: {  	p0 =	seq.s32 s23, $0x0;
	[sflag:s17] =	ssyncset.done $0x0  }
0x26: {  	s24 =	simm.s32 @!p0 $0x3;
	[sflag:s17] =	ssyncadd.s32 $0xFFFFE000  }
0x27: {  	_ =	swait.ge @!p0 [sflag:s24], $0x2000  }
0x28: {  	[sflag:s24] =	ssyncset.done @!p0 $0x0  }
0x29: {  	[sflag:s24] =	ssyncadd.s32 @!p0 $0xFFFFE000;
	s24 =	simm.s32 @!p0 $0x4  }
0x2a: {  	_ =	swait.ge @!p0 [sflag:s24], $0x2000  }
0x2b: {  	[sflag:s24] =	ssyncset.done @!p0 $0x0  }
0x2c: {  	[sflag:s24] =	ssyncadd.s32 @!p0 $0xFFFFE000;
	s24 =	simm.s32 $0x0  }
0x2d: {  	v0 =	vld [tilespmem:s24+$0x70]  }
0x2e: {  	v1 =	vld [tilespmem:s24+$0x4070]  }
0x2f: {  	v2 =	vld [tilespmem:s24+$0x0]  }
0x30: {  	v3 =	vld [tilespmem:s24+$0x2000]  }
0x31: {  	v4 =	vld [tilespmem:s24+$0x4000]  }
0x32: {  	v5 =	vld [tilespmem:s24+$0x10]  }
0x33: {  	v6 =	vld [tilespmem:s24+$0x2010]  }
0x34: {  	v7 =	vld [tilespmem:s24+$0x4010];
	v1 =	vadd.f32 v1, v0  }
0x35: {  	v8 =	vld [tilespmem:s24+$0x20];
	v3 =	vadd.f32 v3, v2  }
0x36: {  	v2 =	vadd.f32 v4, v2;
	[tilespmem:s24+$0x8070] =	vst v1;
	v1 =	vld [tilespmem:s24+$0x2020]  }
0x37: {  	v4 =	vld [tilespmem:s24+$0x30];
	[tilespmem:s24+$0x6000] =	vst v3  }
0x38: {  	v3 =	vld [tilespmem:s24+$0x4020];
	[tilespmem:s24+$0x8000] =	vst v2;
	v2 =	vadd.f32 v6, v5  }
0x39: {  	v6 =	vld [tilespmem:s24+$0x2030]  }
0x3a: {  	v5 =	vadd.f32 v7, v5;
	[tilespmem:s24+$0x6010] =	vst v2;
	v2 =	vld [tilespmem:s24+$0x4030]  }
0x3b: {  	v7 =	vld [tilespmem:s24+$0x2040];
	v1 =	vadd.f32 v1, v8  }
0x3c: {  	[tilespmem:s24+$0x8010] =	vst v5;
	v5 =	vld [tilespmem:s24+$0x40]  }
0x3d: {  	v3 =	vadd.f32 v3, v8;
	[tilespmem:s24+$0x6020] =	vst v1;
	v1 =	vld [tilespmem:s24+$0x4040]  }
0x3e: {  	v8 =	vld [tilespmem:s24+$0x50]  }
0x3f: {  	[tilespmem:s24+$0x8020] =	vst v3;
	v3 =	vadd.f32 v6, v4;
	v6 =	vld [tilespmem:s24+$0x2050];
	v2 =	vadd.f32 v2, v4  }
0x40: {  	v9 =	vld [tilespmem:s24+$0x4050]  }
0x41: {  	v4 =	vadd.f32 v7, v5;
	[tilespmem:s24+$0x8030] =	vst v2;
	v2 =	vld [tilespmem:s24+$0x60]  }
0x42: {  	[tilespmem:s24+$0x6030] =	vst v3;
	v3 =	vld [tilespmem:s24+$0x2060];
	v1 =	vadd.f32 v1, v5  }
0x43: {  	[tilespmem:s24+$0x6040] =	vst v4;
	v4 =	vld [tilespmem:s24+$0x4060]  }
0x44: {  	s25 =	simm.s32 $0x400;
	v5 =	vld [tilespmem:s24+$0x2070];
	v6 =	vadd.f32 v6, v8;
	[tilespmem:s24+$0x8040] =	vst v1  }
0x45: {  	s26 =	simm.s32 $0x2000;
	v7 =	vadd.f32 v9, v8;
	v1 =	vld [tilespmem:s25+$0x70]  }
.LBB2_4:
0x46: {  	p0 =	sne.s32 s26, $0x7000;
	v8 =	vld [tilespmem:s25+$0x4070];
	[tilespmem:s24+$0x6050] =	vst v6  }
0x47: {  	v6 =	vld [tilespmem:s25+$0x0];
	[tilespmem:s24+$0x8050] =	vst v7;
	v3 =	vadd.f32 v3, v2  }
0x48: {  	v7 =	vld [tilespmem:s25+$0x2000];
	v2 =	vadd.f32 v4, v2  }
0x49: {  	v4 =	vld [tilespmem:s25+$0x4000];
	[tilespmem:s24+$0x6060] =	vst v3;
	v3 =	vadd.f32 v5, v0  }
0x4a: {  	v5 =	vld [tilespmem:s25+$0x10];
	[tilespmem:s24+$0x8060] =	vst v2;
	v0 =	vmov v1  }
0x4b: {  	v1 =	vld [tilespmem:s25+$0x2010];
	v2 =	vadd.f32 v8, v0;
	[tilespmem:s24+$0x6070] =	vst v3;
	s24 =	smov.u32 s25  }
0x4c: {  	v3 =	vld [tilespmem:s24+$0x4010]  }
0x4d: {  	v7 =	vadd.f32 v7, v6;
	v8 =	vld [tilespmem:s24+$0x20];
	[tilespmem:s24+$0x8070] =	vst v2  }
0x4e: {  	v2 =	vadd.f32 v4, v6;
	v4 =	vld [tilespmem:s24+$0x2020]  }
0x4f: {  	[tilespmem:s24+$0x6000] =	vst v7;
	v6 =	vld [tilespmem:s24+$0x4020]  }
0x50: {  	[tilespmem:s24+$0x8000] =	vst v2;
	v1 =	vadd.f32 v1, v5;
	v2 =	vld [tilespmem:s24+$0x30]  }
0x51: {  	v3 =	vadd.f32 v3, v5;
	v5 =	vld [tilespmem:s24+$0x2030]  }
0x52: {  	[tilespmem:s24+$0x6010] =	vst v1;
	v1 =	vld [tilespmem:s24+$0x4030]  }
0x53: {  	[tilespmem:s24+$0x8010] =	vst v3;
	v3 =	vadd.f32 v4, v8;
	v4 =	vld [tilespmem:s24+$0x40]  }
0x54: {  	v6 =	vadd.f32 v6, v8;
	v7 =	vld [tilespmem:s24+$0x2040]  }
0x55: {  	[tilespmem:s24+$0x6020] =	vst v3;
	v3 =	vld [tilespmem:s24+$0x4040]  }
0x56: {  	[tilespmem:s24+$0x8020] =	vst v6;
	v5 =	vadd.f32 v5, v2;
	v8 =	vld [tilespmem:s24+$0x50]  }
0x57: {  	v1 =	vadd.f32 v1, v2;
	v6 =	vld [tilespmem:s24+$0x2050]  }
0x58: {  	[tilespmem:s24+$0x6030] =	vst v5;
	v9 =	vld [tilespmem:s24+$0x4050]  }
.Ltmp3:
0x59: {  	[tilespmem:s24+$0x8030] =	vst v1;
	v1 =	vadd.f32 v7, v4;
	v2 =	vld [tilespmem:s24+$0x60];
	(pc) =	sbr.rel @p0 .LBB2_4-.Ltmp3, $4  }
0x5a: {  	v5 =	vadd.f32 v3, v4;
	v3 =	vld [tilespmem:s24+$0x2060]  }
0x5b: {  	[tilespmem:s24+$0x6040] =	vst v1;
	v4 =	vld [tilespmem:s24+$0x4060]  }
0x5c: {  	s25 =	sshra.s32 s26, $0x2;
	[tilespmem:s24+$0x8040] =	vst v5;
	v6 =	vadd.f32 v6, v8;
	v5 =	vld [tilespmem:s24+$0x2070]  }
0x5d: {  	s26 =	sadd.s32 $0x1000, s26;
	v1 =	vld [tilespmem:s25+$0x70];
	v7 =	vadd.f32 v9, v8  }
0x5e: {  	v8 =	vld [tilespmem:s25+$0x4070];
	[tilespmem:s24+$0x6050] =	vst v6  }
0x5f: {  	v6 =	vld [tilespmem:s25+$0x0];
	[tilespmem:s24+$0x8050] =	vst v7;
	v3 =	vadd.f32 v3, v2  }
0x60: {  	v7 =	vld [tilespmem:s25+$0x2000];
	v2 =	vadd.f32 v4, v2  }
0x61: {  	v9 =	vld [tilespmem:s25+$0x4000];
	[tilespmem:s24+$0x6060] =	vst v3;
	v0 =	vadd.f32 v5, v0  }
0x62: {  	v3 =	vld [tilespmem:s25+$0x10];
	[tilespmem:s24+$0x8060] =	vst v2  }
0x63: {  	v2 =	vld [tilespmem:s25+$0x2010];
	[tilespmem:s24+$0x6070] =	vst v0  }
0x64: {  	v0 =	vadd.f32 v8, v1;
	v52 =	vld [tilespmem:s25+$0x4010]  }
0x65: {  	v53 =	vld [tilespmem:s25+$0x20]  }
0x66: {  	[tilespmem:s25+$0x8070] =	vst v0;
	v0 =	vld [tilespmem:s25+$0x2020]  }
0x67: {  	v54 =	vld [tilespmem:s25+$0x4020]  }
0x68: {  	v55 =	vld [tilespmem:s25+$0x30];
	v2 =	vadd.f32 v2, v3  }
0x69: {  	v56 =	vld [tilespmem:s25+$0x2030]  }
0x6a: {  	v3 =	vadd.f32 v52, v3;
	[tilespmem:s25+$0x6010] =	vst v2;
	v2 =	vld [tilespmem:s25+$0x4030]  }
0x6b: {  	v57 =	vld [tilespmem:s25+$0x2040];
	v0 =	vadd.f32 v0, v53  }
0x6c: {  	[tilespmem:s25+$0x8010] =	vst v3;
	v3 =	vld [tilespmem:s25+$0x40]  }
0x6d: {  	[tilespmem:s25+$0x6020] =	vst v0;
	v0 =	vld [tilespmem:s25+$0x4040]  }
0x6e: {  	v59 =	vld [tilespmem:s25+$0x50];
	v7 =	vadd.f32 v7, v6  }
0x6f: {  	v60 =	vld [tilespmem:s25+$0x2050];
	v2 =	vadd.f32 v2, v55  }
0x70: {  	v61 =	vld [tilespmem:s25+$0x4050];
	v6 =	vadd.f32 v9, v6;
	[tilespmem:s25+$0x6000] =	vst v7  }
0x71: {  	v62 =	vld [tilespmem:s25+$0x60];
	[tilespmem:s25+$0x8030] =	vst v2;
	v2 =	vadd.f32 v57, v3  }
0x72: {  	v63 =	vld [tilespmem:s25+$0x2060];
	[tilespmem:s25+$0x8000] =	vst v6;
	v0 =	vadd.f32 v0, v3  }
0x73: {  	v5 =	vadd.f32 v54, v53;
	[tilespmem:s25+$0x6040] =	vst v2;
	v2 =	vld [tilespmem:s25+$0x4060]  }
0x74: {  	v58 =	vadd.f32 v56, v55;
	[tilespmem:s25+$0x8040] =	vst v0;
	v0 =	vld [tilespmem:s25+$0x2070]  }
0x75: {  	[tilespmem:s25+$0x8020] =	vst v5;
	v3 =	vadd.f32 v60, v59  }
0x76: {  	[tilespmem:s25+$0x6030] =	vst v58;
	v5 =	vadd.f32 v61, v59  }
0x77: {  	[tilespmem:s25+$0x6050] =	vst v3;
	v3 =	vadd.f32 v63, v62  }
0x78: {  	p1 =	por $0x1, $0x1;
	[tilespmem:s25+$0x8050] =	vst v5;
	v2 =	vadd.f32 v2, v62  }
.Ltmp4:
0x79: {  	[tilespmem:s25+$0x6060] =	vst v3;
	v0 =	vadd.f32 v0, v1;
	(pc) =	sbr.rel @!p1 .LBB2_6-.Ltmp4, $4  }
0x7a: {  	[tilespmem:s25+$0x8060] =	vst v2  }
0x7b: {  	s24 =	simm.s32 $0x0;
	[tilespmem:s25+$0x6070] =	vst v0  }
0x7c: {  	v0 =	vld [tilespmem:s24+$0xF0]  }
0x7d: {  	p0 =	por $0x0, $0x0  }
0x7e: {  	v1 =	vld [tilespmem:s24+$0x40F0]  }
0x7f: {  	v2 =	vld [tilespmem:s24+$0x80]  }
0x80: {  	v3 =	vld [tilespmem:s24+$0x2080]  }
0x81: {  	v4 =	vld [tilespmem:s24+$0x4080]  }
0x82: {  	v5 =	vld [tilespmem:s24+$0x90]  }
0x83: {  	v6 =	vld [tilespmem:s24+$0x2090]  }
0x84: {  	v7 =	vld [tilespmem:s24+$0x4090]  }
0x85: {  	v8 =	vld [tilespmem:s24+$0xA0];
	v1 =	vadd.f32 v1, v0  }
0x86: {  	v3 =	vadd.f32 v3, v2;
	v2 =	vadd.f32 v4, v2;
	v4 =	vld [tilespmem:s24+$0xB0]  }
0x87: {  	[tilespmem:s24+$0x80F0] =	vst v1;
	v1 =	vld [tilespmem:s24+$0x20A0]  }
0x88: {  	[tilespmem:s24+$0x6080] =	vst v3;
	v3 =	vld [tilespmem:s24+$0x40A0]  }
0x89: {  	[tilespmem:s24+$0x8080] =	vst v2;
	v2 =	vadd.f32 v6, v5;
	v6 =	vld [tilespmem:s24+$0x20B0]  }
0x8a: {  	v5 =	vadd.f32 v7, v5;
	v7 =	vld [tilespmem:s24+$0x20C0]  }
0x8b: {  	[tilespmem:s24+$0x6090] =	vst v2;
	v2 =	vld [tilespmem:s24+$0x40B0]  }
0x8c: {  	[tilespmem:s24+$0x8090] =	vst v5;
	v5 =	vld [tilespmem:s24+$0xC0]  }
0x8d: {  	v1 =	vadd.f32 v1, v8;
	v3 =	vadd.f32 v3, v8;
	v8 =	vld [tilespmem:s24+$0x40C0]  }
0x8e: {  	v9 =	vld [tilespmem:s24+$0xD0]  }
0x8f: {  	[tilespmem:s24+$0x60A0] =	vst v1;
	v1 =	vadd.f32 v6, v4;
	v6 =	vld [tilespmem:s24+$0x20D0]  }
0x90: {  	v10 =	vld [tilespmem:s24+$0x40D0];
	p3 =	por $0x1, $0x1;
	[tilespmem:s24+$0x80A0] =	vst v3;
	v2 =	vadd.f32 v2, v4  }
.Ltmp5:
0x91: {  	v3 =	vadd.f32 v7, v5;
	[tilespmem:s24+$0x60B0] =	vst v1;
	v1 =	vld [tilespmem:s24+$0xE0];
	(pc) =	sbr.rel @!p3 .LBB2_8-.Ltmp5, $4  }
0x92: {  	[tilespmem:s24+$0x80B0] =	vst v2;
	v2 =	vld [tilespmem:s24+$0x20E0];
	v4 =	vadd.f32 v8, v5  }
0x93: {  	[tilespmem:s24+$0x60C0] =	vst v3;
	v3 =	vld [tilespmem:s24+$0x40E0]  }
0x94: {  	s25 =	simm.s32 $0x400;
	[tilespmem:s24+$0x80C0] =	vst v4;
	v4 =	vld [tilespmem:s24+$0x20F0];
	v5 =	vadd.f32 v6, v9  }
0x95: {  	s28 =	simm.s32 $0x2000;
	p2 =	por $0x1, $0x1;
	s26 =	simm.s32 $0x0;
	v7 =	vadd.f32 v10, v9;
	v6 =	vld [tilespmem:s25+$0xF0]  }
.LBB2_9:
0x96: {  	p3 =	sne.s32 s28, $0x7000;
	v8 =	vld [tilespmem:s25+$0x40F0];
	[tilespmem:s26+$0x60D0] =	vst v5  }
0x97: {  	v5 =	vld [tilespmem:s25+$0x80];
	[tilespmem:s26+$0x80D0] =	vst v7;
	v2 =	vadd.f32 v2, v1  }
0x98: {  	v7 =	vld [tilespmem:s25+$0x2080];
	v1 =	vadd.f32 v3, v1  }
0x99: {  	v3 =	vld [tilespmem:s25+$0x4080];
	[tilespmem:s26+$0x60E0] =	vst v2;
	v2 =	vadd.f32 v4, v0  }
0x9a: {  	v4 =	vld [tilespmem:s25+$0x90];
	[tilespmem:s26+$0x80E0] =	vst v1;
	v0 =	vmov v6  }
0x9b: {  	v1 =	vld [tilespmem:s25+$0x2090];
	v6 =	vadd.f32 v8, v0;
	[tilespmem:s26+$0x60F0] =	vst v2;
	s26 =	smov.u32 s25  }
0x9c: {  	v2 =	vld [tilespmem:s26+$0x4090]  }
0x9d: {  	v7 =	vadd.f32 v7, v5;
	v8 =	vld [tilespmem:s26+$0xA0];
	[tilespmem:s26+$0x80F0] =	vst v6  }
0x9e: {  	v3 =	vadd.f32 v3, v5;
	v5 =	vld [tilespmem:s26+$0x20A0]  }
0x9f: {  	[tilespmem:s26+$0x6080] =	vst v7;
	v6 =	vld [tilespmem:s26+$0x40A0]  }
0xa0: {  	[tilespmem:s26+$0x8080] =	vst v3;
	v1 =	vadd.f32 v1, v4;
	v3 =	vld [tilespmem:s26+$0xB0]  }
0xa1: {  	v2 =	vadd.f32 v2, v4;
	v4 =	vld [tilespmem:s26+$0x20B0]  }
0xa2: {  	[tilespmem:s26+$0x6090] =	vst v1;
	v1 =	vld [tilespmem:s26+$0x40B0]  }
0xa3: {  	[tilespmem:s26+$0x8090] =	vst v2;
	v2 =	vadd.f32 v5, v8;
	v5 =	vld [tilespmem:s26+$0xC0]  }
0xa4: {  	v6 =	vadd.f32 v6, v8;
	v7 =	vld [tilespmem:s26+$0x20C0]  }
0xa5: {  	[tilespmem:s26+$0x60A0] =	vst v2;
	v2 =	vld [tilespmem:s26+$0x40C0]  }
0xa6: {  	[tilespmem:s26+$0x80A0] =	vst v6;
	v4 =	vadd.f32 v4, v3;
	v8 =	vld [tilespmem:s26+$0xD0]  }
0xa7: {  	v1 =	vadd.f32 v1, v3;
	v6 =	vld [tilespmem:s26+$0x20D0]  }
0xa8: {  	[tilespmem:s26+$0x60B0] =	vst v4;
	v9 =	vld [tilespmem:s26+$0x40D0]  }
.Ltmp6:
0xa9: {  	[tilespmem:s26+$0x80B0] =	vst v1;
	v3 =	vadd.f32 v7, v5;
	v1 =	vld [tilespmem:s26+$0xE0];
	(pc) =	sbr.rel @p3 .LBB2_9-.Ltmp6, $4  }
0xaa: {  	v4 =	vadd.f32 v2, v5;
	v2 =	vld [tilespmem:s26+$0x20E0]  }
0xab: {  	[tilespmem:s26+$0x60C0] =	vst v3;
	v3 =	vld [tilespmem:s26+$0x40E0]  }
0xac: {  	s25 =	sshra.s32 s28, $0x2;
	[tilespmem:s26+$0x80C0] =	vst v4;
	v5 =	vadd.f32 v6, v8;
	v4 =	vld [tilespmem:s26+$0x20F0]  }
0xad: {  	s28 =	sadd.s32 $0x1000, s28;
	v6 =	vld [tilespmem:s25+$0xF0];
	v7 =	vadd.f32 v9, v8  }
0xae: {  	_ =	sdelay $0x3  }
0xaf: {  	v8 =	vmov v0;
	v0 =	vmov v6  }
.LBB2_11:
0xb0: {  	v6 =	vld [tilespmem:s25+$0x40F0];
	[tilespmem:s26+$0x60D0] =	vst @p2 v5  }
0xb1: {  	v2 =	vadd.f32 @p2 v2, v1;
	v5 =	vld [tilespmem:s25+$0x80];
	[tilespmem:s26+$0x80D0] =	vst @p2 v7  }
0xb2: {  	v1 =	vadd.f32 @p2 v3, v1;
	v7 =	vld [tilespmem:s25+$0x2080]  }
0xb3: {  	v3 =	vadd.f32 @p2 v4, v8;
	v9 =	vld [tilespmem:s25+$0x4080];
	[tilespmem:s26+$0x60E0] =	vst @p2 v2  }
0xb4: {  	v2 =	vld [tilespmem:s25+$0x90];
	[tilespmem:s26+$0x80E0] =	vst @p2 v1  }
0xb5: {  	v1 =	vld [tilespmem:s25+$0x2090];
	[tilespmem:s26+$0x60F0] =	vst @p2 v3  }
0xb6: {  	v3 =	vadd.f32 v6, v0;
	v52 =	vld [tilespmem:s25+$0x4090]  }
0xb7: {  	v53 =	vld [tilespmem:s25+$0xA0]  }
0xb8: {  	[tilespmem:s25+$0x80F0] =	vst v3;
	v3 =	vld [tilespmem:s25+$0x20A0]  }
0xb9: {  	v54 =	vld [tilespmem:s25+$0x40A0]  }
0xba: {  	v55 =	vld [tilespmem:s25+$0xB0];
	v1 =	vadd.f32 v1, v2  }
0xbb: {  	v56 =	vld [tilespmem:s25+$0x20B0];
	v2 =	vadd.f32 v52, v2  }
0xbc: {  	[tilespmem:s25+$0x6090] =	vst v1;
	v1 =	vld [tilespmem:s25+$0x40B0]  }
0xbd: {  	v57 =	vld [tilespmem:s25+$0x20C0];
	[tilespmem:s25+$0x8090] =	vst v2;
	v2 =	vadd.f32 v3, v53  }
0xbe: {  	v3 =	vld [tilespmem:s25+$0xC0]  }
0xbf: {  	[tilespmem:s25+$0x60A0] =	vst v2;
	v2 =	vld [tilespmem:s25+$0x40C0]  }
0xc0: {  	v59 =	vld [tilespmem:s25+$0xD0];
	v7 =	vadd.f32 v7, v5  }
0xc1: {  	v60 =	vld [tilespmem:s25+$0x20D0];
	v1 =	vadd.f32 v1, v55  }
0xc2: {  	v61 =	vld [tilespmem:s25+$0x40D0];
	v5 =	vadd.f32 v9, v5;
	[tilespmem:s25+$0x6080] =	vst v7  }
0xc3: {  	v62 =	vld [tilespmem:s25+$0xE0];
	[tilespmem:s25+$0x80B0] =	vst v1;
	v1 =	vadd.f32 v57, v3  }
0xc4: {  	v63 =	vld [tilespmem:s25+$0x20E0];
	[tilespmem:s25+$0x8080] =	vst v5;
	v2 =	vadd.f32 v2, v3  }
0xc5: {  	v6 =	vadd.f32 v54, v53;
	[tilespmem:s25+$0x60C0] =	vst v1;
	v1 =	vld [tilespmem:s25+$0x40E0]  }
0xc6: {  	v58 =	vadd.f32 v56, v55;
	[tilespmem:s25+$0x80C0] =	vst v2;
	v2 =	vld [tilespmem:s25+$0x20F0]  }
0xc7: {  	[tilespmem:s25+$0x80A0] =	vst v6;
	v3 =	vadd.f32 v60, v59  }
0xc8: {  	v5 =	vadd.f32 v61, v59;
	[tilespmem:s25+$0x60B0] =	vst v58  }
0xc9: {  	[tilespmem:s25+$0x60D0] =	vst v3;
	v3 =	vadd.f32 v63, v62  }
0xca: {  	[tilespmem:s25+$0x80D0] =	vst v5;
	v1 =	vadd.f32 v1, v62  }
.Ltmp7:
0xcb: {  	[tilespmem:s25+$0x60E0] =	vst v3;
	v0 =	vadd.f32 v2, v0;
	(pc) =	sbr.rel @!p1 .LBB2_12-.Ltmp7, $3  }
0xcc: {  	[tilespmem:s25+$0x80E0] =	vst v1  }
0xcd: {  	[tilespmem:s25+$0x60F0] =	vst v0  }
0xce: {  	v0 =	vld [tilespmem:s24+$0x170];
	_ =	sdelay $0x1  }
0xcf: {  	v1 =	vld [tilespmem:s24+$0x4170]  }
0xd0: {  	v2 =	vld [tilespmem:s24+$0x100]  }
0xd1: {  	v3 =	vld [tilespmem:s24+$0x2100]  }
0xd2: {  	v4 =	vld [tilespmem:s24+$0x4100]  }
0xd3: {  	v5 =	vld [tilespmem:s24+$0x110]  }
0xd4: {  	v6 =	vld [tilespmem:s24+$0x2110]  }
0xd5: {  	v7 =	vld [tilespmem:s24+$0x4110]  }
0xd6: {  	v8 =	vld [tilespmem:s24+$0x120];
	v1 =	vadd.f32 v1, v0  }
0xd7: {  	v3 =	vadd.f32 v3, v2;
	v2 =	vadd.f32 v4, v2;
	v4 =	vld [tilespmem:s24+$0x130]  }
0xd8: {  	[tilespmem:s24+$0x8170] =	vst v1;
	v1 =	vld [tilespmem:s24+$0x2120]  }
0xd9: {  	[tilespmem:s24+$0x6100] =	vst v3;
	v3 =	vld [tilespmem:s24+$0x4120]  }
0xda: {  	[tilespmem:s24+$0x8100] =	vst v2;
	v2 =	vadd.f32 v6, v5;
	v6 =	vld [tilespmem:s24+$0x2130]  }
0xdb: {  	v5 =	vadd.f32 v7, v5;
	v7 =	vld [tilespmem:s24+$0x2140]  }
0xdc: {  	[tilespmem:s24+$0x6110] =	vst v2;
	v2 =	vld [tilespmem:s24+$0x4130]  }
0xdd: {  	[tilespmem:s24+$0x8110] =	vst v5;
	v5 =	vld [tilespmem:s24+$0x140]  }
0xde: {  	v1 =	vadd.f32 v1, v8;
	v3 =	vadd.f32 v3, v8;
	v8 =	vld [tilespmem:s24+$0x4140]  }
0xdf: {  	v9 =	vld [tilespmem:s24+$0x150]  }
0xe0: {  	[tilespmem:s24+$0x6120] =	vst v1;
	v1 =	vadd.f32 v6, v4;
	v6 =	vld [tilespmem:s24+$0x2150]  }
0xe1: {  	v10 =	vld [tilespmem:s24+$0x4150];
	p1 =	por $0x1, $0x1;
	[tilespmem:s24+$0x8120] =	vst v3;
	v2 =	vadd.f32 v2, v4  }
.Ltmp8:
0xe2: {  	v3 =	vadd.f32 v7, v5;
	[tilespmem:s24+$0x6130] =	vst v1;
	v1 =	vld [tilespmem:s24+$0x160];
	(pc) =	sbr.rel @!p1 .LBB2_14-.Ltmp8, $4  }
0xe3: {  	[tilespmem:s24+$0x8130] =	vst v2;
	v2 =	vld [tilespmem:s24+$0x2160];
	v4 =	vadd.f32 v8, v5  }
0xe4: {  	[tilespmem:s24+$0x6140] =	vst v3;
	v3 =	vld [tilespmem:s24+$0x4160]  }
0xe5: {  	s25 =	simm.s32 $0x400;
	[tilespmem:s24+$0x8140] =	vst v4;
	v4 =	vld [tilespmem:s24+$0x2170];
	v5 =	vadd.f32 v6, v9  }
0xe6: {  	s26 =	simm.s32 $0x2000;
	p0 =	por $0x1, $0x1;
	v7 =	vadd.f32 v10, v9;
	v6 =	vld [tilespmem:s25+$0x170]  }
.LBB2_15:
0xe7: {  	p1 =	sne.s32 s26, $0x7000;
	v8 =	vld [tilespmem:s25+$0x4170];
	[tilespmem:s24+$0x6150] =	vst v5  }
0xe8: {  	v5 =	vld [tilespmem:s25+$0x100];
	[tilespmem:s24+$0x8150] =	vst v7;
	v2 =	vadd.f32 v2, v1  }
0xe9: {  	v7 =	vld [tilespmem:s25+$0x2100];
	v1 =	vadd.f32 v3, v1  }
0xea: {  	v3 =	vld [tilespmem:s25+$0x4100];
	[tilespmem:s24+$0x6160] =	vst v2;
	v2 =	vadd.f32 v4, v0  }
0xeb: {  	v4 =	vld [tilespmem:s25+$0x110];
	[tilespmem:s24+$0x8160] =	vst v1;
	v0 =	vmov v6  }
0xec: {  	v1 =	vld [tilespmem:s25+$0x2110];
	v6 =	vadd.f32 v8, v0;
	[tilespmem:s24+$0x6170] =	vst v2;
	s24 =	smov.u32 s25  }
0xed: {  	v2 =	vld [tilespmem:s24+$0x4110]  }
0xee: {  	v7 =	vadd.f32 v7, v5;
	v8 =	vld [tilespmem:s24+$0x120];
	[tilespmem:s24+$0x8170] =	vst v6  }
0xef: {  	v3 =	vadd.f32 v3, v5;
	v5 =	vld [tilespmem:s24+$0x2120]  }
0xf0: {  	[tilespmem:s24+$0x6100] =	vst v7;
	v6 =	vld [tilespmem:s24+$0x4120]  }
0xf1: {  	[tilespmem:s24+$0x8100] =	vst v3;
	v1 =	vadd.f32 v1, v4;
	v3 =	vld [tilespmem:s24+$0x130]  }
0xf2: {  	v2 =	vadd.f32 v2, v4;
	v4 =	vld [tilespmem:s24+$0x2130]  }
0xf3: {  	[tilespmem:s24+$0x6110] =	vst v1;
	v1 =	vld [tilespmem:s24+$0x4130]  }
0xf4: {  	[tilespmem:s24+$0x8110] =	vst v2;
	v2 =	vadd.f32 v5, v8;
	v5 =	vld [tilespmem:s24+$0x140]  }
0xf5: {  	v6 =	vadd.f32 v6, v8;
	v7 =	vld [tilespmem:s24+$0x2140]  }
0xf6: {  	[tilespmem:s24+$0x6120] =	vst v2;
	v2 =	vld [tilespmem:s24+$0x4140]  }
0xf7: {  	[tilespmem:s24+$0x8120] =	vst v6;
	v4 =	vadd.f32 v4, v3;
	v8 =	vld [tilespmem:s24+$0x150]  }
0xf8: {  	v1 =	vadd.f32 v1, v3;
	v6 =	vld [tilespmem:s24+$0x2150]  }
0xf9: {  	[tilespmem:s24+$0x6130] =	vst v4;
	v9 =	vld [tilespmem:s24+$0x4150]  }
.Ltmp9:
0xfa: {  	[tilespmem:s24+$0x8130] =	vst v1;
	v3 =	vadd.f32 v7, v5;
	v1 =	vld [tilespmem:s24+$0x160];
	(pc) =	sbr.rel @p1 .LBB2_15-.Ltmp9, $4  }
0xfb: {  	v4 =	vadd.f32 v2, v5;
	v2 =	vld [tilespmem:s24+$0x2160]  }
0xfc: {  	[tilespmem:s24+$0x6140] =	vst v3;
	v3 =	vld [tilespmem:s24+$0x4160]  }
0xfd: {  	s25 =	sshra.s32 s26, $0x2;
	[tilespmem:s24+$0x8140] =	vst v4;
	v5 =	vadd.f32 v6, v8;
	v4 =	vld [tilespmem:s24+$0x2170]  }
0xfe: {  	s26 =	sadd.s32 $0x1000, s26;
	v6 =	vld [tilespmem:s25+$0x170];
	v7 =	vadd.f32 v9, v8  }
0xff: {  	_ =	sdelay $0x3  }
0x100: {  	v8 =	vmov v0;
	v0 =	vmov v6  }
.LBB2_17:
0x101: {  	v6 =	vld [tilespmem:s25+$0x4170];
	[tilespmem:s24+$0x6150] =	vst @p0 v5  }
0x102: {  	v2 =	vadd.f32 @p0 v2, v1;
	v5 =	vld [tilespmem:s25+$0x100];
	[tilespmem:s24+$0x8150] =	vst @p0 v7  }
0x103: {  	v1 =	vadd.f32 @p0 v3, v1;
	v7 =	vld [tilespmem:s25+$0x2100]  }
0x104: {  	v3 =	vadd.f32 @p0 v4, v8;
	v9 =	vld [tilespmem:s25+$0x4100];
	[tilespmem:s24+$0x6160] =	vst @p0 v2  }
0x105: {  	v2 =	vld [tilespmem:s25+$0x110];
	[tilespmem:s24+$0x8160] =	vst @p0 v1  }
0x106: {  	v1 =	vld [tilespmem:s25+$0x2110];
	[tilespmem:s24+$0x6170] =	vst @p0 v3  }
0x107: {  	v3 =	vadd.f32 v6, v0;
	v52 =	vld [tilespmem:s25+$0x4110]  }
0x108: {  	v53 =	vld [tilespmem:s25+$0x120]  }
0x109: {  	[tilespmem:s25+$0x8170] =	vst v3;
	v3 =	vld [tilespmem:s25+$0x2120]  }
0x10a: {  	v54 =	vld [tilespmem:s25+$0x4120]  }
0x10b: {  	v55 =	vld [tilespmem:s25+$0x130];
	v1 =	vadd.f32 v1, v2  }
0x10c: {  	v56 =	vld [tilespmem:s25+$0x2130];
	v2 =	vadd.f32 v52, v2  }
0x10d: {  	[tilespmem:s25+$0x6110] =	vst v1;
	v1 =	vld [tilespmem:s25+$0x4130]  }
0x10e: {  	v57 =	vld [tilespmem:s25+$0x2140];
	[tilespmem:s25+$0x8110] =	vst v2;
	v2 =	vadd.f32 v3, v53  }
0x10f: {  	v3 =	vld [tilespmem:s25+$0x140]  }
0x110: {  	[tilespmem:s25+$0x6120] =	vst v2;
	v2 =	vld [tilespmem:s25+$0x4140]  }
0x111: {  	v59 =	vld [tilespmem:s25+$0x150];
	v7 =	vadd.f32 v7, v5  }
0x112: {  	v60 =	vld [tilespmem:s25+$0x2150];
	v1 =	vadd.f32 v1, v55  }
0x113: {  	v61 =	vld [tilespmem:s25+$0x4150];
	v5 =	vadd.f32 v9, v5;
	[tilespmem:s25+$0x6100] =	vst v7  }
0x114: {  	v62 =	vld [tilespmem:s25+$0x160];
	[tilespmem:s25+$0x8130] =	vst v1;
	v1 =	vadd.f32 v57, v3  }
0x115: {  	v63 =	vld [tilespmem:s25+$0x2160];
	[tilespmem:s25+$0x8100] =	vst v5;
	v2 =	vadd.f32 v2, v3  }
0x116: {  	v6 =	vadd.f32 v54, v53;
	[tilespmem:s25+$0x6140] =	vst v1;
	v1 =	vld [tilespmem:s25+$0x4160]  }
0x117: {  	v58 =	vadd.f32 v56, v55;
	[tilespmem:s25+$0x8140] =	vst v2;
	v2 =	vld [tilespmem:s25+$0x2170]  }
0x118: {  	[tilespmem:s25+$0x8120] =	vst v6;
	v3 =	vadd.f32 v60, v59  }
0x119: {  	v5 =	vadd.f32 v61, v59;
	[tilespmem:s25+$0x6130] =	vst v58  }
0x11a: {  	[tilespmem:s25+$0x6150] =	vst v3;
	v3 =	vadd.f32 v63, v62  }
0x11b: {  	p1 =	por $0x1, $0x1;
	[tilespmem:s25+$0x8150] =	vst v5;
	v1 =	vadd.f32 v1, v62  }
.Ltmp10:
0x11c: {  	[tilespmem:s25+$0x6160] =	vst v3;
	v0 =	vadd.f32 v2, v0;
	(pc) =	sbr.rel @!p1 .LBB2_18-.Ltmp10, $4  }
0x11d: {  	[tilespmem:s25+$0x8160] =	vst v1  }
0x11e: {  	s24 =	simm.s32 $0x0;
	[tilespmem:s25+$0x6170] =	vst v0  }
0x11f: {  	v0 =	vld [tilespmem:s24+$0x1F0]  }
0x120: {  	p0 =	por $0x0, $0x0  }
0x121: {  	v1 =	vld [tilespmem:s24+$0x41F0]  }
0x122: {  	v2 =	vld [tilespmem:s24+$0x180]  }
0x123: {  	v3 =	vld [tilespmem:s24+$0x2180]  }
0x124: {  	v4 =	vld [tilespmem:s24+$0x4180]  }
0x125: {  	v5 =	vld [tilespmem:s24+$0x190]  }
0x126: {  	v6 =	vld [tilespmem:s24+$0x2190]  }
0x127: {  	v7 =	vld [tilespmem:s24+$0x4190]  }
0x128: {  	v8 =	vld [tilespmem:s24+$0x1A0];
	v1 =	vadd.f32 v1, v0  }
0x129: {  	v3 =	vadd.f32 v3, v2;
	v2 =	vadd.f32 v4, v2;
	v4 =	vld [tilespmem:s24+$0x1B0]  }
0x12a: {  	[tilespmem:s24+$0x81F0] =	vst v1;
	v1 =	vld [tilespmem:s24+$0x21A0]  }
0x12b: {  	[tilespmem:s24+$0x6180] =	vst v3;
	v3 =	vld [tilespmem:s24+$0x41A0]  }
0x12c: {  	[tilespmem:s24+$0x8180] =	vst v2;
	v2 =	vadd.f32 v6, v5;
	v6 =	vld [tilespmem:s24+$0x21B0]  }
0x12d: {  	v5 =	vadd.f32 v7, v5;
	v7 =	vld [tilespmem:s24+$0x21C0]  }
0x12e: {  	[tilespmem:s24+$0x6190] =	vst v2;
	v2 =	vld [tilespmem:s24+$0x41B0]  }
0x12f: {  	[tilespmem:s24+$0x8190] =	vst v5;
	v5 =	vld [tilespmem:s24+$0x1C0]  }
0x130: {  	v1 =	vadd.f32 v1, v8;
	v3 =	vadd.f32 v3, v8;
	v8 =	vld [tilespmem:s24+$0x41C0]  }
0x131: {  	v9 =	vld [tilespmem:s24+$0x1D0]  }
0x132: {  	[tilespmem:s24+$0x61A0] =	vst v1;
	v1 =	vadd.f32 v6, v4;
	v6 =	vld [tilespmem:s24+$0x21D0]  }
0x133: {  	v10 =	vld [tilespmem:s24+$0x41D0];
	p3 =	por $0x1, $0x1;
	[tilespmem:s24+$0x81A0] =	vst v3;
	v2 =	vadd.f32 v2, v4  }
.Ltmp11:
0x134: {  	v3 =	vadd.f32 v7, v5;
	[tilespmem:s24+$0x61B0] =	vst v1;
	v1 =	vld [tilespmem:s24+$0x1E0];
	(pc) =	sbr.rel @!p3 .LBB2_20-.Ltmp11, $4  }
0x135: {  	[tilespmem:s24+$0x81B0] =	vst v2;
	v2 =	vld [tilespmem:s24+$0x21E0];
	v4 =	vadd.f32 v8, v5  }
0x136: {  	[tilespmem:s24+$0x61C0] =	vst v3;
	v3 =	vld [tilespmem:s24+$0x41E0]  }
0x137: {  	s25 =	simm.s32 $0x400;
	[tilespmem:s24+$0x81C0] =	vst v4;
	v4 =	vld [tilespmem:s24+$0x21F0];
	v5 =	vadd.f32 v6, v9  }
0x138: {  	s28 =	simm.s32 $0x2000;
	p2 =	por $0x1, $0x1;
	s26 =	simm.s32 $0x0;
	v7 =	vadd.f32 v10, v9;
	v6 =	vld [tilespmem:s25+$0x1F0]  }
.LBB2_21:
0x139: {  	p3 =	sne.s32 s28, $0x7000;
	v8 =	vld [tilespmem:s25+$0x41F0];
	[tilespmem:s26+$0x61D0] =	vst v5  }
0x13a: {  	v5 =	vld [tilespmem:s25+$0x180];
	[tilespmem:s26+$0x81D0] =	vst v7;
	v2 =	vadd.f32 v2, v1  }
0x13b: {  	v7 =	vld [tilespmem:s25+$0x2180];
	v1 =	vadd.f32 v3, v1  }
0x13c: {  	v3 =	vld [tilespmem:s25+$0x4180];
	[tilespmem:s26+$0x61E0] =	vst v2;
	v2 =	vadd.f32 v4, v0  }
0x13d: {  	v4 =	vld [tilespmem:s25+$0x190];
	[tilespmem:s26+$0x81E0] =	vst v1;
	v0 =	vmov v6  }
0x13e: {  	v1 =	vld [tilespmem:s25+$0x2190];
	v6 =	vadd.f32 v8, v0;
	[tilespmem:s26+$0x61F0] =	vst v2;
	s26 =	smov.u32 s25  }
0x13f: {  	v2 =	vld [tilespmem:s26+$0x4190]  }
0x140: {  	v7 =	vadd.f32 v7, v5;
	v8 =	vld [tilespmem:s26+$0x1A0];
	[tilespmem:s26+$0x81F0] =	vst v6  }
0x141: {  	v3 =	vadd.f32 v3, v5;
	v5 =	vld [tilespmem:s26+$0x21A0]  }
0x142: {  	[tilespmem:s26+$0x6180] =	vst v7;
	v6 =	vld [tilespmem:s26+$0x41A0]  }
0x143: {  	[tilespmem:s26+$0x8180] =	vst v3;
	v1 =	vadd.f32 v1, v4;
	v3 =	vld [tilespmem:s26+$0x1B0]  }
0x144: {  	v2 =	vadd.f32 v2, v4;
	v4 =	vld [tilespmem:s26+$0x21B0]  }
0x145: {  	[tilespmem:s26+$0x6190] =	vst v1;
	v1 =	vld [tilespmem:s26+$0x41B0]  }
0x146: {  	[tilespmem:s26+$0x8190] =	vst v2;
	v2 =	vadd.f32 v5, v8;
	v5 =	vld [tilespmem:s26+$0x1C0]  }
0x147: {  	v6 =	vadd.f32 v6, v8;
	v7 =	vld [tilespmem:s26+$0x21C0]  }
0x148: {  	[tilespmem:s26+$0x61A0] =	vst v2;
	v2 =	vld [tilespmem:s26+$0x41C0]  }
0x149: {  	[tilespmem:s26+$0x81A0] =	vst v6;
	v4 =	vadd.f32 v4, v3;
	v8 =	vld [tilespmem:s26+$0x1D0]  }
0x14a: {  	v1 =	vadd.f32 v1, v3;
	v6 =	vld [tilespmem:s26+$0x21D0]  }
0x14b: {  	[tilespmem:s26+$0x61B0] =	vst v4;
	v9 =	vld [tilespmem:s26+$0x41D0]  }
.Ltmp12:
0x14c: {  	[tilespmem:s26+$0x81B0] =	vst v1;
	v3 =	vadd.f32 v7, v5;
	v1 =	vld [tilespmem:s26+$0x1E0];
	(pc) =	sbr.rel @p3 .LBB2_21-.Ltmp12, $4  }
0x14d: {  	v4 =	vadd.f32 v2, v5;
	v2 =	vld [tilespmem:s26+$0x21E0]  }
0x14e: {  	[tilespmem:s26+$0x61C0] =	vst v3;
	v3 =	vld [tilespmem:s26+$0x41E0]  }
0x14f: {  	s25 =	sshra.s32 s28, $0x2;
	[tilespmem:s26+$0x81C0] =	vst v4;
	v5 =	vadd.f32 v6, v8;
	v4 =	vld [tilespmem:s26+$0x21F0]  }
0x150: {  	s28 =	sadd.s32 $0x1000, s28;
	v6 =	vld [tilespmem:s25+$0x1F0];
	v7 =	vadd.f32 v9, v8  }
0x151: {  	_ =	sdelay $0x3  }
0x152: {  	v8 =	vmov v0;
	v0 =	vmov v6  }
.LBB2_23:
0x153: {  	v6 =	vld [tilespmem:s25+$0x41F0];
	[tilespmem:s26+$0x61D0] =	vst @p2 v5  }
0x154: {  	v2 =	vadd.f32 @p2 v2, v1;
	v5 =	vld [tilespmem:s25+$0x180];
	[tilespmem:s26+$0x81D0] =	vst @p2 v7  }
0x155: {  	v1 =	vadd.f32 @p2 v3, v1;
	v7 =	vld [tilespmem:s25+$0x2180]  }
0x156: {  	v3 =	vadd.f32 @p2 v4, v8;
	v9 =	vld [tilespmem:s25+$0x4180];
	[tilespmem:s26+$0x61E0] =	vst @p2 v2  }
0x157: {  	v2 =	vld [tilespmem:s25+$0x190];
	[tilespmem:s26+$0x81E0] =	vst @p2 v1  }
0x158: {  	v1 =	vld [tilespmem:s25+$0x2190];
	[tilespmem:s26+$0x61F0] =	vst @p2 v3  }
0x159: {  	v3 =	vadd.f32 v6, v0;
	v52 =	vld [tilespmem:s25+$0x4190]  }
0x15a: {  	v53 =	vld [tilespmem:s25+$0x1A0]  }
0x15b: {  	[tilespmem:s25+$0x81F0] =	vst v3;
	v3 =	vld [tilespmem:s25+$0x21A0]  }
0x15c: {  	v54 =	vld [tilespmem:s25+$0x41A0]  }
0x15d: {  	v55 =	vld [tilespmem:s25+$0x1B0];
	v1 =	vadd.f32 v1, v2  }
0x15e: {  	v56 =	vld [tilespmem:s25+$0x21B0];
	v2 =	vadd.f32 v52, v2  }
0x15f: {  	[tilespmem:s25+$0x6190] =	vst v1;
	v1 =	vld [tilespmem:s25+$0x41B0]  }
0x160: {  	v57 =	vld [tilespmem:s25+$0x21C0];
	[tilespmem:s25+$0x8190] =	vst v2;
	v2 =	vadd.f32 v3, v53  }
0x161: {  	v3 =	vld [tilespmem:s25+$0x1C0]  }
0x162: {  	[tilespmem:s25+$0x61A0] =	vst v2;
	v2 =	vld [tilespmem:s25+$0x41C0]  }
0x163: {  	v59 =	vld [tilespmem:s25+$0x1D0];
	v7 =	vadd.f32 v7, v5  }
0x164: {  	v60 =	vld [tilespmem:s25+$0x21D0];
	v1 =	vadd.f32 v1, v55  }
0x165: {  	v61 =	vld [tilespmem:s25+$0x41D0];
	v5 =	vadd.f32 v9, v5;
	[tilespmem:s25+$0x6180] =	vst v7  }
0x166: {  	v62 =	vld [tilespmem:s25+$0x1E0];
	[tilespmem:s25+$0x81B0] =	vst v1;
	v1 =	vadd.f32 v57, v3  }
0x167: {  	v63 =	vld [tilespmem:s25+$0x21E0];
	[tilespmem:s25+$0x8180] =	vst v5;
	v2 =	vadd.f32 v2, v3  }
0x168: {  	v6 =	vadd.f32 v54, v53;
	[tilespmem:s25+$0x61C0] =	vst v1;
	v1 =	vld [tilespmem:s25+$0x41E0]  }
0x169: {  	v58 =	vadd.f32 v56, v55;
	[tilespmem:s25+$0x81C0] =	vst v2;
	v2 =	vld [tilespmem:s25+$0x21F0]  }
0x16a: {  	[tilespmem:s25+$0x81A0] =	vst v6;
	v3 =	vadd.f32 v60, v59  }
0x16b: {  	v5 =	vadd.f32 v61, v59;
	[tilespmem:s25+$0x61B0] =	vst v58  }
0x16c: {  	[tilespmem:s25+$0x61D0] =	vst v3;
	v3 =	vadd.f32 v63, v62  }
0x16d: {  	[tilespmem:s25+$0x81D0] =	vst v5;
	v1 =	vadd.f32 v1, v62  }
.Ltmp13:
0x16e: {  	[tilespmem:s25+$0x61E0] =	vst v3;
	v0 =	vadd.f32 v2, v0;
	(pc) =	sbr.rel @!p1 .LBB2_24-.Ltmp13, $3  }
0x16f: {  	[tilespmem:s25+$0x81E0] =	vst v1  }
0x170: {  	[tilespmem:s25+$0x61F0] =	vst v0  }
0x171: {  	v0 =	vld [tilespmem:s24+$0x270];
	_ =	sdelay $0x1  }
0x172: {  	v1 =	vld [tilespmem:s24+$0x4270]  }
0x173: {  	v2 =	vld [tilespmem:s24+$0x200]  }
0x174: {  	v3 =	vld [tilespmem:s24+$0x2200]  }
0x175: {  	v4 =	vld [tilespmem:s24+$0x4200]  }
0x176: {  	v5 =	vld [tilespmem:s24+$0x210]  }
0x177: {  	v6 =	vld [tilespmem:s24+$0x2210]  }
0x178: {  	v7 =	vld [tilespmem:s24+$0x4210]  }
0x179: {  	v8 =	vld [tilespmem:s24+$0x220];
	v1 =	vadd.f32 v1, v0  }
0x17a: {  	v3 =	vadd.f32 v3, v2;
	v2 =	vadd.f32 v4, v2;
	v4 =	vld [tilespmem:s24+$0x230]  }
0x17b: {  	[tilespmem:s24+$0x8270] =	vst v1;
	v1 =	vld [tilespmem:s24+$0x2220]  }
0x17c: {  	[tilespmem:s24+$0x6200] =	vst v3;
	v3 =	vld [tilespmem:s24+$0x4220]  }
0x17d: {  	[tilespmem:s24+$0x8200] =	vst v2;
	v2 =	vadd.f32 v6, v5;
	v6 =	vld [tilespmem:s24+$0x2230]  }
0x17e: {  	v5 =	vadd.f32 v7, v5;
	v7 =	vld [tilespmem:s24+$0x2240]  }
0x17f: {  	[tilespmem:s24+$0x6210] =	vst v2;
	v2 =	vld [tilespmem:s24+$0x4230]  }
0x180: {  	[tilespmem:s24+$0x8210] =	vst v5;
	v5 =	vld [tilespmem:s24+$0x240]  }
0x181: {  	v1 =	vadd.f32 v1, v8;
	v3 =	vadd.f32 v3, v8;
	v8 =	vld [tilespmem:s24+$0x4240]  }
0x182: {  	v9 =	vld [tilespmem:s24+$0x250]  }
0x183: {  	[tilespmem:s24+$0x6220] =	vst v1;
	v1 =	vadd.f32 v6, v4;
	v6 =	vld [tilespmem:s24+$0x2250]  }
0x184: {  	v10 =	vld [tilespmem:s24+$0x4250];
	p1 =	por $0x1, $0x1;
	[tilespmem:s24+$0x8220] =	vst v3;
	v2 =	vadd.f32 v2, v4  }
.Ltmp14:
0x185: {  	v3 =	vadd.f32 v7, v5;
	[tilespmem:s24+$0x6230] =	vst v1;
	v1 =	vld [tilespmem:s24+$0x260];
	(pc) =	sbr.rel @!p1 .LBB2_26-.Ltmp14, $4  }
0x186: {  	[tilespmem:s24+$0x8230] =	vst v2;
	v2 =	vld [tilespmem:s24+$0x2260];
	v4 =	vadd.f32 v8, v5  }
0x187: {  	[tilespmem:s24+$0x6240] =	vst v3;
	v3 =	vld [tilespmem:s24+$0x4260]  }
0x188: {  	s25 =	simm.s32 $0x400;
	[tilespmem:s24+$0x8240] =	vst v4;
	v4 =	vld [tilespmem:s24+$0x2270];
	v5 =	vadd.f32 v6, v9  }
0x189: {  	s26 =	simm.s32 $0x2000;
	p0 =	por $0x1, $0x1;
	v7 =	vadd.f32 v10, v9;
	v6 =	vld [tilespmem:s25+$0x270]  }
.LBB2_27:
0x18a: {  	p1 =	sne.s32 s26, $0x7000;
	v8 =	vld [tilespmem:s25+$0x4270];
	[tilespmem:s24+$0x6250] =	vst v5  }
0x18b: {  	v5 =	vld [tilespmem:s25+$0x200];
	[tilespmem:s24+$0x8250] =	vst v7;
	v2 =	vadd.f32 v2, v1  }
0x18c: {  	v7 =	vld [tilespmem:s25+$0x2200];
	v1 =	vadd.f32 v3, v1  }
0x18d: {  	v3 =	vld [tilespmem:s25+$0x4200];
	[tilespmem:s24+$0x6260] =	vst v2;
	v2 =	vadd.f32 v4, v0  }
0x18e: {  	v4 =	vld [tilespmem:s25+$0x210];
	[tilespmem:s24+$0x8260] =	vst v1;
	v0 =	vmov v6  }
0x18f: {  	v1 =	vld [tilespmem:s25+$0x2210];
	v6 =	vadd.f32 v8, v0;
	[tilespmem:s24+$0x6270] =	vst v2;
	s24 =	smov.u32 s25  }
0x190: {  	v2 =	vld [tilespmem:s24+$0x4210]  }
0x191: {  	v7 =	vadd.f32 v7, v5;
	v8 =	vld [tilespmem:s24+$0x220];
	[tilespmem:s24+$0x8270] =	vst v6  }
0x192: {  	v3 =	vadd.f32 v3, v5;
	v5 =	vld [tilespmem:s24+$0x2220]  }
0x193: {  	[tilespmem:s24+$0x6200] =	vst v7;
	v6 =	vld [tilespmem:s24+$0x4220]  }
0x194: {  	[tilespmem:s24+$0x8200] =	vst v3;
	v1 =	vadd.f32 v1, v4;
	v3 =	vld [tilespmem:s24+$0x230]  }
0x195: {  	v2 =	vadd.f32 v2, v4;
	v4 =	vld [tilespmem:s24+$0x2230]  }
0x196: {  	[tilespmem:s24+$0x6210] =	vst v1;
	v1 =	vld [tilespmem:s24+$0x4230]  }
0x197: {  	[tilespmem:s24+$0x8210] =	vst v2;
	v2 =	vadd.f32 v5, v8;
	v5 =	vld [tilespmem:s24+$0x240]  }
0x198: {  	v6 =	vadd.f32 v6, v8;
	v7 =	vld [tilespmem:s24+$0x2240]  }
0x199: {  	[tilespmem:s24+$0x6220] =	vst v2;
	v2 =	vld [tilespmem:s24+$0x4240]  }
0x19a: {  	[tilespmem:s24+$0x8220] =	vst v6;
	v4 =	vadd.f32 v4, v3;
	v8 =	vld [tilespmem:s24+$0x250]  }
0x19b: {  	v1 =	vadd.f32 v1, v3;
	v6 =	vld [tilespmem:s24+$0x2250]  }
0x19c: {  	[tilespmem:s24+$0x6230] =	vst v4;
	v9 =	vld [tilespmem:s24+$0x4250]  }
.Ltmp15:
0x19d: {  	[tilespmem:s24+$0x8230] =	vst v1;
	v3 =	vadd.f32 v7, v5;
	v1 =	vld [tilespmem:s24+$0x260];
	(pc) =	sbr.rel @p1 .LBB2_27-.Ltmp15, $4  }
0x19e: {  	v4 =	vadd.f32 v2, v5;
	v2 =	vld [tilespmem:s24+$0x2260]  }
0x19f: {  	[tilespmem:s24+$0x6240] =	vst v3;
	v3 =	vld [tilespmem:s24+$0x4260]  }
0x1a0: {  	s25 =	sshra.s32 s26, $0x2;
	[tilespmem:s24+$0x8240] =	vst v4;
	v5 =	vadd.f32 v6, v8;
	v4 =	vld [tilespmem:s24+$0x2270]  }
0x1a1: {  	s26 =	sadd.s32 $0x1000, s26;
	v6 =	vld [tilespmem:s25+$0x270];
	v7 =	vadd.f32 v9, v8  }
0x1a2: {  	_ =	sdelay $0x3  }
0x1a3: {  	v8 =	vmov v0;
	v0 =	vmov v6  }
.LBB2_29:
0x1a4: {  	v6 =	vld [tilespmem:s25+$0x4270];
	[tilespmem:s24+$0x6250] =	vst @p0 v5  }
0x1a5: {  	v2 =	vadd.f32 @p0 v2, v1;
	v5 =	vld [tilespmem:s25+$0x200];
	[tilespmem:s24+$0x8250] =	vst @p0 v7  }
0x1a6: {  	v1 =	vadd.f32 @p0 v3, v1;
	v7 =	vld [tilespmem:s25+$0x2200]  }
0x1a7: {  	v3 =	vadd.f32 @p0 v4, v8;
	v9 =	vld [tilespmem:s25+$0x4200];
	[tilespmem:s24+$0x6260] =	vst @p0 v2  }
0x1a8: {  	v2 =	vld [tilespmem:s25+$0x210];
	[tilespmem:s24+$0x8260] =	vst @p0 v1  }
0x1a9: {  	v1 =	vld [tilespmem:s25+$0x2210];
	[tilespmem:s24+$0x6270] =	vst @p0 v3  }
0x1aa: {  	v3 =	vadd.f32 v6, v0;
	v52 =	vld [tilespmem:s25+$0x4210]  }
0x1ab: {  	v53 =	vld [tilespmem:s25+$0x220]  }
0x1ac: {  	[tilespmem:s25+$0x8270] =	vst v3;
	v3 =	vld [tilespmem:s25+$0x2220]  }
0x1ad: {  	v54 =	vld [tilespmem:s25+$0x4220]  }
0x1ae: {  	v55 =	vld [tilespmem:s25+$0x230];
	v1 =	vadd.f32 v1, v2  }
0x1af: {  	v56 =	vld [tilespmem:s25+$0x2230];
	v2 =	vadd.f32 v52, v2  }
0x1b0: {  	[tilespmem:s25+$0x6210] =	vst v1;
	v1 =	vld [tilespmem:s25+$0x4230]  }
0x1b1: {  	v57 =	vld [tilespmem:s25+$0x2240];
	[tilespmem:s25+$0x8210] =	vst v2;
	v2 =	vadd.f32 v3, v53  }
0x1b2: {  	v3 =	vld [tilespmem:s25+$0x240]  }
0x1b3: {  	[tilespmem:s25+$0x6220] =	vst v2;
	v2 =	vld [tilespmem:s25+$0x4240]  }
0x1b4: {  	v59 =	vld [tilespmem:s25+$0x250];
	v7 =	vadd.f32 v7, v5  }
0x1b5: {  	v60 =	vld [tilespmem:s25+$0x2250];
	v1 =	vadd.f32 v1, v55  }
0x1b6: {  	v61 =	vld [tilespmem:s25+$0x4250];
	v5 =	vadd.f32 v9, v5;
	[tilespmem:s25+$0x6200] =	vst v7  }
0x1b7: {  	v62 =	vld [tilespmem:s25+$0x260];
	[tilespmem:s25+$0x8230] =	vst v1;
	v1 =	vadd.f32 v57, v3  }
0x1b8: {  	v63 =	vld [tilespmem:s25+$0x2260];
	[tilespmem:s25+$0x8200] =	vst v5;
	v2 =	vadd.f32 v2, v3  }
0x1b9: {  	v6 =	vadd.f32 v54, v53;
	[tilespmem:s25+$0x6240] =	vst v1;
	v1 =	vld [tilespmem:s25+$0x4260]  }
0x1ba: {  	v58 =	vadd.f32 v56, v55;
	[tilespmem:s25+$0x8240] =	vst v2;
	v2 =	vld [tilespmem:s25+$0x2270]  }
0x1bb: {  	[tilespmem:s25+$0x8220] =	vst v6;
	v3 =	vadd.f32 v60, v59  }
0x1bc: {  	v5 =	vadd.f32 v61, v59;
	[tilespmem:s25+$0x6230] =	vst v58  }
0x1bd: {  	[tilespmem:s25+$0x6250] =	vst v3;
	v3 =	vadd.f32 v63, v62  }
0x1be: {  	p1 =	por $0x1, $0x1;
	[tilespmem:s25+$0x8250] =	vst v5;
	v1 =	vadd.f32 v1, v62  }
.Ltmp16:
0x1bf: {  	[tilespmem:s25+$0x6260] =	vst v3;
	v0 =	vadd.f32 v2, v0;
	(pc) =	sbr.rel @!p1 .LBB2_30-.Ltmp16, $4  }
0x1c0: {  	[tilespmem:s25+$0x8260] =	vst v1  }
0x1c1: {  	s24 =	simm.s32 $0x0;
	[tilespmem:s25+$0x6270] =	vst v0  }
0x1c2: {  	v0 =	vld [tilespmem:s24+$0x2F0]  }
0x1c3: {  	p0 =	por $0x0, $0x0  }
0x1c4: {  	v1 =	vld [tilespmem:s24+$0x42F0]  }
0x1c5: {  	v2 =	vld [tilespmem:s24+$0x280]  }
0x1c6: {  	v3 =	vld [tilespmem:s24+$0x2280]  }
0x1c7: {  	v4 =	vld [tilespmem:s24+$0x4280]  }
0x1c8: {  	v5 =	vld [tilespmem:s24+$0x290]  }
0x1c9: {  	v6 =	vld [tilespmem:s24+$0x2290]  }
0x1ca: {  	v7 =	vld [tilespmem:s24+$0x4290]  }
0x1cb: {  	v8 =	vld [tilespmem:s24+$0x2A0];
	v1 =	vadd.f32 v1, v0  }
0x1cc: {  	v3 =	vadd.f32 v3, v2;
	v2 =	vadd.f32 v4, v2;
	v4 =	vld [tilespmem:s24+$0x2B0]  }
0x1cd: {  	[tilespmem:s24+$0x82F0] =	vst v1;
	v1 =	vld [tilespmem:s24+$0x22A0]  }
0x1ce: {  	[tilespmem:s24+$0x6280] =	vst v3;
	v3 =	vld [tilespmem:s24+$0x42A0]  }
0x1cf: {  	[tilespmem:s24+$0x8280] =	vst v2;
	v2 =	vadd.f32 v6, v5;
	v6 =	vld [tilespmem:s24+$0x22B0]  }
0x1d0: {  	v5 =	vadd.f32 v7, v5;
	v7 =	vld [tilespmem:s24+$0x22C0]  }
0x1d1: {  	[tilespmem:s24+$0x6290] =	vst v2;
	v2 =	vld [tilespmem:s24+$0x42B0]  }
0x1d2: {  	[tilespmem:s24+$0x8290] =	vst v5;
	v5 =	vld [tilespmem:s24+$0x2C0]  }
0x1d3: {  	v1 =	vadd.f32 v1, v8;
	v3 =	vadd.f32 v3, v8;
	v8 =	vld [tilespmem:s24+$0x42C0]  }
0x1d4: {  	v9 =	vld [tilespmem:s24+$0x2D0]  }
0x1d5: {  	[tilespmem:s24+$0x62A0] =	vst v1;
	v1 =	vadd.f32 v6, v4;
	v6 =	vld [tilespmem:s24+$0x22D0]  }
0x1d6: {  	v10 =	vld [tilespmem:s24+$0x42D0];
	p3 =	por $0x1, $0x1;
	[tilespmem:s24+$0x82A0] =	vst v3;
	v2 =	vadd.f32 v2, v4  }
.Ltmp17:
0x1d7: {  	v3 =	vadd.f32 v7, v5;
	[tilespmem:s24+$0x62B0] =	vst v1;
	v1 =	vld [tilespmem:s24+$0x2E0];
	(pc) =	sbr.rel @!p3 .LBB2_32-.Ltmp17, $4  }
0x1d8: {  	[tilespmem:s24+$0x82B0] =	vst v2;
	v2 =	vld [tilespmem:s24+$0x22E0];
	v4 =	vadd.f32 v8, v5  }
0x1d9: {  	[tilespmem:s24+$0x62C0] =	vst v3;
	v3 =	vld [tilespmem:s24+$0x42E0]  }
0x1da: {  	s25 =	simm.s32 $0x400;
	[tilespmem:s24+$0x82C0] =	vst v4;
	v4 =	vld [tilespmem:s24+$0x22F0];
	v5 =	vadd.f32 v6, v9  }
0x1db: {  	s28 =	simm.s32 $0x2000;
	p2 =	por $0x1, $0x1;
	s26 =	simm.s32 $0x0;
	v7 =	vadd.f32 v10, v9;
	v6 =	vld [tilespmem:s25+$0x2F0]  }
.LBB2_33:
0x1dc: {  	p3 =	sne.s32 s28, $0x7000;
	v8 =	vld [tilespmem:s25+$0x42F0];
	[tilespmem:s26+$0x62D0] =	vst v5  }
0x1dd: {  	v5 =	vld [tilespmem:s25+$0x280];
	[tilespmem:s26+$0x82D0] =	vst v7;
	v2 =	vadd.f32 v2, v1  }
0x1de: {  	v7 =	vld [tilespmem:s25+$0x2280];
	v1 =	vadd.f32 v3, v1  }
0x1df: {  	v3 =	vld [tilespmem:s25+$0x4280];
	[tilespmem:s26+$0x62E0] =	vst v2;
	v2 =	vadd.f32 v4, v0  }
0x1e0: {  	v4 =	vld [tilespmem:s25+$0x290];
	[tilespmem:s26+$0x82E0] =	vst v1;
	v0 =	vmov v6  }
0x1e1: {  	v1 =	vld [tilespmem:s25+$0x2290];
	v6 =	vadd.f32 v8, v0;
	[tilespmem:s26+$0x62F0] =	vst v2;
	s26 =	smov.u32 s25  }
0x1e2: {  	v2 =	vld [tilespmem:s26+$0x4290]  }
0x1e3: {  	v7 =	vadd.f32 v7, v5;
	v8 =	vld [tilespmem:s26+$0x2A0];
	[tilespmem:s26+$0x82F0] =	vst v6  }
0x1e4: {  	v3 =	vadd.f32 v3, v5;
	v5 =	vld [tilespmem:s26+$0x22A0]  }
0x1e5: {  	[tilespmem:s26+$0x6280] =	vst v7;
	v6 =	vld [tilespmem:s26+$0x42A0]  }
0x1e6: {  	[tilespmem:s26+$0x8280] =	vst v3;
	v1 =	vadd.f32 v1, v4;
	v3 =	vld [tilespmem:s26+$0x2B0]  }
0x1e7: {  	v2 =	vadd.f32 v2, v4;
	v4 =	vld [tilespmem:s26+$0x22B0]  }
0x1e8: {  	[tilespmem:s26+$0x6290] =	vst v1;
	v1 =	vld [tilespmem:s26+$0x42B0]  }
0x1e9: {  	[tilespmem:s26+$0x8290] =	vst v2;
	v2 =	vadd.f32 v5, v8;
	v5 =	vld [tilespmem:s26+$0x2C0]  }
0x1ea: {  	v6 =	vadd.f32 v6, v8;
	v7 =	vld [tilespmem:s26+$0x22C0]  }
0x1eb: {  	[tilespmem:s26+$0x62A0] =	vst v2;
	v2 =	vld [tilespmem:s26+$0x42C0]  }
0x1ec: {  	[tilespmem:s26+$0x82A0] =	vst v6;
	v4 =	vadd.f32 v4, v3;
	v8 =	vld [tilespmem:s26+$0x2D0]  }
0x1ed: {  	v1 =	vadd.f32 v1, v3;
	v6 =	vld [tilespmem:s26+$0x22D0]  }
0x1ee: {  	[tilespmem:s26+$0x62B0] =	vst v4;
	v9 =	vld [tilespmem:s26+$0x42D0]  }
.Ltmp18:
0x1ef: {  	[tilespmem:s26+$0x82B0] =	vst v1;
	v3 =	vadd.f32 v7, v5;
	v1 =	vld [tilespmem:s26+$0x2E0];
	(pc) =	sbr.rel @p3 .LBB2_33-.Ltmp18, $4  }
0x1f0: {  	v4 =	vadd.f32 v2, v5;
	v2 =	vld [tilespmem:s26+$0x22E0]  }
0x1f1: {  	[tilespmem:s26+$0x62C0] =	vst v3;
	v3 =	vld [tilespmem:s26+$0x42E0]  }
0x1f2: {  	s25 =	sshra.s32 s28, $0x2;
	[tilespmem:s26+$0x82C0] =	vst v4;
	v5 =	vadd.f32 v6, v8;
	v4 =	vld [tilespmem:s26+$0x22F0]  }
0x1f3: {  	s28 =	sadd.s32 $0x1000, s28;
	v6 =	vld [tilespmem:s25+$0x2F0];
	v7 =	vadd.f32 v9, v8  }
0x1f4: {  	_ =	sdelay $0x3  }
0x1f5: {  	v8 =	vmov v0;
	v0 =	vmov v6  }
.LBB2_35:
0x1f6: {  	v6 =	vld [tilespmem:s25+$0x42F0];
	[tilespmem:s26+$0x62D0] =	vst @p2 v5  }
0x1f7: {  	v2 =	vadd.f32 @p2 v2, v1;
	v5 =	vld [tilespmem:s25+$0x280];
	[tilespmem:s26+$0x82D0] =	vst @p2 v7  }
0x1f8: {  	v1 =	vadd.f32 @p2 v3, v1;
	v7 =	vld [tilespmem:s25+$0x2280]  }
0x1f9: {  	v3 =	vadd.f32 @p2 v4, v8;
	v9 =	vld [tilespmem:s25+$0x4280];
	[tilespmem:s26+$0x62E0] =	vst @p2 v2  }
0x1fa: {  	v2 =	vld [tilespmem:s25+$0x290];
	[tilespmem:s26+$0x82E0] =	vst @p2 v1  }
0x1fb: {  	v1 =	vld [tilespmem:s25+$0x2290];
	[tilespmem:s26+$0x62F0] =	vst @p2 v3  }
0x1fc: {  	v3 =	vadd.f32 v6, v0;
	v52 =	vld [tilespmem:s25+$0x4290]  }
0x1fd: {  	v53 =	vld [tilespmem:s25+$0x2A0]  }
0x1fe: {  	[tilespmem:s25+$0x82F0] =	vst v3;
	v3 =	vld [tilespmem:s25+$0x22A0]  }
0x1ff: {  	v54 =	vld [tilespmem:s25+$0x42A0]  }
0x200: {  	v55 =	vld [tilespmem:s25+$0x2B0];
	v1 =	vadd.f32 v1, v2  }
0x201: {  	v56 =	vld [tilespmem:s25+$0x22B0];
	v2 =	vadd.f32 v52, v2  }
0x202: {  	[tilespmem:s25+$0x6290] =	vst v1;
	v1 =	vld [tilespmem:s25+$0x42B0]  }
0x203: {  	v57 =	vld [tilespmem:s25+$0x22C0];
	[tilespmem:s25+$0x8290] =	vst v2;
	v2 =	vadd.f32 v3, v53  }
0x204: {  	v3 =	vld [tilespmem:s25+$0x2C0]  }
0x205: {  	[tilespmem:s25+$0x62A0] =	vst v2;
	v2 =	vld [tilespmem:s25+$0x42C0]  }
0x206: {  	v59 =	vld [tilespmem:s25+$0x2D0];
	v7 =	vadd.f32 v7, v5  }
0x207: {  	v60 =	vld [tilespmem:s25+$0x22D0];
	v1 =	vadd.f32 v1, v55  }
0x208: {  	v61 =	vld [tilespmem:s25+$0x42D0];
	v5 =	vadd.f32 v9, v5;
	[tilespmem:s25+$0x6280] =	vst v7  }
0x209: {  	v62 =	vld [tilespmem:s25+$0x2E0];
	[tilespmem:s25+$0x82B0] =	vst v1;
	v1 =	vadd.f32 v57, v3  }
0x20a: {  	v63 =	vld [tilespmem:s25+$0x22E0];
	[tilespmem:s25+$0x8280] =	vst v5;
	v2 =	vadd.f32 v2, v3  }
0x20b: {  	v6 =	vadd.f32 v54, v53;
	[tilespmem:s25+$0x62C0] =	vst v1;
	v1 =	vld [tilespmem:s25+$0x42E0]  }
0x20c: {  	v58 =	vadd.f32 v56, v55;
	[tilespmem:s25+$0x82C0] =	vst v2;
	v2 =	vld [tilespmem:s25+$0x22F0]  }
0x20d: {  	[tilespmem:s25+$0x82A0] =	vst v6;
	v3 =	vadd.f32 v60, v59  }
0x20e: {  	v5 =	vadd.f32 v61, v59;
	[tilespmem:s25+$0x62B0] =	vst v58  }
0x20f: {  	[tilespmem:s25+$0x62D0] =	vst v3;
	v3 =	vadd.f32 v63, v62  }
0x210: {  	[tilespmem:s25+$0x82D0] =	vst v5;
	v1 =	vadd.f32 v1, v62  }
.Ltmp19:
0x211: {  	[tilespmem:s25+$0x62E0] =	vst v3;
	v0 =	vadd.f32 v2, v0;
	(pc) =	sbr.rel @!p1 .LBB2_36-.Ltmp19, $3  }
0x212: {  	[tilespmem:s25+$0x82E0] =	vst v1  }
0x213: {  	[tilespmem:s25+$0x62F0] =	vst v0  }
0x214: {  	v0 =	vld [tilespmem:s24+$0x370];
	_ =	sdelay $0x1  }
0x215: {  	v1 =	vld [tilespmem:s24+$0x4370]  }
0x216: {  	v2 =	vld [tilespmem:s24+$0x300]  }
0x217: {  	v3 =	vld [tilespmem:s24+$0x2300]  }
0x218: {  	v4 =	vld [tilespmem:s24+$0x4300]  }
0x219: {  	v5 =	vld [tilespmem:s24+$0x310]  }
0x21a: {  	v6 =	vld [tilespmem:s24+$0x2310]  }
0x21b: {  	v7 =	vld [tilespmem:s24+$0x4310]  }
0x21c: {  	v8 =	vld [tilespmem:s24+$0x320];
	v1 =	vadd.f32 v1, v0  }
0x21d: {  	v3 =	vadd.f32 v3, v2;
	v2 =	vadd.f32 v4, v2;
	v4 =	vld [tilespmem:s24+$0x330]  }
0x21e: {  	[tilespmem:s24+$0x8370] =	vst v1;
	v1 =	vld [tilespmem:s24+$0x2320]  }
0x21f: {  	[tilespmem:s24+$0x6300] =	vst v3;
	v3 =	vld [tilespmem:s24+$0x4320]  }
0x220: {  	[tilespmem:s24+$0x8300] =	vst v2;
	v2 =	vadd.f32 v6, v5;
	v6 =	vld [tilespmem:s24+$0x2330]  }
0x221: {  	v5 =	vadd.f32 v7, v5;
	v7 =	vld [tilespmem:s24+$0x2340]  }
0x222: {  	[tilespmem:s24+$0x6310] =	vst v2;
	v2 =	vld [tilespmem:s24+$0x4330]  }
0x223: {  	[tilespmem:s24+$0x8310] =	vst v5;
	v5 =	vld [tilespmem:s24+$0x340]  }
0x224: {  	v1 =	vadd.f32 v1, v8;
	v3 =	vadd.f32 v3, v8;
	v8 =	vld [tilespmem:s24+$0x4340]  }
0x225: {  	v9 =	vld [tilespmem:s24+$0x350]  }
0x226: {  	[tilespmem:s24+$0x6320] =	vst v1;
	v1 =	vadd.f32 v6, v4;
	v6 =	vld [tilespmem:s24+$0x2350]  }
0x227: {  	v10 =	vld [tilespmem:s24+$0x4350];
	p1 =	por $0x1, $0x1;
	[tilespmem:s24+$0x8320] =	vst v3;
	v2 =	vadd.f32 v2, v4  }
.Ltmp20:
0x228: {  	v3 =	vadd.f32 v7, v5;
	[tilespmem:s24+$0x6330] =	vst v1;
	v1 =	vld [tilespmem:s24+$0x360];
	(pc) =	sbr.rel @!p1 .LBB2_38-.Ltmp20, $4  }
0x229: {  	[tilespmem:s24+$0x8330] =	vst v2;
	v2 =	vld [tilespmem:s24+$0x2360];
	v4 =	vadd.f32 v8, v5  }
0x22a: {  	[tilespmem:s24+$0x6340] =	vst v3;
	v3 =	vld [tilespmem:s24+$0x4360]  }
0x22b: {  	s25 =	simm.s32 $0x400;
	[tilespmem:s24+$0x8340] =	vst v4;
	v4 =	vld [tilespmem:s24+$0x2370];
	v5 =	vadd.f32 v6, v9  }
0x22c: {  	s26 =	simm.s32 $0x2000;
	p0 =	por $0x1, $0x1;
	v7 =	vadd.f32 v10, v9;
	v6 =	vld [tilespmem:s25+$0x370]  }
.LBB2_39:
0x22d: {  	p1 =	sne.s32 s26, $0x7000;
	v8 =	vld [tilespmem:s25+$0x4370];
	[tilespmem:s24+$0x6350] =	vst v5  }
0x22e: {  	v5 =	vld [tilespmem:s25+$0x300];
	[tilespmem:s24+$0x8350] =	vst v7;
	v2 =	vadd.f32 v2, v1  }
0x22f: {  	v7 =	vld [tilespmem:s25+$0x2300];
	v1 =	vadd.f32 v3, v1  }
0x230: {  	v3 =	vld [tilespmem:s25+$0x4300];
	[tilespmem:s24+$0x6360] =	vst v2;
	v2 =	vadd.f32 v4, v0  }
0x231: {  	v4 =	vld [tilespmem:s25+$0x310];
	[tilespmem:s24+$0x8360] =	vst v1;
	v0 =	vmov v6  }
0x232: {  	v1 =	vld [tilespmem:s25+$0x2310];
	v6 =	vadd.f32 v8, v0;
	[tilespmem:s24+$0x6370] =	vst v2;
	s24 =	smov.u32 s25  }
0x233: {  	v2 =	vld [tilespmem:s24+$0x4310]  }
0x234: {  	v7 =	vadd.f32 v7, v5;
	v8 =	vld [tilespmem:s24+$0x320];
	[tilespmem:s24+$0x8370] =	vst v6  }
0x235: {  	v3 =	vadd.f32 v3, v5;
	v5 =	vld [tilespmem:s24+$0x2320]  }
0x236: {  	[tilespmem:s24+$0x6300] =	vst v7;
	v6 =	vld [tilespmem:s24+$0x4320]  }
0x237: {  	[tilespmem:s24+$0x8300] =	vst v3;
	v1 =	vadd.f32 v1, v4;
	v3 =	vld [tilespmem:s24+$0x330]  }
0x238: {  	v2 =	vadd.f32 v2, v4;
	v4 =	vld [tilespmem:s24+$0x2330]  }
0x239: {  	[tilespmem:s24+$0x6310] =	vst v1;
	v1 =	vld [tilespmem:s24+$0x4330]  }
0x23a: {  	[tilespmem:s24+$0x8310] =	vst v2;
	v2 =	vadd.f32 v5, v8;
	v5 =	vld [tilespmem:s24+$0x340]  }
0x23b: {  	v6 =	vadd.f32 v6, v8;
	v7 =	vld [tilespmem:s24+$0x2340]  }
0x23c: {  	[tilespmem:s24+$0x6320] =	vst v2;
	v2 =	vld [tilespmem:s24+$0x4340]  }
0x23d: {  	[tilespmem:s24+$0x8320] =	vst v6;
	v4 =	vadd.f32 v4, v3;
	v8 =	vld [tilespmem:s24+$0x350]  }
0x23e: {  	v1 =	vadd.f32 v1, v3;
	v6 =	vld [tilespmem:s24+$0x2350]  }
0x23f: {  	[tilespmem:s24+$0x6330] =	vst v4;
	v9 =	vld [tilespmem:s24+$0x4350]  }
.Ltmp21:
0x240: {  	[tilespmem:s24+$0x8330] =	vst v1;
	v3 =	vadd.f32 v7, v5;
	v1 =	vld [tilespmem:s24+$0x360];
	(pc) =	sbr.rel @p1 .LBB2_39-.Ltmp21, $4  }
0x241: {  	v4 =	vadd.f32 v2, v5;
	v2 =	vld [tilespmem:s24+$0x2360]  }
0x242: {  	[tilespmem:s24+$0x6340] =	vst v3;
	v3 =	vld [tilespmem:s24+$0x4360]  }
0x243: {  	s25 =	sshra.s32 s26, $0x2;
	[tilespmem:s24+$0x8340] =	vst v4;
	v5 =	vadd.f32 v6, v8;
	v4 =	vld [tilespmem:s24+$0x2370]  }
0x244: {  	s26 =	sadd.s32 $0x1000, s26;
	v6 =	vld [tilespmem:s25+$0x370];
	v7 =	vadd.f32 v9, v8  }
0x245: {  	_ =	sdelay $0x3  }
0x246: {  	v8 =	vmov v0;
	v0 =	vmov v6  }
.LBB2_41:
0x247: {  	v6 =	vld [tilespmem:s25+$0x4370];
	[tilespmem:s24+$0x6350] =	vst @p0 v5  }
0x248: {  	v2 =	vadd.f32 @p0 v2, v1;
	v5 =	vld [tilespmem:s25+$0x300];
	[tilespmem:s24+$0x8350] =	vst @p0 v7  }
0x249: {  	v1 =	vadd.f32 @p0 v3, v1;
	v7 =	vld [tilespmem:s25+$0x2300]  }
0x24a: {  	v3 =	vadd.f32 @p0 v4, v8;
	v9 =	vld [tilespmem:s25+$0x4300];
	[tilespmem:s24+$0x6360] =	vst @p0 v2  }
0x24b: {  	v2 =	vld [tilespmem:s25+$0x310];
	[tilespmem:s24+$0x8360] =	vst @p0 v1  }
0x24c: {  	v1 =	vld [tilespmem:s25+$0x2310];
	[tilespmem:s24+$0x6370] =	vst @p0 v3  }
0x24d: {  	v3 =	vadd.f32 v6, v0;
	v4 =	vld [tilespmem:s25+$0x4310]  }
0x24e: {  	v6 =	vld [tilespmem:s25+$0x320]  }
0x24f: {  	v7 =	vadd.f32 v7, v5;
	[tilespmem:s25+$0x8370] =	vst v3;
	v3 =	vld [tilespmem:s25+$0x2320]  }
0x250: {  	v8 =	vld [tilespmem:s25+$0x2330];
	v5 =	vadd.f32 v9, v5  }
0x251: {  	[tilespmem:s25+$0x6300] =	vst v7;
	v7 =	vld [tilespmem:s25+$0x4320];
	v1 =	vadd.f32 v1, v2  }
0x252: {  	[tilespmem:s25+$0x8300] =	vst v5;
	v5 =	vld [tilespmem:s25+$0x330];
	v2 =	vadd.f32 v4, v2  }
0x253: {  	[tilespmem:s25+$0x6310] =	vst v1;
	v1 =	vld [tilespmem:s25+$0x4330]  }
0x254: {  	v4 =	vld [tilespmem:s25+$0x2340];
	[tilespmem:s25+$0x8310] =	vst v2;
	v2 =	vadd.f32 v3, v6  }
0x255: {  	v3 =	vld [tilespmem:s25+$0x340]  }
0x256: {  	v6 =	vadd.f32 v7, v6;
	[tilespmem:s25+$0x6320] =	vst v2;
	v2 =	vld [tilespmem:s25+$0x4340]  }
0x257: {  	v7 =	vld [tilespmem:s25+$0x350]  }
0x258: {  	[tilespmem:s25+$0x8320] =	vst v6;
	v6 =	vadd.f32 v8, v5;
	v8 =	vld [tilespmem:s25+$0x2350];
	v1 =	vadd.f32 v1, v5  }
0x259: {  	v5 =	vld [tilespmem:s25+$0x4350]  }
0x25a: {  	[tilespmem:s25+$0x8330] =	vst v1;
	v1 =	vadd.f32 v4, v3;
	v4 =	vld [tilespmem:s25+$0x360]  }
0x25b: {  	[tilespmem:s25+$0x6330] =	vst v6;
	v6 =	vld [tilespmem:s25+$0x2360];
	v2 =	vadd.f32 v2, v3  }
0x25c: {  	[tilespmem:s25+$0x6340] =	vst v1;
	v1 =	vld [tilespmem:s25+$0x4360]  }
0x25d: {  	[tilespmem:s25+$0x8340] =	vst v2;
	v2 =	vld [tilespmem:s25+$0x2370]  }
0x25e: {  	v3 =	vadd.f32 v8, v7  }
0x25f: {  	v5 =	vadd.f32 v5, v7  }
0x260: {  	[tilespmem:s25+$0x6350] =	vst v3;
	v3 =	vadd.f32 v6, v4  }
0x261: {  	[tilespmem:s25+$0x8350] =	vst v5;
	v1 =	vadd.f32 v1, v4  }
0x262: {  	[tilespmem:s25+$0x6360] =	vst v3;
	v0 =	vadd.f32 v2, v0  }
0x263: {  	[tilespmem:s25+$0x8360] =	vst v1  }
0x264: {  	s24 =	simm.s32 $0x0;
	[tilespmem:s25+$0x6370] =	vst v0  }
0x265: {  	v0 =	vld [tilespmem:s24+$0x3F0]  }
0x266: {  	v1 =	vld [tilespmem:s24+$0x43F0]  }
0x267: {  	v2 =	vld [tilespmem:s24+$0x380]  }
0x268: {  	v3 =	vld [tilespmem:s24+$0x2380]  }
0x269: {  	v4 =	vld [tilespmem:s24+$0x4380]  }
0x26a: {  	v5 =	vld [tilespmem:s24+$0x390]  }
0x26b: {  	v6 =	vld [tilespmem:s24+$0x2390]  }
0x26c: {  	v7 =	vld [tilespmem:s24+$0x4390];
	v1 =	vadd.f32 v1, v0  }
0x26d: {  	v8 =	vld [tilespmem:s24+$0x3A0];
	v3 =	vadd.f32 v3, v2  }
0x26e: {  	v2 =	vadd.f32 v4, v2;
	[tilespmem:s24+$0x83F0] =	vst v1;
	v1 =	vld [tilespmem:s24+$0x23A0]  }
0x26f: {  	v4 =	vld [tilespmem:s24+$0x3B0];
	[tilespmem:s24+$0x6380] =	vst v3  }
0x270: {  	v3 =	vld [tilespmem:s24+$0x43A0];
	[tilespmem:s24+$0x8380] =	vst v2;
	v2 =	vadd.f32 v6, v5  }
0x271: {  	v6 =	vld [tilespmem:s24+$0x23B0]  }
0x272: {  	v5 =	vadd.f32 v7, v5;
	[tilespmem:s24+$0x6390] =	vst v2;
	v2 =	vld [tilespmem:s24+$0x43B0]  }
0x273: {  	v7 =	vld [tilespmem:s24+$0x23C0];
	v1 =	vadd.f32 v1, v8  }
0x274: {  	[tilespmem:s24+$0x8390] =	vst v5;
	v5 =	vld [tilespmem:s24+$0x3C0]  }
0x275: {  	v3 =	vadd.f32 v3, v8;
	[tilespmem:s24+$0x63A0] =	vst v1;
	v1 =	vld [tilespmem:s24+$0x43C0]  }
0x276: {  	v8 =	vld [tilespmem:s24+$0x3D0]  }
0x277: {  	[tilespmem:s24+$0x83A0] =	vst v3;
	v3 =	vadd.f32 v6, v4;
	v6 =	vld [tilespmem:s24+$0x23D0];
	v2 =	vadd.f32 v2, v4  }
0x278: {  	v63 =	vld [tilespmem:s24+$0x43D0]  }
0x279: {  	v4 =	vadd.f32 v7, v5;
	[tilespmem:s24+$0x83B0] =	vst v2;
	v2 =	vld [tilespmem:s24+$0x3E0]  }
0x27a: {  	[tilespmem:s24+$0x63B0] =	vst v3;
	v3 =	vld [tilespmem:s24+$0x23E0];
	v1 =	vadd.f32 v1, v5  }
0x27b: {  	[tilespmem:s24+$0x63C0] =	vst v4;
	v4 =	vld [tilespmem:s24+$0x43E0]  }
0x27c: {  	s25 =	simm.s32 $0x400;
	v5 =	vld [tilespmem:s24+$0x23F0];
	v6 =	vadd.f32 v6, v8;
	[tilespmem:s24+$0x83C0] =	vst v1  }
0x27d: {  	s26 =	simm.s32 $0x2000;
	v7 =	vadd.f32 v63, v8;
	v1 =	vld [tilespmem:s25+$0x3F0]  }
.LBB2_42:
0x27e: {  	p0 =	sne.s32 s26, $0x7000;
	v8 =	vld [tilespmem:s25+$0x43F0];
	[tilespmem:s24+$0x63D0] =	vst v6  }
0x27f: {  	v6 =	vld [tilespmem:s25+$0x380];
	[tilespmem:s24+$0x83D0] =	vst v7;
	v3 =	vadd.f32 v3, v2  }
0x280: {  	v7 =	vld [tilespmem:s25+$0x2380];
	v2 =	vadd.f32 v4, v2  }
0x281: {  	v4 =	vld [tilespmem:s25+$0x4380];
	[tilespmem:s24+$0x63E0] =	vst v3;
	v3 =	vadd.f32 v5, v0  }
0x282: {  	v5 =	vld [tilespmem:s25+$0x390];
	[tilespmem:s24+$0x83E0] =	vst v2;
	v0 =	vmov v1  }
0x283: {  	v1 =	vld [tilespmem:s25+$0x2390];
	v2 =	vadd.f32 v8, v0;
	[tilespmem:s24+$0x63F0] =	vst v3;
	s24 =	smov.u32 s25  }
0x284: {  	v3 =	vld [tilespmem:s24+$0x4390]  }
0x285: {  	v7 =	vadd.f32 v7, v6;
	v8 =	vld [tilespmem:s24+$0x3A0];
	[tilespmem:s24+$0x83F0] =	vst v2  }
0x286: {  	v2 =	vadd.f32 v4, v6;
	v4 =	vld [tilespmem:s24+$0x23A0]  }
0x287: {  	[tilespmem:s24+$0x6380] =	vst v7;
	v6 =	vld [tilespmem:s24+$0x43A0]  }
0x288: {  	[tilespmem:s24+$0x8380] =	vst v2;
	v1 =	vadd.f32 v1, v5;
	v2 =	vld [tilespmem:s24+$0x3B0]  }
0x289: {  	v3 =	vadd.f32 v3, v5;
	v5 =	vld [tilespmem:s24+$0x23B0]  }
0x28a: {  	[tilespmem:s24+$0x6390] =	vst v1;
	v1 =	vld [tilespmem:s24+$0x43B0]  }
0x28b: {  	[tilespmem:s24+$0x8390] =	vst v3;
	v3 =	vadd.f32 v4, v8;
	v4 =	vld [tilespmem:s24+$0x3C0]  }
0x28c: {  	v6 =	vadd.f32 v6, v8;
	v7 =	vld [tilespmem:s24+$0x23C0]  }
0x28d: {  	[tilespmem:s24+$0x63A0] =	vst v3;
	v3 =	vld [tilespmem:s24+$0x43C0]  }
0x28e: {  	[tilespmem:s24+$0x83A0] =	vst v6;
	v5 =	vadd.f32 v5, v2;
	v8 =	vld [tilespmem:s24+$0x3D0]  }
0x28f: {  	v1 =	vadd.f32 v1, v2;
	v6 =	vld [tilespmem:s24+$0x23D0]  }
0x290: {  	[tilespmem:s24+$0x63B0] =	vst v5;
	v9 =	vld [tilespmem:s24+$0x43D0]  }
.Ltmp22:
0x291: {  	[tilespmem:s24+$0x83B0] =	vst v1;
	v1 =	vadd.f32 v7, v4;
	v2 =	vld [tilespmem:s24+$0x3E0];
	(pc) =	sbr.rel @p0 .LBB2_42-.Ltmp22, $4  }
0x292: {  	v5 =	vadd.f32 v3, v4;
	v3 =	vld [tilespmem:s24+$0x23E0]  }
0x293: {  	[tilespmem:s24+$0x63C0] =	vst v1;
	v4 =	vld [tilespmem:s24+$0x43E0]  }
0x294: {  	s25 =	sshra.s32 s26, $0x2;
	[tilespmem:s24+$0x83C0] =	vst v5;
	v6 =	vadd.f32 v6, v8;
	v5 =	vld [tilespmem:s24+$0x23F0]  }
0x295: {  	s26 =	sadd.s32 $0x1000, s26;
	v1 =	vld [tilespmem:s25+$0x3F0];
	v7 =	vadd.f32 v9, v8  }
0x296: {  	v8 =	vld [tilespmem:s25+$0x43F0];
	[tilespmem:s24+$0x63D0] =	vst v6  }
0x297: {  	v6 =	vld [tilespmem:s25+$0x380];
	[tilespmem:s24+$0x83D0] =	vst v7;
	v3 =	vadd.f32 v3, v2  }
0x298: {  	v7 =	vld [tilespmem:s25+$0x2380];
	v41 =	vadd.f32 v4, v2  }
0x299: {  	v9 =	vld [tilespmem:s25+$0x4380];
	[tilespmem:s24+$0x63E0] =	vst v3;
	v0 =	vadd.f32 v5, v0  }
0x29a: {  	v3 =	vld [tilespmem:s25+$0x390];
	[tilespmem:s24+$0x83E0] =	vst v41  }
0x29b: {  	v2 =	vld [tilespmem:s25+$0x2390];
	[tilespmem:s24+$0x63F0] =	vst v0  }
0x29c: {  	v43 =	vld [tilespmem:s25+$0x4390]  }
0x29d: {  	v44 =	vld [tilespmem:s25+$0x3A0]  }
0x29e: {  	v45 =	vld [tilespmem:s25+$0x23A0]  }
0x29f: {  	v46 =	vld [tilespmem:s25+$0x43A0]  }
0x2a0: {  	v47 =	vld [tilespmem:s25+$0x3B0]  }
0x2a1: {  	v48 =	vld [tilespmem:s25+$0x23B0]  }
0x2a2: {  	v42 =	vadd.f32 v8, v1;
	v50 =	vld [tilespmem:s25+$0x3C0]  }
0x2a3: {  	v51 =	vld [tilespmem:s25+$0x23C0];
	v7 =	vadd.f32 v7, v6  }
0x2a4: {  	v54 =	vld [tilespmem:s25+$0x3D0];
	[tilespmem:s25+$0x83F0] =	vst v42;
	v6 =	vadd.f32 v9, v6  }
0x2a5: {  	v55 =	vld [tilespmem:s25+$0x23D0];
	[tilespmem:s25+$0x6380] =	vst v7;
	v2 =	vadd.f32 v2, v3  }
0x2a6: {  	v58 =	vld [tilespmem:s25+$0x3E0];
	[tilespmem:s25+$0x8380] =	vst v6;
	v3 =	vadd.f32 v43, v3  }
0x2a7: {  	v59 =	vld [tilespmem:s25+$0x23E0];
	v0 =	vadd.f32 v45, v44;
	[tilespmem:s25+$0x6390] =	vst v2  }
0x2a8: {  	v49 =	vld [tilespmem:s25+$0x43B0];
	v5 =	vadd.f32 v46, v44;
	[tilespmem:s25+$0x8390] =	vst v3  }
0x2a9: {  	v52 =	vld [tilespmem:s25+$0x43C0];
	v53 =	vadd.f32 v48, v47;
	[tilespmem:s25+$0x63A0] =	vst v0  }
0x2aa: {  	v56 =	vld [tilespmem:s25+$0x43D0];
	v57 =	vadd.f32 v51, v50;
	[tilespmem:s25+$0x83A0] =	vst v5  }
0x2ab: {  	v60 =	vld [tilespmem:s25+$0x43E0];
	v62 =	vadd.f32 v55, v54;
	[tilespmem:s25+$0x63B0] =	vst v53  }
0x2ac: {  	v61 =	vld [tilespmem:s25+$0x23F0];
	v63 =	vadd.f32 v59, v58;
	[tilespmem:s25+$0x63C0] =	vst v57  }
0x2ad: {  	v2 =	vadd.f32 v49, v47;
	[tilespmem:s25+$0x63D0] =	vst v62  }
0x2ae: {  	v0 =	vadd.f32 v52, v50;
	[tilespmem:s25+$0x63E0] =	vst v63  }
0x2af: {  	s24 =	smul.u32 $0x60000, s23;
	v5 =	vadd.f32 v56, v54;
	[tilespmem:s25+$0x83B0] =	vst v2  }
0x2b0: {  	v2 =	vadd.f32 v60, v58;
	[tilespmem:s25+$0x83C0] =	vst v0  }
0x2b1: {  	p0 =	seq.s32 s23, $0x1F;
	s26 =	sadd.s32 s5, s24;
	[tilespmem:s25+$0x83D0] =	vst v5;
	v0 =	vadd.f32 v61, v1  }
.Ltmp23:
0x2b2: {  	s31 =	sadd.s32 s24, s6;
	s26 =	sshrl.u32 s26, $0x3;
	[tilespmem:s25+$0x83E0] =	vst v2;
	(pc) =	sbr.rel @p0 .LBB2_45-.Ltmp23, $4  }
0x2b3: {  	s30 =	sadd.s32 s3, s26;
	[tilespmem:s25+$0x63F0] =	vst v0;
	s25 =	sshrl.u32 s31, $0x3  }
0x2b4: {  	[hbm4b:s30+s4] =	stream.linear.scatter [tilespmem:s18], [sflag:$0x3], $0x2000, $0x38;
	[tilespmem:$0xA000] =	vst v63  }
0x2b5: {  	s25 =	sadd.s32 s3, s25  }
0x2b6: {  	[hbm4b:s25+s4] =	stream.linear.scatter [tilespmem:s19], [sflag:$0x4], $0x2000, $0x38;
	[tilespmem:$0xA000] =	vst v63  }
0x2b7: {  	s25 =	sadd.s32 s24, s9  }
.Ltmp24:
0x2b8: {  	s31 =	sadd.s32 s24, s10;
	s25 =	sshrl.u32 s25, $0x3;
	(pc) =	sbr.rel .LBB2_3-.Ltmp24, $4  }
0x2b9: {  	s24 =	sshrl.u32 s31, $0x3;
	s25 =	sadd.s32 s1, s25  }
0x2ba: {  	[tilespmem:s14], [sflag:$0x1] =	stream.linear.gather [hbm4b:s25+s4], $0x2000, $0x38;
	[tilespmem:$0xA000] =	vst v63  }
0x2bb: {  	s23 =	sadd.s32 $0x1, s23;
	s24 =	sadd.s32 s1, s24  }
0x2bc: {  	[tilespmem:s15], [sflag:$0x2] =	stream.linear.gather [hbm4b:s24+s4], $0x2000, $0x38;
	[tilespmem:$0xA000] =	vst v63  }
.LBB2_6:
.Ltmp25:
0x2bd: {  	(pc) =	sbr.rel .LBB2_11-.Ltmp25, $2  }
0x2be: {  	_ =	sdelay $0x2  }
0x2bf: {  	s25 =	simm.s32 $0x0;
	p2 =	por $0x0, $0x0  }
.LBB2_12:
.Ltmp26:
0x2c0: {  	(pc) =	sbr.rel .LBB2_17-.Ltmp26, $2  }
0x2c1: {  	_ =	sdelay $0x2  }
0x2c2: {  	s25 =	simm.s32 $0x0  }
.LBB2_18:
.Ltmp27:
0x2c3: {  	(pc) =	sbr.rel .LBB2_23-.Ltmp27, $2  }
0x2c4: {  	_ =	sdelay $0x2  }
0x2c5: {  	s25 =	simm.s32 $0x0;
	p2 =	por $0x0, $0x0  }
.LBB2_24:
.Ltmp28:
0x2c6: {  	(pc) =	sbr.rel .LBB2_29-.Ltmp28, $2  }
0x2c7: {  	_ =	sdelay $0x2  }
0x2c8: {  	s25 =	simm.s32 $0x0  }
.LBB2_30:
.Ltmp29:
0x2c9: {  	(pc) =	sbr.rel .LBB2_35-.Ltmp29, $2  }
0x2ca: {  	_ =	sdelay $0x2  }
0x2cb: {  	s25 =	simm.s32 $0x0;
	p2 =	por $0x0, $0x0  }
.LBB2_36:
.Ltmp30:
0x2cc: {  	(pc) =	sbr.rel .LBB2_41-.Ltmp30, $2  }
0x2cd: {  	_ =	sdelay $0x2  }
0x2ce: {  	s25 =	simm.s32 $0x0  }
.LBB2_8:
.Ltmp31:
0x2cf: {  	_ = 	snop;
	(pc) =	sbr.rel .LBB2_11-.Ltmp31, $2  }
0x2d0: {  	_ =	sdelay $0x2  }
0x2d1: {  	v8 =	vmov v0;
	s26 =	simm.s32 $0x0;
	v0 =	vmov v6  }
.LBB2_14:
.Ltmp32:
0x2d2: {  	_ = 	snop;
	(pc) =	sbr.rel .LBB2_17-.Ltmp32, $2  }
0x2d3: {  	_ =	sdelay $0x2  }
0x2d4: {  	v8 =	vmov v0;
	v0 =	vmov v6  }
.LBB2_20:
.Ltmp33:
0x2d5: {  	_ = 	snop;
	(pc) =	sbr.rel .LBB2_23-.Ltmp33, $2  }
0x2d6: {  	_ =	sdelay $0x2  }
0x2d7: {  	v8 =	vmov v0;
	s26 =	simm.s32 $0x0;
	v0 =	vmov v6  }
.LBB2_26:
.Ltmp34:
0x2d8: {  	_ = 	snop;
	(pc) =	sbr.rel .LBB2_29-.Ltmp34, $2  }
0x2d9: {  	_ =	sdelay $0x2  }
0x2da: {  	v8 =	vmov v0;
	v0 =	vmov v6  }
.LBB2_32:
.Ltmp35:
0x2db: {  	_ = 	snop;
	(pc) =	sbr.rel .LBB2_35-.Ltmp35, $2  }
0x2dc: {  	_ =	sdelay $0x2  }
0x2dd: {  	v8 =	vmov v0;
	s26 =	simm.s32 $0x0;
	v0 =	vmov v6  }
.LBB2_38:
.Ltmp36:
0x2de: {  	_ = 	snop;
	(pc) =	sbr.rel .LBB2_41-.Ltmp36, $2  }
0x2df: {  	_ =	sdelay $0x2  }
0x2e0: {  	v8 =	vmov v0;
	v0 =	vmov v6  }
.LBB2_46:
0x2e1: {  	_ =	sfence.sel $0x180000  }
0x2e2: {  	[bflag:$0x0] =	sbarrier.arrive $0xFFFF  }
0x2e3: {  	p0 =	sne.s32 s2, $0x0;
	_ =	strace $0x90000047  }
0x2e4: {  	s0 =	sadd.s32 @!p0 $0x100000, s0;
	[bflag:$0x2] =	sbarrier.arrive $0xFFFF  }
0x2e5: {  	[sflag:s0] =	ssyncadd.tile.s32 @!p0 $0x1;
	_ =	shalt  }
.Lfunc_end2:
_tile_overlayer_lowered:
.L_overlay_start_2:
0x2e6: {  	(tag) =	ssettag $0x2  }
0x2e7: {  	s0 =	rddreg [dreg:$0x0];
	s2 =	stileid.u32  }
0x2e8: {  	s1 =	rddreg [dreg:$0x1];
	p0 =	sne.s32 s2, $0x0  }
0x2e9: {  	s3 =	rddreg [dreg:$0x2];
	[bflag:$0x3] =	sbarrier.arrive $0xFFFF;
	s2 =	simm.s32 @!p0 $0x1C05  }
0x2ea: {  	[timem:s3], [sflag:s2] =	dma.local @!p0 [hbm:s0], s1  }
0x2eb: {  	s0 =	simm.s32 @!p0 $0x5  }
0x2ec: {  	_ =	swait.ge @!p0 [sflag:s0], s1  }
0x2ed: {  	s1 =	ssub.s32 @!p0 $0x0, s1;
	[sflag:s0] =	ssyncset.done @!p0 $0x0  }
0x2ee: {  	[sflag:s0] =	ssyncadd.s32 @!p0 s1  }
0x2ef: {  	[bflag:$0x3] =	sbarrier.arrive $0xFFFF  }
0x2f0: {  	_ =	shalt  }

</sc_bundles>
